<compile_context>
chip_gen: v7x
topology: tpu7x:2x2x1
jax: 0.10.2.dev20260603
libtpu: 0.0.44.dev20260713+nightly
codegen_flags: <defaults>
</compile_context>

<pallas_src>
import functools

import jax
import jax.numpy as jnp
from jax import lax
from jax.experimental import pallas as pl
from jax.experimental.pallas import tpu as pltpu
from jax.experimental.pallas import tpu_sc as plsc

N = 10000
E = 320000
D = 128
HID = 256
G = 64
L = 5

NC = 2
NS = 16
NW = NC * NS
EPW = E // NW
CH = 96
NCHUNK = -(-EPW // CH)
EPW_P = NCHUNK * CH
NP = N + 16
RPT = 624
RPT_LAST = N - RPT * (NS - 1)
TN = 1000

_mesh = plsc.VectorSubcoreMesh(core_axis_name="c", subcore_axis_name="s")


def _tile_rows(s, fn):
    @pl.when(s < NS - 1)
    def _():
        fn(pl.multiple_of(s * RPT, 8), RPT)

    @pl.when(s == NS - 1)
    def _():
        fn((NS - 1) * RPT, RPT_LAST)


def _copy_chunk_idx(src_1d, j, dst_small):
    for i in range(CH // 16):
        dst_small[pl.ds(i * 16, 16)] = src_1d[pl.ds(j * CH + i * 16, 16)]


def _spmm_body(h_hbm, src_hbm, dst_hbm, zeros_hbm, out_hbm,
               src_v, dst_v, dch0, dch1, rows0, rows1, agg_sh, sem0, sem1):
    c = lax.axis_index("c")
    s = lax.axis_index("s")
    wid = c * NS + s
    _tile_rows(s, lambda st, sz: pltpu.sync_copy(
        zeros_hbm.at[pl.ds(st, sz)], agg_sh.at[pl.ds(st, sz)]))
    pltpu.sync_copy(src_hbm.at[pl.ds(wid * EPW_P, EPW_P)], src_v)
    pltpu.sync_copy(dst_hbm.at[pl.ds(wid * EPW_P, EPW_P)], dst_v)
    plsc.subcore_barrier()

    def gather(j, rows, sem):
        return pltpu.async_copy(h_hbm.at[src_v.at[pl.ds(j * CH, CH)]],
                                rows, sem)

    def gwait(rows, sem):
        pltpu.make_async_copy(h_hbm.at[src_v.at[pl.ds(0, CH)]], rows,
                              sem).wait()

    def scatter(rows, dch):
        pltpu.sync_copy(rows, agg_sh.at[dch], add=True)

    gather(0, rows0, sem0)

    def body(p, carry):
        j = p * 2
        gwait(rows0, sem0)
        gather(j + 1, rows1, sem1)
        _copy_chunk_idx(dst_v, j, dch0)
        scatter(rows0, dch0)
        gwait(rows1, sem1)
        gather(j + 2, rows0, sem0)
        _copy_chunk_idx(dst_v, j + 1, dch1)
        scatter(rows1, dch1)
        return carry

    lax.fori_loop(0, (NCHUNK - 1) // 2, body, 0)
    gwait(rows0, sem0)
    _copy_chunk_idx(dst_v, NCHUNK - 1, dch0)
    scatter(rows0, dch0)
    plsc.subcore_barrier()
    _tile_rows(s, lambda st, sz: pltpu.sync_copy(
        agg_sh.at[pl.ds(st, sz)], out_hbm.at[c, pl.ds(st, sz)]))


_spmm = pl.kernel(
    _spmm_body,
    out_type=jax.ShapeDtypeStruct((NC, N, D), jnp.float32),
    mesh=_mesh,
    scratch_types=[
        pltpu.VMEM((EPW_P,), jnp.int32),
        pltpu.VMEM((EPW_P,), jnp.int32),
        pltpu.VMEM((CH,), jnp.int32),
        pltpu.VMEM((CH,), jnp.int32),
        pltpu.VMEM((CH, D), jnp.float32),
        pltpu.VMEM((CH, D), jnp.float32),
        pltpu.VMEM_SHARED((NP, D), jnp.float32),
        pltpu.SemaphoreType.DMA,
        pltpu.SemaphoreType.DMA,
    ],
)


KREP = 512
EROWS = (NW * EPW_P) // 128


def _cidx_body(c0_ref, c1_ref, out_ref):
    pos = (lax.broadcasted_iota(jnp.int32, (EROWS, 128), 0) * 128
           + lax.broadcasted_iota(jnp.int32, (EROWS, 128), 1))
    out_ref[...] = (c0_ref[...] * 3 + c1_ref[...]
                    + 18 * (pos & (KREP - 1)))


_cidx = pl.pallas_call(
    _cidx_body,
    grid=(1,),
    in_specs=[
        pl.BlockSpec((EROWS, 128), lambda i: (0, 0)),
        pl.BlockSpec((EROWS, 128), lambda i: (0, 0)),
    ],
    out_specs=pl.BlockSpec((EROWS, 128), lambda i: (0, 0)),
    out_shape=jax.ShapeDtypeStruct((EROWS, 128), jnp.int32),
)


def _init_body(c0_ref, c1_ref, tab_ref, out_ref):
    c0 = c0_ref[...]
    c1 = c1_ref[...]
    j = lax.broadcasted_iota(jnp.int32, (TN, 128), 1)
    a = (j == c0).astype(jnp.float32) + (j == c1 + 120).astype(jnp.float32)
    out_ref[...] = jnp.dot(a, tab_ref[...], preferred_element_type=jnp.float32)


_init = pl.pallas_call(
    _init_body,
    grid=(N // TN,),
    in_specs=[
        pl.BlockSpec((TN, 1), lambda i: (i, 0)),
        pl.BlockSpec((TN, 1), lambda i: (i, 0)),
        pl.BlockSpec((128, 128), lambda i: (0, 0)),
    ],
    out_specs=pl.BlockSpec((TN, D), lambda i: (i, 0)),
    out_shape=jax.ShapeDtypeStruct((N, D), jnp.float32),
)


def _layer_body(relu, p0_ref, p1_ref, cnt_ref, t_ref, w1_ref, b1_ref,
                w2_ref, b2_ref, g_ref, bb_ref, out_ref):
    agg = p0_ref[...] + p1_ref[...] + jnp.dot(
        cnt_ref[...], t_ref[...], preferred_element_type=jnp.float32)
    z = jnp.dot(agg, w1_ref[...], preferred_element_type=jnp.float32)
    z = jnp.maximum(z + b1_ref[...], 0.0)
    z = jnp.dot(z, w2_ref[...], preferred_element_type=jnp.float32)
    z = (z + b2_ref[...]) * g_ref[...] + bb_ref[...]
    if relu:
        z = jnp.maximum(z, 0.0)
    out_ref[...] = z


def _make_layer(relu):
    return pl.pallas_call(
        functools.partial(_layer_body, relu),
        grid=(N // TN,),
        in_specs=[
            pl.BlockSpec((TN, D), lambda i: (i, 0)),
            pl.BlockSpec((TN, D), lambda i: (i, 0)),
            pl.BlockSpec((TN, D), lambda i: (i, 0)),
            pl.BlockSpec((D, D), lambda i: (0, 0)),
            pl.BlockSpec((D, HID), lambda i: (0, 0)),
            pl.BlockSpec((1, HID), lambda i: (0, 0)),
            pl.BlockSpec((HID, D), lambda i: (0, 0)),
            pl.BlockSpec((1, D), lambda i: (0, 0)),
            pl.BlockSpec((1, D), lambda i: (0, 0)),
            pl.BlockSpec((1, D), lambda i: (0, 0)),
        ],
        out_specs=pl.BlockSpec((TN, D), lambda i: (i, 0)),
        out_shape=jax.ShapeDtypeStruct((N, D), jnp.float32),
    )


_layer_mid = _make_layer(True)
_layer_last = _make_layer(False)


def _pool_body(h_ref, attr_ref, gid_ref, ww_ref, wb_ref, seg_ref, cnt_ref):
    i = pl.program_id(0)
    hf = h_ref[...] + jnp.dot(attr_ref[...], ww_ref[...],
                              preferred_element_type=jnp.float32) + wb_ref[...]
    gid = gid_ref[...]
    gi = lax.broadcasted_iota(jnp.int32, (TN, G), 1)
    a = (gi == gid).astype(jnp.float32)
    seg_p = lax.dot_general(a, hf, (((0,), (0,)), ((), ())),
                            preferred_element_type=jnp.float32)
    cnt_p = lax.dot_general(a, jnp.ones((TN, D), jnp.float32),
                            (((0,), (0,)), ((), ())),
                            preferred_element_type=jnp.float32)

    @pl.when(i == 0)
    def _():
        seg_ref[...] = jnp.zeros_like(seg_ref)
        cnt_ref[...] = jnp.zeros_like(cnt_ref)

    seg_ref[...] += seg_p
    cnt_ref[...] += cnt_p


_pool = pl.pallas_call(
    _pool_body,
    grid=(N // TN,),
    in_specs=[
        pl.BlockSpec((TN, D), lambda i: (i, 0)),
        pl.BlockSpec((TN, 256), lambda i: (i, 0)),
        pl.BlockSpec((TN, 1), lambda i: (i, 0)),
        pl.BlockSpec((256, D), lambda i: (0, 0)),
        pl.BlockSpec((1, D), lambda i: (0, 0)),
    ],
    out_specs=[
        pl.BlockSpec((G, D), lambda i: (0, 0)),
        pl.BlockSpec((G, D), lambda i: (0, 0)),
    ],
    out_shape=[
        jax.ShapeDtypeStruct((G, D), jnp.float32),
        jax.ShapeDtypeStruct((G, D), jnp.float32),
    ],
)


def _pred_body(seg_ref, cnt_ref, pw_ref, pb_ref, out_ref):
    gf = seg_ref[...] / jnp.maximum(cnt_ref[...], 1.0)
    out_ref[...] = jnp.dot(gf, pw_ref[...],
                           preferred_element_type=jnp.float32) + pb_ref[...]


_pred = pl.pallas_call(
    _pred_body,
    grid=(1,),
    in_specs=[
        pl.BlockSpec((G, D), lambda i: (0, 0)),
        pl.BlockSpec((G, D), lambda i: (0, 0)),
        pl.BlockSpec((D, 1), lambda i: (0, 0)),
        pl.BlockSpec((1, 1), lambda i: (0, 0)),
    ],
    out_specs=pl.BlockSpec((G, 1), lambda i: (0, 0)),
    out_shape=jax.ShapeDtypeStruct((G, 1), jnp.float32),
)


def kernel(edge_index, node_cat0, node_cat1, edge_cat0, edge_cat1,
           graph_ids, attr_embed, params):
    def pad_pw(x, fill):
        return jnp.pad(x.reshape(NW, EPW), ((0, 0), (0, EPW_P - EPW)),
                       constant_values=fill).reshape(-1)

    src = pad_pw(edge_index[0], 0)
    dst = pad_pw(edge_index[1], N)
    c0 = pad_pw(edge_cat0, 0)
    c1 = pad_pw(edge_cat1, 0)
    zeros = jnp.zeros((N, D), jnp.float32)

    r = jnp.arange(18 * KREP)
    ohrep = (jnp.zeros((N, D), jnp.float32)
             .at[r, (r % 18) // 3].set(1.0)
             .at[r, 6 + (r % 18) % 3].set(1.0))

    ntab = jnp.concatenate([
        params['node_emb0'], params['node_emb1'],
        jnp.zeros((5, D), jnp.float32)], axis=0)

    cidx = _cidx(c0.reshape(EROWS, 128), c1.reshape(EROWS, 128)).reshape(-1)
    cnt2 = _spmm(ohrep, cidx, dst, zeros)
    cnt = cnt2[0] + cnt2[1]

    h = _init(node_cat0.reshape(N, 1), node_cat1.reshape(N, 1), ntab)

    for l in range(L):
        p = params['layers'][l]
        t = jnp.concatenate([
            p['edge_emb0'], p['edge_emb1'],
            jnp.zeros((D - 9, D), jnp.float32)], axis=0)
        parts = _spmm(h, src, dst, zeros)
        layer_fn = _layer_mid if l < L - 1 else _layer_last
        h = layer_fn(parts[0], parts[1], cnt, t,
                     p['W1'], p['b1'].reshape(1, HID),
                     p['W2'], p['b2'].reshape(1, D),
                     p['bn_g'].reshape(1, D), p['bn_b'].reshape(1, D))

    seg, cntg = _pool(h, attr_embed, graph_ids.reshape(N, 1),
                      params['w_W'], params['w_b'].reshape(1, D))
    return _pred(seg, cntg, params['pred_W'],
                 params['pred_b'].reshape(1, 1))

# --- scband reference (transcript-rebuilt; emitter-appended) ---
"""Pipeline reference for scband-ginp-9062380995358 (READ-ONLY COPY).

The authoritative reference and input builder live on the scoring server;
editing this copy changes nothing except your own understanding.
"""

import jax, jax.numpy as jnp
import numpy as np

N = 10000; E = 320000; D = 128; HID = 256; L = 5; G = 64

def setup_inputs(seed: int = 0):
    key = jax.random.key(seed)
    ks = list(jax.random.split(key, 80)); it = iter(ks)
    edge_index = jax.random.randint(next(it), (2, E), 0, N, dtype=jnp.int32)
    node_cat0 = jax.random.randint(next(it), (N,), 0, 120, dtype=jnp.int32)
    node_cat1 = jax.random.randint(next(it), (N,), 0, 3, dtype=jnp.int32)
    edge_cat0 = jax.random.randint(next(it), (E,), 0, 6, dtype=jnp.int32)
    edge_cat1 = jax.random.randint(next(it), (E,), 0, 3, dtype=jnp.int32)
    graph_ids = jnp.sort(jax.random.randint(next(it), (N,), 0, G, dtype=jnp.int32))
    attr_embed = jax.random.normal(next(it), (N, 256), dtype=jnp.float32)
    def w(k, shape, scale=0.05):
        return jax.random.normal(k, shape, dtype=jnp.float32) * scale
    layers = []
    for l in range(L):
        layers.append({
            'edge_emb0': w(next(it), (6, D)),
            'edge_emb1': w(next(it), (3, D)),
            'W1': w(next(it), (D, HID)), 'b1': jnp.zeros((HID,), jnp.float32),
            'W2': w(next(it), (HID, D)), 'b2': jnp.zeros((D,), jnp.float32),
            'bn_g': jnp.ones((D,), jnp.float32), 'bn_b': jnp.zeros((D,), jnp.float32),
        })
    params = {
        'node_emb0': w(next(it), (120, D)),
        'node_emb1': w(next(it), (3, D)),
        'layers': layers,
        'w_W': w(next(it), (256, D)), 'w_b': jnp.zeros((D,), jnp.float32),
        'pred_W': w(next(it), (D, 1)), 'pred_b': jnp.zeros((1,), jnp.float32),
    }
    return {'edge_index': edge_index, 'node_cat0': node_cat0, 'node_cat1': node_cat1,
            'edge_cat0': edge_cat0, 'edge_cat1': edge_cat1, 'graph_ids': graph_ids,
            'attr_embed': attr_embed, 'params': params}

def _forward(params, attr_embed, edge_index, node_cat0, node_cat1, edge_cat0, edge_cat1, graph_ids):
    # GIN with categorical node/edge embeddings (dgllife-style), JK='last', eval-mode BN/dropout
    h = params['node_emb0'][node_cat0] + params['node_emb1'][node_cat1]
    src = edge_index[0]; dst = edge_index[1]
    for l in range(L):
        p = params['layers'][l]
        ee = p['edge_emb0'][edge_cat0] + p['edge_emb1'][edge_cat1]
        msg = h[src] + ee                                  # gather (u_add_e)
        agg = jax.ops.segment_sum(msg, dst, num_segments=N)  # scatter-add to dst nodes
        z = jnp.maximum(agg @ p['W1'] + p['b1'], 0.0) @ p['W2'] + p['b2']  # MLP
        z = z * p['bn_g'] + p['bn_b']                      # BatchNorm eval (running mean 0, var 1)
        if l < L - 1:
            z = jnp.maximum(z, 0.0)                        # ReLU on non-final layers
        h = z
    # n_f = self.w(self.smodel.embed(g, attr).detach()); smodel output provided as attr_embed
    h = h + (attr_embed @ params['w_W'] + params['w_b'])
    # AvgPooling per graph
    seg_sum = jax.ops.segment_sum(h, graph_ids, num_segments=G)
    cnt = jax.ops.segment_sum(jnp.ones((h.shape[0], 1), jnp.float32), graph_ids, num_segments=G)
    graph_feats = seg_sum / jnp.maximum(cnt, 1.0)
    return graph_feats @ params['pred_W'] + params['pred_b']

def reference(edge_index, node_cat0, node_cat1, edge_cat0, edge_cat1, graph_ids, attr_embed, params):
    return _forward(params, attr_embed, edge_index, node_cat0, node_cat1, edge_cat0, edge_cat1, graph_ids)

if __name__ == "__main__":
    import jax
    _d = setup_inputs()
    print(jax.jit(kernel)(*tuple(_d.values())))

</pallas_src>

<mosaic_0001>
#map = affine_map<(d0, d1) -> (0, 0)>
#map1 = affine_map<(d0, d1) -> (0)>
#map2 = affine_map<(d0, d1) -> (0, 0, 0)>
module attributes {stable_mosaic.version = 14 : i64} {
  func.func @_spmm_body(%arg0: i32, %arg1: i32, %arg2: memref<10000x128xf32, #tpu.memory_space<hbm>>, %arg3: memref<322560xi32, #tpu.memory_space<hbm>>, %arg4: memref<322560xi32, #tpu.memory_space<hbm>>, %arg5: memref<10000x128xf32, #tpu.memory_space<hbm>>, %arg6: memref<2x10000x128xf32, #tpu.memory_space<hbm>>, %arg7: memref<10080xi32, #tpu.memory_space<vmem>>, %arg8: memref<10080xi32, #tpu.memory_space<vmem>>, %arg9: memref<96xi32, #tpu.memory_space<vmem>>, %arg10: memref<96xi32, #tpu.memory_space<vmem>>, %arg11: memref<96x128xf32, #tpu.memory_space<vmem>>, %arg12: memref<96x128xf32, #tpu.memory_space<vmem>>, %arg13: memref<10016x128xf32, #tpu.memory_space<vmem_shared>>, %arg14: memref<!tpu.dma_semaphore, #tpu.memory_space<semaphore_mem>>, %arg15: memref<!tpu.dma_semaphore, #tpu.memory_space<semaphore_mem>>) attributes {dimension_semantics = [#tpu.dimension_semantics<core_parallel>, #tpu.dimension_semantics<subcore_parallel>], iteration_bounds = array<i64: 2, 16>, scalar_prefetch = 0 : i64, scratch_operands = 9 : i64, tpu.core_type = #tpu.core_type<sc_vector_subcore>, window_params = [{transform_indices = #map}, {transform_indices = #map1}, {transform_indices = #map1}, {transform_indices = #map}, {transform_indices = #map2}]} {
    %mul3A = arith.constant 16 : i32
    %mul3A_0 = arith.muli %arg0, %mul3A : i32
    %add3A = arith.addi %mul3A_0, %arg1 : i32
    %lt3A = arith.constant 15 : i32
    %lt3A_1 = arith.cmpi slt, %arg1, %lt3A : i32
    %convert_element_type3A = arith.extui %lt3A_1 : i1 to i32
    %cond3A = arith.constant 0 : i32
    %cond3A_2 = arith.cmpi ne, %convert_element_type3A, %cond3A : i32
    scf.if %cond3A_2 {
      %mul3A_75 = arith.constant 624 : i32
      %mul3A_76 = arith.muli %arg1, %mul3A_75 : i32
      %multiple_of3A = tpu.assume_multiple %mul3A_76, 8 : i32
      "tpu.region"() ({
        %run_scoped3A = tpu.sem_alloc : memref<!tpu.dma_semaphore, #tpu.memory_space<semaphore_mem>>
        %dma_start3A_77 = arith.constant 0 : i32
        %dma_start3A_78 = tpu.memref_slice %arg13[%multiple_of3A, %dma_start3A_77] : memref<10016x128xf32, #tpu.memory_space<vmem_shared>> -> memref<624x128xf32, #tpu.memory_space<vmem_shared>>
        %dma_start3A_79 = arith.constant 0 : i32
        %dma_start3A_80 = tpu.memref_slice %arg5[%multiple_of3A, %dma_start3A_79] : memref<10000x128xf32, #tpu.memory_space<hbm>> -> memref<624x128xf32, #tpu.memory_space<hbm>>
        tpu.enqueue_dma source(%dma_start3A_80 : memref<624x128xf32, #tpu.memory_space<hbm>>) target(%dma_start3A_78 : memref<624x128xf32, #tpu.memory_space<vmem_shared>>) target_semaphore(%run_scoped3A : memref<!tpu.dma_semaphore, #tpu.memory_space<semaphore_mem>>)
        %dma_wait3A_81 = arith.constant 0 : i32
        %dma_wait3A_82 = tpu.memref_slice %arg13[%multiple_of3A, %dma_wait3A_81] : memref<10016x128xf32, #tpu.memory_space<vmem_shared>> -> memref<624x128xf32, #tpu.memory_space<vmem_shared>>
        %dma_wait3A_83 = arith.constant 0 : i32
        %dma_wait3A_84 = tpu.memref_slice %arg5[%multiple_of3A, %dma_wait3A_83] : memref<10000x128xf32, #tpu.memory_space<hbm>> -> memref<624x128xf32, #tpu.memory_space<hbm>>
        tpu.wait_dma2 semaphore(%run_scoped3A : memref<!tpu.dma_semaphore, #tpu.memory_space<semaphore_mem>>) src(%dma_wait3A_84 : memref<624x128xf32, #tpu.memory_space<hbm>>) dst(%dma_wait3A_82 : memref<624x128xf32, #tpu.memory_space<vmem_shared>>)
        tpu.yield
      }) : () -> ()
    } else {
    }
    %eq3A = arith.constant 15 : i32
    %eq3A_3 = arith.cmpi eq, %arg1, %eq3A : i32
    %convert_element_type3A_4 = arith.extui %eq3A_3 : i1 to i32
    %cond3A_5 = arith.constant 0 : i32
    %cond3A_6 = arith.cmpi ne, %convert_element_type3A_4, %cond3A_5 : i32
    scf.if %cond3A_6 {
      "tpu.region"() ({
        %run_scoped3A = tpu.sem_alloc : memref<!tpu.dma_semaphore, #tpu.memory_space<semaphore_mem>>
        %dma_start3A_75 = arith.constant 9360 : i32
        %dma_start3A_76 = arith.constant 0 : i32
        %dma_start3A_77 = tpu.memref_slice %arg13[%dma_start3A_75, %dma_start3A_76] : memref<10016x128xf32, #tpu.memory_space<vmem_shared>> -> memref<640x128xf32, #tpu.memory_space<vmem_shared>>
        %dma_start3A_78 = arith.constant 9360 : i32
        %dma_start3A_79 = arith.constant 0 : i32
        %dma_start3A_80 = tpu.memref_slice %arg5[%dma_start3A_78, %dma_start3A_79] : memref<10000x128xf32, #tpu.memory_space<hbm>> -> memref<640x128xf32, #tpu.memory_space<hbm>>
        tpu.enqueue_dma source(%dma_start3A_80 : memref<640x128xf32, #tpu.memory_space<hbm>>) target(%dma_start3A_77 : memref<640x128xf32, #tpu.memory_space<vmem_shared>>) target_semaphore(%run_scoped3A : memref<!tpu.dma_semaphore, #tpu.memory_space<semaphore_mem>>)
        %dma_wait3A_81 = arith.constant 9360 : i32
        %dma_wait3A_82 = arith.constant 0 : i32
        %dma_wait3A_83 = tpu.memref_slice %arg13[%dma_wait3A_81, %dma_wait3A_82] : memref<10016x128xf32, #tpu.memory_space<vmem_shared>> -> memref<640x128xf32, #tpu.memory_space<vmem_shared>>
        %dma_wait3A_84 = arith.constant 9360 : i32
        %dma_wait3A_85 = arith.constant 0 : i32
        %dma_wait3A_86 = tpu.memref_slice %arg5[%dma_wait3A_84, %dma_wait3A_85] : memref<10000x128xf32, #tpu.memory_space<hbm>> -> memref<640x128xf32, #tpu.memory_space<hbm>>
        tpu.wait_dma2 semaphore(%run_scoped3A : memref<!tpu.dma_semaphore, #tpu.memory_space<semaphore_mem>>) src(%dma_wait3A_86 : memref<640x128xf32, #tpu.memory_space<hbm>>) dst(%dma_wait3A_83 : memref<640x128xf32, #tpu.memory_space<vmem_shared>>)
        tpu.yield
      }) : () -> ()
    } else {
    }
    %mul3A_7 = arith.constant 10080 : i32
    %mul3A_8 = arith.muli %add3A, %mul3A_7 : i32
    "tpu.region"() ({
      %run_scoped3A = tpu.sem_alloc : memref<!tpu.dma_semaphore, #tpu.memory_space<semaphore_mem>>
      %dma_start3A_75 = tpu.memref_slice %arg3[%mul3A_8] : memref<322560xi32, #tpu.memory_space<hbm>> -> memref<10080xi32, #tpu.memory_space<hbm>>
      %dma_start3A_76 = tpu.memref_slice %arg3[%mul3A_8] : memref<322560xi32, #tpu.memory_space<hbm>> -> memref<10080xi32, #tpu.memory_space<hbm>>
      tpu.enqueue_dma source(%dma_start3A_76 : memref<10080xi32, #tpu.memory_space<hbm>>) target(%arg7 : memref<10080xi32, #tpu.memory_space<vmem>>) target_semaphore(%run_scoped3A : memref<!tpu.dma_semaphore, #tpu.memory_space<semaphore_mem>>)
      %dma_wait3A_77 = tpu.memref_slice %arg3[%mul3A_8] : memref<322560xi32, #tpu.memory_space<hbm>> -> memref<10080xi32, #tpu.memory_space<hbm>>
      %dma_wait3A_78 = tpu.memref_slice %arg3[%mul3A_8] : memref<322560xi32, #tpu.memory_space<hbm>> -> memref<10080xi32, #tpu.memory_space<hbm>>
      tpu.wait_dma2 semaphore(%run_scoped3A : memref<!tpu.dma_semaphore, #tpu.memory_space<semaphore_mem>>) src(%dma_wait3A_78 : memref<10080xi32, #tpu.memory_space<hbm>>) dst(%arg7 : memref<10080xi32, #tpu.memory_space<vmem>>)
      tpu.yield
    }) : () -> ()
    %mul3A_9 = arith.constant 10080 : i32
    %mul3A_10 = arith.muli %add3A, %mul3A_9 : i32
    "tpu.region"() ({
      %run_scoped3A = tpu.sem_alloc : memref<!tpu.dma_semaphore, #tpu.memory_space<semaphore_mem>>
      %dma_start3A_75 = tpu.memref_slice %arg4[%mul3A_10] : memref<322560xi32, #tpu.memory_space<hbm>> -> memref<10080xi32, #tpu.memory_space<hbm>>
      %dma_start3A_76 = tpu.memref_slice %arg4[%mul3A_10] : memref<322560xi32, #tpu.memory_space<hbm>> -> memref<10080xi32, #tpu.memory_space<hbm>>
      tpu.enqueue_dma source(%dma_start3A_76 : memref<10080xi32, #tpu.memory_space<hbm>>) target(%arg8 : memref<10080xi32, #tpu.memory_space<vmem>>) target_semaphore(%run_scoped3A : memref<!tpu.dma_semaphore, #tpu.memory_space<semaphore_mem>>)
      %dma_wait3A_77 = tpu.memref_slice %arg4[%mul3A_10] : memref<322560xi32, #tpu.memory_space<hbm>> -> memref<10080xi32, #tpu.memory_space<hbm>>
      %dma_wait3A_78 = tpu.memref_slice %arg4[%mul3A_10] : memref<322560xi32, #tpu.memory_space<hbm>> -> memref<10080xi32, #tpu.memory_space<hbm>>
      tpu.wait_dma2 semaphore(%run_scoped3A : memref<!tpu.dma_semaphore, #tpu.memory_space<semaphore_mem>>) src(%dma_wait3A_78 : memref<10080xi32, #tpu.memory_space<hbm>>) dst(%arg8 : memref<10080xi32, #tpu.memory_space<vmem>>)
      tpu.yield
    }) : () -> ()
    %barrier3A = arith.constant 0 : index
    tpu.barrier barrier_id(%barrier3A)
    %dma_start3A = arith.constant 0 : i32
    %dma_start3A_11 = tpu.memref_slice %arg7[%dma_start3A] : memref<10080xi32, #tpu.memory_space<vmem>> -> memref<96xi32, #tpu.memory_space<vmem>>
    %dma_start3A_12 = arith.constant 0 : i32
    %dma_start3A_13 = arith.constant 0 : i32
    %dma_start3A_14 = tpu.memref_slice %arg2[%dma_start3A_12, %dma_start3A_13] : memref<10000x128xf32, #tpu.memory_space<hbm>> -> memref<10000x128xf32, #tpu.memory_space<hbm>>
    tpu.enqueue_indirect_dma source(%dma_start3A_14 : memref<10000x128xf32, #tpu.memory_space<hbm>>) target(%arg11 : memref<96x128xf32, #tpu.memory_space<vmem>>) offsets(%dma_start3A_11 : memref<96xi32, #tpu.memory_space<vmem>>) semaphore(%arg14 : memref<!tpu.dma_semaphore, #tpu.memory_space<semaphore_mem>>)
    %scan3A = arith.constant 0 : i32
    %scan3A_15 = arith.constant 0 : i32
    %scan3A_16 = arith.constant 52 : i32
    %scan3A_17 = arith.addi %scan3A_15, %scan3A_16 : i32
    %scan3A_18 = arith.constant 1 : i32
    scf.for %scan3A_75 = %scan3A_15 to %scan3A_17 step %scan3A_18  : i32 {
      %mul3A_76 = arith.constant 2 : i32
      %mul3A_77 = arith.muli %scan3A_75, %mul3A_76 : i32
      %dma_wait3A_78 = arith.constant 0 : i32
      %dma_wait3A_79 = tpu.memref_slice %arg7[%dma_wait3A_78] : memref<10080xi32, #tpu.memory_space<vmem>> -> memref<96xi32, #tpu.memory_space<vmem>>
      %dma_wait3A_80 = arith.constant 0 : i32
      %dma_wait3A_81 = arith.constant 0 : i32
      %dma_wait3A_82 = tpu.memref_slice %arg2[%dma_wait3A_80, %dma_wait3A_81] : memref<10000x128xf32, #tpu.memory_space<hbm>> -> memref<10000x128xf32, #tpu.memory_space<hbm>>
      tpu.wait_indirect_dma semaphore(%arg14 : memref<!tpu.dma_semaphore, #tpu.memory_space<semaphore_mem>>) src(%dma_wait3A_82 : memref<10000x128xf32, #tpu.memory_space<hbm>>) dst(%arg11 : memref<96x128xf32, #tpu.memory_space<vmem>>)
      %add3A_83 = arith.constant 1 : i32
      %add3A_84 = arith.addi %mul3A_77, %add3A_83 : i32
      %mul3A_85 = arith.constant 96 : i32
      %mul3A_86 = arith.muli %add3A_84, %mul3A_85 : i32
      %dma_start3A_87 = tpu.memref_slice %arg7[%mul3A_86] : memref<10080xi32, #tpu.memory_space<vmem>> -> memref<96xi32, #tpu.memory_space<vmem>>
      %dma_start3A_88 = arith.constant 0 : i32
      %dma_start3A_89 = arith.constant 0 : i32
      %dma_start3A_90 = tpu.memref_slice %arg2[%dma_start3A_88, %dma_start3A_89] : memref<10000x128xf32, #tpu.memory_space<hbm>> -> memref<10000x128xf32, #tpu.memory_space<hbm>>
      tpu.enqueue_indirect_dma source(%dma_start3A_90 : memref<10000x128xf32, #tpu.memory_space<hbm>>) target(%arg12 : memref<96x128xf32, #tpu.memory_space<vmem>>) offsets(%dma_start3A_87 : memref<96xi32, #tpu.memory_space<vmem>>) semaphore(%arg15 : memref<!tpu.dma_semaphore, #tpu.memory_space<semaphore_mem>>)
      %mul3A_91 = arith.constant 96 : i32
      %mul3A_92 = arith.muli %mul3A_77, %mul3A_91 : i32
      %add3A_93 = arith.constant 0 : i32
      %add3A_94 = arith.addi %mul3A_92, %add3A_93 : i32
      %get3A_95 = arith.index_cast %add3A_94 : i32 to index
      %get3A_96 = tpu.vector_load %arg8[%get3A_95] {strides = array<i32>} : memref<10080xi32, #tpu.memory_space<vmem>>, vector<16xi32>,
      %get3A_97 = vector.shape_cast %get3A_96 : vector<16xi32> to vector<16xi32>
      %swap3A_98 = arith.constant 0 : index
      %swap3A_99 = tpu.vector_load %arg9[%swap3A_98] {strides = array<i32>} : memref<96xi32, #tpu.memory_space<vmem>>, vector<16xi32>,
      %swap3A_100 = vector.shape_cast %swap3A_99 : vector<16xi32> to vector<16xi32>
      %swap3A_101 = vector.shape_cast %get3A_97 : vector<16xi32> to vector<16xi32>
      tpu.vector_store %arg9[%swap3A_98], %swap3A_101 {strides = array<i32>} : memref<96xi32, #tpu.memory_space<vmem>>, vector<16xi32>,
      %mul3A_102 = arith.constant 96 : i32
      %mul3A_103 = arith.muli %mul3A_77, %mul3A_102 : i32
      %add3A_104 = arith.constant 16 : i32
      %add3A_105 = arith.addi %mul3A_103, %add3A_104 : i32
      %get3A_106 = arith.index_cast %add3A_105 : i32 to index
      %get3A_107 = tpu.vector_load %arg8[%get3A_106] {strides = array<i32>} : memref<10080xi32, #tpu.memory_space<vmem>>, vector<16xi32>,
      %get3A_108 = vector.shape_cast %get3A_107 : vector<16xi32> to vector<16xi32>
      %swap3A_109 = arith.constant 16 : index
      %swap3A_110 = tpu.vector_load %arg9[%swap3A_109] {strides = array<i32>} : memref<96xi32, #tpu.memory_space<vmem>>, vector<16xi32>,
      %swap3A_111 = vector.shape_cast %swap3A_110 : vector<16xi32> to vector<16xi32>
      %swap3A_112 = vector.shape_cast %get3A_108 : vector<16xi32> to vector<16xi32>
      tpu.vector_store %arg9[%swap3A_109], %swap3A_112 {strides = array<i32>} : memref<96xi32, #tpu.memory_space<vmem>>, vector<16xi32>,
      %mul3A_113 = arith.constant 96 : i32
      %mul3A_114 = arith.muli %mul3A_77, %mul3A_113 : i32
      %add3A_115 = arith.constant 32 : i32
      %add3A_116 = arith.addi %mul3A_114, %add3A_115 : i32
      %get3A_117 = arith.index_cast %add3A_116 : i32 to index
      %get3A_118 = tpu.vector_load %arg8[%get3A_117] {strides = array<i32>} : memref<10080xi32, #tpu.memory_space<vmem>>, vector<16xi32>,
      %get3A_119 = vector.shape_cast %get3A_118 : vector<16xi32> to vector<16xi32>
      %swap3A_120 = arith.constant 32 : index
      %swap3A_121 = tpu.vector_load %arg9[%swap3A_120] {strides = array<i32>} : memref<96xi32, #tpu.memory_space<vmem>>, vector<16xi32>,
      %swap3A_122 = vector.shape_cast %swap3A_121 : vector<16xi32> to vector<16xi32>
      %swap3A_123 = vector.shape_cast %get3A_119 : vector<16xi32> to vector<16xi32>
      tpu.vector_store %arg9[%swap3A_120], %swap3A_123 {strides = array<i32>} : memref<96xi32, #tpu.memory_space<vmem>>, vector<16xi32>,
      %mul3A_124 = arith.constant 96 : i32
      %mul3A_125 = arith.muli %mul3A_77, %mul3A_124 : i32
      %add3A_126 = arith.constant 48 : i32
      %add3A_127 = arith.addi %mul3A_125, %add3A_126 : i32
      %get3A_128 = arith.index_cast %add3A_127 : i32 to index
      %get3A_129 = tpu.vector_load %arg8[%get3A_128] {strides = array<i32>} : memref<10080xi32, #tpu.memory_space<vmem>>, vector<16xi32>,
      %get3A_130 = vector.shape_cast %get3A_129 : vector<16xi32> to vector<16xi32>
      %swap3A_131 = arith.constant 48 : index
      %swap3A_132 = tpu.vector_load %arg9[%swap3A_131] {strides = array<i32>} : memref<96xi32, #tpu.memory_space<vmem>>, vector<16xi32>,
      %swap3A_133 = vector.shape_cast %swap3A_132 : vector<16xi32> to vector<16xi32>
      %swap3A_134 = vector.shape_cast %get3A_130 : vector<16xi32> to vector<16xi32>
      tpu.vector_store %arg9[%swap3A_131], %swap3A_134 {strides = array<i32>} : memref<96xi32, #tpu.memory_space<vmem>>, vector<16xi32>,
      %mul3A_135 = arith.constant 96 : i32
      %mul3A_136 = arith.muli %mul3A_77, %mul3A_135 : i32
      %add3A_137 = arith.constant 64 : i32
      %add3A_138 = arith.addi %mul3A_136, %add3A_137 : i32
      %get3A_139 = arith.index_cast %add3A_138 : i32 to index
      %get3A_140 = tpu.vector_load %arg8[%get3A_139] {strides = array<i32>} : memref<10080xi32, #tpu.memory_space<vmem>>, vector<16xi32>,
      %get3A_141 = vector.shape_cast %get3A_140 : vector<16xi32> to vector<16xi32>
      %swap3A_142 = arith.constant 64 : index
      %swap3A_143 = tpu.vector_load %arg9[%swap3A_142] {strides = array<i32>} : memref<96xi32, #tpu.memory_space<vmem>>, vector<16xi32>,
      %swap3A_144 = vector.shape_cast %swap3A_143 : vector<16xi32> to vector<16xi32>
      %swap3A_145 = vector.shape_cast %get3A_141 : vector<16xi32> to vector<16xi32>
      tpu.vector_store %arg9[%swap3A_142], %swap3A_145 {strides = array<i32>} : memref<96xi32, #tpu.memory_space<vmem>>, vector<16xi32>,
      %mul3A_146 = arith.constant 96 : i32
      %mul3A_147 = arith.muli %mul3A_77, %mul3A_146 : i32
      %add3A_148 = arith.constant 80 : i32
      %add3A_149 = arith.addi %mul3A_147, %add3A_148 : i32
      %get3A_150 = arith.index_cast %add3A_149 : i32 to index
      %get3A_151 = tpu.vector_load %arg8[%get3A_150] {strides = array<i32>} : memref<10080xi32, #tpu.memory_space<vmem>>, vector<16xi32>,
      %get3A_152 = vector.shape_cast %get3A_151 : vector<16xi32> to vector<16xi32>
      %swap3A_153 = arith.constant 80 : index
      %swap3A_154 = tpu.vector_load %arg9[%swap3A_153] {strides = array<i32>} : memref<96xi32, #tpu.memory_space<vmem>>, vector<16xi32>,
      %swap3A_155 = vector.shape_cast %swap3A_154 : vector<16xi32> to vector<16xi32>
      %swap3A_156 = vector.shape_cast %get3A_152 : vector<16xi32> to vector<16xi32>
      tpu.vector_store %arg9[%swap3A_153], %swap3A_156 {strides = array<i32>} : memref<96xi32, #tpu.memory_space<vmem>>, vector<16xi32>,
      "tpu.region"() ({
        %run_scoped3A = tpu.sem_alloc : memref<!tpu.dma_semaphore, #tpu.memory_space<semaphore_mem>>
        %dma_start3A_238 = arith.constant 0 : i32
        %dma_start3A_239 = arith.constant 0 : i32
        %dma_start3A_240 = tpu.memref_slice %arg13[%dma_start3A_238, %dma_start3A_239] : memref<10016x128xf32, #tpu.memory_space<vmem_shared>> -> memref<10016x128xf32, #tpu.memory_space<vmem_shared>>
        tpu.enqueue_indirect_dma source(%arg11 : memref<96x128xf32, #tpu.memory_space<vmem>>) target(%dma_start3A_240 : memref<10016x128xf32, #tpu.memory_space<vmem_shared>>) offsets(%arg9 : memref<96xi32, #tpu.memory_space<vmem>>) semaphore(%run_scoped3A : memref<!tpu.dma_semaphore, #tpu.memory_space<semaphore_mem>>) {add = true}
        %dma_wait3A_241 = arith.constant 0 : i32
        %dma_wait3A_242 = arith.constant 0 : i32
        %dma_wait3A_243 = tpu.memref_slice %arg13[%dma_wait3A_241, %dma_wait3A_242] : memref<10016x128xf32, #tpu.memory_space<vmem_shared>> -> memref<10016x128xf32, #tpu.memory_space<vmem_shared>>
        tpu.wait_indirect_dma semaphore(%run_scoped3A : memref<!tpu.dma_semaphore, #tpu.memory_space<semaphore_mem>>) src(%arg11 : memref<96x128xf32, #tpu.memory_space<vmem>>) dst(%dma_wait3A_243 : memref<10016x128xf32, #tpu.memory_space<vmem_shared>>)
        tpu.yield
      }) : () -> ()
      %dma_wait3A_157 = arith.constant 0 : i32
      %dma_wait3A_158 = tpu.memref_slice %arg7[%dma_wait3A_157] : memref<10080xi32, #tpu.memory_space<vmem>> -> memref<96xi32, #tpu.memory_space<vmem>>
      %dma_wait3A_159 = arith.constant 0 : i32
      %dma_wait3A_160 = arith.constant 0 : i32
      %dma_wait3A_161 = tpu.memref_slice %arg2[%dma_wait3A_159, %dma_wait3A_160] : memref<10000x128xf32, #tpu.memory_space<hbm>> -> memref<10000x128xf32, #tpu.memory_space<hbm>>
      tpu.wait_indirect_dma semaphore(%arg15 : memref<!tpu.dma_semaphore, #tpu.memory_space<semaphore_mem>>) src(%dma_wait3A_161 : memref<10000x128xf32, #tpu.memory_space<hbm>>) dst(%arg12 : memref<96x128xf32, #tpu.memory_space<vmem>>)
      %add3A_162 = arith.constant 2 : i32
      %add3A_163 = arith.addi %mul3A_77, %add3A_162 : i32
      %mul3A_164 = arith.constant 96 : i32
      %mul3A_165 = arith.muli %add3A_163, %mul3A_164 : i32
      %dma_start3A_166 = tpu.memref_slice %arg7[%mul3A_165] : memref<10080xi32, #tpu.memory_space<vmem>> -> memref<96xi32, #tpu.memory_space<vmem>>
      %dma_start3A_167 = arith.constant 0 : i32
      %dma_start3A_168 = arith.constant 0 : i32
      %dma_start3A_169 = tpu.memref_slice %arg2[%dma_start3A_167, %dma_start3A_168] : memref<10000x128xf32, #tpu.memory_space<hbm>> -> memref<10000x128xf32, #tpu.memory_space<hbm>>
      tpu.enqueue_indirect_dma source(%dma_start3A_169 : memref<10000x128xf32, #tpu.memory_space<hbm>>) target(%arg11 : memref<96x128xf32, #tpu.memory_space<vmem>>) offsets(%dma_start3A_166 : memref<96xi32, #tpu.memory_space<vmem>>) semaphore(%arg14 : memref<!tpu.dma_semaphore, #tpu.memory_space<semaphore_mem>>)
      %add3A_170 = arith.constant 1 : i32
      %add3A_171 = arith.addi %mul3A_77, %add3A_170 : i32
      %mul3A_172 = arith.constant 96 : i32
      %mul3A_173 = arith.muli %add3A_171, %mul3A_172 : i32
      %add3A_174 = arith.constant 0 : i32
      %add3A_175 = arith.addi %mul3A_173, %add3A_174 : i32
      %get3A_176 = arith.index_cast %add3A_175 : i32 to index
      %get3A_177 = tpu.vector_load %arg8[%get3A_176] {strides = array<i32>} : memref<10080xi32, #tpu.memory_space<vmem>>, vector<16xi32>,
      %get3A_178 = vector.shape_cast %get3A_177 : vector<16xi32> to vector<16xi32>
      %swap3A_179 = arith.constant 0 : index
      %swap3A_180 = tpu.vector_load %arg10[%swap3A_179] {strides = array<i32>} : memref<96xi32, #tpu.memory_space<vmem>>, vector<16xi32>,
      %swap3A_181 = vector.shape_cast %swap3A_180 : vector<16xi32> to vector<16xi32>
      %swap3A_182 = vector.shape_cast %get3A_178 : vector<16xi32> to vector<16xi32>
      tpu.vector_store %arg10[%swap3A_179], %swap3A_182 {strides = array<i32>} : memref<96xi32, #tpu.memory_space<vmem>>, vector<16xi32>,
      %mul3A_183 = arith.constant 96 : i32
      %mul3A_184 = arith.muli %add3A_171, %mul3A_183 : i32
      %add3A_185 = arith.constant 16 : i32
      %add3A_186 = arith.addi %mul3A_184, %add3A_185 : i32
      %get3A_187 = arith.index_cast %add3A_186 : i32 to index
      %get3A_188 = tpu.vector_load %arg8[%get3A_187] {strides = array<i32>} : memref<10080xi32, #tpu.memory_space<vmem>>, vector<16xi32>,
      %get3A_189 = vector.shape_cast %get3A_188 : vector<16xi32> to vector<16xi32>
      %swap3A_190 = arith.constant 16 : index
      %swap3A_191 = tpu.vector_load %arg10[%swap3A_190] {strides = array<i32>} : memref<96xi32, #tpu.memory_space<vmem>>, vector<16xi32>,
      %swap3A_192 = vector.shape_cast %swap3A_191 : vector<16xi32> to vector<16xi32>
      %swap3A_193 = vector.shape_cast %get3A_189 : vector<16xi32> to vector<16xi32>
      tpu.vector_store %arg10[%swap3A_190], %swap3A_193 {strides = array<i32>} : memref<96xi32, #tpu.memory_space<vmem>>, vector<16xi32>,
      %mul3A_194 = arith.constant 96 : i32
      %mul3A_195 = arith.muli %add3A_171, %mul3A_194 : i32
      %add3A_196 = arith.constant 32 : i32
      %add3A_197 = arith.addi %mul3A_195, %add3A_196 : i32
      %get3A_198 = arith.index_cast %add3A_197 : i32 to index
      %get3A_199 = tpu.vector_load %arg8[%get3A_198] {strides = array<i32>} : memref<10080xi32, #tpu.memory_space<vmem>>, vector<16xi32>,
      %get3A_200 = vector.shape_cast %get3A_199 : vector<16xi32> to vector<16xi32>
      %swap3A_201 = arith.constant 32 : index
      %swap3A_202 = tpu.vector_load %arg10[%swap3A_201] {strides = array<i32>} : memref<96xi32, #tpu.memory_space<vmem>>, vector<16xi32>,
      %swap3A_203 = vector.shape_cast %swap3A_202 : vector<16xi32> to vector<16xi32>
      %swap3A_204 = vector.shape_cast %get3A_200 : vector<16xi32> to vector<16xi32>
      tpu.vector_store %arg10[%swap3A_201], %swap3A_204 {strides = array<i32>} : memref<96xi32, #tpu.memory_space<vmem>>, vector<16xi32>,
      %mul3A_205 = arith.constant 96 : i32
      %mul3A_206 = arith.muli %add3A_171, %mul3A_205 : i32
      %add3A_207 = arith.constant 48 : i32
      %add3A_208 = arith.addi %mul3A_206, %add3A_207 : i32
      %get3A_209 = arith.index_cast %add3A_208 : i32 to index
      %get3A_210 = tpu.vector_load %arg8[%get3A_209] {strides = array<i32>} : memref<10080xi32, #tpu.memory_space<vmem>>, vector<16xi32>,
      %get3A_211 = vector.shape_cast %get3A_210 : vector<16xi32> to vector<16xi32>
      %swap3A_212 = arith.constant 48 : index
      %swap3A_213 = tpu.vector_load %arg10[%swap3A_212] {strides = array<i32>} : memref<96xi32, #tpu.memory_space<vmem>>, vector<16xi32>,
      %swap3A_214 = vector.shape_cast %swap3A_213 : vector<16xi32> to vector<16xi32>
      %swap3A_215 = vector.shape_cast %get3A_211 : vector<16xi32> to vector<16xi32>
      tpu.vector_store %arg10[%swap3A_212], %swap3A_215 {strides = array<i32>} : memref<96xi32, #tpu.memory_space<vmem>>, vector<16xi32>,
      %mul3A_216 = arith.constant 96 : i32
      %mul3A_217 = arith.muli %add3A_171, %mul3A_216 : i32
      %add3A_218 = arith.constant 64 : i32
      %add3A_219 = arith.addi %mul3A_217, %add3A_218 : i32
      %get3A_220 = arith.index_cast %add3A_219 : i32 to index
      %get3A_221 = tpu.vector_load %arg8[%get3A_220] {strides = array<i32>} : memref<10080xi32, #tpu.memory_space<vmem>>, vector<16xi32>,
      %get3A_222 = vector.shape_cast %get3A_221 : vector<16xi32> to vector<16xi32>
      %swap3A_223 = arith.constant 64 : index
      %swap3A_224 = tpu.vector_load %arg10[%swap3A_223] {strides = array<i32>} : memref<96xi32, #tpu.memory_space<vmem>>, vector<16xi32>,
      %swap3A_225 = vector.shape_cast %swap3A_224 : vector<16xi32> to vector<16xi32>
      %swap3A_226 = vector.shape_cast %get3A_222 : vector<16xi32> to vector<16xi32>
      tpu.vector_store %arg10[%swap3A_223], %swap3A_226 {strides = array<i32>} : memref<96xi32, #tpu.memory_space<vmem>>, vector<16xi32>,
      %mul3A_227 = arith.constant 96 : i32
      %mul3A_228 = arith.muli %add3A_171, %mul3A_227 : i32
      %add3A_229 = arith.constant 80 : i32
      %add3A_230 = arith.addi %mul3A_228, %add3A_229 : i32
      %get3A_231 = arith.index_cast %add3A_230 : i32 to index
      %get3A_232 = tpu.vector_load %arg8[%get3A_231] {strides = array<i32>} : memref<10080xi32, #tpu.memory_space<vmem>>, vector<16xi32>,
      %get3A_233 = vector.shape_cast %get3A_232 : vector<16xi32> to vector<16xi32>
      %swap3A_234 = arith.constant 80 : index
      %swap3A_235 = tpu.vector_load %arg10[%swap3A_234] {strides = array<i32>} : memref<96xi32, #tpu.memory_space<vmem>>, vector<16xi32>,
      %swap3A_236 = vector.shape_cast %swap3A_235 : vector<16xi32> to vector<16xi32>
      %swap3A_237 = vector.shape_cast %get3A_233 : vector<16xi32> to vector<16xi32>
      tpu.vector_store %arg10[%swap3A_234], %swap3A_237 {strides = array<i32>} : memref<96xi32, #tpu.memory_space<vmem>>, vector<16xi32>,
      "tpu.region"() ({
        %run_scoped3A = tpu.sem_alloc : memref<!tpu.dma_semaphore, #tpu.memory_space<semaphore_mem>>
        %dma_start3A_238 = arith.constant 0 : i32
        %dma_start3A_239 = arith.constant 0 : i32
        %dma_start3A_240 = tpu.memref_slice %arg13[%dma_start3A_238, %dma_start3A_239] : memref<10016x128xf32, #tpu.memory_space<vmem_shared>> -> memref<10016x128xf32, #tpu.memory_space<vmem_shared>>
        tpu.enqueue_indirect_dma source(%arg12 : memref<96x128xf32, #tpu.memory_space<vmem>>) target(%dma_start3A_240 : memref<10016x128xf32, #tpu.memory_space<vmem_shared>>) offsets(%arg10 : memref<96xi32, #tpu.memory_space<vmem>>) semaphore(%run_scoped3A : memref<!tpu.dma_semaphore, #tpu.memory_space<semaphore_mem>>) {add = true}
        %dma_wait3A_241 = arith.constant 0 : i32
        %dma_wait3A_242 = arith.constant 0 : i32
        %dma_wait3A_243 = tpu.memref_slice %arg13[%dma_wait3A_241, %dma_wait3A_242] : memref<10016x128xf32, #tpu.memory_space<vmem_shared>> -> memref<10016x128xf32, #tpu.memory_space<vmem_shared>>
        tpu.wait_indirect_dma semaphore(%run_scoped3A : memref<!tpu.dma_semaphore, #tpu.memory_space<semaphore_mem>>) src(%arg12 : memref<96x128xf32, #tpu.memory_space<vmem>>) dst(%dma_wait3A_243 : memref<10016x128xf32, #tpu.memory_space<vmem_shared>>)
        tpu.yield
      }) : () -> ()
    }
    %scan3A_19 = arith.constant 52 : i32
    %dma_wait3A = arith.constant 0 : i32
    %dma_wait3A_20 = tpu.memref_slice %arg7[%dma_wait3A] : memref<10080xi32, #tpu.memory_space<vmem>> -> memref<96xi32, #tpu.memory_space<vmem>>
    %dma_wait3A_21 = arith.constant 0 : i32
    %dma_wait3A_22 = arith.constant 0 : i32
    %dma_wait3A_23 = tpu.memref_slice %arg2[%dma_wait3A_21, %dma_wait3A_22] : memref<10000x128xf32, #tpu.memory_space<hbm>> -> memref<10000x128xf32, #tpu.memory_space<hbm>>
    tpu.wait_indirect_dma semaphore(%arg14 : memref<!tpu.dma_semaphore, #tpu.memory_space<semaphore_mem>>) src(%dma_wait3A_23 : memref<10000x128xf32, #tpu.memory_space<hbm>>) dst(%arg11 : memref<96x128xf32, #tpu.memory_space<vmem>>)
    %get3A = arith.constant 9984 : index
    %get3A_24 = tpu.vector_load %arg8[%get3A] {strides = array<i32>} : memref<10080xi32, #tpu.memory_space<vmem>>, vector<16xi32>,
    %get3A_25 = vector.shape_cast %get3A_24 : vector<16xi32> to vector<16xi32>
    %swap3A = arith.constant 0 : index
    %swap3A_26 = tpu.vector_load %arg9[%swap3A] {strides = array<i32>} : memref<96xi32, #tpu.memory_space<vmem>>, vector<16xi32>,
    %swap3A_27 = vector.shape_cast %swap3A_26 : vector<16xi32> to vector<16xi32>
    %swap3A_28 = vector.shape_cast %get3A_25 : vector<16xi32> to vector<16xi32>
    tpu.vector_store %arg9[%swap3A], %swap3A_28 {strides = array<i32>} : memref<96xi32, #tpu.memory_space<vmem>>, vector<16xi32>,
    %get3A_29 = arith.constant 10000 : index
    %get3A_30 = tpu.vector_load %arg8[%get3A_29] {strides = array<i32>} : memref<10080xi32, #tpu.memory_space<vmem>>, vector<16xi32>,
    %get3A_31 = vector.shape_cast %get3A_30 : vector<16xi32> to vector<16xi32>
    %swap3A_32 = arith.constant 16 : index
    %swap3A_33 = tpu.vector_load %arg9[%swap3A_32] {strides = array<i32>} : memref<96xi32, #tpu.memory_space<vmem>>, vector<16xi32>,
    %swap3A_34 = vector.shape_cast %swap3A_33 : vector<16xi32> to vector<16xi32>
    %swap3A_35 = vector.shape_cast %get3A_31 : vector<16xi32> to vector<16xi32>
    tpu.vector_store %arg9[%swap3A_32], %swap3A_35 {strides = array<i32>} : memref<96xi32, #tpu.memory_space<vmem>>, vector<16xi32>,
    %get3A_36 = arith.constant 10016 : index
    %get3A_37 = tpu.vector_load %arg8[%get3A_36] {strides = array<i32>} : memref<10080xi32, #tpu.memory_space<vmem>>, vector<16xi32>,
    %get3A_38 = vector.shape_cast %get3A_37 : vector<16xi32> to vector<16xi32>
    %swap3A_39 = arith.constant 32 : index
    %swap3A_40 = tpu.vector_load %arg9[%swap3A_39] {strides = array<i32>} : memref<96xi32, #tpu.memory_space<vmem>>, vector<16xi32>,
    %swap3A_41 = vector.shape_cast %swap3A_40 : vector<16xi32> to vector<16xi32>
    %swap3A_42 = vector.shape_cast %get3A_38 : vector<16xi32> to vector<16xi32>
    tpu.vector_store %arg9[%swap3A_39], %swap3A_42 {strides = array<i32>} : memref<96xi32, #tpu.memory_space<vmem>>, vector<16xi32>,
    %get3A_43 = arith.constant 10032 : index
    %get3A_44 = tpu.vector_load %arg8[%get3A_43] {strides = array<i32>} : memref<10080xi32, #tpu.memory_space<vmem>>, vector<16xi32>,
    %get3A_45 = vector.shape_cast %get3A_44 : vector<16xi32> to vector<16xi32>
    %swap3A_46 = arith.constant 48 : index
    %swap3A_47 = tpu.vector_load %arg9[%swap3A_46] {strides = array<i32>} : memref<96xi32, #tpu.memory_space<vmem>>, vector<16xi32>,
    %swap3A_48 = vector.shape_cast %swap3A_47 : vector<16xi32> to vector<16xi32>
    %swap3A_49 = vector.shape_cast %get3A_45 : vector<16xi32> to vector<16xi32>
    tpu.vector_store %arg9[%swap3A_46], %swap3A_49 {strides = array<i32>} : memref<96xi32, #tpu.memory_space<vmem>>, vector<16xi32>,
    %get3A_50 = arith.constant 10048 : index
    %get3A_51 = tpu.vector_load %arg8[%get3A_50] {strides = array<i32>} : memref<10080xi32, #tpu.memory_space<vmem>>, vector<16xi32>,
    %get3A_52 = vector.shape_cast %get3A_51 : vector<16xi32> to vector<16xi32>
    %swap3A_53 = arith.constant 64 : index
    %swap3A_54 = tpu.vector_load %arg9[%swap3A_53] {strides = array<i32>} : memref<96xi32, #tpu.memory_space<vmem>>, vector<16xi32>,
    %swap3A_55 = vector.shape_cast %swap3A_54 : vector<16xi32> to vector<16xi32>
    %swap3A_56 = vector.shape_cast %get3A_52 : vector<16xi32> to vector<16xi32>
    tpu.vector_store %arg9[%swap3A_53], %swap3A_56 {strides = array<i32>} : memref<96xi32, #tpu.memory_space<vmem>>, vector<16xi32>,
    %get3A_57 = arith.constant 10064 : index
    %get3A_58 = tpu.vector_load %arg8[%get3A_57] {strides = array<i32>} : memref<10080xi32, #tpu.memory_space<vmem>>, vector<16xi32>,
    %get3A_59 = vector.shape_cast %get3A_58 : vector<16xi32> to vector<16xi32>
    %swap3A_60 = arith.constant 80 : index
    %swap3A_61 = tpu.vector_load %arg9[%swap3A_60] {strides = array<i32>} : memref<96xi32, #tpu.memory_space<vmem>>, vector<16xi32>,
    %swap3A_62 = vector.shape_cast %swap3A_61 : vector<16xi32> to vector<16xi32>
    %swap3A_63 = vector.shape_cast %get3A_59 : vector<16xi32> to vector<16xi32>
    tpu.vector_store %arg9[%swap3A_60], %swap3A_63 {strides = array<i32>} : memref<96xi32, #tpu.memory_space<vmem>>, vector<16xi32>,
    "tpu.region"() ({
      %run_scoped3A = tpu.sem_alloc : memref<!tpu.dma_semaphore, #tpu.memory_space<semaphore_mem>>
      %dma_start3A_75 = arith.constant 0 : i32
      %dma_start3A_76 = arith.constant 0 : i32
      %dma_start3A_77 = tpu.memref_slice %arg13[%dma_start3A_75, %dma_start3A_76] : memref<10016x128xf32, #tpu.memory_space<vmem_shared>> -> memref<10016x128xf32, #tpu.memory_space<vmem_shared>>
      tpu.enqueue_indirect_dma source(%arg11 : memref<96x128xf32, #tpu.memory_space<vmem>>) target(%dma_start3A_77 : memref<10016x128xf32, #tpu.memory_space<vmem_shared>>) offsets(%arg9 : memref<96xi32, #tpu.memory_space<vmem>>) semaphore(%run_scoped3A : memref<!tpu.dma_semaphore, #tpu.memory_space<semaphore_mem>>) {add = true}
      %dma_wait3A_78 = arith.constant 0 : i32
      %dma_wait3A_79 = arith.constant 0 : i32
      %dma_wait3A_80 = tpu.memref_slice %arg13[%dma_wait3A_78, %dma_wait3A_79] : memref<10016x128xf32, #tpu.memory_space<vmem_shared>> -> memref<10016x128xf32, #tpu.memory_space<vmem_shared>>
      tpu.wait_indirect_dma semaphore(%run_scoped3A : memref<!tpu.dma_semaphore, #tpu.memory_space<semaphore_mem>>) src(%arg11 : memref<96x128xf32, #tpu.memory_space<vmem>>) dst(%dma_wait3A_80 : memref<10016x128xf32, #tpu.memory_space<vmem_shared>>)
      tpu.yield
    }) : () -> ()
    %barrier3A_64 = arith.constant 0 : index
    tpu.barrier barrier_id(%barrier3A_64)
    %lt3A_65 = arith.constant 15 : i32
    %lt3A_66 = arith.cmpi slt, %arg1, %lt3A_65 : i32
    %convert_element_type3A_67 = arith.extui %lt3A_66 : i1 to i32
    %cond3A_68 = arith.constant 0 : i32
    %cond3A_69 = arith.cmpi ne, %convert_element_type3A_67, %cond3A_68 : i32
    scf.if %cond3A_69 {
      %mul3A_75 = arith.constant 624 : i32
      %mul3A_76 = arith.muli %arg1, %mul3A_75 : i32
      %multiple_of3A = tpu.assume_multiple %mul3A_76, 8 : i32
      "tpu.region"() ({
        %run_scoped3A = tpu.sem_alloc : memref<!tpu.dma_semaphore, #tpu.memory_space<semaphore_mem>>
        %dma_start3A_77 = arith.constant 0 : i32
        %dma_start3A_78 = tpu.memref_slice %arg6[%arg0, %multiple_of3A, %dma_start3A_77] : memref<2x10000x128xf32, #tpu.memory_space<hbm>> -> memref<1x624x128xf32, #tpu.memory_space<hbm>>
        %dma_start3A_79 = tpu.memref_squeeze %dma_start3A_78 : memref<1x624x128xf32, #tpu.memory_space<hbm>> -> memref<624x128xf32, #tpu.memory_space<hbm>>
        %dma_start3A_80 = arith.constant 0 : i32
        %dma_start3A_81 = tpu.memref_slice %arg13[%multiple_of3A, %dma_start3A_80] : memref<10016x128xf32, #tpu.memory_space<vmem_shared>> -> memref<624x128xf32, #tpu.memory_space<vmem_shared>>
        tpu.enqueue_dma source(%dma_start3A_81 : memref<624x128xf32, #tpu.memory_space<vmem_shared>>) target(%dma_start3A_79 : memref<624x128xf32, #tpu.memory_space<hbm>>) target_semaphore(%run_scoped3A : memref<!tpu.dma_semaphore, #tpu.memory_space<semaphore_mem>>)
        %dma_wait3A_82 = arith.constant 0 : i32
        %dma_wait3A_83 = tpu.memref_slice %arg6[%arg0, %multiple_of3A, %dma_wait3A_82] : memref<2x10000x128xf32, #tpu.memory_space<hbm>> -> memref<1x624x128xf32, #tpu.memory_space<hbm>>
        %dma_wait3A_84 = tpu.memref_squeeze %dma_wait3A_83 : memref<1x624x128xf32, #tpu.memory_space<hbm>> -> memref<624x128xf32, #tpu.memory_space<hbm>>
        %dma_wait3A_85 = arith.constant 0 : i32
        %dma_wait3A_86 = tpu.memref_slice %arg13[%multiple_of3A, %dma_wait3A_85] : memref<10016x128xf32, #tpu.memory_space<vmem_shared>> -> memref<624x128xf32, #tpu.memory_space<vmem_shared>>
        tpu.wait_dma2 semaphore(%run_scoped3A : memref<!tpu.dma_semaphore, #tpu.memory_space<semaphore_mem>>) src(%dma_wait3A_86 : memref<624x128xf32, #tpu.memory_space<vmem_shared>>) dst(%dma_wait3A_84 : memref<624x128xf32, #tpu.memory_space<hbm>>)
        tpu.yield
      }) : () -> ()
    } else {
    }
    %eq3A_70 = arith.constant 15 : i32
    %eq3A_71 = arith.cmpi eq, %arg1, %eq3A_70 : i32
    %convert_element_type3A_72 = arith.extui %eq3A_71 : i1 to i32
    %cond3A_73 = arith.constant 0 : i32
    %cond3A_74 = arith.cmpi ne, %convert_element_type3A_72, %cond3A_73 : i32
    scf.if %cond3A_74 {
      "tpu.region"() ({
        %run_scoped3A = tpu.sem_alloc : memref<!tpu.dma_semaphore, #tpu.memory_space<semaphore_mem>>
        %dma_start3A_75 = arith.constant 9360 : i32
        %dma_start3A_76 = arith.constant 0 : i32
        %dma_start3A_77 = tpu.memref_slice %arg6[%arg0, %dma_start3A_75, %dma_start3A_76] : memref<2x10000x128xf32, #tpu.memory_space<hbm>> -> memref<1x640x128xf32, #tpu.memory_space<hbm>>
        %dma_start3A_78 = tpu.memref_squeeze %dma_start3A_77 : memref<1x640x128xf32, #tpu.memory_space<hbm>> -> memref<640x128xf32, #tpu.memory_space<hbm>>
        %dma_start3A_79 = arith.constant 9360 : i32
        %dma_start3A_80 = arith.constant 0 : i32
        %dma_start3A_81 = tpu.memref_slice %arg13[%dma_start3A_79, %dma_start3A_80] : memref<10016x128xf32, #tpu.memory_space<vmem_shared>> -> memref<640x128xf32, #tpu.memory_space<vmem_shared>>
        tpu.enqueue_dma source(%dma_start3A_81 : memref<640x128xf32, #tpu.memory_space<vmem_shared>>) target(%dma_start3A_78 : memref<640x128xf32, #tpu.memory_space<hbm>>) target_semaphore(%run_scoped3A : memref<!tpu.dma_semaphore, #tpu.memory_space<semaphore_mem>>)
        %dma_wait3A_82 = arith.constant 9360 : i32
        %dma_wait3A_83 = arith.constant 0 : i32
        %dma_wait3A_84 = tpu.memref_slice %arg6[%arg0, %dma_wait3A_82, %dma_wait3A_83] : memref<2x10000x128xf32, #tpu.memory_space<hbm>> -> memref<1x640x128xf32, #tpu.memory_space<hbm>>
        %dma_wait3A_85 = tpu.memref_squeeze %dma_wait3A_84 : memref<1x640x128xf32, #tpu.memory_space<hbm>> -> memref<640x128xf32, #tpu.memory_space<hbm>>
        %dma_wait3A_86 = arith.constant 9360 : i32
        %dma_wait3A_87 = arith.constant 0 : i32
        %dma_wait3A_88 = tpu.memref_slice %arg13[%dma_wait3A_86, %dma_wait3A_87] : memref<10016x128xf32, #tpu.memory_space<vmem_shared>> -> memref<640x128xf32, #tpu.memory_space<vmem_shared>>
        tpu.wait_dma2 semaphore(%run_scoped3A : memref<!tpu.dma_semaphore, #tpu.memory_space<semaphore_mem>>) src(%dma_wait3A_88 : memref<640x128xf32, #tpu.memory_space<vmem_shared>>) dst(%dma_wait3A_85 : memref<640x128xf32, #tpu.memory_space<hbm>>)
        tpu.yield
      }) : () -> ()
    } else {
    }
    return
  }
}

#map = affine_map<(d0, d1) -> (0, 0)>
#map1 = affine_map<(d0, d1) -> (0)>
#map2 = affine_map<(d0, d1) -> (0, 0, 0)>
module attributes {stable_mosaic.version = 14 : i64} {
  func.func @_spmm_body(%arg0: i32, %arg1: i32, %arg2: memref<10000x128xf32, #tpu.memory_space<hbm>>, %arg3: memref<322560xi32, #tpu.memory_space<hbm>>, %arg4: memref<322560xi32, #tpu.memory_space<hbm>>, %arg5: memref<10000x128xf32, #tpu.memory_space<hbm>>, %arg6: memref<2x10000x128xf32, #tpu.memory_space<hbm>>, %arg7: memref<10080xi32, #tpu.memory_space<vmem>>, %arg8: memref<10080xi32, #tpu.memory_space<vmem>>, %arg9: memref<96xi32, #tpu.memory_space<vmem>>, %arg10: memref<96xi32, #tpu.memory_space<vmem>>, %arg11: memref<96x128xf32, #tpu.memory_space<vmem>>, %arg12: memref<96x128xf32, #tpu.memory_space<vmem>>, %arg13: memref<10016x128xf32, #tpu.memory_space<vmem_shared>>, %arg14: memref<!tpu.dma_semaphore, #tpu.memory_space<semaphore_mem>>, %arg15: memref<!tpu.dma_semaphore, #tpu.memory_space<semaphore_mem>>) attributes {dimension_semantics = [#tpu.dimension_semantics<core_parallel>, #tpu.dimension_semantics<subcore_parallel>], iteration_bounds = array<i64: 2, 16>, scalar_prefetch = 0 : i64, scratch_operands = 9 : i64, tpu.core_type = #tpu.core_type<sc_vector_subcore>, window_params = [{transform_indices = #map}, {transform_indices = #map1}, {transform_indices = #map1}, {transform_indices = #map}, {transform_indices = #map2}]} {
    %mul3A = arith.constant 16 : i32
    %mul3A_0 = arith.muli %arg0, %mul3A : i32
    %add3A = arith.addi %mul3A_0, %arg1 : i32
    %lt3A = arith.constant 15 : i32
    %lt3A_1 = arith.cmpi slt, %arg1, %lt3A : i32
    %convert_element_type3A = arith.extui %lt3A_1 : i1 to i32
    %cond3A = arith.constant 0 : i32
    %cond3A_2 = arith.cmpi ne, %convert_element_type3A, %cond3A : i32
    scf.if %cond3A_2 {
      %mul3A_75 = arith.constant 624 : i32
      %mul3A_76 = arith.muli %arg1, %mul3A_75 : i32
      %multiple_of3A = tpu.assume_multiple %mul3A_76, 8 : i32
      "tpu.region"() ({
        %run_scoped3A = tpu.sem_alloc : memref<!tpu.dma_semaphore, #tpu.memory_space<semaphore_mem>>
        %dma_start3A_77 = arith.constant 0 : i32
        %dma_start3A_78 = tpu.memref_slice %arg13[%multiple_of3A, %dma_start3A_77] : memref<10016x128xf32, #tpu.memory_space<vmem_shared>> -> memref<624x128xf32, #tpu.memory_space<vmem_shared>>
        %dma_start3A_79 = arith.constant 0 : i32
        %dma_start3A_80 = tpu.memref_slice %arg5[%multiple_of3A, %dma_start3A_79] : memref<10000x128xf32, #tpu.memory_space<hbm>> -> memref<624x128xf32, #tpu.memory_space<hbm>>
        tpu.enqueue_dma source(%dma_start3A_80 : memref<624x128xf32, #tpu.memory_space<hbm>>) target(%dma_start3A_78 : memref<624x128xf32, #tpu.memory_space<vmem_shared>>) target_semaphore(%run_scoped3A : memref<!tpu.dma_semaphore, #tpu.memory_space<semaphore_mem>>)
        %dma_wait3A_81 = arith.constant 0 : i32
        %dma_wait3A_82 = tpu.memref_slice %arg13[%multiple_of3A, %dma_wait3A_81] : memref<10016x128xf32, #tpu.memory_space<vmem_shared>> -> memref<624x128xf32, #tpu.memory_space<vmem_shared>>
        %dma_wait3A_83 = arith.constant 0 : i32
        %dma_wait3A_84 = tpu.memref_slice %arg5[%multiple_of3A, %dma_wait3A_83] : memref<10000x128xf32, #tpu.memory_space<hbm>> -> memref<624x128xf32, #tpu.memory_space<hbm>>
        tpu.wait_dma2 semaphore(%run_scoped3A : memref<!tpu.dma_semaphore, #tpu.memory_space<semaphore_mem>>) src(%dma_wait3A_84 : memref<624x128xf32, #tpu.memory_space<hbm>>) dst(%dma_wait3A_82 : memref<624x128xf32, #tpu.memory_space<vmem_shared>>)
        tpu.yield
      }) : () -> ()
    } else {
    }
    %eq3A = arith.constant 15 : i32
    %eq3A_3 = arith.cmpi eq, %arg1, %eq3A : i32
    %convert_element_type3A_4 = arith.extui %eq3A_3 : i1 to i32
    %cond3A_5 = arith.constant 0 : i32
    %cond3A_6 = arith.cmpi ne, %convert_element_type3A_4, %cond3A_5 : i32
    scf.if %cond3A_6 {
      "tpu.region"() ({
        %run_scoped3A = tpu.sem_alloc : memref<!tpu.dma_semaphore, #tpu.memory_space<semaphore_mem>>
        %dma_start3A_75 = arith.constant 9360 : i32
        %dma_start3A_76 = arith.constant 0 : i32
        %dma_start3A_77 = tpu.memref_slice %arg13[%dma_start3A_75, %dma_start3A_76] : memref<10016x128xf32, #tpu.memory_space<vmem_shared>> -> memref<640x128xf32, #tpu.memory_space<vmem_shared>>
        %dma_start3A_78 = arith.constant 9360 : i32
        %dma_start3A_79 = arith.constant 0 : i32
        %dma_start3A_80 = tpu.memref_slice %arg5[%dma_start3A_78, %dma_start3A_79] : memref<10000x128xf32, #tpu.memory_space<hbm>> -> memref<640x128xf32, #tpu.memory_space<hbm>>
        tpu.enqueue_dma source(%dma_start3A_80 : memref<640x128xf32, #tpu.memory_space<hbm>>) target(%dma_start3A_77 : memref<640x128xf32, #tpu.memory_space<vmem_shared>>) target_semaphore(%run_scoped3A : memref<!tpu.dma_semaphore, #tpu.memory_space<semaphore_mem>>)
        %dma_wait3A_81 = arith.constant 9360 : i32
        %dma_wait3A_82 = arith.constant 0 : i32
        %dma_wait3A_83 = tpu.memref_slice %arg13[%dma_wait3A_81, %dma_wait3A_82] : memref<10016x128xf32, #tpu.memory_space<vmem_shared>> -> memref<640x128xf32, #tpu.memory_space<vmem_shared>>
        %dma_wait3A_84 = arith.constant 9360 : i32
        %dma_wait3A_85 = arith.constant 0 : i32
        %dma_wait3A_86 = tpu.memref_slice %arg5[%dma_wait3A_84, %dma_wait3A_85] : memref<10000x128xf32, #tpu.memory_space<hbm>> -> memref<640x128xf32, #tpu.memory_space<hbm>>
        tpu.wait_dma2 semaphore(%run_scoped3A : memref<!tpu.dma_semaphore, #tpu.memory_space<semaphore_mem>>) src(%dma_wait3A_86 : memref<640x128xf32, #tpu.memory_space<hbm>>) dst(%dma_wait3A_83 : memref<640x128xf32, #tpu.memory_space<vmem_shared>>)
        tpu.yield
      }) : () -> ()
    } else {
    }
    %mul3A_7 = arith.constant 10080 : i32
    %mul3A_8 = arith.muli %add3A, %mul3A_7 : i32
    "tpu.region"() ({
      %run_scoped3A = tpu.sem_alloc : memref<!tpu.dma_semaphore, #tpu.memory_space<semaphore_mem>>
      %dma_start3A_75 = tpu.memref_slice %arg3[%mul3A_8] : memref<322560xi32, #tpu.memory_space<hbm>> -> memref<10080xi32, #tpu.memory_space<hbm>>
      %dma_start3A_76 = tpu.memref_slice %arg3[%mul3A_8] : memref<322560xi32, #tpu.memory_space<hbm>> -> memref<10080xi32, #tpu.memory_space<hbm>>
      tpu.enqueue_dma source(%dma_start3A_76 : memref<10080xi32, #tpu.memory_space<hbm>>) target(%arg7 : memref<10080xi32, #tpu.memory_space<vmem>>) target_semaphore(%run_scoped3A : memref<!tpu.dma_semaphore, #tpu.memory_space<semaphore_mem>>)
      %dma_wait3A_77 = tpu.memref_slice %arg3[%mul3A_8] : memref<322560xi32, #tpu.memory_space<hbm>> -> memref<10080xi32, #tpu.memory_space<hbm>>
      %dma_wait3A_78 = tpu.memref_slice %arg3[%mul3A_8] : memref<322560xi32, #tpu.memory_space<hbm>> -> memref<10080xi32, #tpu.memory_space<hbm>>
      tpu.wait_dma2 semaphore(%run_scoped3A : memref<!tpu.dma_semaphore, #tpu.memory_space<semaphore_mem>>) src(%dma_wait3A_78 : memref<10080xi32, #tpu.memory_space<hbm>>) dst(%arg7 : memref<10080xi32, #tpu.memory_space<vmem>>)
      tpu.yield
    }) : () -> ()
    %mul3A_9 = arith.constant 10080 : i32
    %mul3A_10 = arith.muli %add3A, %mul3A_9 : i32
    "tpu.region"() ({
      %run_scoped3A = tpu.sem_alloc : memref<!tpu.dma_semaphore, #tpu.memory_space<semaphore_mem>>
      %dma_start3A_75 = tpu.memref_slice %arg4[%mul3A_10] : memref<322560xi32, #tpu.memory_space<hbm>> -> memref<10080xi32, #tpu.memory_space<hbm>>
      %dma_start3A_76 = tpu.memref_slice %arg4[%mul3A_10] : memref<322560xi32, #tpu.memory_space<hbm>> -> memref<10080xi32, #tpu.memory_space<hbm>>
      tpu.enqueue_dma source(%dma_start3A_76 : memref<10080xi32, #tpu.memory_space<hbm>>) target(%arg8 : memref<10080xi32, #tpu.memory_space<vmem>>) target_semaphore(%run_scoped3A : memref<!tpu.dma_semaphore, #tpu.memory_space<semaphore_mem>>)
      %dma_wait3A_77 = tpu.memref_slice %arg4[%mul3A_10] : memref<322560xi32, #tpu.memory_space<hbm>> -> memref<10080xi32, #tpu.memory_space<hbm>>
      %dma_wait3A_78 = tpu.memref_slice %arg4[%mul3A_10] : memref<322560xi32, #tpu.memory_space<hbm>> -> memref<10080xi32, #tpu.memory_space<hbm>>
      tpu.wait_dma2 semaphore(%run_scoped3A : memref<!tpu.dma_semaphore, #tpu.memory_space<semaphore_mem>>) src(%dma_wait3A_78 : memref<10080xi32, #tpu.memory_space<hbm>>) dst(%arg8 : memref<10080xi32, #tpu.memory_space<vmem>>)
      tpu.yield
    }) : () -> ()
    %barrier3A = arith.constant 0 : index
    tpu.barrier barrier_id(%barrier3A)
    %dma_start3A = arith.constant 0 : i32
    %dma_start3A_11 = tpu.memref_slice %arg7[%dma_start3A] : memref<10080xi32, #tpu.memory_space<vmem>> -> memref<96xi32, #tpu.memory_space<vmem>>
    %dma_start3A_12 = arith.constant 0 : i32
    %dma_start3A_13 = arith.constant 0 : i32
    %dma_start3A_14 = tpu.memref_slice %arg2[%dma_start3A_12, %dma_start3A_13] : memref<10000x128xf32, #tpu.memory_space<hbm>> -> memref<10000x128xf32, #tpu.memory_space<hbm>>
    tpu.enqueue_indirect_dma source(%dma_start3A_14 : memref<10000x128xf32, #tpu.memory_space<hbm>>) target(%arg11 : memref<96x128xf32, #tpu.memory_space<vmem>>) offsets(%dma_start3A_11 : memref<96xi32, #tpu.memory_space<vmem>>) semaphore(%arg14 : memref<!tpu.dma_semaphore, #tpu.memory_space<semaphore_mem>>)
    %scan3A = arith.constant 0 : i32
    %scan3A_15 = arith.constant 0 : i32
    %scan3A_16 = arith.constant 52 : i32
    %scan3A_17 = arith.addi %scan3A_15, %scan3A_16 : i32
    %scan3A_18 = arith.constant 1 : i32
    scf.for %scan3A_75 = %scan3A_15 to %scan3A_17 step %scan3A_18  : i32 {
      %mul3A_76 = arith.constant 2 : i32
      %mul3A_77 = arith.muli %scan3A_75, %mul3A_76 : i32
      %dma_wait3A_78 = arith.constant 0 : i32
      %dma_wait3A_79 = tpu.memref_slice %arg7[%dma_wait3A_78] : memref<10080xi32, #tpu.memory_space<vmem>> -> memref<96xi32, #tpu.memory_space<vmem>>
      %dma_wait3A_80 = arith.constant 0 : i32
      %dma_wait3A_81 = arith.constant 0 : i32
      %dma_wait3A_82 = tpu.memref_slice %arg2[%dma_wait3A_80, %dma_wait3A_81] : memref<10000x128xf32, #tpu.memory_space<hbm>> -> memref<10000x128xf32, #tpu.memory_space<hbm>>
      tpu.wait_indirect_dma semaphore(%arg14 : memref<!tpu.dma_semaphore, #tpu.memory_space<semaphore_mem>>) src(%dma_wait3A_82 : memref<10000x128xf32, #tpu.memory_space<hbm>>) dst(%arg11 : memref<96x128xf32, #tpu.memory_space<vmem>>)
      %add3A_83 = arith.constant 1 : i32
      %add3A_84 = arith.addi %mul3A_77, %add3A_83 : i32
      %mul3A_85 = arith.constant 96 : i32
      %mul3A_86 = arith.muli %add3A_84, %mul3A_85 : i32
      %dma_start3A_87 = tpu.memref_slice %arg7[%mul3A_86] : memref<10080xi32, #tpu.memory_space<vmem>> -> memref<96xi32, #tpu.memory_space<vmem>>
      %dma_start3A_88 = arith.constant 0 : i32
      %dma_start3A_89 = arith.constant 0 : i32
      %dma_start3A_90 = tpu.memref_slice %arg2[%dma_start3A_88, %dma_start3A_89] : memref<10000x128xf32, #tpu.memory_space<hbm>> -> memref<10000x128xf32, #tpu.memory_space<hbm>>
      tpu.enqueue_indirect_dma source(%dma_start3A_90 : memref<10000x128xf32, #tpu.memory_space<hbm>>) target(%arg12 : memref<96x128xf32, #tpu.memory_space<vmem>>) offsets(%dma_start3A_87 : memref<96xi32, #tpu.memory_space<vmem>>) semaphore(%arg15 : memref<!tpu.dma_semaphore, #tpu.memory_space<semaphore_mem>>)
      %mul3A_91 = arith.constant 96 : i32
      %mul3A_92 = arith.muli %mul3A_77, %mul3A_91 : i32
      %add3A_93 = arith.constant 0 : i32
      %add3A_94 = arith.addi %mul3A_92, %add3A_93 : i32
      %get3A_95 = arith.index_cast %add3A_94 : i32 to index
      %get3A_96 = tpu.vector_load %arg8[%get3A_95] {strides = array<i32>} : memref<10080xi32, #tpu.memory_space<vmem>>, vector<16xi32>,
      %get3A_97 = vector.shape_cast %get3A_96 : vector<16xi32> to vector<16xi32>
      %swap3A_98 = arith.constant 0 : index
      %swap3A_99 = tpu.vector_load %arg9[%swap3A_98] {strides = array<i32>} : memref<96xi32, #tpu.memory_space<vmem>>, vector<16xi32>,
      %swap3A_100 = vector.shape_cast %swap3A_99 : vector<16xi32> to vector<16xi32>
      %swap3A_101 = vector.shape_cast %get3A_97 : vector<16xi32> to vector<16xi32>
      tpu.vector_store %arg9[%swap3A_98], %swap3A_101 {strides = array<i32>} : memref<96xi32, #tpu.memory_space<vmem>>, vector<16xi32>,
      %mul3A_102 = arith.constant 96 : i32
      %mul3A_103 = arith.muli %mul3A_77, %mul3A_102 : i32
      %add3A_104 = arith.constant 16 : i32
      %add3A_105 = arith.addi %mul3A_103, %add3A_104 : i32
      %get3A_106 = arith.index_cast %add3A_105 : i32 to index
      %get3A_107 = tpu.vector_load %arg8[%get3A_106] {strides = array<i32>} : memref<10080xi32, #tpu.memory_space<vmem>>, vector<16xi32>,
      %get3A_108 = vector.shape_cast %get3A_107 : vector<16xi32> to vector<16xi32>
      %swap3A_109 = arith.constant 16 : index
      %swap3A_110 = tpu.vector_load %arg9[%swap3A_109] {strides = array<i32>} : memref<96xi32, #tpu.memory_space<vmem>>, vector<16xi32>,
      %swap3A_111 = vector.shape_cast %swap3A_110 : vector<16xi32> to vector<16xi32>
      %swap3A_112 = vector.shape_cast %get3A_108 : vector<16xi32> to vector<16xi32>
      tpu.vector_store %arg9[%swap3A_109], %swap3A_112 {strides = array<i32>} : memref<96xi32, #tpu.memory_space<vmem>>, vector<16xi32>,
      %mul3A_113 = arith.constant 96 : i32
      %mul3A_114 = arith.muli %mul3A_77, %mul3A_113 : i32
      %add3A_115 = arith.constant 32 : i32
      %add3A_116 = arith.addi %mul3A_114, %add3A_115 : i32
      %get3A_117 = arith.index_cast %add3A_116 : i32 to index
      %get3A_118 = tpu.vector_load %arg8[%get3A_117] {strides = array<i32>} : memref<10080xi32, #tpu.memory_space<vmem>>, vector<16xi32>,
      %get3A_119 = vector.shape_cast %get3A_118 : vector<16xi32> to vector<16xi32>
      %swap3A_120 = arith.constant 32 : index
      %swap3A_121 = tpu.vector_load %arg9[%swap3A_120] {strides = array<i32>} : memref<96xi32, #tpu.memory_space<vmem>>, vector<16xi32>,
      %swap3A_122 = vector.shape_cast %swap3A_121 : vector<16xi32> to vector<16xi32>
      %swap3A_123 = vector.shape_cast %get3A_119 : vector<16xi32> to vector<16xi32>
      tpu.vector_store %arg9[%swap3A_120], %swap3A_123 {strides = array<i32>} : memref<96xi32, #tpu.memory_space<vmem>>, vector<16xi32>,
      %mul3A_124 = arith.constant 96 : i32
      %mul3A_125 = arith.muli %mul3A_77, %mul3A_124 : i32
      %add3A_126 = arith.constant 48 : i32
      %add3A_127 = arith.addi %mul3A_125, %add3A_126 : i32
      %get3A_128 = arith.index_cast %add3A_127 : i32 to index
      %get3A_129 = tpu.vector_load %arg8[%get3A_128] {strides = array<i32>} : memref<10080xi32, #tpu.memory_space<vmem>>, vector<16xi32>,
      %get3A_130 = vector.shape_cast %get3A_129 : vector<16xi32> to vector<16xi32>
      %swap3A_131 = arith.constant 48 : index
      %swap3A_132 = tpu.vector_load %arg9[%swap3A_131] {strides = array<i32>} : memref<96xi32, #tpu.memory_space<vmem>>, vector<16xi32>,
      %swap3A_133 = vector.shape_cast %swap3A_132 : vector<16xi32> to vector<16xi32>
      %swap3A_134 = vector.shape_cast %get3A_130 : vector<16xi32> to vector<16xi32>
      tpu.vector_store %arg9[%swap3A_131], %swap3A_134 {strides = array<i32>} : memref<96xi32, #tpu.memory_space<vmem>>, vector<16xi32>,
      %mul3A_135 = arith.constant 96 : i32
      %mul3A_136 = arith.muli %mul3A_77, %mul3A_135 : i32
      %add3A_137 = arith.constant 64 : i32
      %add3A_138 = arith.addi %mul3A_136, %add3A_137 : i32
      %get3A_139 = arith.index_cast %add3A_138 : i32 to index
      %get3A_140 = tpu.vector_load %arg8[%get3A_139] {strides = array<i32>} : memref<10080xi32, #tpu.memory_space<vmem>>, vector<16xi32>,
      %get3A_141 = vector.shape_cast %get3A_140 : vector<16xi32> to vector<16xi32>
      %swap3A_142 = arith.constant 64 : index
      %swap3A_143 = tpu.vector_load %arg9[%swap3A_142] {strides = array<i32>} : memref<96xi32, #tpu.memory_space<vmem>>, vector<16xi32>,
      %swap3A_144 = vector.shape_cast %swap3A_143 : vector<16xi32> to vector<16xi32>
      %swap3A_145 = vector.shape_cast %get3A_141 : vector<16xi32> to vector<16xi32>
      tpu.vector_store %arg9[%swap3A_142], %swap3A_145 {strides = array<i32>} : memref<96xi32, #tpu.memory_space<vmem>>, vector<16xi32>,
      %mul3A_146 = arith.constant 96 : i32
      %mul3A_147 = arith.muli %mul3A_77, %mul3A_146 : i32
      %add3A_148 = arith.constant 80 : i32
      %add3A_149 = arith.addi %mul3A_147, %add3A_148 : i32
      %get3A_150 = arith.index_cast %add3A_149 : i32 to index
      %get3A_151 = tpu.vector_load %arg8[%get3A_150] {strides = array<i32>} : memref<10080xi32, #tpu.memory_space<vmem>>, vector<16xi32>,
      %get3A_152 = vector.shape_cast %get3A_151 : vector<16xi32> to vector<16xi32>
      %swap3A_153 = arith.constant 80 : index
      %swap3A_154 = tpu.vector_load %arg9[%swap3A_153] {strides = array<i32>} : memref<96xi32, #tpu.memory_space<vmem>>, vector<16xi32>,
      %swap3A_155 = vector.shape_cast %swap3A_154 : vector<16xi32> to vector<16xi32>
      %swap3A_156 = vector.shape_cast %get3A_152 : vector<16xi32> to vector<16xi32>
      tpu.vector_store %arg9[%swap3A_153], %swap3A_156 {strides = array<i32>} : memref<96xi32, #tpu.memory_space<vmem>>, vector<16xi32>,
      "tpu.region"() ({
        %run_scoped3A = tpu.sem_alloc : memref<!tpu.dma_semaphore, #tpu.memory_space<semaphore_mem>>
        %dma_start3A_238 = arith.constant 0 : i32
        %dma_start3A_239 = arith.constant 0 : i32
        %dma_start3A_240 = tpu.memref_slice %arg13[%dma_start3A_238, %dma_start3A_239] : memref<10016x128xf32, #tpu.memory_space<vmem_shared>> -> memref<10016x128xf32, #tpu.memory_space<vmem_shared>>
        tpu.enqueue_indirect_dma source(%arg11 : memref<96x128xf32, #tpu.memory_space<vmem>>) target(%dma_start3A_240 : memref<10016x128xf32, #tpu.memory_space<vmem_shared>>) offsets(%arg9 : memref<96xi32, #tpu.memory_space<vmem>>) semaphore(%run_scoped3A : memref<!tpu.dma_semaphore, #tpu.memory_space<semaphore_mem>>) {add = true}
        %dma_wait3A_241 = arith.constant 0 : i32
        %dma_wait3A_242 = arith.constant 0 : i32
        %dma_wait3A_243 = tpu.memref_slice %arg13[%dma_wait3A_241, %dma_wait3A_242] : memref<10016x128xf32, #tpu.memory_space<vmem_shared>> -> memref<10016x128xf32, #tpu.memory_space<vmem_shared>>
        tpu.wait_indirect_dma semaphore(%run_scoped3A : memref<!tpu.dma_semaphore, #tpu.memory_space<semaphore_mem>>) src(%arg11 : memref<96x128xf32, #tpu.memory_space<vmem>>) dst(%dma_wait3A_243 : memref<10016x128xf32, #tpu.memory_space<vmem_shared>>)
        tpu.yield
      }) : () -> ()
      %dma_wait3A_157 = arith.constant 0 : i32
      %dma_wait3A_158 = tpu.memref_slice %arg7[%dma_wait3A_157] : memref<10080xi32, #tpu.memory_space<vmem>> -> memref<96xi32, #tpu.memory_space<vmem>>
      %dma_wait3A_159 = arith.constant 0 : i32
      %dma_wait3A_160 = arith.constant 0 : i32
      %dma_wait3A_161 = tpu.memref_slice %arg2[%dma_wait3A_159, %dma_wait3A_160] : memref<10000x128xf32, #tpu.memory_space<hbm>> -> memref<10000x128xf32, #tpu.memory_space<hbm>>
      tpu.wait_indirect_dma semaphore(%arg15 : memref<!tpu.dma_semaphore, #tpu.memory_space<semaphore_mem>>) src(%dma_wait3A_161 : memref<10000x128xf32, #tpu.memory_space<hbm>>) dst(%arg12 : memref<96x128xf32, #tpu.memory_space<vmem>>)
      %add3A_162 = arith.constant 2 : i32
      %add3A_163 = arith.addi %mul3A_77, %add3A_162 : i32
      %mul3A_164 = arith.constant 96 : i32
      %mul3A_165 = arith.muli %add3A_163, %mul3A_164 : i32
      %dma_start3A_166 = tpu.memref_slice %arg7[%mul3A_165] : memref<10080xi32, #tpu.memory_space<vmem>> -> memref<96xi32, #tpu.memory_space<vmem>>
      %dma_start3A_167 = arith.constant 0 : i32
      %dma_start3A_168 = arith.constant 0 : i32
      %dma_start3A_169 = tpu.memref_slice %arg2[%dma_start3A_167, %dma_start3A_168] : memref<10000x128xf32, #tpu.memory_space<hbm>> -> memref<10000x128xf32, #tpu.memory_space<hbm>>
      tpu.enqueue_indirect_dma source(%dma_start3A_169 : memref<10000x128xf32, #tpu.memory_space<hbm>>) target(%arg11 : memref<96x128xf32, #tpu.memory_space<vmem>>) offsets(%dma_start3A_166 : memref<96xi32, #tpu.memory_space<vmem>>) semaphore(%arg14 : memref<!tpu.dma_semaphore, #tpu.memory_space<semaphore_mem>>)
      %add3A_170 = arith.constant 1 : i32
      %add3A_171 = arith.addi %mul3A_77, %add3A_170 : i32
      %mul3A_172 = arith.constant 96 : i32
      %mul3A_173 = arith.muli %add3A_171, %mul3A_172 : i32
      %add3A_174 = arith.constant 0 : i32
      %add3A_175 = arith.addi %mul3A_173, %add3A_174 : i32
      %get3A_176 = arith.index_cast %add3A_175 : i32 to index
      %get3A_177 = tpu.vector_load %arg8[%get3A_176] {strides = array<i32>} : memref<10080xi32, #tpu.memory_space<vmem>>, vector<16xi32>,
      %get3A_178 = vector.shape_cast %get3A_177 : vector<16xi32> to vector<16xi32>
      %swap3A_179 = arith.constant 0 : index
      %swap3A_180 = tpu.vector_load %arg10[%swap3A_179] {strides = array<i32>} : memref<96xi32, #tpu.memory_space<vmem>>, vector<16xi32>,
      %swap3A_181 = vector.shape_cast %swap3A_180 : vector<16xi32> to vector<16xi32>
      %swap3A_182 = vector.shape_cast %get3A_178 : vector<16xi32> to vector<16xi32>
      tpu.vector_store %arg10[%swap3A_179], %swap3A_182 {strides = array<i32>} : memref<96xi32, #tpu.memory_space<vmem>>, vector<16xi32>,
      %mul3A_183 = arith.constant 96 : i32
      %mul3A_184 = arith.muli %add3A_171, %mul3A_183 : i32
      %add3A_185 = arith.constant 16 : i32
      %add3A_186 = arith.addi %mul3A_184, %add3A_185 : i32
      %get3A_187 = arith.index_cast %add3A_186 : i32 to index
      %get3A_188 = tpu.vector_load %arg8[%get3A_187] {strides = array<i32>} : memref<10080xi32, #tpu.memory_space<vmem>>, vector<16xi32>,
      %get3A_189 = vector.shape_cast %get3A_188 : vector<16xi32> to vector<16xi32>
      %swap3A_190 = arith.constant 16 : index
      %swap3A_191 = tpu.vector_load %arg10[%swap3A_190] {strides = array<i32>} : memref<96xi32, #tpu.memory_space<vmem>>, vector<16xi32>,
      %swap3A_192 = vector.shape_cast %swap3A_191 : vector<16xi32> to vector<16xi32>
      %swap3A_193 = vector.shape_cast %get3A_189 : vector<16xi32> to vector<16xi32>
      tpu.vector_store %arg10[%swap3A_190], %swap3A_193 {strides = array<i32>} : memref<96xi32, #tpu.memory_space<vmem>>, vector<16xi32>,
      %mul3A_194 = arith.constant 96 : i32
      %mul3A_195 = arith.muli %add3A_171, %mul3A_194 : i32
      %add3A_196 = arith.constant 32 : i32
      %add3A_197 = arith.addi %mul3A_195, %add3A_196 : i32
      %get3A_198 = arith.index_cast %add3A_197 : i32 to index
      %get3A_199 = tpu.vector_load %arg8[%get3A_198] {strides = array<i32>} : memref<10080xi32, #tpu.memory_space<vmem>>, vector<16xi32>,
      %get3A_200 = vector.shape_cast %get3A_199 : vector<16xi32> to vector<16xi32>
      %swap3A_201 = arith.constant 32 : index
      %swap3A_202 = tpu.vector_load %arg10[%swap3A_201] {strides = array<i32>} : memref<96xi32, #tpu.memory_space<vmem>>, vector<16xi32>,
      %swap3A_203 = vector.shape_cast %swap3A_202 : vector<16xi32> to vector<16xi32>
      %swap3A_204 = vector.shape_cast %get3A_200 : vector<16xi32> to vector<16xi32>
      tpu.vector_store %arg10[%swap3A_201], %swap3A_204 {strides = array<i32>} : memref<96xi32, #tpu.memory_space<vmem>>, vector<16xi32>,
      %mul3A_205 = arith.constant 96 : i32
      %mul3A_206 = arith.muli %add3A_171, %mul3A_205 : i32
      %add3A_207 = arith.constant 48 : i32
      %add3A_208 = arith.addi %mul3A_206, %add3A_207 : i32
      %get3A_209 = arith.index_cast %add3A_208 : i32 to index
      %get3A_210 = tpu.vector_load %arg8[%get3A_209] {strides = array<i32>} : memref<10080xi32, #tpu.memory_space<vmem>>, vector<16xi32>,
      %get3A_211 = vector.shape_cast %get3A_210 : vector<16xi32> to vector<16xi32>
      %swap3A_212 = arith.constant 48 : index
      %swap3A_213 = tpu.vector_load %arg10[%swap3A_212] {strides = array<i32>} : memref<96xi32, #tpu.memory_space<vmem>>, vector<16xi32>,
      %swap3A_214 = vector.shape_cast %swap3A_213 : vector<16xi32> to vector<16xi32>
      %swap3A_215 = vector.shape_cast %get3A_211 : vector<16xi32> to vector<16xi32>
      tpu.vector_store %arg10[%swap3A_212], %swap3A_215 {strides = array<i32>} : memref<96xi32, #tpu.memory_space<vmem>>, vector<16xi32>,
      %mul3A_216 = arith.constant 96 : i32
      %mul3A_217 = arith.muli %add3A_171, %mul3A_216 : i32
      %add3A_218 = arith.constant 64 : i32
      %add3A_219 = arith.addi %mul3A_217, %add3A_218 : i32
      %get3A_220 = arith.index_cast %add3A_219 : i32 to index
      %get3A_221 = tpu.vector_load %arg8[%get3A_220] {strides = array<i32>} : memref<10080xi32, #tpu.memory_space<vmem>>, vector<16xi32>,
      %get3A_222 = vector.shape_cast %get3A_221 : vector<16xi32> to vector<16xi32>
      %swap3A_223 = arith.constant 64 : index
      %swap3A_224 = tpu.vector_load %arg10[%swap3A_223] {strides = array<i32>} : memref<96xi32, #tpu.memory_space<vmem>>, vector<16xi32>,
      %swap3A_225 = vector.shape_cast %swap3A_224 : vector<16xi32> to vector<16xi32>
      %swap3A_226 = vector.shape_cast %get3A_222 : vector<16xi32> to vector<16xi32>
      tpu.vector_store %arg10[%swap3A_223], %swap3A_226 {strides = array<i32>} : memref<96xi32, #tpu.memory_space<vmem>>, vector<16xi32>,
      %mul3A_227 = arith.constant 96 : i32
      %mul3A_228 = arith.muli %add3A_171, %mul3A_227 : i32
      %add3A_229 = arith.constant 80 : i32
      %add3A_230 = arith.addi %mul3A_228, %add3A_229 : i32
      %get3A_231 = arith.index_cast %add3A_230 : i32 to index
      %get3A_232 = tpu.vector_load %arg8[%get3A_231] {strides = array<i32>} : memref<10080xi32, #tpu.memory_space<vmem>>, vector<16xi32>,
      %get3A_233 = vector.shape_cast %get3A_232 : vector<16xi32> to vector<16xi32>
      %swap3A_234 = arith.constant 80 : index
      %swap3A_235 = tpu.vector_load %arg10[%swap3A_234] {strides = array<i32>} : memref<96xi32, #tpu.memory_space<vmem>>, vector<16xi32>,
      %swap3A_236 = vector.shape_cast %swap3A_235 : vector<16xi32> to vector<16xi32>
      %swap3A_237 = vector.shape_cast %get3A_233 : vector<16xi32> to vector<16xi32>
      tpu.vector_store %arg10[%swap3A_234], %swap3A_237 {strides = array<i32>} : memref<96xi32, #tpu.memory_space<vmem>>, vector<16xi32>,
      "tpu.region"() ({
        %run_scoped3A = tpu.sem_alloc : memref<!tpu.dma_semaphore, #tpu.memory_space<semaphore_mem>>
        %dma_start3A_238 = arith.constant 0 : i32
        %dma_start3A_239 = arith.constant 0 : i32
        %dma_start3A_240 = tpu.memref_slice %arg13[%dma_start3A_238, %dma_start3A_239] : memref<10016x128xf32, #tpu.memory_space<vmem_shared>> -> memref<10016x128xf32, #tpu.memory_space<vmem_shared>>
        tpu.enqueue_indirect_dma source(%arg12 : memref<96x128xf32, #tpu.memory_space<vmem>>) target(%dma_start3A_240 : memref<10016x128xf32, #tpu.memory_space<vmem_shared>>) offsets(%arg10 : memref<96xi32, #tpu.memory_space<vmem>>) semaphore(%run_scoped3A : memref<!tpu.dma_semaphore, #tpu.memory_space<semaphore_mem>>) {add = true}
        %dma_wait3A_241 = arith.constant 0 : i32
        %dma_wait3A_242 = arith.constant 0 : i32
        %dma_wait3A_243 = tpu.memref_slice %arg13[%dma_wait3A_241, %dma_wait3A_242] : memref<10016x128xf32, #tpu.memory_space<vmem_shared>> -> memref<10016x128xf32, #tpu.memory_space<vmem_shared>>
        tpu.wait_indirect_dma semaphore(%run_scoped3A : memref<!tpu.dma_semaphore, #tpu.memory_space<semaphore_mem>>) src(%arg12 : memref<96x128xf32, #tpu.memory_space<vmem>>) dst(%dma_wait3A_243 : memref<10016x128xf32, #tpu.memory_space<vmem_shared>>)
        tpu.yield
      }) : () -> ()
    }
    %scan3A_19 = arith.constant 52 : i32
    %dma_wait3A = arith.constant 0 : i32
    %dma_wait3A_20 = tpu.memref_slice %arg7[%dma_wait3A] : memref<10080xi32, #tpu.memory_space<vmem>> -> memref<96xi32, #tpu.memory_space<vmem>>
    %dma_wait3A_21 = arith.constant 0 : i32
    %dma_wait3A_22 = arith.constant 0 : i32
    %dma_wait3A_23 = tpu.memref_slice %arg2[%dma_wait3A_21, %dma_wait3A_22] : memref<10000x128xf32, #tpu.memory_space<hbm>> -> memref<10000x128xf32, #tpu.memory_space<hbm>>
    tpu.wait_indirect_dma semaphore(%arg14 : memref<!tpu.dma_semaphore, #tpu.memory_space<semaphore_mem>>) src(%dma_wait3A_23 : memref<10000x128xf32, #tpu.memory_space<hbm>>) dst(%arg11 : memref<96x128xf32, #tpu.memory_space<vmem>>)
    %get3A = arith.constant 9984 : index
    %get3A_24 = tpu.vector_load %arg8[%get3A] {strides = array<i32>} : memref<10080xi32, #tpu.memory_space<vmem>>, vector<16xi32>,
    %get3A_25 = vector.shape_cast %get3A_24 : vector<16xi32> to vector<16xi32>
    %swap3A = arith.constant 0 : index
    %swap3A_26 = tpu.vector_load %arg9[%swap3A] {strides = array<i32>} : memref<96xi32, #tpu.memory_space<vmem>>, vector<16xi32>,
    %swap3A_27 = vector.shape_cast %swap3A_26 : vector<16xi32> to vector<16xi32>
    %swap3A_28 = vector.shape_cast %get3A_25 : vector<16xi32> to vector<16xi32>
    tpu.vector_store %arg9[%swap3A], %swap3A_28 {strides = array<i32>} : memref<96xi32, #tpu.memory_space<vmem>>, vector<16xi32>,
    %get3A_29 = arith.constant 10000 : index
    %get3A_30 = tpu.vector_load %arg8[%get3A_29] {strides = array<i32>} : memref<10080xi32, #tpu.memory_space<vmem>>, vector<16xi32>,
    %get3A_31 = vector.shape_cast %get3A_30 : vector<16xi32> to vector<16xi32>
    %swap3A_32 = arith.constant 16 : index
    %swap3A_33 = tpu.vector_load %arg9[%swap3A_32] {strides = array<i32>} : memref<96xi32, #tpu.memory_space<vmem>>, vector<16xi32>,
    %swap3A_34 = vector.shape_cast %swap3A_33 : vector<16xi32> to vector<16xi32>
    %swap3A_35 = vector.shape_cast %get3A_31 : vector<16xi32> to vector<16xi32>
    tpu.vector_store %arg9[%swap3A_32], %swap3A_35 {strides = array<i32>} : memref<96xi32, #tpu.memory_space<vmem>>, vector<16xi32>,
    %get3A_36 = arith.constant 10016 : index
    %get3A_37 = tpu.vector_load %arg8[%get3A_36] {strides = array<i32>} : memref<10080xi32, #tpu.memory_space<vmem>>, vector<16xi32>,
    %get3A_38 = vector.shape_cast %get3A_37 : vector<16xi32> to vector<16xi32>
    %swap3A_39 = arith.constant 32 : index
    %swap3A_40 = tpu.vector_load %arg9[%swap3A_39] {strides = array<i32>} : memref<96xi32, #tpu.memory_space<vmem>>, vector<16xi32>,
    %swap3A_41 = vector.shape_cast %swap3A_40 : vector<16xi32> to vector<16xi32>
    %swap3A_42 = vector.shape_cast %get3A_38 : vector<16xi32> to vector<16xi32>
    tpu.vector_store %arg9[%swap3A_39], %swap3A_42 {strides = array<i32>} : memref<96xi32, #tpu.memory_space<vmem>>, vector<16xi32>,
    %get3A_43 = arith.constant 10032 : index
    %get3A_44 = tpu.vector_load %arg8[%get3A_43] {strides = array<i32>} : memref<10080xi32, #tpu.memory_space<vmem>>, vector<16xi32>,
    %get3A_45 = vector.shape_cast %get3A_44 : vector<16xi32> to vector<16xi32>
    %swap3A_46 = arith.constant 48 : index
    %swap3A_47 = tpu.vector_load %arg9[%swap3A_46] {strides = array<i32>} : memref<96xi32, #tpu.memory_space<vmem>>, vector<16xi32>,
    %swap3A_48 = vector.shape_cast %swap3A_47 : vector<16xi32> to vector<16xi32>
    %swap3A_49 = vector.shape_cast %get3A_45 : vector<16xi32> to vector<16xi32>
    tpu.vector_store %arg9[%swap3A_46], %swap3A_49 {strides = array<i32>} : memref<96xi32, #tpu.memory_space<vmem>>, vector<16xi32>,
    %get3A_50 = arith.constant 10048 : index
    %get3A_51 = tpu.vector_load %arg8[%get3A_50] {strides = array<i32>} : memref<10080xi32, #tpu.memory_space<vmem>>, vector<16xi32>,
    %get3A_52 = vector.shape_cast %get3A_51 : vector<16xi32> to vector<16xi32>
    %swap3A_53 = arith.constant 64 : index
    %swap3A_54 = tpu.vector_load %arg9[%swap3A_53] {strides = array<i32>} : memref<96xi32, #tpu.memory_space<vmem>>, vector<16xi32>,
    %swap3A_55 = vector.shape_cast %swap3A_54 : vector<16xi32> to vector<16xi32>
    %swap3A_56 = vector.shape_cast %get3A_52 : vector<16xi32> to vector<16xi32>
    tpu.vector_store %arg9[%swap3A_53], %swap3A_56 {strides = array<i32>} : memref<96xi32, #tpu.memory_space<vmem>>, vector<16xi32>,
    %get3A_57 = arith.constant 10064 : index
    %get3A_58 = tpu.vector_load %arg8[%get3A_57] {strides = array<i32>} : memref<10080xi32, #tpu.memory_space<vmem>>, vector<16xi32>,
    %get3A_59 = vector.shape_cast %get3A_58 : vector<16xi32> to vector<16xi32>
    %swap3A_60 = arith.constant 80 : index
    %swap3A_61 = tpu.vector_load %arg9[%swap3A_60] {strides = array<i32>} : memref<96xi32, #tpu.memory_space<vmem>>, vector<16xi32>,
    %swap3A_62 = vector.shape_cast %swap3A_61 : vector<16xi32> to vector<16xi32>
    %swap3A_63 = vector.shape_cast %get3A_59 : vector<16xi32> to vector<16xi32>
    tpu.vector_store %arg9[%swap3A_60], %swap3A_63 {strides = array<i32>} : memref<96xi32, #tpu.memory_space<vmem>>, vector<16xi32>,
    "tpu.region"() ({
      %run_scoped3A = tpu.sem_alloc : memref<!tpu.dma_semaphore, #tpu.memory_space<semaphore_mem>>
      %dma_start3A_75 = arith.constant 0 : i32
      %dma_start3A_76 = arith.constant 0 : i32
      %dma_start3A_77 = tpu.memref_slice %arg13[%dma_start3A_75, %dma_start3A_76] : memref<10016x128xf32, #tpu.memory_space<vmem_shared>> -> memref<10016x128xf32, #tpu.memory_space<vmem_shared>>
      tpu.enqueue_indirect_dma source(%arg11 : memref<96x128xf32, #tpu.memory_space<vmem>>) target(%dma_start3A_77 : memref<10016x128xf32, #tpu.memory_space<vmem_shared>>) offsets(%arg9 : memref<96xi32, #tpu.memory_space<vmem>>) semaphore(%run_scoped3A : memref<!tpu.dma_semaphore, #tpu.memory_space<semaphore_mem>>) {add = true}
      %dma_wait3A_78 = arith.constant 0 : i32
      %dma_wait3A_79 = arith.constant 0 : i32
      %dma_wait3A_80 = tpu.memref_slice %arg13[%dma_wait3A_78, %dma_wait3A_79] : memref<10016x128xf32, #tpu.memory_space<vmem_shared>> -> memref<10016x128xf32, #tpu.memory_space<vmem_shared>>
      tpu.wait_indirect_dma semaphore(%run_scoped3A : memref<!tpu.dma_semaphore, #tpu.memory_space<semaphore_mem>>) src(%arg11 : memref<96x128xf32, #tpu.memory_space<vmem>>) dst(%dma_wait3A_80 : memref<10016x128xf32, #tpu.memory_space<vmem_shared>>)
      tpu.yield
    }) : () -> ()
    %barrier3A_64 = arith.constant 0 : index
    tpu.barrier barrier_id(%barrier3A_64)
    %lt3A_65 = arith.constant 15 : i32
    %lt3A_66 = arith.cmpi slt, %arg1, %lt3A_65 : i32
    %convert_element_type3A_67 = arith.extui %lt3A_66 : i1 to i32
    %cond3A_68 = arith.constant 0 : i32
    %cond3A_69 = arith.cmpi ne, %convert_element_type3A_67, %cond3A_68 : i32
    scf.if %cond3A_69 {
      %mul3A_75 = arith.constant 624 : i32
      %mul3A_76 = arith.muli %arg1, %mul3A_75 : i32
      %multiple_of3A = tpu.assume_multiple %mul3A_76, 8 : i32
      "tpu.region"() ({
        %run_scoped3A = tpu.sem_alloc : memref<!tpu.dma_semaphore, #tpu.memory_space<semaphore_mem>>
        %dma_start3A_77 = arith.constant 0 : i32
        %dma_start3A_78 = tpu.memref_slice %arg6[%arg0, %multiple_of3A, %dma_start3A_77] : memref<2x10000x128xf32, #tpu.memory_space<hbm>> -> memref<1x624x128xf32, #tpu.memory_space<hbm>>
        %dma_start3A_79 = tpu.memref_squeeze %dma_start3A_78 : memref<1x624x128xf32, #tpu.memory_space<hbm>> -> memref<624x128xf32, #tpu.memory_space<hbm>>
        %dma_start3A_80 = arith.constant 0 : i32
        %dma_start3A_81 = tpu.memref_slice %arg13[%multiple_of3A, %dma_start3A_80] : memref<10016x128xf32, #tpu.memory_space<vmem_shared>> -> memref<624x128xf32, #tpu.memory_space<vmem_shared>>
        tpu.enqueue_dma source(%dma_start3A_81 : memref<624x128xf32, #tpu.memory_space<vmem_shared>>) target(%dma_start3A_79 : memref<624x128xf32, #tpu.memory_space<hbm>>) target_semaphore(%run_scoped3A : memref<!tpu.dma_semaphore, #tpu.memory_space<semaphore_mem>>)
        %dma_wait3A_82 = arith.constant 0 : i32
        %dma_wait3A_83 = tpu.memref_slice %arg6[%arg0, %multiple_of3A, %dma_wait3A_82] : memref<2x10000x128xf32, #tpu.memory_space<hbm>> -> memref<1x624x128xf32, #tpu.memory_space<hbm>>
        %dma_wait3A_84 = tpu.memref_squeeze %dma_wait3A_83 : memref<1x624x128xf32, #tpu.memory_space<hbm>> -> memref<624x128xf32, #tpu.memory_space<hbm>>
        %dma_wait3A_85 = arith.constant 0 : i32
        %dma_wait3A_86 = tpu.memref_slice %arg13[%multiple_of3A, %dma_wait3A_85] : memref<10016x128xf32, #tpu.memory_space<vmem_shared>> -> memref<624x128xf32, #tpu.memory_space<vmem_shared>>
        tpu.wait_dma2 semaphore(%run_scoped3A : memref<!tpu.dma_semaphore, #tpu.memory_space<semaphore_mem>>) src(%dma_wait3A_86 : memref<624x128xf32, #tpu.memory_space<vmem_shared>>) dst(%dma_wait3A_84 : memref<624x128xf32, #tpu.memory_space<hbm>>)
        tpu.yield
      }) : () -> ()
    } else {
    }
    %eq3A_70 = arith.constant 15 : i32
    %eq3A_71 = arith.cmpi eq, %arg1, %eq3A_70 : i32
    %convert_element_type3A_72 = arith.extui %eq3A_71 : i1 to i32
    %cond3A_73 = arith.constant 0 : i32
    %cond3A_74 = arith.cmpi ne, %convert_element_type3A_72, %cond3A_73 : i32
    scf.if %cond3A_74 {
      "tpu.region"() ({
        %run_scoped3A = tpu.sem_alloc : memref<!tpu.dma_semaphore, #tpu.memory_space<semaphore_mem>>
        %dma_start3A_75 = arith.constant 9360 : i32
        %dma_start3A_76 = arith.constant 0 : i32
        %dma_start3A_77 = tpu.memref_slice %arg6[%arg0, %dma_start3A_75, %dma_start3A_76] : memref<2x10000x128xf32, #tpu.memory_space<hbm>> -> memref<1x640x128xf32, #tpu.memory_space<hbm>>
        %dma_start3A_78 = tpu.memref_squeeze %dma_start3A_77 : memref<1x640x128xf32, #tpu.memory_space<hbm>> -> memref<640x128xf32, #tpu.memory_space<hbm>>
        %dma_start3A_79 = arith.constant 9360 : i32
        %dma_start3A_80 = arith.constant 0 : i32
        %dma_start3A_81 = tpu.memref_slice %arg13[%dma_start3A_79, %dma_start3A_80] : memref<10016x128xf32, #tpu.memory_space<vmem_shared>> -> memref<640x128xf32, #tpu.memory_space<vmem_shared>>
        tpu.enqueue_dma source(%dma_start3A_81 : memref<640x128xf32, #tpu.memory_space<vmem_shared>>) target(%dma_start3A_78 : memref<640x128xf32, #tpu.memory_space<hbm>>) target_semaphore(%run_scoped3A : memref<!tpu.dma_semaphore, #tpu.memory_space<semaphore_mem>>)
        %dma_wait3A_82 = arith.constant 9360 : i32
        %dma_wait3A_83 = arith.constant 0 : i32
        %dma_wait3A_84 = tpu.memref_slice %arg6[%arg0, %dma_wait3A_82, %dma_wait3A_83] : memref<2x10000x128xf32, #tpu.memory_space<hbm>> -> memref<1x640x128xf32, #tpu.memory_space<hbm>>
        %dma_wait3A_85 = tpu.memref_squeeze %dma_wait3A_84 : memref<1x640x128xf32, #tpu.memory_space<hbm>> -> memref<640x128xf32, #tpu.memory_space<hbm>>
        %dma_wait3A_86 = arith.constant 9360 : i32
        %dma_wait3A_87 = arith.constant 0 : i32
        %dma_wait3A_88 = tpu.memref_slice %arg13[%dma_wait3A_86, %dma_wait3A_87] : memref<10016x128xf32, #tpu.memory_space<vmem_shared>> -> memref<640x128xf32, #tpu.memory_space<vmem_shared>>
        tpu.wait_dma2 semaphore(%run_scoped3A : memref<!tpu.dma_semaphore, #tpu.memory_space<semaphore_mem>>) src(%dma_wait3A_88 : memref<640x128xf32, #tpu.memory_space<vmem_shared>>) dst(%dma_wait3A_85 : memref<640x128xf32, #tpu.memory_space<hbm>>)
        tpu.yield
      }) : () -> ()
    } else {
    }
    return
  }
}

#map = affine_map<(d0, d1) -> (0, 0)>
#map1 = affine_map<(d0, d1) -> (0)>
#map2 = affine_map<(d0, d1) -> (0, 0, 0)>
module attributes {stable_mosaic.version = 14 : i64} {
  func.func @_spmm_body(%arg0: i32, %arg1: i32, %arg2: memref<10000x128xf32, #tpu.memory_space<hbm>>, %arg3: memref<322560xi32, #tpu.memory_space<hbm>>, %arg4: memref<322560xi32, #tpu.memory_space<hbm>>, %arg5: memref<10000x128xf32, #tpu.memory_space<hbm>>, %arg6: memref<2x10000x128xf32, #tpu.memory_space<hbm>>, %arg7: memref<10080xi32, #tpu.memory_space<vmem>>, %arg8: memref<10080xi32, #tpu.memory_space<vmem>>, %arg9: memref<96xi32, #tpu.memory_space<vmem>>, %arg10: memref<96xi32, #tpu.memory_space<vmem>>, %arg11: memref<96x128xf32, #tpu.memory_space<vmem>>, %arg12: memref<96x128xf32, #tpu.memory_space<vmem>>, %arg13: memref<10016x128xf32, #tpu.memory_space<vmem_shared>>, %arg14: memref<!tpu.dma_semaphore, #tpu.memory_space<semaphore_mem>>, %arg15: memref<!tpu.dma_semaphore, #tpu.memory_space<semaphore_mem>>) attributes {dimension_semantics = [#tpu.dimension_semantics<core_parallel>, #tpu.dimension_semantics<subcore_parallel>], iteration_bounds = array<i64: 2, 16>, scalar_prefetch = 0 : i64, scratch_operands = 9 : i64, tpu.core_type = #tpu.core_type<sc_vector_subcore>, window_params = [{transform_indices = #map}, {transform_indices = #map1}, {transform_indices = #map1}, {transform_indices = #map}, {transform_indices = #map2}]} {
    %mul3A = arith.constant 16 : i32
    %mul3A_0 = arith.muli %arg0, %mul3A : i32
    %add3A = arith.addi %mul3A_0, %arg1 : i32
    %lt3A = arith.constant 15 : i32
    %lt3A_1 = arith.cmpi slt, %arg1, %lt3A : i32
    %convert_element_type3A = arith.extui %lt3A_1 : i1 to i32
    %cond3A = arith.constant 0 : i32
    %cond3A_2 = arith.cmpi ne, %convert_element_type3A, %cond3A : i32
    scf.if %cond3A_2 {
      %mul3A_75 = arith.constant 624 : i32
      %mul3A_76 = arith.muli %arg1, %mul3A_75 : i32
      %multiple_of3A = tpu.assume_multiple %mul3A_76, 8 : i32
      "tpu.region"() ({
        %run_scoped3A = tpu.sem_alloc : memref<!tpu.dma_semaphore, #tpu.memory_space<semaphore_mem>>
        %dma_start3A_77 = arith.constant 0 : i32
        %dma_start3A_78 = tpu.memref_slice %arg13[%multiple_of3A, %dma_start3A_77] : memref<10016x128xf32, #tpu.memory_space<vmem_shared>> -> memref<624x128xf32, #tpu.memory_space<vmem_shared>>
        %dma_start3A_79 = arith.constant 0 : i32
        %dma_start3A_80 = tpu.memref_slice %arg5[%multiple_of3A, %dma_start3A_79] : memref<10000x128xf32, #tpu.memory_space<hbm>> -> memref<624x128xf32, #tpu.memory_space<hbm>>
        tpu.enqueue_dma source(%dma_start3A_80 : memref<624x128xf32, #tpu.memory_space<hbm>>) target(%dma_start3A_78 : memref<624x128xf32, #tpu.memory_space<vmem_shared>>) target_semaphore(%run_scoped3A : memref<!tpu.dma_semaphore, #tpu.memory_space<semaphore_mem>>)
        %dma_wait3A_81 = arith.constant 0 : i32
        %dma_wait3A_82 = tpu.memref_slice %arg13[%multiple_of3A, %dma_wait3A_81] : memref<10016x128xf32, #tpu.memory_space<vmem_shared>> -> memref<624x128xf32, #tpu.memory_space<vmem_shared>>
        %dma_wait3A_83 = arith.constant 0 : i32
        %dma_wait3A_84 = tpu.memref_slice %arg5[%multiple_of3A, %dma_wait3A_83] : memref<10000x128xf32, #tpu.memory_space<hbm>> -> memref<624x128xf32, #tpu.memory_space<hbm>>
        tpu.wait_dma2 semaphore(%run_scoped3A : memref<!tpu.dma_semaphore, #tpu.memory_space<semaphore_mem>>) src(%dma_wait3A_84 : memref<624x128xf32, #tpu.memory_space<hbm>>) dst(%dma_wait3A_82 : memref<624x128xf32, #tpu.memory_space<vmem_shared>>)
        tpu.yield
      }) : () -> ()
    } else {
    }
    %eq3A = arith.constant 15 : i32
    %eq3A_3 = arith.cmpi eq, %arg1, %eq3A : i32
    %convert_element_type3A_4 = arith.extui %eq3A_3 : i1 to i32
    %cond3A_5 = arith.constant 0 : i32
    %cond3A_6 = arith.cmpi ne, %convert_element_type3A_4, %cond3A_5 : i32
    scf.if %cond3A_6 {
      "tpu.region"() ({
        %run_scoped3A = tpu.sem_alloc : memref<!tpu.dma_semaphore, #tpu.memory_space<semaphore_mem>>
        %dma_start3A_75 = arith.constant 9360 : i32
        %dma_start3A_76 = arith.constant 0 : i32
        %dma_start3A_77 = tpu.memref_slice %arg13[%dma_start3A_75, %dma_start3A_76] : memref<10016x128xf32, #tpu.memory_space<vmem_shared>> -> memref<640x128xf32, #tpu.memory_space<vmem_shared>>
        %dma_start3A_78 = arith.constant 9360 : i32
        %dma_start3A_79 = arith.constant 0 : i32
        %dma_start3A_80 = tpu.memref_slice %arg5[%dma_start3A_78, %dma_start3A_79] : memref<10000x128xf32, #tpu.memory_space<hbm>> -> memref<640x128xf32, #tpu.memory_space<hbm>>
        tpu.enqueue_dma source(%dma_start3A_80 : memref<640x128xf32, #tpu.memory_space<hbm>>) target(%dma_start3A_77 : memref<640x128xf32, #tpu.memory_space<vmem_shared>>) target_semaphore(%run_scoped3A : memref<!tpu.dma_semaphore, #tpu.memory_space<semaphore_mem>>)
        %dma_wait3A_81 = arith.constant 9360 : i32
        %dma_wait3A_82 = arith.constant 0 : i32
        %dma_wait3A_83 = tpu.memref_slice %arg13[%dma_wait3A_81, %dma_wait3A_82] : memref<10016x128xf32, #tpu.memory_space<vmem_shared>> -> memref<640x128xf32, #tpu.memory_space<vmem_shared>>
        %dma_wait3A_84 = arith.constant 9360 : i32
        %dma_wait3A_85 = arith.constant 0 : i32
        %dma_wait3A_86 = tpu.memref_slice %arg5[%dma_wait3A_84, %dma_wait3A_85] : memref<10000x128xf32, #tpu.memory_space<hbm>> -> memref<640x128xf32, #tpu.memory_space<hbm>>
        tpu.wait_dma2 semaphore(%run_scoped3A : memref<!tpu.dma_semaphore, #tpu.memory_space<semaphore_mem>>) src(%dma_wait3A_86 : memref<640x128xf32, #tpu.memory_space<hbm>>) dst(%dma_wait3A_83 : memref<640x128xf32, #tpu.memory_space<vmem_shared>>)
        tpu.yield
      }) : () -> ()
    } else {
    }
    %mul3A_7 = arith.constant 10080 : i32
    %mul3A_8 = arith.muli %add3A, %mul3A_7 : i32
    "tpu.region"() ({
      %run_scoped3A = tpu.sem_alloc : memref<!tpu.dma_semaphore, #tpu.memory_space<semaphore_mem>>
      %dma_start3A_75 = tpu.memref_slice %arg3[%mul3A_8] : memref<322560xi32, #tpu.memory_space<hbm>> -> memref<10080xi32, #tpu.memory_space<hbm>>
      %dma_start3A_76 = tpu.memref_slice %arg3[%mul3A_8] : memref<322560xi32, #tpu.memory_space<hbm>> -> memref<10080xi32, #tpu.memory_space<hbm>>
      tpu.enqueue_dma source(%dma_start3A_76 : memref<10080xi32, #tpu.memory_space<hbm>>) target(%arg7 : memref<10080xi32, #tpu.memory_space<vmem>>) target_semaphore(%run_scoped3A : memref<!tpu.dma_semaphore, #tpu.memory_space<semaphore_mem>>)
      %dma_wait3A_77 = tpu.memref_slice %arg3[%mul3A_8] : memref<322560xi32, #tpu.memory_space<hbm>> -> memref<10080xi32, #tpu.memory_space<hbm>>
      %dma_wait3A_78 = tpu.memref_slice %arg3[%mul3A_8] : memref<322560xi32, #tpu.memory_space<hbm>> -> memref<10080xi32, #tpu.memory_space<hbm>>
      tpu.wait_dma2 semaphore(%run_scoped3A : memref<!tpu.dma_semaphore, #tpu.memory_space<semaphore_mem>>) src(%dma_wait3A_78 : memref<10080xi32, #tpu.memory_space<hbm>>) dst(%arg7 : memref<10080xi32, #tpu.memory_space<vmem>>)
      tpu.yield
    }) : () -> ()
    %mul3A_9 = arith.constant 10080 : i32
    %mul3A_10 = arith.muli %add3A, %mul3A_9 : i32
    "tpu.region"() ({
      %run_scoped3A = tpu.sem_alloc : memref<!tpu.dma_semaphore, #tpu.memory_space<semaphore_mem>>
      %dma_start3A_75 = tpu.memref_slice %arg4[%mul3A_10] : memref<322560xi32, #tpu.memory_space<hbm>> -> memref<10080xi32, #tpu.memory_space<hbm>>
      %dma_start3A_76 = tpu.memref_slice %arg4[%mul3A_10] : memref<322560xi32, #tpu.memory_space<hbm>> -> memref<10080xi32, #tpu.memory_space<hbm>>
      tpu.enqueue_dma source(%dma_start3A_76 : memref<10080xi32, #tpu.memory_space<hbm>>) target(%arg8 : memref<10080xi32, #tpu.memory_space<vmem>>) target_semaphore(%run_scoped3A : memref<!tpu.dma_semaphore, #tpu.memory_space<semaphore_mem>>)
      %dma_wait3A_77 = tpu.memref_slice %arg4[%mul3A_10] : memref<322560xi32, #tpu.memory_space<hbm>> -> memref<10080xi32, #tpu.memory_space<hbm>>
      %dma_wait3A_78 = tpu.memref_slice %arg4[%mul3A_10] : memref<322560xi32, #tpu.memory_space<hbm>> -> memref<10080xi32, #tpu.memory_space<hbm>>
      tpu.wait_dma2 semaphore(%run_scoped3A : memref<!tpu.dma_semaphore, #tpu.memory_space<semaphore_mem>>) src(%dma_wait3A_78 : memref<10080xi32, #tpu.memory_space<hbm>>) dst(%arg8 : memref<10080xi32, #tpu.memory_space<vmem>>)
      tpu.yield
    }) : () -> ()
    %barrier3A = arith.constant 0 : index
    tpu.barrier barrier_id(%barrier3A)
    %dma_start3A = arith.constant 0 : i32
    %dma_start3A_11 = tpu.memref_slice %arg7[%dma_start3A] : memref<10080xi32, #tpu.memory_space<vmem>> -> memref<96xi32, #tpu.memory_space<vmem>>
    %dma_start3A_12 = arith.constant 0 : i32
    %dma_start3A_13 = arith.constant 0 : i32
    %dma_start3A_14 = tpu.memref_slice %arg2[%dma_start3A_12, %dma_start3A_13] : memref<10000x128xf32, #tpu.memory_space<hbm>> -> memref<10000x128xf32, #tpu.memory_space<hbm>>
    tpu.enqueue_indirect_dma source(%dma_start3A_14 : memref<10000x128xf32, #tpu.memory_space<hbm>>) target(%arg11 : memref<96x128xf32, #tpu.memory_space<vmem>>) offsets(%dma_start3A_11 : memref<96xi32, #tpu.memory_space<vmem>>) semaphore(%arg14 : memref<!tpu.dma_semaphore, #tpu.memory_space<semaphore_mem>>)
    %scan3A = arith.constant 0 : i32
    %scan3A_15 = arith.constant 0 : i32
    %scan3A_16 = arith.constant 52 : i32
    %scan3A_17 = arith.addi %scan3A_15, %scan3A_16 : i32
    %scan3A_18 = arith.constant 1 : i32
    scf.for %scan3A_75 = %scan3A_15 to %scan3A_17 step %scan3A_18  : i32 {
      %mul3A_76 = arith.constant 2 : i32
      %mul3A_77 = arith.muli %scan3A_75, %mul3A_76 : i32
      %dma_wait3A_78 = arith.constant 0 : i32
      %dma_wait3A_79 = tpu.memref_slice %arg7[%dma_wait3A_78] : memref<10080xi32, #tpu.memory_space<vmem>> -> memref<96xi32, #tpu.memory_space<vmem>>
      %dma_wait3A_80 = arith.constant 0 : i32
      %dma_wait3A_81 = arith.constant 0 : i32
      %dma_wait3A_82 = tpu.memref_slice %arg2[%dma_wait3A_80, %dma_wait3A_81] : memref<10000x128xf32, #tpu.memory_space<hbm>> -> memref<10000x128xf32, #tpu.memory_space<hbm>>
      tpu.wait_indirect_dma semaphore(%arg14 : memref<!tpu.dma_semaphore, #tpu.memory_space<semaphore_mem>>) src(%dma_wait3A_82 : memref<10000x128xf32, #tpu.memory_space<hbm>>) dst(%arg11 : memref<96x128xf32, #tpu.memory_space<vmem>>)
      %add3A_83 = arith.constant 1 : i32
      %add3A_84 = arith.addi %mul3A_77, %add3A_83 : i32
      %mul3A_85 = arith.constant 96 : i32
      %mul3A_86 = arith.muli %add3A_84, %mul3A_85 : i32
      %dma_start3A_87 = tpu.memref_slice %arg7[%mul3A_86] : memref<10080xi32, #tpu.memory_space<vmem>> -> memref<96xi32, #tpu.memory_space<vmem>>
      %dma_start3A_88 = arith.constant 0 : i32
      %dma_start3A_89 = arith.constant 0 : i32
      %dma_start3A_90 = tpu.memref_slice %arg2[%dma_start3A_88, %dma_start3A_89] : memref<10000x128xf32, #tpu.memory_space<hbm>> -> memref<10000x128xf32, #tpu.memory_space<hbm>>
      tpu.enqueue_indirect_dma source(%dma_start3A_90 : memref<10000x128xf32, #tpu.memory_space<hbm>>) target(%arg12 : memref<96x128xf32, #tpu.memory_space<vmem>>) offsets(%dma_start3A_87 : memref<96xi32, #tpu.memory_space<vmem>>) semaphore(%arg15 : memref<!tpu.dma_semaphore, #tpu.memory_space<semaphore_mem>>)
      %mul3A_91 = arith.constant 96 : i32
      %mul3A_92 = arith.muli %mul3A_77, %mul3A_91 : i32
      %add3A_93 = arith.constant 0 : i32
      %add3A_94 = arith.addi %mul3A_92, %add3A_93 : i32
      %get3A_95 = arith.index_cast %add3A_94 : i32 to index
      %get3A_96 = tpu.vector_load %arg8[%get3A_95] {strides = array<i32>} : memref<10080xi32, #tpu.memory_space<vmem>>, vector<16xi32>,
      %get3A_97 = vector.shape_cast %get3A_96 : vector<16xi32> to vector<16xi32>
      %swap3A_98 = arith.constant 0 : index
      %swap3A_99 = tpu.vector_load %arg9[%swap3A_98] {strides = array<i32>} : memref<96xi32, #tpu.memory_space<vmem>>, vector<16xi32>,
      %swap3A_100 = vector.shape_cast %swap3A_99 : vector<16xi32> to vector<16xi32>
      %swap3A_101 = vector.shape_cast %get3A_97 : vector<16xi32> to vector<16xi32>
      tpu.vector_store %arg9[%swap3A_98], %swap3A_101 {strides = array<i32>} : memref<96xi32, #tpu.memory_space<vmem>>, vector<16xi32>,
      %mul3A_102 = arith.constant 96 : i32
      %mul3A_103 = arith.muli %mul3A_77, %mul3A_102 : i32
      %add3A_104 = arith.constant 16 : i32
      %add3A_105 = arith.addi %mul3A_103, %add3A_104 : i32
      %get3A_106 = arith.index_cast %add3A_105 : i32 to index
      %get3A_107 = tpu.vector_load %arg8[%get3A_106] {strides = array<i32>} : memref<10080xi32, #tpu.memory_space<vmem>>, vector<16xi32>,
      %get3A_108 = vector.shape_cast %get3A_107 : vector<16xi32> to vector<16xi32>
      %swap3A_109 = arith.constant 16 : index
      %swap3A_110 = tpu.vector_load %arg9[%swap3A_109] {strides = array<i32>} : memref<96xi32, #tpu.memory_space<vmem>>, vector<16xi32>,
      %swap3A_111 = vector.shape_cast %swap3A_110 : vector<16xi32> to vector<16xi32>
      %swap3A_112 = vector.shape_cast %get3A_108 : vector<16xi32> to vector<16xi32>
      tpu.vector_store %arg9[%swap3A_109], %swap3A_112 {strides = array<i32>} : memref<96xi32, #tpu.memory_space<vmem>>, vector<16xi32>,
      %mul3A_113 = arith.constant 96 : i32
      %mul3A_114 = arith.muli %mul3A_77, %mul3A_113 : i32
      %add3A_115 = arith.constant 32 : i32
      %add3A_116 = arith.addi %mul3A_114, %add3A_115 : i32
      %get3A_117 = arith.index_cast %add3A_116 : i32 to index
      %get3A_118 = tpu.vector_load %arg8[%get3A_117] {strides = array<i32>} : memref<10080xi32, #tpu.memory_space<vmem>>, vector<16xi32>,
      %get3A_119 = vector.shape_cast %get3A_118 : vector<16xi32> to vector<16xi32>
      %swap3A_120 = arith.constant 32 : index
      %swap3A_121 = tpu.vector_load %arg9[%swap3A_120] {strides = array<i32>} : memref<96xi32, #tpu.memory_space<vmem>>, vector<16xi32>,
      %swap3A_122 = vector.shape_cast %swap3A_121 : vector<16xi32> to vector<16xi32>
      %swap3A_123 = vector.shape_cast %get3A_119 : vector<16xi32> to vector<16xi32>
      tpu.vector_store %arg9[%swap3A_120], %swap3A_123 {strides = array<i32>} : memref<96xi32, #tpu.memory_space<vmem>>, vector<16xi32>,
      %mul3A_124 = arith.constant 96 : i32
      %mul3A_125 = arith.muli %mul3A_77, %mul3A_124 : i32
      %add3A_126 = arith.constant 48 : i32
      %add3A_127 = arith.addi %mul3A_125, %add3A_126 : i32
      %get3A_128 = arith.index_cast %add3A_127 : i32 to index
      %get3A_129 = tpu.vector_load %arg8[%get3A_128] {strides = array<i32>} : memref<10080xi32, #tpu.memory_space<vmem>>, vector<16xi32>,
      %get3A_130 = vector.shape_cast %get3A_129 : vector<16xi32> to vector<16xi32>
      %swap3A_131 = arith.constant 48 : index
      %swap3A_132 = tpu.vector_load %arg9[%swap3A_131] {strides = array<i32>} : memref<96xi32, #tpu.memory_space<vmem>>, vector<16xi32>,
      %swap3A_133 = vector.shape_cast %swap3A_132 : vector<16xi32> to vector<16xi32>
      %swap3A_134 = vector.shape_cast %get3A_130 : vector<16xi32> to vector<16xi32>
      tpu.vector_store %arg9[%swap3A_131], %swap3A_134 {strides = array<i32>} : memref<96xi32, #tpu.memory_space<vmem>>, vector<16xi32>,
      %mul3A_135 = arith.constant 96 : i32
      %mul3A_136 = arith.muli %mul3A_77, %mul3A_135 : i32
      %add3A_137 = arith.constant 64 : i32
      %add3A_138 = arith.addi %mul3A_136, %add3A_137 : i32
      %get3A_139 = arith.index_cast %add3A_138 : i32 to index
      %get3A_140 = tpu.vector_load %arg8[%get3A_139] {strides = array<i32>} : memref<10080xi32, #tpu.memory_space<vmem>>, vector<16xi32>,
      %get3A_141 = vector.shape_cast %get3A_140 : vector<16xi32> to vector<16xi32>
      %swap3A_142 = arith.constant 64 : index
      %swap3A_143 = tpu.vector_load %arg9[%swap3A_142] {strides = array<i32>} : memref<96xi32, #tpu.memory_space<vmem>>, vector<16xi32>,
      %swap3A_144 = vector.shape_cast %swap3A_143 : vector<16xi32> to vector<16xi32>
      %swap3A_145 = vector.shape_cast %get3A_141 : vector<16xi32> to vector<16xi32>
      tpu.vector_store %arg9[%swap3A_142], %swap3A_145 {strides = array<i32>} : memref<96xi32, #tpu.memory_space<vmem>>, vector<16xi32>,
      %mul3A_146 = arith.constant 96 : i32
      %mul3A_147 = arith.muli %mul3A_77, %mul3A_146 : i32
      %add3A_148 = arith.constant 80 : i32
      %add3A_149 = arith.addi %mul3A_147, %add3A_148 : i32
      %get3A_150 = arith.index_cast %add3A_149 : i32 to index
      %get3A_151 = tpu.vector_load %arg8[%get3A_150] {strides = array<i32>} : memref<10080xi32, #tpu.memory_space<vmem>>, vector<16xi32>,
      %get3A_152 = vector.shape_cast %get3A_151 : vector<16xi32> to vector<16xi32>
      %swap3A_153 = arith.constant 80 : index
      %swap3A_154 = tpu.vector_load %arg9[%swap3A_153] {strides = array<i32>} : memref<96xi32, #tpu.memory_space<vmem>>, vector<16xi32>,
      %swap3A_155 = vector.shape_cast %swap3A_154 : vector<16xi32> to vector<16xi32>
      %swap3A_156 = vector.shape_cast %get3A_152 : vector<16xi32> to vector<16xi32>
      tpu.vector_store %arg9[%swap3A_153], %swap3A_156 {strides = array<i32>} : memref<96xi32, #tpu.memory_space<vmem>>, vector<16xi32>,
      "tpu.region"() ({
        %run_scoped3A = tpu.sem_alloc : memref<!tpu.dma_semaphore, #tpu.memory_space<semaphore_mem>>
        %dma_start3A_238 = arith.constant 0 : i32
        %dma_start3A_239 = arith.constant 0 : i32
        %dma_start3A_240 = tpu.memref_slice %arg13[%dma_start3A_238, %dma_start3A_239] : memref<10016x128xf32, #tpu.memory_space<vmem_shared>> -> memref<10016x128xf32, #tpu.memory_space<vmem_shared>>
        tpu.enqueue_indirect_dma source(%arg11 : memref<96x128xf32, #tpu.memory_space<vmem>>) target(%dma_start3A_240 : memref<10016x128xf32, #tpu.memory_space<vmem_shared>>) offsets(%arg9 : memref<96xi32, #tpu.memory_space<vmem>>) semaphore(%run_scoped3A : memref<!tpu.dma_semaphore, #tpu.memory_space<semaphore_mem>>) {add = true}
        %dma_wait3A_241 = arith.constant 0 : i32
        %dma_wait3A_242 = arith.constant 0 : i32
        %dma_wait3A_243 = tpu.memref_slice %arg13[%dma_wait3A_241, %dma_wait3A_242] : memref<10016x128xf32, #tpu.memory_space<vmem_shared>> -> memref<10016x128xf32, #tpu.memory_space<vmem_shared>>
        tpu.wait_indirect_dma semaphore(%run_scoped3A : memref<!tpu.dma_semaphore, #tpu.memory_space<semaphore_mem>>) src(%arg11 : memref<96x128xf32, #tpu.memory_space<vmem>>) dst(%dma_wait3A_243 : memref<10016x128xf32, #tpu.memory_space<vmem_shared>>)
        tpu.yield
      }) : () -> ()
      %dma_wait3A_157 = arith.constant 0 : i32
      %dma_wait3A_158 = tpu.memref_slice %arg7[%dma_wait3A_157] : memref<10080xi32, #tpu.memory_space<vmem>> -> memref<96xi32, #tpu.memory_space<vmem>>
      %dma_wait3A_159 = arith.constant 0 : i32
      %dma_wait3A_160 = arith.constant 0 : i32
      %dma_wait3A_161 = tpu.memref_slice %arg2[%dma_wait3A_159, %dma_wait3A_160] : memref<10000x128xf32, #tpu.memory_space<hbm>> -> memref<10000x128xf32, #tpu.memory_space<hbm>>
      tpu.wait_indirect_dma semaphore(%arg15 : memref<!tpu.dma_semaphore, #tpu.memory_space<semaphore_mem>>) src(%dma_wait3A_161 : memref<10000x128xf32, #tpu.memory_space<hbm>>) dst(%arg12 : memref<96x128xf32, #tpu.memory_space<vmem>>)
      %add3A_162 = arith.constant 2 : i32
      %add3A_163 = arith.addi %mul3A_77, %add3A_162 : i32
      %mul3A_164 = arith.constant 96 : i32
      %mul3A_165 = arith.muli %add3A_163, %mul3A_164 : i32
      %dma_start3A_166 = tpu.memref_slice %arg7[%mul3A_165] : memref<10080xi32, #tpu.memory_space<vmem>> -> memref<96xi32, #tpu.memory_space<vmem>>
      %dma_start3A_167 = arith.constant 0 : i32
      %dma_start3A_168 = arith.constant 0 : i32
      %dma_start3A_169 = tpu.memref_slice %arg2[%dma_start3A_167, %dma_start3A_168] : memref<10000x128xf32, #tpu.memory_space<hbm>> -> memref<10000x128xf32, #tpu.memory_space<hbm>>
      tpu.enqueue_indirect_dma source(%dma_start3A_169 : memref<10000x128xf32, #tpu.memory_space<hbm>>) target(%arg11 : memref<96x128xf32, #tpu.memory_space<vmem>>) offsets(%dma_start3A_166 : memref<96xi32, #tpu.memory_space<vmem>>) semaphore(%arg14 : memref<!tpu.dma_semaphore, #tpu.memory_space<semaphore_mem>>)
      %add3A_170 = arith.constant 1 : i32
      %add3A_171 = arith.addi %mul3A_77, %add3A_170 : i32
      %mul3A_172 = arith.constant 96 : i32
      %mul3A_173 = arith.muli %add3A_171, %mul3A_172 : i32
      %add3A_174 = arith.constant 0 : i32
      %add3A_175 = arith.addi %mul3A_173, %add3A_174 : i32
      %get3A_176 = arith.index_cast %add3A_175 : i32 to index
      %get3A_177 = tpu.vector_load %arg8[%get3A_176] {strides = array<i32>} : memref<10080xi32, #tpu.memory_space<vmem>>, vector<16xi32>,
      %get3A_178 = vector.shape_cast %get3A_177 : vector<16xi32> to vector<16xi32>
      %swap3A_179 = arith.constant 0 : index
      %swap3A_180 = tpu.vector_load %arg10[%swap3A_179] {strides = array<i32>} : memref<96xi32, #tpu.memory_space<vmem>>, vector<16xi32>,
      %swap3A_181 = vector.shape_cast %swap3A_180 : vector<16xi32> to vector<16xi32>
      %swap3A_182 = vector.shape_cast %get3A_178 : vector<16xi32> to vector<16xi32>
      tpu.vector_store %arg10[%swap3A_179], %swap3A_182 {strides = array<i32>} : memref<96xi32, #tpu.memory_space<vmem>>, vector<16xi32>,
      %mul3A_183 = arith.constant 96 : i32
      %mul3A_184 = arith.muli %add3A_171, %mul3A_183 : i32
      %add3A_185 = arith.constant 16 : i32
      %add3A_186 = arith.addi %mul3A_184, %add3A_185 : i32
      %get3A_187 = arith.index_cast %add3A_186 : i32 to index
      %get3A_188 = tpu.vector_load %arg8[%get3A_187] {strides = array<i32>} : memref<10080xi32, #tpu.memory_space<vmem>>, vector<16xi32>,
      %get3A_189 = vector.shape_cast %get3A_188 : vector<16xi32> to vector<16xi32>
      %swap3A_190 = arith.constant 16 : index
      %swap3A_191 = tpu.vector_load %arg10[%swap3A_190] {strides = array<i32>} : memref<96xi32, #tpu.memory_space<vmem>>, vector<16xi32>,
      %swap3A_192 = vector.shape_cast %swap3A_191 : vector<16xi32> to vector<16xi32>
      %swap3A_193 = vector.shape_cast %get3A_189 : vector<16xi32> to vector<16xi32>
      tpu.vector_store %arg10[%swap3A_190], %swap3A_193 {strides = array<i32>} : memref<96xi32, #tpu.memory_space<vmem>>, vector<16xi32>,
      %mul3A_194 = arith.constant 96 : i32
      %mul3A_195 = arith.muli %add3A_171, %mul3A_194 : i32
      %add3A_196 = arith.constant 32 : i32
      %add3A_197 = arith.addi %mul3A_195, %add3A_196 : i32
      %get3A_198 = arith.index_cast %add3A_197 : i32 to index
      %get3A_199 = tpu.vector_load %arg8[%get3A_198] {strides = array<i32>} : memref<10080xi32, #tpu.memory_space<vmem>>, vector<16xi32>,
      %get3A_200 = vector.shape_cast %get3A_199 : vector<16xi32> to vector<16xi32>
      %swap3A_201 = arith.constant 32 : index
      %swap3A_202 = tpu.vector_load %arg10[%swap3A_201] {strides = array<i32>} : memref<96xi32, #tpu.memory_space<vmem>>, vector<16xi32>,
      %swap3A_203 = vector.shape_cast %swap3A_202 : vector<16xi32> to vector<16xi32>
      %swap3A_204 = vector.shape_cast %get3A_200 : vector<16xi32> to vector<16xi32>
      tpu.vector_store %arg10[%swap3A_201], %swap3A_204 {strides = array<i32>} : memref<96xi32, #tpu.memory_space<vmem>>, vector<16xi32>,
      %mul3A_205 = arith.constant 96 : i32
      %mul3A_206 = arith.muli %add3A_171, %mul3A_205 : i32
      %add3A_207 = arith.constant 48 : i32
      %add3A_208 = arith.addi %mul3A_206, %add3A_207 : i32
      %get3A_209 = arith.index_cast %add3A_208 : i32 to index
      %get3A_210 = tpu.vector_load %arg8[%get3A_209] {strides = array<i32>} : memref<10080xi32, #tpu.memory_space<vmem>>, vector<16xi32>,
      %get3A_211 = vector.shape_cast %get3A_210 : vector<16xi32> to vector<16xi32>
      %swap3A_212 = arith.constant 48 : index
      %swap3A_213 = tpu.vector_load %arg10[%swap3A_212] {strides = array<i32>} : memref<96xi32, #tpu.memory_space<vmem>>, vector<16xi32>,
      %swap3A_214 = vector.shape_cast %swap3A_213 : vector<16xi32> to vector<16xi32>
      %swap3A_215 = vector.shape_cast %get3A_211 : vector<16xi32> to vector<16xi32>
      tpu.vector_store %arg10[%swap3A_212], %swap3A_215 {strides = array<i32>} : memref<96xi32, #tpu.memory_space<vmem>>, vector<16xi32>,
      %mul3A_216 = arith.constant 96 : i32
      %mul3A_217 = arith.muli %add3A_171, %mul3A_216 : i32
      %add3A_218 = arith.constant 64 : i32
      %add3A_219 = arith.addi %mul3A_217, %add3A_218 : i32
      %get3A_220 = arith.index_cast %add3A_219 : i32 to index
      %get3A_221 = tpu.vector_load %arg8[%get3A_220] {strides = array<i32>} : memref<10080xi32, #tpu.memory_space<vmem>>, vector<16xi32>,
      %get3A_222 = vector.shape_cast %get3A_221 : vector<16xi32> to vector<16xi32>
      %swap3A_223 = arith.constant 64 : index
      %swap3A_224 = tpu.vector_load %arg10[%swap3A_223] {strides = array<i32>} : memref<96xi32, #tpu.memory_space<vmem>>, vector<16xi32>,
      %swap3A_225 = vector.shape_cast %swap3A_224 : vector<16xi32> to vector<16xi32>
      %swap3A_226 = vector.shape_cast %get3A_222 : vector<16xi32> to vector<16xi32>
      tpu.vector_store %arg10[%swap3A_223], %swap3A_226 {strides = array<i32>} : memref<96xi32, #tpu.memory_space<vmem>>, vector<16xi32>,
      %mul3A_227 = arith.constant 96 : i32
      %mul3A_228 = arith.muli %add3A_171, %mul3A_227 : i32
      %add3A_229 = arith.constant 80 : i32
      %add3A_230 = arith.addi %mul3A_228, %add3A_229 : i32
      %get3A_231 = arith.index_cast %add3A_230 : i32 to index
      %get3A_232 = tpu.vector_load %arg8[%get3A_231] {strides = array<i32>} : memref<10080xi32, #tpu.memory_space<vmem>>, vector<16xi32>,
      %get3A_233 = vector.shape_cast %get3A_232 : vector<16xi32> to vector<16xi32>
      %swap3A_234 = arith.constant 80 : index
      %swap3A_235 = tpu.vector_load %arg10[%swap3A_234] {strides = array<i32>} : memref<96xi32, #tpu.memory_space<vmem>>, vector<16xi32>,
      %swap3A_236 = vector.shape_cast %swap3A_235 : vector<16xi32> to vector<16xi32>
      %swap3A_237 = vector.shape_cast %get3A_233 : vector<16xi32> to vector<16xi32>
      tpu.vector_store %arg10[%swap3A_234], %swap3A_237 {strides = array<i32>} : memref<96xi32, #tpu.memory_space<vmem>>, vector<16xi32>,
      "tpu.region"() ({
        %run_scoped3A = tpu.sem_alloc : memref<!tpu.dma_semaphore, #tpu.memory_space<semaphore_mem>>
        %dma_start3A_238 = arith.constant 0 : i32
        %dma_start3A_239 = arith.constant 0 : i32
        %dma_start3A_240 = tpu.memref_slice %arg13[%dma_start3A_238, %dma_start3A_239] : memref<10016x128xf32, #tpu.memory_space<vmem_shared>> -> memref<10016x128xf32, #tpu.memory_space<vmem_shared>>
        tpu.enqueue_indirect_dma source(%arg12 : memref<96x128xf32, #tpu.memory_space<vmem>>) target(%dma_start3A_240 : memref<10016x128xf32, #tpu.memory_space<vmem_shared>>) offsets(%arg10 : memref<96xi32, #tpu.memory_space<vmem>>) semaphore(%run_scoped3A : memref<!tpu.dma_semaphore, #tpu.memory_space<semaphore_mem>>) {add = true}
        %dma_wait3A_241 = arith.constant 0 : i32
        %dma_wait3A_242 = arith.constant 0 : i32
        %dma_wait3A_243 = tpu.memref_slice %arg13[%dma_wait3A_241, %dma_wait3A_242] : memref<10016x128xf32, #tpu.memory_space<vmem_shared>> -> memref<10016x128xf32, #tpu.memory_space<vmem_shared>>
        tpu.wait_indirect_dma semaphore(%run_scoped3A : memref<!tpu.dma_semaphore, #tpu.memory_space<semaphore_mem>>) src(%arg12 : memref<96x128xf32, #tpu.memory_space<vmem>>) dst(%dma_wait3A_243 : memref<10016x128xf32, #tpu.memory_space<vmem_shared>>)
        tpu.yield
      }) : () -> ()
    }
    %scan3A_19 = arith.constant 52 : i32
    %dma_wait3A = arith.constant 0 : i32
    %dma_wait3A_20 = tpu.memref_slice %arg7[%dma_wait3A] : memref<10080xi32, #tpu.memory_space<vmem>> -> memref<96xi32, #tpu.memory_space<vmem>>
    %dma_wait3A_21 = arith.constant 0 : i32
    %dma_wait3A_22 = arith.constant 0 : i32
    %dma_wait3A_23 = tpu.memref_slice %arg2[%dma_wait3A_21, %dma_wait3A_22] : memref<10000x128xf32, #tpu.memory_space<hbm>> -> memref<10000x128xf32, #tpu.memory_space<hbm>>
    tpu.wait_indirect_dma semaphore(%arg14 : memref<!tpu.dma_semaphore, #tpu.memory_space<semaphore_mem>>) src(%dma_wait3A_23 : memref<10000x128xf32, #tpu.memory_space<hbm>>) dst(%arg11 : memref<96x128xf32, #tpu.memory_space<vmem>>)
    %get3A = arith.constant 9984 : index
    %get3A_24 = tpu.vector_load %arg8[%get3A] {strides = array<i32>} : memref<10080xi32, #tpu.memory_space<vmem>>, vector<16xi32>,
    %get3A_25 = vector.shape_cast %get3A_24 : vector<16xi32> to vector<16xi32>
    %swap3A = arith.constant 0 : index
    %swap3A_26 = tpu.vector_load %arg9[%swap3A] {strides = array<i32>} : memref<96xi32, #tpu.memory_space<vmem>>, vector<16xi32>,
    %swap3A_27 = vector.shape_cast %swap3A_26 : vector<16xi32> to vector<16xi32>
    %swap3A_28 = vector.shape_cast %get3A_25 : vector<16xi32> to vector<16xi32>
    tpu.vector_store %arg9[%swap3A], %swap3A_28 {strides = array<i32>} : memref<96xi32, #tpu.memory_space<vmem>>, vector<16xi32>,
    %get3A_29 = arith.constant 10000 : index
    %get3A_30 = tpu.vector_load %arg8[%get3A_29] {strides = array<i32>} : memref<10080xi32, #tpu.memory_space<vmem>>, vector<16xi32>,
    %get3A_31 = vector.shape_cast %get3A_30 : vector<16xi32> to vector<16xi32>
    %swap3A_32 = arith.constant 16 : index
    %swap3A_33 = tpu.vector_load %arg9[%swap3A_32] {strides = array<i32>} : memref<96xi32, #tpu.memory_space<vmem>>, vector<16xi32>,
    %swap3A_34 = vector.shape_cast %swap3A_33 : vector<16xi32> to vector<16xi32>
    %swap3A_35 = vector.shape_cast %get3A_31 : vector<16xi32> to vector<16xi32>
    tpu.vector_store %arg9[%swap3A_32], %swap3A_35 {strides = array<i32>} : memref<96xi32, #tpu.memory_space<vmem>>, vector<16xi32>,
    %get3A_36 = arith.constant 10016 : index
    %get3A_37 = tpu.vector_load %arg8[%get3A_36] {strides = array<i32>} : memref<10080xi32, #tpu.memory_space<vmem>>, vector<16xi32>,
    %get3A_38 = vector.shape_cast %get3A_37 : vector<16xi32> to vector<16xi32>
    %swap3A_39 = arith.constant 32 : index
    %swap3A_40 = tpu.vector_load %arg9[%swap3A_39] {strides = array<i32>} : memref<96xi32, #tpu.memory_space<vmem>>, vector<16xi32>,
    %swap3A_41 = vector.shape_cast %swap3A_40 : vector<16xi32> to vector<16xi32>
    %swap3A_42 = vector.shape_cast %get3A_38 : vector<16xi32> to vector<16xi32>
    tpu.vector_store %arg9[%swap3A_39], %swap3A_42 {strides = array<i32>} : memref<96xi32, #tpu.memory_space<vmem>>, vector<16xi32>,
    %get3A_43 = arith.constant 10032 : index
    %get3A_44 = tpu.vector_load %arg8[%get3A_43] {strides = array<i32>} : memref<10080xi32, #tpu.memory_space<vmem>>, vector<16xi32>,
    %get3A_45 = vector.shape_cast %get3A_44 : vector<16xi32> to vector<16xi32>
    %swap3A_46 = arith.constant 48 : index
    %swap3A_47 = tpu.vector_load %arg9[%swap3A_46] {strides = array<i32>} : memref<96xi32, #tpu.memory_space<vmem>>, vector<16xi32>,
    %swap3A_48 = vector.shape_cast %swap3A_47 : vector<16xi32> to vector<16xi32>
    %swap3A_49 = vector.shape_cast %get3A_45 : vector<16xi32> to vector<16xi32>
    tpu.vector_store %arg9[%swap3A_46], %swap3A_49 {strides = array<i32>} : memref<96xi32, #tpu.memory_space<vmem>>, vector<16xi32>,
    %get3A_50 = arith.constant 10048 : index
    %get3A_51 = tpu.vector_load %arg8[%get3A_50] {strides = array<i32>} : memref<10080xi32, #tpu.memory_space<vmem>>, vector<16xi32>,
    %get3A_52 = vector.shape_cast %get3A_51 : vector<16xi32> to vector<16xi32>
    %swap3A_53 = arith.constant 64 : index
    %swap3A_54 = tpu.vector_load %arg9[%swap3A_53] {strides = array<i32>} : memref<96xi32, #tpu.memory_space<vmem>>, vector<16xi32>,
    %swap3A_55 = vector.shape_cast %swap3A_54 : vector<16xi32> to vector<16xi32>
    %swap3A_56 = vector.shape_cast %get3A_52 : vector<16xi32> to vector<16xi32>
    tpu.vector_store %arg9[%swap3A_53], %swap3A_56 {strides = array<i32>} : memref<96xi32, #tpu.memory_space<vmem>>, vector<16xi32>,
    %get3A_57 = arith.constant 10064 : index
    %get3A_58 = tpu.vector_load %arg8[%get3A_57] {strides = array<i32>} : memref<10080xi32, #tpu.memory_space<vmem>>, vector<16xi32>,
    %get3A_59 = vector.shape_cast %get3A_58 : vector<16xi32> to vector<16xi32>
    %swap3A_60 = arith.constant 80 : index
    %swap3A_61 = tpu.vector_load %arg9[%swap3A_60] {strides = array<i32>} : memref<96xi32, #tpu.memory_space<vmem>>, vector<16xi32>,
    %swap3A_62 = vector.shape_cast %swap3A_61 : vector<16xi32> to vector<16xi32>
    %swap3A_63 = vector.shape_cast %get3A_59 : vector<16xi32> to vector<16xi32>
    tpu.vector_store %arg9[%swap3A_60], %swap3A_63 {strides = array<i32>} : memref<96xi32, #tpu.memory_space<vmem>>, vector<16xi32>,
    "tpu.region"() ({
      %run_scoped3A = tpu.sem_alloc : memref<!tpu.dma_semaphore, #tpu.memory_space<semaphore_mem>>
      %dma_start3A_75 = arith.constant 0 : i32
      %dma_start3A_76 = arith.constant 0 : i32
      %dma_start3A_77 = tpu.memref_slice %arg13[%dma_start3A_75, %dma_start3A_76] : memref<10016x128xf32, #tpu.memory_space<vmem_shared>> -> memref<10016x128xf32, #tpu.memory_space<vmem_shared>>
      tpu.enqueue_indirect_dma source(%arg11 : memref<96x128xf32, #tpu.memory_space<vmem>>) target(%dma_start3A_77 : memref<10016x128xf32, #tpu.memory_space<vmem_shared>>) offsets(%arg9 : memref<96xi32, #tpu.memory_space<vmem>>) semaphore(%run_scoped3A : memref<!tpu.dma_semaphore, #tpu.memory_space<semaphore_mem>>) {add = true}
      %dma_wait3A_78 = arith.constant 0 : i32
      %dma_wait3A_79 = arith.constant 0 : i32
      %dma_wait3A_80 = tpu.memref_slice %arg13[%dma_wait3A_78, %dma_wait3A_79] : memref<10016x128xf32, #tpu.memory_space<vmem_shared>> -> memref<10016x128xf32, #tpu.memory_space<vmem_shared>>
      tpu.wait_indirect_dma semaphore(%run_scoped3A : memref<!tpu.dma_semaphore, #tpu.memory_space<semaphore_mem>>) src(%arg11 : memref<96x128xf32, #tpu.memory_space<vmem>>) dst(%dma_wait3A_80 : memref<10016x128xf32, #tpu.memory_space<vmem_shared>>)
      tpu.yield
    }) : () -> ()
    %barrier3A_64 = arith.constant 0 : index
    tpu.barrier barrier_id(%barrier3A_64)
    %lt3A_65 = arith.constant 15 : i32
    %lt3A_66 = arith.cmpi slt, %arg1, %lt3A_65 : i32
    %convert_element_type3A_67 = arith.extui %lt3A_66 : i1 to i32
    %cond3A_68 = arith.constant 0 : i32
    %cond3A_69 = arith.cmpi ne, %convert_element_type3A_67, %cond3A_68 : i32
    scf.if %cond3A_69 {
      %mul3A_75 = arith.constant 624 : i32
      %mul3A_76 = arith.muli %arg1, %mul3A_75 : i32
      %multiple_of3A = tpu.assume_multiple %mul3A_76, 8 : i32
      "tpu.region"() ({
        %run_scoped3A = tpu.sem_alloc : memref<!tpu.dma_semaphore, #tpu.memory_space<semaphore_mem>>
        %dma_start3A_77 = arith.constant 0 : i32
        %dma_start3A_78 = tpu.memref_slice %arg6[%arg0, %multiple_of3A, %dma_start3A_77] : memref<2x10000x128xf32, #tpu.memory_space<hbm>> -> memref<1x624x128xf32, #tpu.memory_space<hbm>>
        %dma_start3A_79 = tpu.memref_squeeze %dma_start3A_78 : memref<1x624x128xf32, #tpu.memory_space<hbm>> -> memref<624x128xf32, #tpu.memory_space<hbm>>
        %dma_start3A_80 = arith.constant 0 : i32
        %dma_start3A_81 = tpu.memref_slice %arg13[%multiple_of3A, %dma_start3A_80] : memref<10016x128xf32, #tpu.memory_space<vmem_shared>> -> memref<624x128xf32, #tpu.memory_space<vmem_shared>>
        tpu.enqueue_dma source(%dma_start3A_81 : memref<624x128xf32, #tpu.memory_space<vmem_shared>>) target(%dma_start3A_79 : memref<624x128xf32, #tpu.memory_space<hbm>>) target_semaphore(%run_scoped3A : memref<!tpu.dma_semaphore, #tpu.memory_space<semaphore_mem>>)
        %dma_wait3A_82 = arith.constant 0 : i32
        %dma_wait3A_83 = tpu.memref_slice %arg6[%arg0, %multiple_of3A, %dma_wait3A_82] : memref<2x10000x128xf32, #tpu.memory_space<hbm>> -> memref<1x624x128xf32, #tpu.memory_space<hbm>>
        %dma_wait3A_84 = tpu.memref_squeeze %dma_wait3A_83 : memref<1x624x128xf32, #tpu.memory_space<hbm>> -> memref<624x128xf32, #tpu.memory_space<hbm>>
        %dma_wait3A_85 = arith.constant 0 : i32
        %dma_wait3A_86 = tpu.memref_slice %arg13[%multiple_of3A, %dma_wait3A_85] : memref<10016x128xf32, #tpu.memory_space<vmem_shared>> -> memref<624x128xf32, #tpu.memory_space<vmem_shared>>
        tpu.wait_dma2 semaphore(%run_scoped3A : memref<!tpu.dma_semaphore, #tpu.memory_space<semaphore_mem>>) src(%dma_wait3A_86 : memref<624x128xf32, #tpu.memory_space<vmem_shared>>) dst(%dma_wait3A_84 : memref<624x128xf32, #tpu.memory_space<hbm>>)
        tpu.yield
      }) : () -> ()
    } else {
    }
    %eq3A_70 = arith.constant 15 : i32
    %eq3A_71 = arith.cmpi eq, %arg1, %eq3A_70 : i32
    %convert_element_type3A_72 = arith.extui %eq3A_71 : i1 to i32
    %cond3A_73 = arith.constant 0 : i32
    %cond3A_74 = arith.cmpi ne, %convert_element_type3A_72, %cond3A_73 : i32
    scf.if %cond3A_74 {
      "tpu.region"() ({
        %run_scoped3A = tpu.sem_alloc : memref<!tpu.dma_semaphore, #tpu.memory_space<semaphore_mem>>
        %dma_start3A_75 = arith.constant 9360 : i32
        %dma_start3A_76 = arith.constant 0 : i32
        %dma_start3A_77 = tpu.memref_slice %arg6[%arg0, %dma_start3A_75, %dma_start3A_76] : memref<2x10000x128xf32, #tpu.memory_space<hbm>> -> memref<1x640x128xf32, #tpu.memory_space<hbm>>
        %dma_start3A_78 = tpu.memref_squeeze %dma_start3A_77 : memref<1x640x128xf32, #tpu.memory_space<hbm>> -> memref<640x128xf32, #tpu.memory_space<hbm>>
        %dma_start3A_79 = arith.constant 9360 : i32
        %dma_start3A_80 = arith.constant 0 : i32
        %dma_start3A_81 = tpu.memref_slice %arg13[%dma_start3A_79, %dma_start3A_80] : memref<10016x128xf32, #tpu.memory_space<vmem_shared>> -> memref<640x128xf32, #tpu.memory_space<vmem_shared>>
        tpu.enqueue_dma source(%dma_start3A_81 : memref<640x128xf32, #tpu.memory_space<vmem_shared>>) target(%dma_start3A_78 : memref<640x128xf32, #tpu.memory_space<hbm>>) target_semaphore(%run_scoped3A : memref<!tpu.dma_semaphore, #tpu.memory_space<semaphore_mem>>)
        %dma_wait3A_82 = arith.constant 9360 : i32
        %dma_wait3A_83 = arith.constant 0 : i32
        %dma_wait3A_84 = tpu.memref_slice %arg6[%arg0, %dma_wait3A_82, %dma_wait3A_83] : memref<2x10000x128xf32, #tpu.memory_space<hbm>> -> memref<1x640x128xf32, #tpu.memory_space<hbm>>
        %dma_wait3A_85 = tpu.memref_squeeze %dma_wait3A_84 : memref<1x640x128xf32, #tpu.memory_space<hbm>> -> memref<640x128xf32, #tpu.memory_space<hbm>>
        %dma_wait3A_86 = arith.constant 9360 : i32
        %dma_wait3A_87 = arith.constant 0 : i32
        %dma_wait3A_88 = tpu.memref_slice %arg13[%dma_wait3A_86, %dma_wait3A_87] : memref<10016x128xf32, #tpu.memory_space<vmem_shared>> -> memref<640x128xf32, #tpu.memory_space<vmem_shared>>
        tpu.wait_dma2 semaphore(%run_scoped3A : memref<!tpu.dma_semaphore, #tpu.memory_space<semaphore_mem>>) src(%dma_wait3A_88 : memref<640x128xf32, #tpu.memory_space<vmem_shared>>) dst(%dma_wait3A_85 : memref<640x128xf32, #tpu.memory_space<hbm>>)
        tpu.yield
      }) : () -> ()
    } else {
    }
    return
  }
}

#map = affine_map<(d0, d1) -> (0, 0)>
#map1 = affine_map<(d0, d1) -> (0)>
#map2 = affine_map<(d0, d1) -> (0, 0, 0)>
module attributes {stable_mosaic.version = 14 : i64} {
  func.func @_spmm_body(%arg0: i32, %arg1: i32, %arg2: memref<10000x128xf32, #tpu.memory_space<hbm>>, %arg3: memref<322560xi32, #tpu.memory_space<hbm>>, %arg4: memref<322560xi32, #tpu.memory_space<hbm>>, %arg5: memref<10000x128xf32, #tpu.memory_space<hbm>>, %arg6: memref<2x10000x128xf32, #tpu.memory_space<hbm>>, %arg7: memref<10080xi32, #tpu.memory_space<vmem>>, %arg8: memref<10080xi32, #tpu.memory_space<vmem>>, %arg9: memref<96xi32, #tpu.memory_space<vmem>>, %arg10: memref<96xi32, #tpu.memory_space<vmem>>, %arg11: memref<96x128xf32, #tpu.memory_space<vmem>>, %arg12: memref<96x128xf32, #tpu.memory_space<vmem>>, %arg13: memref<10016x128xf32, #tpu.memory_space<vmem_shared>>, %arg14: memref<!tpu.dma_semaphore, #tpu.memory_space<semaphore_mem>>, %arg15: memref<!tpu.dma_semaphore, #tpu.memory_space<semaphore_mem>>) attributes {dimension_semantics = [#tpu.dimension_semantics<core_parallel>, #tpu.dimension_semantics<subcore_parallel>], iteration_bounds = array<i64: 2, 16>, scalar_prefetch = 0 : i64, scratch_operands = 9 : i64, tpu.core_type = #tpu.core_type<sc_vector_subcore>, window_params = [{transform_indices = #map}, {transform_indices = #map1}, {transform_indices = #map1}, {transform_indices = #map}, {transform_indices = #map2}]} {
    %mul3A = arith.constant 16 : i32
    %mul3A_0 = arith.muli %arg0, %mul3A : i32
    %add3A = arith.addi %mul3A_0, %arg1 : i32
    %lt3A = arith.constant 15 : i32
    %lt3A_1 = arith.cmpi slt, %arg1, %lt3A : i32
    %convert_element_type3A = arith.extui %lt3A_1 : i1 to i32
    %cond3A = arith.constant 0 : i32
    %cond3A_2 = arith.cmpi ne, %convert_element_type3A, %cond3A : i32
    scf.if %cond3A_2 {
      %mul3A_75 = arith.constant 624 : i32
      %mul3A_76 = arith.muli %arg1, %mul3A_75 : i32
      %multiple_of3A = tpu.assume_multiple %mul3A_76, 8 : i32
      "tpu.region"() ({
        %run_scoped3A = tpu.sem_alloc : memref<!tpu.dma_semaphore, #tpu.memory_space<semaphore_mem>>
        %dma_start3A_77 = arith.constant 0 : i32
        %dma_start3A_78 = tpu.memref_slice %arg13[%multiple_of3A, %dma_start3A_77] : memref<10016x128xf32, #tpu.memory_space<vmem_shared>> -> memref<624x128xf32, #tpu.memory_space<vmem_shared>>
        %dma_start3A_79 = arith.constant 0 : i32
        %dma_start3A_80 = tpu.memref_slice %arg5[%multiple_of3A, %dma_start3A_79] : memref<10000x128xf32, #tpu.memory_space<hbm>> -> memref<624x128xf32, #tpu.memory_space<hbm>>
        tpu.enqueue_dma source(%dma_start3A_80 : memref<624x128xf32, #tpu.memory_space<hbm>>) target(%dma_start3A_78 : memref<624x128xf32, #tpu.memory_space<vmem_shared>>) target_semaphore(%run_scoped3A : memref<!tpu.dma_semaphore, #tpu.memory_space<semaphore_mem>>)
        %dma_wait3A_81 = arith.constant 0 : i32
        %dma_wait3A_82 = tpu.memref_slice %arg13[%multiple_of3A, %dma_wait3A_81] : memref<10016x128xf32, #tpu.memory_space<vmem_shared>> -> memref<624x128xf32, #tpu.memory_space<vmem_shared>>
        %dma_wait3A_83 = arith.constant 0 : i32
        %dma_wait3A_84 = tpu.memref_slice %arg5[%multiple_of3A, %dma_wait3A_83] : memref<10000x128xf32, #tpu.memory_space<hbm>> -> memref<624x128xf32, #tpu.memory_space<hbm>>
        tpu.wait_dma2 semaphore(%run_scoped3A : memref<!tpu.dma_semaphore, #tpu.memory_space<semaphore_mem>>) src(%dma_wait3A_84 : memref<624x128xf32, #tpu.memory_space<hbm>>) dst(%dma_wait3A_82 : memref<624x128xf32, #tpu.memory_space<vmem_shared>>)
        tpu.yield
      }) : () -> ()
    } else {
    }
    %eq3A = arith.constant 15 : i32
    %eq3A_3 = arith.cmpi eq, %arg1, %eq3A : i32
    %convert_element_type3A_4 = arith.extui %eq3A_3 : i1 to i32
    %cond3A_5 = arith.constant 0 : i32
    %cond3A_6 = arith.cmpi ne, %convert_element_type3A_4, %cond3A_5 : i32
    scf.if %cond3A_6 {
      "tpu.region"() ({
        %run_scoped3A = tpu.sem_alloc : memref<!tpu.dma_semaphore, #tpu.memory_space<semaphore_mem>>
        %dma_start3A_75 = arith.constant 9360 : i32
        %dma_start3A_76 = arith.constant 0 : i32
        %dma_start3A_77 = tpu.memref_slice %arg13[%dma_start3A_75, %dma_start3A_76] : memref<10016x128xf32, #tpu.memory_space<vmem_shared>> -> memref<640x128xf32, #tpu.memory_space<vmem_shared>>
        %dma_start3A_78 = arith.constant 9360 : i32
        %dma_start3A_79 = arith.constant 0 : i32
        %dma_start3A_80 = tpu.memref_slice %arg5[%dma_start3A_78, %dma_start3A_79] : memref<10000x128xf32, #tpu.memory_space<hbm>> -> memref<640x128xf32, #tpu.memory_space<hbm>>
        tpu.enqueue_dma source(%dma_start3A_80 : memref<640x128xf32, #tpu.memory_space<hbm>>) target(%dma_start3A_77 : memref<640x128xf32, #tpu.memory_space<vmem_shared>>) target_semaphore(%run_scoped3A : memref<!tpu.dma_semaphore, #tpu.memory_space<semaphore_mem>>)
        %dma_wait3A_81 = arith.constant 9360 : i32
        %dma_wait3A_82 = arith.constant 0 : i32
        %dma_wait3A_83 = tpu.memref_slice %arg13[%dma_wait3A_81, %dma_wait3A_82] : memref<10016x128xf32, #tpu.memory_space<vmem_shared>> -> memref<640x128xf32, #tpu.memory_space<vmem_shared>>
        %dma_wait3A_84 = arith.constant 9360 : i32
        %dma_wait3A_85 = arith.constant 0 : i32
        %dma_wait3A_86 = tpu.memref_slice %arg5[%dma_wait3A_84, %dma_wait3A_85] : memref<10000x128xf32, #tpu.memory_space<hbm>> -> memref<640x128xf32, #tpu.memory_space<hbm>>
        tpu.wait_dma2 semaphore(%run_scoped3A : memref<!tpu.dma_semaphore, #tpu.memory_space<semaphore_mem>>) src(%dma_wait3A_86 : memref<640x128xf32, #tpu.memory_space<hbm>>) dst(%dma_wait3A_83 : memref<640x128xf32, #tpu.memory_space<vmem_shared>>)
        tpu.yield
      }) : () -> ()
    } else {
    }
    %mul3A_7 = arith.constant 10080 : i32
    %mul3A_8 = arith.muli %add3A, %mul3A_7 : i32
    "tpu.region"() ({
      %run_scoped3A = tpu.sem_alloc : memref<!tpu.dma_semaphore, #tpu.memory_space<semaphore_mem>>
      %dma_start3A_75 = tpu.memref_slice %arg3[%mul3A_8] : memref<322560xi32, #tpu.memory_space<hbm>> -> memref<10080xi32, #tpu.memory_space<hbm>>
      %dma_start3A_76 = tpu.memref_slice %arg3[%mul3A_8] : memref<322560xi32, #tpu.memory_space<hbm>> -> memref<10080xi32, #tpu.memory_space<hbm>>
      tpu.enqueue_dma source(%dma_start3A_76 : memref<10080xi32, #tpu.memory_space<hbm>>) target(%arg7 : memref<10080xi32, #tpu.memory_space<vmem>>) target_semaphore(%run_scoped3A : memref<!tpu.dma_semaphore, #tpu.memory_space<semaphore_mem>>)
      %dma_wait3A_77 = tpu.memref_slice %arg3[%mul3A_8] : memref<322560xi32, #tpu.memory_space<hbm>> -> memref<10080xi32, #tpu.memory_space<hbm>>
      %dma_wait3A_78 = tpu.memref_slice %arg3[%mul3A_8] : memref<322560xi32, #tpu.memory_space<hbm>> -> memref<10080xi32, #tpu.memory_space<hbm>>
      tpu.wait_dma2 semaphore(%run_scoped3A : memref<!tpu.dma_semaphore, #tpu.memory_space<semaphore_mem>>) src(%dma_wait3A_78 : memref<10080xi32, #tpu.memory_space<hbm>>) dst(%arg7 : memref<10080xi32, #tpu.memory_space<vmem>>)
      tpu.yield
    }) : () -> ()
    %mul3A_9 = arith.constant 10080 : i32
    %mul3A_10 = arith.muli %add3A, %mul3A_9 : i32
    "tpu.region"() ({
      %run_scoped3A = tpu.sem_alloc : memref<!tpu.dma_semaphore, #tpu.memory_space<semaphore_mem>>
      %dma_start3A_75 = tpu.memref_slice %arg4[%mul3A_10] : memref<322560xi32, #tpu.memory_space<hbm>> -> memref<10080xi32, #tpu.memory_space<hbm>>
      %dma_start3A_76 = tpu.memref_slice %arg4[%mul3A_10] : memref<322560xi32, #tpu.memory_space<hbm>> -> memref<10080xi32, #tpu.memory_space<hbm>>
      tpu.enqueue_dma source(%dma_start3A_76 : memref<10080xi32, #tpu.memory_space<hbm>>) target(%arg8 : memref<10080xi32, #tpu.memory_space<vmem>>) target_semaphore(%run_scoped3A : memref<!tpu.dma_semaphore, #tpu.memory_space<semaphore_mem>>)
      %dma_wait3A_77 = tpu.memref_slice %arg4[%mul3A_10] : memref<322560xi32, #tpu.memory_space<hbm>> -> memref<10080xi32, #tpu.memory_space<hbm>>
      %dma_wait3A_78 = tpu.memref_slice %arg4[%mul3A_10] : memref<322560xi32, #tpu.memory_space<hbm>> -> memref<10080xi32, #tpu.memory_space<hbm>>
      tpu.wait_dma2 semaphore(%run_scoped3A : memref<!tpu.dma_semaphore, #tpu.memory_space<semaphore_mem>>) src(%dma_wait3A_78 : memref<10080xi32, #tpu.memory_space<hbm>>) dst(%arg8 : memref<10080xi32, #tpu.memory_space<vmem>>)
      tpu.yield
    }) : () -> ()
    %barrier3A = arith.constant 0 : index
    tpu.barrier barrier_id(%barrier3A)
    %dma_start3A = arith.constant 0 : i32
    %dma_start3A_11 = tpu.memref_slice %arg7[%dma_start3A] : memref<10080xi32, #tpu.memory_space<vmem>> -> memref<96xi32, #tpu.memory_space<vmem>>
    %dma_start3A_12 = arith.constant 0 : i32
    %dma_start3A_13 = arith.constant 0 : i32
    %dma_start3A_14 = tpu.memref_slice %arg2[%dma_start3A_12, %dma_start3A_13] : memref<10000x128xf32, #tpu.memory_space<hbm>> -> memref<10000x128xf32, #tpu.memory_space<hbm>>
    tpu.enqueue_indirect_dma source(%dma_start3A_14 : memref<10000x128xf32, #tpu.memory_space<hbm>>) target(%arg11 : memref<96x128xf32, #tpu.memory_space<vmem>>) offsets(%dma_start3A_11 : memref<96xi32, #tpu.memory_space<vmem>>) semaphore(%arg14 : memref<!tpu.dma_semaphore, #tpu.memory_space<semaphore_mem>>)
    %scan3A = arith.constant 0 : i32
    %scan3A_15 = arith.constant 0 : i32
    %scan3A_16 = arith.constant 52 : i32
    %scan3A_17 = arith.addi %scan3A_15, %scan3A_16 : i32
    %scan3A_18 = arith.constant 1 : i32
    scf.for %scan3A_75 = %scan3A_15 to %scan3A_17 step %scan3A_18  : i32 {
      %mul3A_76 = arith.constant 2 : i32
      %mul3A_77 = arith.muli %scan3A_75, %mul3A_76 : i32
      %dma_wait3A_78 = arith.constant 0 : i32
      %dma_wait3A_79 = tpu.memref_slice %arg7[%dma_wait3A_78] : memref<10080xi32, #tpu.memory_space<vmem>> -> memref<96xi32, #tpu.memory_space<vmem>>
      %dma_wait3A_80 = arith.constant 0 : i32
      %dma_wait3A_81 = arith.constant 0 : i32
      %dma_wait3A_82 = tpu.memref_slice %arg2[%dma_wait3A_80, %dma_wait3A_81] : memref<10000x128xf32, #tpu.memory_space<hbm>> -> memref<10000x128xf32, #tpu.memory_space<hbm>>
      tpu.wait_indirect_dma semaphore(%arg14 : memref<!tpu.dma_semaphore, #tpu.memory_space<semaphore_mem>>) src(%dma_wait3A_82 : memref<10000x128xf32, #tpu.memory_space<hbm>>) dst(%arg11 : memref<96x128xf32, #tpu.memory_space<vmem>>)
      %add3A_83 = arith.constant 1 : i32
      %add3A_84 = arith.addi %mul3A_77, %add3A_83 : i32
      %mul3A_85 = arith.constant 96 : i32
      %mul3A_86 = arith.muli %add3A_84, %mul3A_85 : i32
      %dma_start3A_87 = tpu.memref_slice %arg7[%mul3A_86] : memref<10080xi32, #tpu.memory_space<vmem>> -> memref<96xi32, #tpu.memory_space<vmem>>
      %dma_start3A_88 = arith.constant 0 : i32
      %dma_start3A_89 = arith.constant 0 : i32
      %dma_start3A_90 = tpu.memref_slice %arg2[%dma_start3A_88, %dma_start3A_89] : memref<10000x128xf32, #tpu.memory_space<hbm>> -> memref<10000x128xf32, #tpu.memory_space<hbm>>
      tpu.enqueue_indirect_dma source(%dma_start3A_90 : memref<10000x128xf32, #tpu.memory_space<hbm>>) target(%arg12 : memref<96x128xf32, #tpu.memory_space<vmem>>) offsets(%dma_start3A_87 : memref<96xi32, #tpu.memory_space<vmem>>) semaphore(%arg15 : memref<!tpu.dma_semaphore, #tpu.memory_space<semaphore_mem>>)
      %mul3A_91 = arith.constant 96 : i32
      %mul3A_92 = arith.muli %mul3A_77, %mul3A_91 : i32
      %add3A_93 = arith.constant 0 : i32
      %add3A_94 = arith.addi %mul3A_92, %add3A_93 : i32
      %get3A_95 = arith.index_cast %add3A_94 : i32 to index
      %get3A_96 = tpu.vector_load %arg8[%get3A_95] {strides = array<i32>} : memref<10080xi32, #tpu.memory_space<vmem>>, vector<16xi32>,
      %get3A_97 = vector.shape_cast %get3A_96 : vector<16xi32> to vector<16xi32>
      %swap3A_98 = arith.constant 0 : index
      %swap3A_99 = tpu.vector_load %arg9[%swap3A_98] {strides = array<i32>} : memref<96xi32, #tpu.memory_space<vmem>>, vector<16xi32>,
      %swap3A_100 = vector.shape_cast %swap3A_99 : vector<16xi32> to vector<16xi32>
      %swap3A_101 = vector.shape_cast %get3A_97 : vector<16xi32> to vector<16xi32>
      tpu.vector_store %arg9[%swap3A_98], %swap3A_101 {strides = array<i32>} : memref<96xi32, #tpu.memory_space<vmem>>, vector<16xi32>,
      %mul3A_102 = arith.constant 96 : i32
      %mul3A_103 = arith.muli %mul3A_77, %mul3A_102 : i32
      %add3A_104 = arith.constant 16 : i32
      %add3A_105 = arith.addi %mul3A_103, %add3A_104 : i32
      %get3A_106 = arith.index_cast %add3A_105 : i32 to index
      %get3A_107 = tpu.vector_load %arg8[%get3A_106] {strides = array<i32>} : memref<10080xi32, #tpu.memory_space<vmem>>, vector<16xi32>,
      %get3A_108 = vector.shape_cast %get3A_107 : vector<16xi32> to vector<16xi32>
      %swap3A_109 = arith.constant 16 : index
      %swap3A_110 = tpu.vector_load %arg9[%swap3A_109] {strides = array<i32>} : memref<96xi32, #tpu.memory_space<vmem>>, vector<16xi32>,
      %swap3A_111 = vector.shape_cast %swap3A_110 : vector<16xi32> to vector<16xi32>
      %swap3A_112 = vector.shape_cast %get3A_108 : vector<16xi32> to vector<16xi32>
      tpu.vector_store %arg9[%swap3A_109], %swap3A_112 {strides = array<i32>} : memref<96xi32, #tpu.memory_space<vmem>>, vector<16xi32>,
      %mul3A_113 = arith.constant 96 : i32
      %mul3A_114 = arith.muli %mul3A_77, %mul3A_113 : i32
      %add3A_115 = arith.constant 32 : i32
      %add3A_116 = arith.addi %mul3A_114, %add3A_115 : i32
      %get3A_117 = arith.index_cast %add3A_116 : i32 to index
      %get3A_118 = tpu.vector_load %arg8[%get3A_117] {strides = array<i32>} : memref<10080xi32, #tpu.memory_space<vmem>>, vector<16xi32>,
      %get3A_119 = vector.shape_cast %get3A_118 : vector<16xi32> to vector<16xi32>
      %swap3A_120 = arith.constant 32 : index
      %swap3A_121 = tpu.vector_load %arg9[%swap3A_120] {strides = array<i32>} : memref<96xi32, #tpu.memory_space<vmem>>, vector<16xi32>,
      %swap3A_122 = vector.shape_cast %swap3A_121 : vector<16xi32> to vector<16xi32>
      %swap3A_123 = vector.shape_cast %get3A_119 : vector<16xi32> to vector<16xi32>
      tpu.vector_store %arg9[%swap3A_120], %swap3A_123 {strides = array<i32>} : memref<96xi32, #tpu.memory_space<vmem>>, vector<16xi32>,
      %mul3A_124 = arith.constant 96 : i32
      %mul3A_125 = arith.muli %mul3A_77, %mul3A_124 : i32
      %add3A_126 = arith.constant 48 : i32
      %add3A_127 = arith.addi %mul3A_125, %add3A_126 : i32
      %get3A_128 = arith.index_cast %add3A_127 : i32 to index
      %get3A_129 = tpu.vector_load %arg8[%get3A_128] {strides = array<i32>} : memref<10080xi32, #tpu.memory_space<vmem>>, vector<16xi32>,
      %get3A_130 = vector.shape_cast %get3A_129 : vector<16xi32> to vector<16xi32>
      %swap3A_131 = arith.constant 48 : index
      %swap3A_132 = tpu.vector_load %arg9[%swap3A_131] {strides = array<i32>} : memref<96xi32, #tpu.memory_space<vmem>>, vector<16xi32>,
      %swap3A_133 = vector.shape_cast %swap3A_132 : vector<16xi32> to vector<16xi32>
      %swap3A_134 = vector.shape_cast %get3A_130 : vector<16xi32> to vector<16xi32>
      tpu.vector_store %arg9[%swap3A_131], %swap3A_134 {strides = array<i32>} : memref<96xi32, #tpu.memory_space<vmem>>, vector<16xi32>,
      %mul3A_135 = arith.constant 96 : i32
      %mul3A_136 = arith.muli %mul3A_77, %mul3A_135 : i32
      %add3A_137 = arith.constant 64 : i32
      %add3A_138 = arith.addi %mul3A_136, %add3A_137 : i32
      %get3A_139 = arith.index_cast %add3A_138 : i32 to index
      %get3A_140 = tpu.vector_load %arg8[%get3A_139] {strides = array<i32>} : memref<10080xi32, #tpu.memory_space<vmem>>, vector<16xi32>,
      %get3A_141 = vector.shape_cast %get3A_140 : vector<16xi32> to vector<16xi32>
      %swap3A_142 = arith.constant 64 : index
      %swap3A_143 = tpu.vector_load %arg9[%swap3A_142] {strides = array<i32>} : memref<96xi32, #tpu.memory_space<vmem>>, vector<16xi32>,
      %swap3A_144 = vector.shape_cast %swap3A_143 : vector<16xi32> to vector<16xi32>
      %swap3A_145 = vector.shape_cast %get3A_141 : vector<16xi32> to vector<16xi32>
      tpu.vector_store %arg9[%swap3A_142], %swap3A_145 {strides = array<i32>} : memref<96xi32, #tpu.memory_space<vmem>>, vector<16xi32>,
      %mul3A_146 = arith.constant 96 : i32
      %mul3A_147 = arith.muli %mul3A_77, %mul3A_146 : i32
      %add3A_148 = arith.constant 80 : i32
      %add3A_149 = arith.addi %mul3A_147, %add3A_148 : i32
      %get3A_150 = arith.index_cast %add3A_149 : i32 to index
      %get3A_151 = tpu.vector_load %arg8[%get3A_150] {strides = array<i32>} : memref<10080xi32, #tpu.memory_space<vmem>>, vector<16xi32>,
      %get3A_152 = vector.shape_cast %get3A_151 : vector<16xi32> to vector<16xi32>
      %swap3A_153 = arith.constant 80 : index
      %swap3A_154 = tpu.vector_load %arg9[%swap3A_153] {strides = array<i32>} : memref<96xi32, #tpu.memory_space<vmem>>, vector<16xi32>,
      %swap3A_155 = vector.shape_cast %swap3A_154 : vector<16xi32> to vector<16xi32>
      %swap3A_156 = vector.shape_cast %get3A_152 : vector<16xi32> to vector<16xi32>
      tpu.vector_store %arg9[%swap3A_153], %swap3A_156 {strides = array<i32>} : memref<96xi32, #tpu.memory_space<vmem>>, vector<16xi32>,
      "tpu.region"() ({
        %run_scoped3A = tpu.sem_alloc : memref<!tpu.dma_semaphore, #tpu.memory_space<semaphore_mem>>
        %dma_start3A_238 = arith.constant 0 : i32
        %dma_start3A_239 = arith.constant 0 : i32
        %dma_start3A_240 = tpu.memref_slice %arg13[%dma_start3A_238, %dma_start3A_239] : memref<10016x128xf32, #tpu.memory_space<vmem_shared>> -> memref<10016x128xf32, #tpu.memory_space<vmem_shared>>
        tpu.enqueue_indirect_dma source(%arg11 : memref<96x128xf32, #tpu.memory_space<vmem>>) target(%dma_start3A_240 : memref<10016x128xf32, #tpu.memory_space<vmem_shared>>) offsets(%arg9 : memref<96xi32, #tpu.memory_space<vmem>>) semaphore(%run_scoped3A : memref<!tpu.dma_semaphore, #tpu.memory_space<semaphore_mem>>) {add = true}
        %dma_wait3A_241 = arith.constant 0 : i32
        %dma_wait3A_242 = arith.constant 0 : i32
        %dma_wait3A_243 = tpu.memref_slice %arg13[%dma_wait3A_241, %dma_wait3A_242] : memref<10016x128xf32, #tpu.memory_space<vmem_shared>> -> memref<10016x128xf32, #tpu.memory_space<vmem_shared>>
        tpu.wait_indirect_dma semaphore(%run_scoped3A : memref<!tpu.dma_semaphore, #tpu.memory_space<semaphore_mem>>) src(%arg11 : memref<96x128xf32, #tpu.memory_space<vmem>>) dst(%dma_wait3A_243 : memref<10016x128xf32, #tpu.memory_space<vmem_shared>>)
        tpu.yield
      }) : () -> ()
      %dma_wait3A_157 = arith.constant 0 : i32
      %dma_wait3A_158 = tpu.memref_slice %arg7[%dma_wait3A_157] : memref<10080xi32, #tpu.memory_space<vmem>> -> memref<96xi32, #tpu.memory_space<vmem>>
      %dma_wait3A_159 = arith.constant 0 : i32
      %dma_wait3A_160 = arith.constant 0 : i32
      %dma_wait3A_161 = tpu.memref_slice %arg2[%dma_wait3A_159, %dma_wait3A_160] : memref<10000x128xf32, #tpu.memory_space<hbm>> -> memref<10000x128xf32, #tpu.memory_space<hbm>>
      tpu.wait_indirect_dma semaphore(%arg15 : memref<!tpu.dma_semaphore, #tpu.memory_space<semaphore_mem>>) src(%dma_wait3A_161 : memref<10000x128xf32, #tpu.memory_space<hbm>>) dst(%arg12 : memref<96x128xf32, #tpu.memory_space<vmem>>)
      %add3A_162 = arith.constant 2 : i32
      %add3A_163 = arith.addi %mul3A_77, %add3A_162 : i32
      %mul3A_164 = arith.constant 96 : i32
      %mul3A_165 = arith.muli %add3A_163, %mul3A_164 : i32
      %dma_start3A_166 = tpu.memref_slice %arg7[%mul3A_165] : memref<10080xi32, #tpu.memory_space<vmem>> -> memref<96xi32, #tpu.memory_space<vmem>>
      %dma_start3A_167 = arith.constant 0 : i32
      %dma_start3A_168 = arith.constant 0 : i32
      %dma_start3A_169 = tpu.memref_slice %arg2[%dma_start3A_167, %dma_start3A_168] : memref<10000x128xf32, #tpu.memory_space<hbm>> -> memref<10000x128xf32, #tpu.memory_space<hbm>>
      tpu.enqueue_indirect_dma source(%dma_start3A_169 : memref<10000x128xf32, #tpu.memory_space<hbm>>) target(%arg11 : memref<96x128xf32, #tpu.memory_space<vmem>>) offsets(%dma_start3A_166 : memref<96xi32, #tpu.memory_space<vmem>>) semaphore(%arg14 : memref<!tpu.dma_semaphore, #tpu.memory_space<semaphore_mem>>)
      %add3A_170 = arith.constant 1 : i32
      %add3A_171 = arith.addi %mul3A_77, %add3A_170 : i32
      %mul3A_172 = arith.constant 96 : i32
      %mul3A_173 = arith.muli %add3A_171, %mul3A_172 : i32
      %add3A_174 = arith.constant 0 : i32
      %add3A_175 = arith.addi %mul3A_173, %add3A_174 : i32
      %get3A_176 = arith.index_cast %add3A_175 : i32 to index
      %get3A_177 = tpu.vector_load %arg8[%get3A_176] {strides = array<i32>} : memref<10080xi32, #tpu.memory_space<vmem>>, vector<16xi32>,
      %get3A_178 = vector.shape_cast %get3A_177 : vector<16xi32> to vector<16xi32>
      %swap3A_179 = arith.constant 0 : index
      %swap3A_180 = tpu.vector_load %arg10[%swap3A_179] {strides = array<i32>} : memref<96xi32, #tpu.memory_space<vmem>>, vector<16xi32>,
      %swap3A_181 = vector.shape_cast %swap3A_180 : vector<16xi32> to vector<16xi32>
      %swap3A_182 = vector.shape_cast %get3A_178 : vector<16xi32> to vector<16xi32>
      tpu.vector_store %arg10[%swap3A_179], %swap3A_182 {strides = array<i32>} : memref<96xi32, #tpu.memory_space<vmem>>, vector<16xi32>,
      %mul3A_183 = arith.constant 96 : i32
      %mul3A_184 = arith.muli %add3A_171, %mul3A_183 : i32
      %add3A_185 = arith.constant 16 : i32
      %add3A_186 = arith.addi %mul3A_184, %add3A_185 : i32
      %get3A_187 = arith.index_cast %add3A_186 : i32 to index
      %get3A_188 = tpu.vector_load %arg8[%get3A_187] {strides = array<i32>} : memref<10080xi32, #tpu.memory_space<vmem>>, vector<16xi32>,
      %get3A_189 = vector.shape_cast %get3A_188 : vector<16xi32> to vector<16xi32>
      %swap3A_190 = arith.constant 16 : index
      %swap3A_191 = tpu.vector_load %arg10[%swap3A_190] {strides = array<i32>} : memref<96xi32, #tpu.memory_space<vmem>>, vector<16xi32>,
      %swap3A_192 = vector.shape_cast %swap3A_191 : vector<16xi32> to vector<16xi32>
      %swap3A_193 = vector.shape_cast %get3A_189 : vector<16xi32> to vector<16xi32>
      tpu.vector_store %arg10[%swap3A_190], %swap3A_193 {strides = array<i32>} : memref<96xi32, #tpu.memory_space<vmem>>, vector<16xi32>,
      %mul3A_194 = arith.constant 96 : i32
      %mul3A_195 = arith.muli %add3A_171, %mul3A_194 : i32
      %add3A_196 = arith.constant 32 : i32
      %add3A_197 = arith.addi %mul3A_195, %add3A_196 : i32
      %get3A_198 = arith.index_cast %add3A_197 : i32 to index
      %get3A_199 = tpu.vector_load %arg8[%get3A_198] {strides = array<i32>} : memref<10080xi32, #tpu.memory_space<vmem>>, vector<16xi32>,
      %get3A_200 = vector.shape_cast %get3A_199 : vector<16xi32> to vector<16xi32>
      %swap3A_201 = arith.constant 32 : index
      %swap3A_202 = tpu.vector_load %arg10[%swap3A_201] {strides = array<i32>} : memref<96xi32, #tpu.memory_space<vmem>>, vector<16xi32>,
      %swap3A_203 = vector.shape_cast %swap3A_202 : vector<16xi32> to vector<16xi32>
      %swap3A_204 = vector.shape_cast %get3A_200 : vector<16xi32> to vector<16xi32>
      tpu.vector_store %arg10[%swap3A_201], %swap3A_204 {strides = array<i32>} : memref<96xi32, #tpu.memory_space<vmem>>, vector<16xi32>,
      %mul3A_205 = arith.constant 96 : i32
      %mul3A_206 = arith.muli %add3A_171, %mul3A_205 : i32
      %add3A_207 = arith.constant 48 : i32
      %add3A_208 = arith.addi %mul3A_206, %add3A_207 : i32
      %get3A_209 = arith.index_cast %add3A_208 : i32 to index
      %get3A_210 = tpu.vector_load %arg8[%get3A_209] {strides = array<i32>} : memref<10080xi32, #tpu.memory_space<vmem>>, vector<16xi32>,
      %get3A_211 = vector.shape_cast %get3A_210 : vector<16xi32> to vector<16xi32>
      %swap3A_212 = arith.constant 48 : index
      %swap3A_213 = tpu.vector_load %arg10[%swap3A_212] {strides = array<i32>} : memref<96xi32, #tpu.memory_space<vmem>>, vector<16xi32>,
      %swap3A_214 = vector.shape_cast %swap3A_213 : vector<16xi32> to vector<16xi32>
      %swap3A_215 = vector.shape_cast %get3A_211 : vector<16xi32> to vector<16xi32>
      tpu.vector_store %arg10[%swap3A_212], %swap3A_215 {strides = array<i32>} : memref<96xi32, #tpu.memory_space<vmem>>, vector<16xi32>,
      %mul3A_216 = arith.constant 96 : i32
      %mul3A_217 = arith.muli %add3A_171, %mul3A_216 : i32
      %add3A_218 = arith.constant 64 : i32
      %add3A_219 = arith.addi %mul3A_217, %add3A_218 : i32
      %get3A_220 = arith.index_cast %add3A_219 : i32 to index
      %get3A_221 = tpu.vector_load %arg8[%get3A_220] {strides = array<i32>} : memref<10080xi32, #tpu.memory_space<vmem>>, vector<16xi32>,
      %get3A_222 = vector.shape_cast %get3A_221 : vector<16xi32> to vector<16xi32>
      %swap3A_223 = arith.constant 64 : index
      %swap3A_224 = tpu.vector_load %arg10[%swap3A_223] {strides = array<i32>} : memref<96xi32, #tpu.memory_space<vmem>>, vector<16xi32>,
      %swap3A_225 = vector.shape_cast %swap3A_224 : vector<16xi32> to vector<16xi32>
      %swap3A_226 = vector.shape_cast %get3A_222 : vector<16xi32> to vector<16xi32>
      tpu.vector_store %arg10[%swap3A_223], %swap3A_226 {strides = array<i32>} : memref<96xi32, #tpu.memory_space<vmem>>, vector<16xi32>,
      %mul3A_227 = arith.constant 96 : i32
      %mul3A_228 = arith.muli %add3A_171, %mul3A_227 : i32
      %add3A_229 = arith.constant 80 : i32
      %add3A_230 = arith.addi %mul3A_228, %add3A_229 : i32
      %get3A_231 = arith.index_cast %add3A_230 : i32 to index
      %get3A_232 = tpu.vector_load %arg8[%get3A_231] {strides = array<i32>} : memref<10080xi32, #tpu.memory_space<vmem>>, vector<16xi32>,
      %get3A_233 = vector.shape_cast %get3A_232 : vector<16xi32> to vector<16xi32>
      %swap3A_234 = arith.constant 80 : index
      %swap3A_235 = tpu.vector_load %arg10[%swap3A_234] {strides = array<i32>} : memref<96xi32, #tpu.memory_space<vmem>>, vector<16xi32>,
      %swap3A_236 = vector.shape_cast %swap3A_235 : vector<16xi32> to vector<16xi32>
      %swap3A_237 = vector.shape_cast %get3A_233 : vector<16xi32> to vector<16xi32>
      tpu.vector_store %arg10[%swap3A_234], %swap3A_237 {strides = array<i32>} : memref<96xi32, #tpu.memory_space<vmem>>, vector<16xi32>,
      "tpu.region"() ({
        %run_scoped3A = tpu.sem_alloc : memref<!tpu.dma_semaphore, #tpu.memory_space<semaphore_mem>>
        %dma_start3A_238 = arith.constant 0 : i32
        %dma_start3A_239 = arith.constant 0 : i32
        %dma_start3A_240 = tpu.memref_slice %arg13[%dma_start3A_238, %dma_start3A_239] : memref<10016x128xf32, #tpu.memory_space<vmem_shared>> -> memref<10016x128xf32, #tpu.memory_space<vmem_shared>>
        tpu.enqueue_indirect_dma source(%arg12 : memref<96x128xf32, #tpu.memory_space<vmem>>) target(%dma_start3A_240 : memref<10016x128xf32, #tpu.memory_space<vmem_shared>>) offsets(%arg10 : memref<96xi32, #tpu.memory_space<vmem>>) semaphore(%run_scoped3A : memref<!tpu.dma_semaphore, #tpu.memory_space<semaphore_mem>>) {add = true}
        %dma_wait3A_241 = arith.constant 0 : i32
        %dma_wait3A_242 = arith.constant 0 : i32
        %dma_wait3A_243 = tpu.memref_slice %arg13[%dma_wait3A_241, %dma_wait3A_242] : memref<10016x128xf32, #tpu.memory_space<vmem_shared>> -> memref<10016x128xf32, #tpu.memory_space<vmem_shared>>
        tpu.wait_indirect_dma semaphore(%run_scoped3A : memref<!tpu.dma_semaphore, #tpu.memory_space<semaphore_mem>>) src(%arg12 : memref<96x128xf32, #tpu.memory_space<vmem>>) dst(%dma_wait3A_243 : memref<10016x128xf32, #tpu.memory_space<vmem_shared>>)
        tpu.yield
      }) : () -> ()
    }
    %scan3A_19 = arith.constant 52 : i32
    %dma_wait3A = arith.constant 0 : i32
    %dma_wait3A_20 = tpu.memref_slice %arg7[%dma_wait3A] : memref<10080xi32, #tpu.memory_space<vmem>> -> memref<96xi32, #tpu.memory_space<vmem>>
    %dma_wait3A_21 = arith.constant 0 : i32
    %dma_wait3A_22 = arith.constant 0 : i32
    %dma_wait3A_23 = tpu.memref_slice %arg2[%dma_wait3A_21, %dma_wait3A_22] : memref<10000x128xf32, #tpu.memory_space<hbm>> -> memref<10000x128xf32, #tpu.memory_space<hbm>>
    tpu.wait_indirect_dma semaphore(%arg14 : memref<!tpu.dma_semaphore, #tpu.memory_space<semaphore_mem>>) src(%dma_wait3A_23 : memref<10000x128xf32, #tpu.memory_space<hbm>>) dst(%arg11 : memref<96x128xf32, #tpu.memory_space<vmem>>)
    %get3A = arith.constant 9984 : index
    %get3A_24 = tpu.vector_load %arg8[%get3A] {strides = array<i32>} : memref<10080xi32, #tpu.memory_space<vmem>>, vector<16xi32>,
    %get3A_25 = vector.shape_cast %get3A_24 : vector<16xi32> to vector<16xi32>
    %swap3A = arith.constant 0 : index
    %swap3A_26 = tpu.vector_load %arg9[%swap3A] {strides = array<i32>} : memref<96xi32, #tpu.memory_space<vmem>>, vector<16xi32>,
    %swap3A_27 = vector.shape_cast %swap3A_26 : vector<16xi32> to vector<16xi32>
    %swap3A_28 = vector.shape_cast %get3A_25 : vector<16xi32> to vector<16xi32>
    tpu.vector_store %arg9[%swap3A], %swap3A_28 {strides = array<i32>} : memref<96xi32, #tpu.memory_space<vmem>>, vector<16xi32>,
    %get3A_29 = arith.constant 10000 : index
    %get3A_30 = tpu.vector_load %arg8[%get3A_29] {strides = array<i32>} : memref<10080xi32, #tpu.memory_space<vmem>>, vector<16xi32>,
    %get3A_31 = vector.shape_cast %get3A_30 : vector<16xi32> to vector<16xi32>
    %swap3A_32 = arith.constant 16 : index
    %swap3A_33 = tpu.vector_load %arg9[%swap3A_32] {strides = array<i32>} : memref<96xi32, #tpu.memory_space<vmem>>, vector<16xi32>,
    %swap3A_34 = vector.shape_cast %swap3A_33 : vector<16xi32> to vector<16xi32>
    %swap3A_35 = vector.shape_cast %get3A_31 : vector<16xi32> to vector<16xi32>
    tpu.vector_store %arg9[%swap3A_32], %swap3A_35 {strides = array<i32>} : memref<96xi32, #tpu.memory_space<vmem>>, vector<16xi32>,
    %get3A_36 = arith.constant 10016 : index
    %get3A_37 = tpu.vector_load %arg8[%get3A_36] {strides = array<i32>} : memref<10080xi32, #tpu.memory_space<vmem>>, vector<16xi32>,
    %get3A_38 = vector.shape_cast %get3A_37 : vector<16xi32> to vector<16xi32>
    %swap3A_39 = arith.constant 32 : index
    %swap3A_40 = tpu.vector_load %arg9[%swap3A_39] {strides = array<i32>} : memref<96xi32, #tpu.memory_space<vmem>>, vector<16xi32>,
    %swap3A_41 = vector.shape_cast %swap3A_40 : vector<16xi32> to vector<16xi32>
    %swap3A_42 = vector.shape_cast %get3A_38 : vector<16xi32> to vector<16xi32>
    tpu.vector_store %arg9[%swap3A_39], %swap3A_42 {strides = array<i32>} : memref<96xi32, #tpu.memory_space<vmem>>, vector<16xi32>,
    %get3A_43 = arith.constant 10032 : index
    %get3A_44 = tpu.vector_load %arg8[%get3A_43] {strides = array<i32>} : memref<10080xi32, #tpu.memory_space<vmem>>, vector<16xi32>,
    %get3A_45 = vector.shape_cast %get3A_44 : vector<16xi32> to vector<16xi32>
    %swap3A_46 = arith.constant 48 : index
    %swap3A_47 = tpu.vector_load %arg9[%swap3A_46] {strides = array<i32>} : memref<96xi32, #tpu.memory_space<vmem>>, vector<16xi32>,
    %swap3A_48 = vector.shape_cast %swap3A_47 : vector<16xi32> to vector<16xi32>
    %swap3A_49 = vector.shape_cast %get3A_45 : vector<16xi32> to vector<16xi32>
    tpu.vector_store %arg9[%swap3A_46], %swap3A_49 {strides = array<i32>} : memref<96xi32, #tpu.memory_space<vmem>>, vector<16xi32>,
    %get3A_50 = arith.constant 10048 : index
    %get3A_51 = tpu.vector_load %arg8[%get3A_50] {strides = array<i32>} : memref<10080xi32, #tpu.memory_space<vmem>>, vector<16xi32>,
    %get3A_52 = vector.shape_cast %get3A_51 : vector<16xi32> to vector<16xi32>
    %swap3A_53 = arith.constant 64 : index
    %swap3A_54 = tpu.vector_load %arg9[%swap3A_53] {strides = array<i32>} : memref<96xi32, #tpu.memory_space<vmem>>, vector<16xi32>,
    %swap3A_55 = vector.shape_cast %swap3A_54 : vector<16xi32> to vector<16xi32>
    %swap3A_56 = vector.shape_cast %get3A_52 : vector<16xi32> to vector<16xi32>
    tpu.vector_store %arg9[%swap3A_53], %swap3A_56 {strides = array<i32>} : memref<96xi32, #tpu.memory_space<vmem>>, vector<16xi32>,
    %get3A_57 = arith.constant 10064 : index
    %get3A_58 = tpu.vector_load %arg8[%get3A_57] {strides = array<i32>} : memref<10080xi32, #tpu.memory_space<vmem>>, vector<16xi32>,
    %get3A_59 = vector.shape_cast %get3A_58 : vector<16xi32> to vector<16xi32>
    %swap3A_60 = arith.constant 80 : index
    %swap3A_61 = tpu.vector_load %arg9[%swap3A_60] {strides = array<i32>} : memref<96xi32, #tpu.memory_space<vmem>>, vector<16xi32>,
    %swap3A_62 = vector.shape_cast %swap3A_61 : vector<16xi32> to vector<16xi32>
    %swap3A_63 = vector.shape_cast %get3A_59 : vector<16xi32> to vector<16xi32>
    tpu.vector_store %arg9[%swap3A_60], %swap3A_63 {strides = array<i32>} : memref<96xi32, #tpu.memory_space<vmem>>, vector<16xi32>,
    "tpu.region"() ({
      %run_scoped3A = tpu.sem_alloc : memref<!tpu.dma_semaphore, #tpu.memory_space<semaphore_mem>>
      %dma_start3A_75 = arith.constant 0 : i32
      %dma_start3A_76 = arith.constant 0 : i32
      %dma_start3A_77 = tpu.memref_slice %arg13[%dma_start3A_75, %dma_start3A_76] : memref<10016x128xf32, #tpu.memory_space<vmem_shared>> -> memref<10016x128xf32, #tpu.memory_space<vmem_shared>>
      tpu.enqueue_indirect_dma source(%arg11 : memref<96x128xf32, #tpu.memory_space<vmem>>) target(%dma_start3A_77 : memref<10016x128xf32, #tpu.memory_space<vmem_shared>>) offsets(%arg9 : memref<96xi32, #tpu.memory_space<vmem>>) semaphore(%run_scoped3A : memref<!tpu.dma_semaphore, #tpu.memory_space<semaphore_mem>>) {add = true}
      %dma_wait3A_78 = arith.constant 0 : i32
      %dma_wait3A_79 = arith.constant 0 : i32
      %dma_wait3A_80 = tpu.memref_slice %arg13[%dma_wait3A_78, %dma_wait3A_79] : memref<10016x128xf32, #tpu.memory_space<vmem_shared>> -> memref<10016x128xf32, #tpu.memory_space<vmem_shared>>
      tpu.wait_indirect_dma semaphore(%run_scoped3A : memref<!tpu.dma_semaphore, #tpu.memory_space<semaphore_mem>>) src(%arg11 : memref<96x128xf32, #tpu.memory_space<vmem>>) dst(%dma_wait3A_80 : memref<10016x128xf32, #tpu.memory_space<vmem_shared>>)
      tpu.yield
    }) : () -> ()
    %barrier3A_64 = arith.constant 0 : index
    tpu.barrier barrier_id(%barrier3A_64)
    %lt3A_65 = arith.constant 15 : i32
    %lt3A_66 = arith.cmpi slt, %arg1, %lt3A_65 : i32
    %convert_element_type3A_67 = arith.extui %lt3A_66 : i1 to i32
    %cond3A_68 = arith.constant 0 : i32
    %cond3A_69 = arith.cmpi ne, %convert_element_type3A_67, %cond3A_68 : i32
    scf.if %cond3A_69 {
      %mul3A_75 = arith.constant 624 : i32
      %mul3A_76 = arith.muli %arg1, %mul3A_75 : i32
      %multiple_of3A = tpu.assume_multiple %mul3A_76, 8 : i32
      "tpu.region"() ({
        %run_scoped3A = tpu.sem_alloc : memref<!tpu.dma_semaphore, #tpu.memory_space<semaphore_mem>>
        %dma_start3A_77 = arith.constant 0 : i32
        %dma_start3A_78 = tpu.memref_slice %arg6[%arg0, %multiple_of3A, %dma_start3A_77] : memref<2x10000x128xf32, #tpu.memory_space<hbm>> -> memref<1x624x128xf32, #tpu.memory_space<hbm>>
        %dma_start3A_79 = tpu.memref_squeeze %dma_start3A_78 : memref<1x624x128xf32, #tpu.memory_space<hbm>> -> memref<624x128xf32, #tpu.memory_space<hbm>>
        %dma_start3A_80 = arith.constant 0 : i32
        %dma_start3A_81 = tpu.memref_slice %arg13[%multiple_of3A, %dma_start3A_80] : memref<10016x128xf32, #tpu.memory_space<vmem_shared>> -> memref<624x128xf32, #tpu.memory_space<vmem_shared>>
        tpu.enqueue_dma source(%dma_start3A_81 : memref<624x128xf32, #tpu.memory_space<vmem_shared>>) target(%dma_start3A_79 : memref<624x128xf32, #tpu.memory_space<hbm>>) target_semaphore(%run_scoped3A : memref<!tpu.dma_semaphore, #tpu.memory_space<semaphore_mem>>)
        %dma_wait3A_82 = arith.constant 0 : i32
        %dma_wait3A_83 = tpu.memref_slice %arg6[%arg0, %multiple_of3A, %dma_wait3A_82] : memref<2x10000x128xf32, #tpu.memory_space<hbm>> -> memref<1x624x128xf32, #tpu.memory_space<hbm>>
        %dma_wait3A_84 = tpu.memref_squeeze %dma_wait3A_83 : memref<1x624x128xf32, #tpu.memory_space<hbm>> -> memref<624x128xf32, #tpu.memory_space<hbm>>
        %dma_wait3A_85 = arith.constant 0 : i32
        %dma_wait3A_86 = tpu.memref_slice %arg13[%multiple_of3A, %dma_wait3A_85] : memref<10016x128xf32, #tpu.memory_space<vmem_shared>> -> memref<624x128xf32, #tpu.memory_space<vmem_shared>>
        tpu.wait_dma2 semaphore(%run_scoped3A : memref<!tpu.dma_semaphore, #tpu.memory_space<semaphore_mem>>) src(%dma_wait3A_86 : memref<624x128xf32, #tpu.memory_space<vmem_shared>>) dst(%dma_wait3A_84 : memref<624x128xf32, #tpu.memory_space<hbm>>)
        tpu.yield
      }) : () -> ()
    } else {
    }
    %eq3A_70 = arith.constant 15 : i32
    %eq3A_71 = arith.cmpi eq, %arg1, %eq3A_70 : i32
    %convert_element_type3A_72 = arith.extui %eq3A_71 : i1 to i32
    %cond3A_73 = arith.constant 0 : i32
    %cond3A_74 = arith.cmpi ne, %convert_element_type3A_72, %cond3A_73 : i32
    scf.if %cond3A_74 {
      "tpu.region"() ({
        %run_scoped3A = tpu.sem_alloc : memref<!tpu.dma_semaphore, #tpu.memory_space<semaphore_mem>>
        %dma_start3A_75 = arith.constant 9360 : i32
        %dma_start3A_76 = arith.constant 0 : i32
        %dma_start3A_77 = tpu.memref_slice %arg6[%arg0, %dma_start3A_75, %dma_start3A_76] : memref<2x10000x128xf32, #tpu.memory_space<hbm>> -> memref<1x640x128xf32, #tpu.memory_space<hbm>>
        %dma_start3A_78 = tpu.memref_squeeze %dma_start3A_77 : memref<1x640x128xf32, #tpu.memory_space<hbm>> -> memref<640x128xf32, #tpu.memory_space<hbm>>
        %dma_start3A_79 = arith.constant 9360 : i32
        %dma_start3A_80 = arith.constant 0 : i32
        %dma_start3A_81 = tpu.memref_slice %arg13[%dma_start3A_79, %dma_start3A_80] : memref<10016x128xf32, #tpu.memory_space<vmem_shared>> -> memref<640x128xf32, #tpu.memory_space<vmem_shared>>
        tpu.enqueue_dma source(%dma_start3A_81 : memref<640x128xf32, #tpu.memory_space<vmem_shared>>) target(%dma_start3A_78 : memref<640x128xf32, #tpu.memory_space<hbm>>) target_semaphore(%run_scoped3A : memref<!tpu.dma_semaphore, #tpu.memory_space<semaphore_mem>>)
        %dma_wait3A_82 = arith.constant 9360 : i32
        %dma_wait3A_83 = arith.constant 0 : i32
        %dma_wait3A_84 = tpu.memref_slice %arg6[%arg0, %dma_wait3A_82, %dma_wait3A_83] : memref<2x10000x128xf32, #tpu.memory_space<hbm>> -> memref<1x640x128xf32, #tpu.memory_space<hbm>>
        %dma_wait3A_85 = tpu.memref_squeeze %dma_wait3A_84 : memref<1x640x128xf32, #tpu.memory_space<hbm>> -> memref<640x128xf32, #tpu.memory_space<hbm>>
        %dma_wait3A_86 = arith.constant 9360 : i32
        %dma_wait3A_87 = arith.constant 0 : i32
        %dma_wait3A_88 = tpu.memref_slice %arg13[%dma_wait3A_86, %dma_wait3A_87] : memref<10016x128xf32, #tpu.memory_space<vmem_shared>> -> memref<640x128xf32, #tpu.memory_space<vmem_shared>>
        tpu.wait_dma2 semaphore(%run_scoped3A : memref<!tpu.dma_semaphore, #tpu.memory_space<semaphore_mem>>) src(%dma_wait3A_88 : memref<640x128xf32, #tpu.memory_space<vmem_shared>>) dst(%dma_wait3A_85 : memref<640x128xf32, #tpu.memory_space<hbm>>)
        tpu.yield
      }) : () -> ()
    } else {
    }
    return
  }
}

#map = affine_map<(d0, d1) -> (0, 0)>
#map1 = affine_map<(d0, d1) -> (0)>
#map2 = affine_map<(d0, d1) -> (0, 0, 0)>
module attributes {stable_mosaic.version = 14 : i64} {
  func.func @_spmm_body(%arg0: i32, %arg1: i32, %arg2: memref<10000x128xf32, #tpu.memory_space<hbm>>, %arg3: memref<322560xi32, #tpu.memory_space<hbm>>, %arg4: memref<322560xi32, #tpu.memory_space<hbm>>, %arg5: memref<10000x128xf32, #tpu.memory_space<hbm>>, %arg6: memref<2x10000x128xf32, #tpu.memory_space<hbm>>, %arg7: memref<10080xi32, #tpu.memory_space<vmem>>, %arg8: memref<10080xi32, #tpu.memory_space<vmem>>, %arg9: memref<96xi32, #tpu.memory_space<vmem>>, %arg10: memref<96xi32, #tpu.memory_space<vmem>>, %arg11: memref<96x128xf32, #tpu.memory_space<vmem>>, %arg12: memref<96x128xf32, #tpu.memory_space<vmem>>, %arg13: memref<10016x128xf32, #tpu.memory_space<vmem_shared>>, %arg14: memref<!tpu.dma_semaphore, #tpu.memory_space<semaphore_mem>>, %arg15: memref<!tpu.dma_semaphore, #tpu.memory_space<semaphore_mem>>) attributes {dimension_semantics = [#tpu.dimension_semantics<core_parallel>, #tpu.dimension_semantics<subcore_parallel>], iteration_bounds = array<i64: 2, 16>, scalar_prefetch = 0 : i64, scratch_operands = 9 : i64, tpu.core_type = #tpu.core_type<sc_vector_subcore>, window_params = [{transform_indices = #map}, {transform_indices = #map1}, {transform_indices = #map1}, {transform_indices = #map}, {transform_indices = #map2}]} {
    %mul3A = arith.constant 16 : i32
    %mul3A_0 = arith.muli %arg0, %mul3A : i32
    %add3A = arith.addi %mul3A_0, %arg1 : i32
    %lt3A = arith.constant 15 : i32
    %lt3A_1 = arith.cmpi slt, %arg1, %lt3A : i32
    %convert_element_type3A = arith.extui %lt3A_1 : i1 to i32
    %cond3A = arith.constant 0 : i32
    %cond3A_2 = arith.cmpi ne, %convert_element_type3A, %cond3A : i32
    scf.if %cond3A_2 {
      %mul3A_75 = arith.constant 624 : i32
      %mul3A_76 = arith.muli %arg1, %mul3A_75 : i32
      %multiple_of3A = tpu.assume_multiple %mul3A_76, 8 : i32
      "tpu.region"() ({
        %run_scoped3A = tpu.sem_alloc : memref<!tpu.dma_semaphore, #tpu.memory_space<semaphore_mem>>
        %dma_start3A_77 = arith.constant 0 : i32
        %dma_start3A_78 = tpu.memref_slice %arg13[%multiple_of3A, %dma_start3A_77] : memref<10016x128xf32, #tpu.memory_space<vmem_shared>> -> memref<624x128xf32, #tpu.memory_space<vmem_shared>>
        %dma_start3A_79 = arith.constant 0 : i32
        %dma_start3A_80 = tpu.memref_slice %arg5[%multiple_of3A, %dma_start3A_79] : memref<10000x128xf32, #tpu.memory_space<hbm>> -> memref<624x128xf32, #tpu.memory_space<hbm>>
        tpu.enqueue_dma source(%dma_start3A_80 : memref<624x128xf32, #tpu.memory_space<hbm>>) target(%dma_start3A_78 : memref<624x128xf32, #tpu.memory_space<vmem_shared>>) target_semaphore(%run_scoped3A : memref<!tpu.dma_semaphore, #tpu.memory_space<semaphore_mem>>)
        %dma_wait3A_81 = arith.constant 0 : i32
        %dma_wait3A_82 = tpu.memref_slice %arg13[%multiple_of3A, %dma_wait3A_81] : memref<10016x128xf32, #tpu.memory_space<vmem_shared>> -> memref<624x128xf32, #tpu.memory_space<vmem_shared>>
        %dma_wait3A_83 = arith.constant 0 : i32
        %dma_wait3A_84 = tpu.memref_slice %arg5[%multiple_of3A, %dma_wait3A_83] : memref<10000x128xf32, #tpu.memory_space<hbm>> -> memref<624x128xf32, #tpu.memory_space<hbm>>
        tpu.wait_dma2 semaphore(%run_scoped3A : memref<!tpu.dma_semaphore, #tpu.memory_space<semaphore_mem>>) src(%dma_wait3A_84 : memref<624x128xf32, #tpu.memory_space<hbm>>) dst(%dma_wait3A_82 : memref<624x128xf32, #tpu.memory_space<vmem_shared>>)
        tpu.yield
      }) : () -> ()
    } else {
    }
    %eq3A = arith.constant 15 : i32
    %eq3A_3 = arith.cmpi eq, %arg1, %eq3A : i32
    %convert_element_type3A_4 = arith.extui %eq3A_3 : i1 to i32
    %cond3A_5 = arith.constant 0 : i32
    %cond3A_6 = arith.cmpi ne, %convert_element_type3A_4, %cond3A_5 : i32
    scf.if %cond3A_6 {
      "tpu.region"() ({
        %run_scoped3A = tpu.sem_alloc : memref<!tpu.dma_semaphore, #tpu.memory_space<semaphore_mem>>
        %dma_start3A_75 = arith.constant 9360 : i32
        %dma_start3A_76 = arith.constant 0 : i32
        %dma_start3A_77 = tpu.memref_slice %arg13[%dma_start3A_75, %dma_start3A_76] : memref<10016x128xf32, #tpu.memory_space<vmem_shared>> -> memref<640x128xf32, #tpu.memory_space<vmem_shared>>
        %dma_start3A_78 = arith.constant 9360 : i32
        %dma_start3A_79 = arith.constant 0 : i32
        %dma_start3A_80 = tpu.memref_slice %arg5[%dma_start3A_78, %dma_start3A_79] : memref<10000x128xf32, #tpu.memory_space<hbm>> -> memref<640x128xf32, #tpu.memory_space<hbm>>
        tpu.enqueue_dma source(%dma_start3A_80 : memref<640x128xf32, #tpu.memory_space<hbm>>) target(%dma_start3A_77 : memref<640x128xf32, #tpu.memory_space<vmem_shared>>) target_semaphore(%run_scoped3A : memref<!tpu.dma_semaphore, #tpu.memory_space<semaphore_mem>>)
        %dma_wait3A_81 = arith.constant 9360 : i32
        %dma_wait3A_82 = arith.constant 0 : i32
        %dma_wait3A_83 = tpu.memref_slice %arg13[%dma_wait3A_81, %dma_wait3A_82] : memref<10016x128xf32, #tpu.memory_space<vmem_shared>> -> memref<640x128xf32, #tpu.memory_space<vmem_shared>>
        %dma_wait3A_84 = arith.constant 9360 : i32
        %dma_wait3A_85 = arith.constant 0 : i32
        %dma_wait3A_86 = tpu.memref_slice %arg5[%dma_wait3A_84, %dma_wait3A_85] : memref<10000x128xf32, #tpu.memory_space<hbm>> -> memref<640x128xf32, #tpu.memory_space<hbm>>
        tpu.wait_dma2 semaphore(%run_scoped3A : memref<!tpu.dma_semaphore, #tpu.memory_space<semaphore_mem>>) src(%dma_wait3A_86 : memref<640x128xf32, #tpu.memory_space<hbm>>) dst(%dma_wait3A_83 : memref<640x128xf32, #tpu.memory_space<vmem_shared>>)
        tpu.yield
      }) : () -> ()
    } else {
    }
    %mul3A_7 = arith.constant 10080 : i32
    %mul3A_8 = arith.muli %add3A, %mul3A_7 : i32
    "tpu.region"() ({
      %run_scoped3A = tpu.sem_alloc : memref<!tpu.dma_semaphore, #tpu.memory_space<semaphore_mem>>
      %dma_start3A_75 = tpu.memref_slice %arg3[%mul3A_8] : memref<322560xi32, #tpu.memory_space<hbm>> -> memref<10080xi32, #tpu.memory_space<hbm>>
      %dma_start3A_76 = tpu.memref_slice %arg3[%mul3A_8] : memref<322560xi32, #tpu.memory_space<hbm>> -> memref<10080xi32, #tpu.memory_space<hbm>>
      tpu.enqueue_dma source(%dma_start3A_76 : memref<10080xi32, #tpu.memory_space<hbm>>) target(%arg7 : memref<10080xi32, #tpu.memory_space<vmem>>) target_semaphore(%run_scoped3A : memref<!tpu.dma_semaphore, #tpu.memory_space<semaphore_mem>>)
      %dma_wait3A_77 = tpu.memref_slice %arg3[%mul3A_8] : memref<322560xi32, #tpu.memory_space<hbm>> -> memref<10080xi32, #tpu.memory_space<hbm>>
      %dma_wait3A_78 = tpu.memref_slice %arg3[%mul3A_8] : memref<322560xi32, #tpu.memory_space<hbm>> -> memref<10080xi32, #tpu.memory_space<hbm>>
      tpu.wait_dma2 semaphore(%run_scoped3A : memref<!tpu.dma_semaphore, #tpu.memory_space<semaphore_mem>>) src(%dma_wait3A_78 : memref<10080xi32, #tpu.memory_space<hbm>>) dst(%arg7 : memref<10080xi32, #tpu.memory_space<vmem>>)
      tpu.yield
    }) : () -> ()
    %mul3A_9 = arith.constant 10080 : i32
    %mul3A_10 = arith.muli %add3A, %mul3A_9 : i32
    "tpu.region"() ({
      %run_scoped3A = tpu.sem_alloc : memref<!tpu.dma_semaphore, #tpu.memory_space<semaphore_mem>>
      %dma_start3A_75 = tpu.memref_slice %arg4[%mul3A_10] : memref<322560xi32, #tpu.memory_space<hbm>> -> memref<10080xi32, #tpu.memory_space<hbm>>
      %dma_start3A_76 = tpu.memref_slice %arg4[%mul3A_10] : memref<322560xi32, #tpu.memory_space<hbm>> -> memref<10080xi32, #tpu.memory_space<hbm>>
      tpu.enqueue_dma source(%dma_start3A_76 : memref<10080xi32, #tpu.memory_space<hbm>>) target(%arg8 : memref<10080xi32, #tpu.memory_space<vmem>>) target_semaphore(%run_scoped3A : memref<!tpu.dma_semaphore, #tpu.memory_space<semaphore_mem>>)
      %dma_wait3A_77 = tpu.memref_slice %arg4[%mul3A_10] : memref<322560xi32, #tpu.memory_space<hbm>> -> memref<10080xi32, #tpu.memory_space<hbm>>
      %dma_wait3A_78 = tpu.memref_slice %arg4[%mul3A_10] : memref<322560xi32, #tpu.memory_space<hbm>> -> memref<10080xi32, #tpu.memory_space<hbm>>
      tpu.wait_dma2 semaphore(%run_scoped3A : memref<!tpu.dma_semaphore, #tpu.memory_space<semaphore_mem>>) src(%dma_wait3A_78 : memref<10080xi32, #tpu.memory_space<hbm>>) dst(%arg8 : memref<10080xi32, #tpu.memory_space<vmem>>)
      tpu.yield
    }) : () -> ()
    %barrier3A = arith.constant 0 : index
    tpu.barrier barrier_id(%barrier3A)
    %dma_start3A = arith.constant 0 : i32
    %dma_start3A_11 = tpu.memref_slice %arg7[%dma_start3A] : memref<10080xi32, #tpu.memory_space<vmem>> -> memref<96xi32, #tpu.memory_space<vmem>>
    %dma_start3A_12 = arith.constant 0 : i32
    %dma_start3A_13 = arith.constant 0 : i32
    %dma_start3A_14 = tpu.memref_slice %arg2[%dma_start3A_12, %dma_start3A_13] : memref<10000x128xf32, #tpu.memory_space<hbm>> -> memref<10000x128xf32, #tpu.memory_space<hbm>>
    tpu.enqueue_indirect_dma source(%dma_start3A_14 : memref<10000x128xf32, #tpu.memory_space<hbm>>) target(%arg11 : memref<96x128xf32, #tpu.memory_space<vmem>>) offsets(%dma_start3A_11 : memref<96xi32, #tpu.memory_space<vmem>>) semaphore(%arg14 : memref<!tpu.dma_semaphore, #tpu.memory_space<semaphore_mem>>)
    %scan3A = arith.constant 0 : i32
    %scan3A_15 = arith.constant 0 : i32
    %scan3A_16 = arith.constant 52 : i32
    %scan3A_17 = arith.addi %scan3A_15, %scan3A_16 : i32
    %scan3A_18 = arith.constant 1 : i32
    scf.for %scan3A_75 = %scan3A_15 to %scan3A_17 step %scan3A_18  : i32 {
      %mul3A_76 = arith.constant 2 : i32
      %mul3A_77 = arith.muli %scan3A_75, %mul3A_76 : i32
      %dma_wait3A_78 = arith.constant 0 : i32
      %dma_wait3A_79 = tpu.memref_slice %arg7[%dma_wait3A_78] : memref<10080xi32, #tpu.memory_space<vmem>> -> memref<96xi32, #tpu.memory_space<vmem>>
      %dma_wait3A_80 = arith.constant 0 : i32
      %dma_wait3A_81 = arith.constant 0 : i32
      %dma_wait3A_82 = tpu.memref_slice %arg2[%dma_wait3A_80, %dma_wait3A_81] : memref<10000x128xf32, #tpu.memory_space<hbm>> -> memref<10000x128xf32, #tpu.memory_space<hbm>>
      tpu.wait_indirect_dma semaphore(%arg14 : memref<!tpu.dma_semaphore, #tpu.memory_space<semaphore_mem>>) src(%dma_wait3A_82 : memref<10000x128xf32, #tpu.memory_space<hbm>>) dst(%arg11 : memref<96x128xf32, #tpu.memory_space<vmem>>)
      %add3A_83 = arith.constant 1 : i32
      %add3A_84 = arith.addi %mul3A_77, %add3A_83 : i32
      %mul3A_85 = arith.constant 96 : i32
      %mul3A_86 = arith.muli %add3A_84, %mul3A_85 : i32
      %dma_start3A_87 = tpu.memref_slice %arg7[%mul3A_86] : memref<10080xi32, #tpu.memory_space<vmem>> -> memref<96xi32, #tpu.memory_space<vmem>>
      %dma_start3A_88 = arith.constant 0 : i32
      %dma_start3A_89 = arith.constant 0 : i32
      %dma_start3A_90 = tpu.memref_slice %arg2[%dma_start3A_88, %dma_start3A_89] : memref<10000x128xf32, #tpu.memory_space<hbm>> -> memref<10000x128xf32, #tpu.memory_space<hbm>>
      tpu.enqueue_indirect_dma source(%dma_start3A_90 : memref<10000x128xf32, #tpu.memory_space<hbm>>) target(%arg12 : memref<96x128xf32, #tpu.memory_space<vmem>>) offsets(%dma_start3A_87 : memref<96xi32, #tpu.memory_space<vmem>>) semaphore(%arg15 : memref<!tpu.dma_semaphore, #tpu.memory_space<semaphore_mem>>)
      %mul3A_91 = arith.constant 96 : i32
      %mul3A_92 = arith.muli %mul3A_77, %mul3A_91 : i32
      %add3A_93 = arith.constant 0 : i32
      %add3A_94 = arith.addi %mul3A_92, %add3A_93 : i32
      %get3A_95 = arith.index_cast %add3A_94 : i32 to index
      %get3A_96 = tpu.vector_load %arg8[%get3A_95] {strides = array<i32>} : memref<10080xi32, #tpu.memory_space<vmem>>, vector<16xi32>,
      %get3A_97 = vector.shape_cast %get3A_96 : vector<16xi32> to vector<16xi32>
      %swap3A_98 = arith.constant 0 : index
      %swap3A_99 = tpu.vector_load %arg9[%swap3A_98] {strides = array<i32>} : memref<96xi32, #tpu.memory_space<vmem>>, vector<16xi32>,
      %swap3A_100 = vector.shape_cast %swap3A_99 : vector<16xi32> to vector<16xi32>
      %swap3A_101 = vector.shape_cast %get3A_97 : vector<16xi32> to vector<16xi32>
      tpu.vector_store %arg9[%swap3A_98], %swap3A_101 {strides = array<i32>} : memref<96xi32, #tpu.memory_space<vmem>>, vector<16xi32>,
      %mul3A_102 = arith.constant 96 : i32
      %mul3A_103 = arith.muli %mul3A_77, %mul3A_102 : i32
      %add3A_104 = arith.constant 16 : i32
      %add3A_105 = arith.addi %mul3A_103, %add3A_104 : i32
      %get3A_106 = arith.index_cast %add3A_105 : i32 to index
      %get3A_107 = tpu.vector_load %arg8[%get3A_106] {strides = array<i32>} : memref<10080xi32, #tpu.memory_space<vmem>>, vector<16xi32>,
      %get3A_108 = vector.shape_cast %get3A_107 : vector<16xi32> to vector<16xi32>
      %swap3A_109 = arith.constant 16 : index
      %swap3A_110 = tpu.vector_load %arg9[%swap3A_109] {strides = array<i32>} : memref<96xi32, #tpu.memory_space<vmem>>, vector<16xi32>,
      %swap3A_111 = vector.shape_cast %swap3A_110 : vector<16xi32> to vector<16xi32>
      %swap3A_112 = vector.shape_cast %get3A_108 : vector<16xi32> to vector<16xi32>
      tpu.vector_store %arg9[%swap3A_109], %swap3A_112 {strides = array<i32>} : memref<96xi32, #tpu.memory_space<vmem>>, vector<16xi32>,
      %mul3A_113 = arith.constant 96 : i32
      %mul3A_114 = arith.muli %mul3A_77, %mul3A_113 : i32
      %add3A_115 = arith.constant 32 : i32
      %add3A_116 = arith.addi %mul3A_114, %add3A_115 : i32
      %get3A_117 = arith.index_cast %add3A_116 : i32 to index
      %get3A_118 = tpu.vector_load %arg8[%get3A_117] {strides = array<i32>} : memref<10080xi32, #tpu.memory_space<vmem>>, vector<16xi32>,
      %get3A_119 = vector.shape_cast %get3A_118 : vector<16xi32> to vector<16xi32>
      %swap3A_120 = arith.constant 32 : index
      %swap3A_121 = tpu.vector_load %arg9[%swap3A_120] {strides = array<i32>} : memref<96xi32, #tpu.memory_space<vmem>>, vector<16xi32>,
      %swap3A_122 = vector.shape_cast %swap3A_121 : vector<16xi32> to vector<16xi32>
      %swap3A_123 = vector.shape_cast %get3A_119 : vector<16xi32> to vector<16xi32>
      tpu.vector_store %arg9[%swap3A_120], %swap3A_123 {strides = array<i32>} : memref<96xi32, #tpu.memory_space<vmem>>, vector<16xi32>,
      %mul3A_124 = arith.constant 96 : i32
      %mul3A_125 = arith.muli %mul3A_77, %mul3A_124 : i32
      %add3A_126 = arith.constant 48 : i32
      %add3A_127 = arith.addi %mul3A_125, %add3A_126 : i32
      %get3A_128 = arith.index_cast %add3A_127 : i32 to index
      %get3A_129 = tpu.vector_load %arg8[%get3A_128] {strides = array<i32>} : memref<10080xi32, #tpu.memory_space<vmem>>, vector<16xi32>,
      %get3A_130 = vector.shape_cast %get3A_129 : vector<16xi32> to vector<16xi32>
      %swap3A_131 = arith.constant 48 : index
      %swap3A_132 = tpu.vector_load %arg9[%swap3A_131] {strides = array<i32>} : memref<96xi32, #tpu.memory_space<vmem>>, vector<16xi32>,
      %swap3A_133 = vector.shape_cast %swap3A_132 : vector<16xi32> to vector<16xi32>
      %swap3A_134 = vector.shape_cast %get3A_130 : vector<16xi32> to vector<16xi32>
      tpu.vector_store %arg9[%swap3A_131], %swap3A_134 {strides = array<i32>} : memref<96xi32, #tpu.memory_space<vmem>>, vector<16xi32>,
      %mul3A_135 = arith.constant 96 : i32
      %mul3A_136 = arith.muli %mul3A_77, %mul3A_135 : i32
      %add3A_137 = arith.constant 64 : i32
      %add3A_138 = arith.addi %mul3A_136, %add3A_137 : i32
      %get3A_139 = arith.index_cast %add3A_138 : i32 to index
      %get3A_140 = tpu.vector_load %arg8[%get3A_139] {strides = array<i32>} : memref<10080xi32, #tpu.memory_space<vmem>>, vector<16xi32>,
      %get3A_141 = vector.shape_cast %get3A_140 : vector<16xi32> to vector<16xi32>
      %swap3A_142 = arith.constant 64 : index
      %swap3A_143 = tpu.vector_load %arg9[%swap3A_142] {strides = array<i32>} : memref<96xi32, #tpu.memory_space<vmem>>, vector<16xi32>,
      %swap3A_144 = vector.shape_cast %swap3A_143 : vector<16xi32> to vector<16xi32>
      %swap3A_145 = vector.shape_cast %get3A_141 : vector<16xi32> to vector<16xi32>
      tpu.vector_store %arg9[%swap3A_142], %swap3A_145 {strides = array<i32>} : memref<96xi32, #tpu.memory_space<vmem>>, vector<16xi32>,
      %mul3A_146 = arith.constant 96 : i32
      %mul3A_147 = arith.muli %mul3A_77, %mul3A_146 : i32
      %add3A_148 = arith.constant 80 : i32
      %add3A_149 = arith.addi %mul3A_147, %add3A_148 : i32
      %get3A_150 = arith.index_cast %add3A_149 : i32 to index
      %get3A_151 = tpu.vector_load %arg8[%get3A_150] {strides = array<i32>} : memref<10080xi32, #tpu.memory_space<vmem>>, vector<16xi32>,
      %get3A_152 = vector.shape_cast %get3A_151 : vector<16xi32> to vector<16xi32>
      %swap3A_153 = arith.constant 80 : index
      %swap3A_154 = tpu.vector_load %arg9[%swap3A_153] {strides = array<i32>} : memref<96xi32, #tpu.memory_space<vmem>>, vector<16xi32>,
      %swap3A_155 = vector.shape_cast %swap3A_154 : vector<16xi32> to vector<16xi32>
      %swap3A_156 = vector.shape_cast %get3A_152 : vector<16xi32> to vector<16xi32>
      tpu.vector_store %arg9[%swap3A_153], %swap3A_156 {strides = array<i32>} : memref<96xi32, #tpu.memory_space<vmem>>, vector<16xi32>,
      "tpu.region"() ({
        %run_scoped3A = tpu.sem_alloc : memref<!tpu.dma_semaphore, #tpu.memory_space<semaphore_mem>>
        %dma_start3A_238 = arith.constant 0 : i32
        %dma_start3A_239 = arith.constant 0 : i32
        %dma_start3A_240 = tpu.memref_slice %arg13[%dma_start3A_238, %dma_start3A_239] : memref<10016x128xf32, #tpu.memory_space<vmem_shared>> -> memref<10016x128xf32, #tpu.memory_space<vmem_shared>>
        tpu.enqueue_indirect_dma source(%arg11 : memref<96x128xf32, #tpu.memory_space<vmem>>) target(%dma_start3A_240 : memref<10016x128xf32, #tpu.memory_space<vmem_shared>>) offsets(%arg9 : memref<96xi32, #tpu.memory_space<vmem>>) semaphore(%run_scoped3A : memref<!tpu.dma_semaphore, #tpu.memory_space<semaphore_mem>>) {add = true}
        %dma_wait3A_241 = arith.constant 0 : i32
        %dma_wait3A_242 = arith.constant 0 : i32
        %dma_wait3A_243 = tpu.memref_slice %arg13[%dma_wait3A_241, %dma_wait3A_242] : memref<10016x128xf32, #tpu.memory_space<vmem_shared>> -> memref<10016x128xf32, #tpu.memory_space<vmem_shared>>
        tpu.wait_indirect_dma semaphore(%run_scoped3A : memref<!tpu.dma_semaphore, #tpu.memory_space<semaphore_mem>>) src(%arg11 : memref<96x128xf32, #tpu.memory_space<vmem>>) dst(%dma_wait3A_243 : memref<10016x128xf32, #tpu.memory_space<vmem_shared>>)
        tpu.yield
      }) : () -> ()
      %dma_wait3A_157 = arith.constant 0 : i32
      %dma_wait3A_158 = tpu.memref_slice %arg7[%dma_wait3A_157] : memref<10080xi32, #tpu.memory_space<vmem>> -> memref<96xi32, #tpu.memory_space<vmem>>
      %dma_wait3A_159 = arith.constant 0 : i32
      %dma_wait3A_160 = arith.constant 0 : i32
      %dma_wait3A_161 = tpu.memref_slice %arg2[%dma_wait3A_159, %dma_wait3A_160] : memref<10000x128xf32, #tpu.memory_space<hbm>> -> memref<10000x128xf32, #tpu.memory_space<hbm>>
      tpu.wait_indirect_dma semaphore(%arg15 : memref<!tpu.dma_semaphore, #tpu.memory_space<semaphore_mem>>) src(%dma_wait3A_161 : memref<10000x128xf32, #tpu.memory_space<hbm>>) dst(%arg12 : memref<96x128xf32, #tpu.memory_space<vmem>>)
      %add3A_162 = arith.constant 2 : i32
      %add3A_163 = arith.addi %mul3A_77, %add3A_162 : i32
      %mul3A_164 = arith.constant 96 : i32
      %mul3A_165 = arith.muli %add3A_163, %mul3A_164 : i32
      %dma_start3A_166 = tpu.memref_slice %arg7[%mul3A_165] : memref<10080xi32, #tpu.memory_space<vmem>> -> memref<96xi32, #tpu.memory_space<vmem>>
      %dma_start3A_167 = arith.constant 0 : i32
      %dma_start3A_168 = arith.constant 0 : i32
      %dma_start3A_169 = tpu.memref_slice %arg2[%dma_start3A_167, %dma_start3A_168] : memref<10000x128xf32, #tpu.memory_space<hbm>> -> memref<10000x128xf32, #tpu.memory_space<hbm>>
      tpu.enqueue_indirect_dma source(%dma_start3A_169 : memref<10000x128xf32, #tpu.memory_space<hbm>>) target(%arg11 : memref<96x128xf32, #tpu.memory_space<vmem>>) offsets(%dma_start3A_166 : memref<96xi32, #tpu.memory_space<vmem>>) semaphore(%arg14 : memref<!tpu.dma_semaphore, #tpu.memory_space<semaphore_mem>>)
      %add3A_170 = arith.constant 1 : i32
      %add3A_171 = arith.addi %mul3A_77, %add3A_170 : i32
      %mul3A_172 = arith.constant 96 : i32
      %mul3A_173 = arith.muli %add3A_171, %mul3A_172 : i32
      %add3A_174 = arith.constant 0 : i32
      %add3A_175 = arith.addi %mul3A_173, %add3A_174 : i32
      %get3A_176 = arith.index_cast %add3A_175 : i32 to index
      %get3A_177 = tpu.vector_load %arg8[%get3A_176] {strides = array<i32>} : memref<10080xi32, #tpu.memory_space<vmem>>, vector<16xi32>,
      %get3A_178 = vector.shape_cast %get3A_177 : vector<16xi32> to vector<16xi32>
      %swap3A_179 = arith.constant 0 : index
      %swap3A_180 = tpu.vector_load %arg10[%swap3A_179] {strides = array<i32>} : memref<96xi32, #tpu.memory_space<vmem>>, vector<16xi32>,
      %swap3A_181 = vector.shape_cast %swap3A_180 : vector<16xi32> to vector<16xi32>
      %swap3A_182 = vector.shape_cast %get3A_178 : vector<16xi32> to vector<16xi32>
      tpu.vector_store %arg10[%swap3A_179], %swap3A_182 {strides = array<i32>} : memref<96xi32, #tpu.memory_space<vmem>>, vector<16xi32>,
      %mul3A_183 = arith.constant 96 : i32
      %mul3A_184 = arith.muli %add3A_171, %mul3A_183 : i32
      %add3A_185 = arith.constant 16 : i32
      %add3A_186 = arith.addi %mul3A_184, %add3A_185 : i32
      %get3A_187 = arith.index_cast %add3A_186 : i32 to index
      %get3A_188 = tpu.vector_load %arg8[%get3A_187] {strides = array<i32>} : memref<10080xi32, #tpu.memory_space<vmem>>, vector<16xi32>,
      %get3A_189 = vector.shape_cast %get3A_188 : vector<16xi32> to vector<16xi32>
      %swap3A_190 = arith.constant 16 : index
      %swap3A_191 = tpu.vector_load %arg10[%swap3A_190] {strides = array<i32>} : memref<96xi32, #tpu.memory_space<vmem>>, vector<16xi32>,
      %swap3A_192 = vector.shape_cast %swap3A_191 : vector<16xi32> to vector<16xi32>
      %swap3A_193 = vector.shape_cast %get3A_189 : vector<16xi32> to vector<16xi32>
      tpu.vector_store %arg10[%swap3A_190], %swap3A_193 {strides = array<i32>} : memref<96xi32, #tpu.memory_space<vmem>>, vector<16xi32>,
      %mul3A_194 = arith.constant 96 : i32
      %mul3A_195 = arith.muli %add3A_171, %mul3A_194 : i32
      %add3A_196 = arith.constant 32 : i32
      %add3A_197 = arith.addi %mul3A_195, %add3A_196 : i32
      %get3A_198 = arith.index_cast %add3A_197 : i32 to index
      %get3A_199 = tpu.vector_load %arg8[%get3A_198] {strides = array<i32>} : memref<10080xi32, #tpu.memory_space<vmem>>, vector<16xi32>,
      %get3A_200 = vector.shape_cast %get3A_199 : vector<16xi32> to vector<16xi32>
      %swap3A_201 = arith.constant 32 : index
      %swap3A_202 = tpu.vector_load %arg10[%swap3A_201] {strides = array<i32>} : memref<96xi32, #tpu.memory_space<vmem>>, vector<16xi32>,
      %swap3A_203 = vector.shape_cast %swap3A_202 : vector<16xi32> to vector<16xi32>
      %swap3A_204 = vector.shape_cast %get3A_200 : vector<16xi32> to vector<16xi32>
      tpu.vector_store %arg10[%swap3A_201], %swap3A_204 {strides = array<i32>} : memref<96xi32, #tpu.memory_space<vmem>>, vector<16xi32>,
      %mul3A_205 = arith.constant 96 : i32
      %mul3A_206 = arith.muli %add3A_171, %mul3A_205 : i32
      %add3A_207 = arith.constant 48 : i32
      %add3A_208 = arith.addi %mul3A_206, %add3A_207 : i32
      %get3A_209 = arith.index_cast %add3A_208 : i32 to index
      %get3A_210 = tpu.vector_load %arg8[%get3A_209] {strides = array<i32>} : memref<10080xi32, #tpu.memory_space<vmem>>, vector<16xi32>,
      %get3A_211 = vector.shape_cast %get3A_210 : vector<16xi32> to vector<16xi32>
      %swap3A_212 = arith.constant 48 : index
      %swap3A_213 = tpu.vector_load %arg10[%swap3A_212] {strides = array<i32>} : memref<96xi32, #tpu.memory_space<vmem>>, vector<16xi32>,
      %swap3A_214 = vector.shape_cast %swap3A_213 : vector<16xi32> to vector<16xi32>
      %swap3A_215 = vector.shape_cast %get3A_211 : vector<16xi32> to vector<16xi32>
      tpu.vector_store %arg10[%swap3A_212], %swap3A_215 {strides = array<i32>} : memref<96xi32, #tpu.memory_space<vmem>>, vector<16xi32>,
      %mul3A_216 = arith.constant 96 : i32
      %mul3A_217 = arith.muli %add3A_171, %mul3A_216 : i32
      %add3A_218 = arith.constant 64 : i32
      %add3A_219 = arith.addi %mul3A_217, %add3A_218 : i32
      %get3A_220 = arith.index_cast %add3A_219 : i32 to index
      %get3A_221 = tpu.vector_load %arg8[%get3A_220] {strides = array<i32>} : memref<10080xi32, #tpu.memory_space<vmem>>, vector<16xi32>,
      %get3A_222 = vector.shape_cast %get3A_221 : vector<16xi32> to vector<16xi32>
      %swap3A_223 = arith.constant 64 : index
      %swap3A_224 = tpu.vector_load %arg10[%swap3A_223] {strides = array<i32>} : memref<96xi32, #tpu.memory_space<vmem>>, vector<16xi32>,
      %swap3A_225 = vector.shape_cast %swap3A_224 : vector<16xi32> to vector<16xi32>
      %swap3A_226 = vector.shape_cast %get3A_222 : vector<16xi32> to vector<16xi32>
      tpu.vector_store %arg10[%swap3A_223], %swap3A_226 {strides = array<i32>} : memref<96xi32, #tpu.memory_space<vmem>>, vector<16xi32>,
      %mul3A_227 = arith.constant 96 : i32
      %mul3A_228 = arith.muli %add3A_171, %mul3A_227 : i32
      %add3A_229 = arith.constant 80 : i32
      %add3A_230 = arith.addi %mul3A_228, %add3A_229 : i32
      %get3A_231 = arith.index_cast %add3A_230 : i32 to index
      %get3A_232 = tpu.vector_load %arg8[%get3A_231] {strides = array<i32>} : memref<10080xi32, #tpu.memory_space<vmem>>, vector<16xi32>,
      %get3A_233 = vector.shape_cast %get3A_232 : vector<16xi32> to vector<16xi32>
      %swap3A_234 = arith.constant 80 : index
      %swap3A_235 = tpu.vector_load %arg10[%swap3A_234] {strides = array<i32>} : memref<96xi32, #tpu.memory_space<vmem>>, vector<16xi32>,
      %swap3A_236 = vector.shape_cast %swap3A_235 : vector<16xi32> to vector<16xi32>
      %swap3A_237 = vector.shape_cast %get3A_233 : vector<16xi32> to vector<16xi32>
      tpu.vector_store %arg10[%swap3A_234], %swap3A_237 {strides = array<i32>} : memref<96xi32, #tpu.memory_space<vmem>>, vector<16xi32>,
      "tpu.region"() ({
        %run_scoped3A = tpu.sem_alloc : memref<!tpu.dma_semaphore, #tpu.memory_space<semaphore_mem>>
        %dma_start3A_238 = arith.constant 0 : i32
        %dma_start3A_239 = arith.constant 0 : i32
        %dma_start3A_240 = tpu.memref_slice %arg13[%dma_start3A_238, %dma_start3A_239] : memref<10016x128xf32, #tpu.memory_space<vmem_shared>> -> memref<10016x128xf32, #tpu.memory_space<vmem_shared>>
        tpu.enqueue_indirect_dma source(%arg12 : memref<96x128xf32, #tpu.memory_space<vmem>>) target(%dma_start3A_240 : memref<10016x128xf32, #tpu.memory_space<vmem_shared>>) offsets(%arg10 : memref<96xi32, #tpu.memory_space<vmem>>) semaphore(%run_scoped3A : memref<!tpu.dma_semaphore, #tpu.memory_space<semaphore_mem>>) {add = true}
        %dma_wait3A_241 = arith.constant 0 : i32
        %dma_wait3A_242 = arith.constant 0 : i32
        %dma_wait3A_243 = tpu.memref_slice %arg13[%dma_wait3A_241, %dma_wait3A_242] : memref<10016x128xf32, #tpu.memory_space<vmem_shared>> -> memref<10016x128xf32, #tpu.memory_space<vmem_shared>>
        tpu.wait_indirect_dma semaphore(%run_scoped3A : memref<!tpu.dma_semaphore, #tpu.memory_space<semaphore_mem>>) src(%arg12 : memref<96x128xf32, #tpu.memory_space<vmem>>) dst(%dma_wait3A_243 : memref<10016x128xf32, #tpu.memory_space<vmem_shared>>)
        tpu.yield
      }) : () -> ()
    }
    %scan3A_19 = arith.constant 52 : i32
    %dma_wait3A = arith.constant 0 : i32
    %dma_wait3A_20 = tpu.memref_slice %arg7[%dma_wait3A] : memref<10080xi32, #tpu.memory_space<vmem>> -> memref<96xi32, #tpu.memory_space<vmem>>
    %dma_wait3A_21 = arith.constant 0 : i32
    %dma_wait3A_22 = arith.constant 0 : i32
    %dma_wait3A_23 = tpu.memref_slice %arg2[%dma_wait3A_21, %dma_wait3A_22] : memref<10000x128xf32, #tpu.memory_space<hbm>> -> memref<10000x128xf32, #tpu.memory_space<hbm>>
    tpu.wait_indirect_dma semaphore(%arg14 : memref<!tpu.dma_semaphore, #tpu.memory_space<semaphore_mem>>) src(%dma_wait3A_23 : memref<10000x128xf32, #tpu.memory_space<hbm>>) dst(%arg11 : memref<96x128xf32, #tpu.memory_space<vmem>>)
    %get3A = arith.constant 9984 : index
    %get3A_24 = tpu.vector_load %arg8[%get3A] {strides = array<i32>} : memref<10080xi32, #tpu.memory_space<vmem>>, vector<16xi32>,
    %get3A_25 = vector.shape_cast %get3A_24 : vector<16xi32> to vector<16xi32>
    %swap3A = arith.constant 0 : index
    %swap3A_26 = tpu.vector_load %arg9[%swap3A] {strides = array<i32>} : memref<96xi32, #tpu.memory_space<vmem>>, vector<16xi32>,
    %swap3A_27 = vector.shape_cast %swap3A_26 : vector<16xi32> to vector<16xi32>
    %swap3A_28 = vector.shape_cast %get3A_25 : vector<16xi32> to vector<16xi32>
    tpu.vector_store %arg9[%swap3A], %swap3A_28 {strides = array<i32>} : memref<96xi32, #tpu.memory_space<vmem>>, vector<16xi32>,
    %get3A_29 = arith.constant 10000 : index
    %get3A_30 = tpu.vector_load %arg8[%get3A_29] {strides = array<i32>} : memref<10080xi32, #tpu.memory_space<vmem>>, vector<16xi32>,
    %get3A_31 = vector.shape_cast %get3A_30 : vector<16xi32> to vector<16xi32>
    %swap3A_32 = arith.constant 16 : index
    %swap3A_33 = tpu.vector_load %arg9[%swap3A_32] {strides = array<i32>} : memref<96xi32, #tpu.memory_space<vmem>>, vector<16xi32>,
    %swap3A_34 = vector.shape_cast %swap3A_33 : vector<16xi32> to vector<16xi32>
    %swap3A_35 = vector.shape_cast %get3A_31 : vector<16xi32> to vector<16xi32>
    tpu.vector_store %arg9[%swap3A_32], %swap3A_35 {strides = array<i32>} : memref<96xi32, #tpu.memory_space<vmem>>, vector<16xi32>,
    %get3A_36 = arith.constant 10016 : index
    %get3A_37 = tpu.vector_load %arg8[%get3A_36] {strides = array<i32>} : memref<10080xi32, #tpu.memory_space<vmem>>, vector<16xi32>,
    %get3A_38 = vector.shape_cast %get3A_37 : vector<16xi32> to vector<16xi32>
    %swap3A_39 = arith.constant 32 : index
    %swap3A_40 = tpu.vector_load %arg9[%swap3A_39] {strides = array<i32>} : memref<96xi32, #tpu.memory_space<vmem>>, vector<16xi32>,
    %swap3A_41 = vector.shape_cast %swap3A_40 : vector<16xi32> to vector<16xi32>
    %swap3A_42 = vector.shape_cast %get3A_38 : vector<16xi32> to vector<16xi32>
    tpu.vector_store %arg9[%swap3A_39], %swap3A_42 {strides = array<i32>} : memref<96xi32, #tpu.memory_space<vmem>>, vector<16xi32>,
    %get3A_43 = arith.constant 10032 : index
    %get3A_44 = tpu.vector_load %arg8[%get3A_43] {strides = array<i32>} : memref<10080xi32, #tpu.memory_space<vmem>>, vector<16xi32>,
    %get3A_45 = vector.shape_cast %get3A_44 : vector<16xi32> to vector<16xi32>
    %swap3A_46 = arith.constant 48 : index
    %swap3A_47 = tpu.vector_load %arg9[%swap3A_46] {strides = array<i32>} : memref<96xi32, #tpu.memory_space<vmem>>, vector<16xi32>,
    %swap3A_48 = vector.shape_cast %swap3A_47 : vector<16xi32> to vector<16xi32>
    %swap3A_49 = vector.shape_cast %get3A_45 : vector<16xi32> to vector<16xi32>
    tpu.vector_store %arg9[%swap3A_46], %swap3A_49 {strides = array<i32>} : memref<96xi32, #tpu.memory_space<vmem>>, vector<16xi32>,
    %get3A_50 = arith.constant 10048 : index
    %get3A_51 = tpu.vector_load %arg8[%get3A_50] {strides = array<i32>} : memref<10080xi32, #tpu.memory_space<vmem>>, vector<16xi32>,
    %get3A_52 = vector.shape_cast %get3A_51 : vector<16xi32> to vector<16xi32>
    %swap3A_53 = arith.constant 64 : index
    %swap3A_54 = tpu.vector_load %arg9[%swap3A_53] {strides = array<i32>} : memref<96xi32, #tpu.memory_space<vmem>>, vector<16xi32>,
    %swap3A_55 = vector.shape_cast %swap3A_54 : vector<16xi32> to vector<16xi32>
    %swap3A_56 = vector.shape_cast %get3A_52 : vector<16xi32> to vector<16xi32>
    tpu.vector_store %arg9[%swap3A_53], %swap3A_56 {strides = array<i32>} : memref<96xi32, #tpu.memory_space<vmem>>, vector<16xi32>,
    %get3A_57 = arith.constant 10064 : index
    %get3A_58 = tpu.vector_load %arg8[%get3A_57] {strides = array<i32>} : memref<10080xi32, #tpu.memory_space<vmem>>, vector<16xi32>,
    %get3A_59 = vector.shape_cast %get3A_58 : vector<16xi32> to vector<16xi32>
    %swap3A_60 = arith.constant 80 : index
    %swap3A_61 = tpu.vector_load %arg9[%swap3A_60] {strides = array<i32>} : memref<96xi32, #tpu.memory_space<vmem>>, vector<16xi32>,
    %swap3A_62 = vector.shape_cast %swap3A_61 : vector<16xi32> to vector<16xi32>
    %swap3A_63 = vector.shape_cast %get3A_59 : vector<16xi32> to vector<16xi32>
    tpu.vector_store %arg9[%swap3A_60], %swap3A_63 {strides = array<i32>} : memref<96xi32, #tpu.memory_space<vmem>>, vector<16xi32>,
    "tpu.region"() ({
      %run_scoped3A = tpu.sem_alloc : memref<!tpu.dma_semaphore, #tpu.memory_space<semaphore_mem>>
      %dma_start3A_75 = arith.constant 0 : i32
      %dma_start3A_76 = arith.constant 0 : i32
      %dma_start3A_77 = tpu.memref_slice %arg13[%dma_start3A_75, %dma_start3A_76] : memref<10016x128xf32, #tpu.memory_space<vmem_shared>> -> memref<10016x128xf32, #tpu.memory_space<vmem_shared>>
      tpu.enqueue_indirect_dma source(%arg11 : memref<96x128xf32, #tpu.memory_space<vmem>>) target(%dma_start3A_77 : memref<10016x128xf32, #tpu.memory_space<vmem_shared>>) offsets(%arg9 : memref<96xi32, #tpu.memory_space<vmem>>) semaphore(%run_scoped3A : memref<!tpu.dma_semaphore, #tpu.memory_space<semaphore_mem>>) {add = true}
      %dma_wait3A_78 = arith.constant 0 : i32
      %dma_wait3A_79 = arith.constant 0 : i32
      %dma_wait3A_80 = tpu.memref_slice %arg13[%dma_wait3A_78, %dma_wait3A_79] : memref<10016x128xf32, #tpu.memory_space<vmem_shared>> -> memref<10016x128xf32, #tpu.memory_space<vmem_shared>>
      tpu.wait_indirect_dma semaphore(%run_scoped3A : memref<!tpu.dma_semaphore, #tpu.memory_space<semaphore_mem>>) src(%arg11 : memref<96x128xf32, #tpu.memory_space<vmem>>) dst(%dma_wait3A_80 : memref<10016x128xf32, #tpu.memory_space<vmem_shared>>)
      tpu.yield
    }) : () -> ()
    %barrier3A_64 = arith.constant 0 : index
    tpu.barrier barrier_id(%barrier3A_64)
    %lt3A_65 = arith.constant 15 : i32
    %lt3A_66 = arith.cmpi slt, %arg1, %lt3A_65 : i32
    %convert_element_type3A_67 = arith.extui %lt3A_66 : i1 to i32
    %cond3A_68 = arith.constant 0 : i32
    %cond3A_69 = arith.cmpi ne, %convert_element_type3A_67, %cond3A_68 : i32
    scf.if %cond3A_69 {
      %mul3A_75 = arith.constant 624 : i32
      %mul3A_76 = arith.muli %arg1, %mul3A_75 : i32
      %multiple_of3A = tpu.assume_multiple %mul3A_76, 8 : i32
      "tpu.region"() ({
        %run_scoped3A = tpu.sem_alloc : memref<!tpu.dma_semaphore, #tpu.memory_space<semaphore_mem>>
        %dma_start3A_77 = arith.constant 0 : i32
        %dma_start3A_78 = tpu.memref_slice %arg6[%arg0, %multiple_of3A, %dma_start3A_77] : memref<2x10000x128xf32, #tpu.memory_space<hbm>> -> memref<1x624x128xf32, #tpu.memory_space<hbm>>
        %dma_start3A_79 = tpu.memref_squeeze %dma_start3A_78 : memref<1x624x128xf32, #tpu.memory_space<hbm>> -> memref<624x128xf32, #tpu.memory_space<hbm>>
        %dma_start3A_80 = arith.constant 0 : i32
        %dma_start3A_81 = tpu.memref_slice %arg13[%multiple_of3A, %dma_start3A_80] : memref<10016x128xf32, #tpu.memory_space<vmem_shared>> -> memref<624x128xf32, #tpu.memory_space<vmem_shared>>
        tpu.enqueue_dma source(%dma_start3A_81 : memref<624x128xf32, #tpu.memory_space<vmem_shared>>) target(%dma_start3A_79 : memref<624x128xf32, #tpu.memory_space<hbm>>) target_semaphore(%run_scoped3A : memref<!tpu.dma_semaphore, #tpu.memory_space<semaphore_mem>>)
        %dma_wait3A_82 = arith.constant 0 : i32
        %dma_wait3A_83 = tpu.memref_slice %arg6[%arg0, %multiple_of3A, %dma_wait3A_82] : memref<2x10000x128xf32, #tpu.memory_space<hbm>> -> memref<1x624x128xf32, #tpu.memory_space<hbm>>
        %dma_wait3A_84 = tpu.memref_squeeze %dma_wait3A_83 : memref<1x624x128xf32, #tpu.memory_space<hbm>> -> memref<624x128xf32, #tpu.memory_space<hbm>>
        %dma_wait3A_85 = arith.constant 0 : i32
        %dma_wait3A_86 = tpu.memref_slice %arg13[%multiple_of3A, %dma_wait3A_85] : memref<10016x128xf32, #tpu.memory_space<vmem_shared>> -> memref<624x128xf32, #tpu.memory_space<vmem_shared>>
        tpu.wait_dma2 semaphore(%run_scoped3A : memref<!tpu.dma_semaphore, #tpu.memory_space<semaphore_mem>>) src(%dma_wait3A_86 : memref<624x128xf32, #tpu.memory_space<vmem_shared>>) dst(%dma_wait3A_84 : memref<624x128xf32, #tpu.memory_space<hbm>>)
        tpu.yield
      }) : () -> ()
    } else {
    }
    %eq3A_70 = arith.constant 15 : i32
    %eq3A_71 = arith.cmpi eq, %arg1, %eq3A_70 : i32
    %convert_element_type3A_72 = arith.extui %eq3A_71 : i1 to i32
    %cond3A_73 = arith.constant 0 : i32
    %cond3A_74 = arith.cmpi ne, %convert_element_type3A_72, %cond3A_73 : i32
    scf.if %cond3A_74 {
      "tpu.region"() ({
        %run_scoped3A = tpu.sem_alloc : memref<!tpu.dma_semaphore, #tpu.memory_space<semaphore_mem>>
        %dma_start3A_75 = arith.constant 9360 : i32
        %dma_start3A_76 = arith.constant 0 : i32
        %dma_start3A_77 = tpu.memref_slice %arg6[%arg0, %dma_start3A_75, %dma_start3A_76] : memref<2x10000x128xf32, #tpu.memory_space<hbm>> -> memref<1x640x128xf32, #tpu.memory_space<hbm>>
        %dma_start3A_78 = tpu.memref_squeeze %dma_start3A_77 : memref<1x640x128xf32, #tpu.memory_space<hbm>> -> memref<640x128xf32, #tpu.memory_space<hbm>>
        %dma_start3A_79 = arith.constant 9360 : i32
        %dma_start3A_80 = arith.constant 0 : i32
        %dma_start3A_81 = tpu.memref_slice %arg13[%dma_start3A_79, %dma_start3A_80] : memref<10016x128xf32, #tpu.memory_space<vmem_shared>> -> memref<640x128xf32, #tpu.memory_space<vmem_shared>>
        tpu.enqueue_dma source(%dma_start3A_81 : memref<640x128xf32, #tpu.memory_space<vmem_shared>>) target(%dma_start3A_78 : memref<640x128xf32, #tpu.memory_space<hbm>>) target_semaphore(%run_scoped3A : memref<!tpu.dma_semaphore, #tpu.memory_space<semaphore_mem>>)
        %dma_wait3A_82 = arith.constant 9360 : i32
        %dma_wait3A_83 = arith.constant 0 : i32
        %dma_wait3A_84 = tpu.memref_slice %arg6[%arg0, %dma_wait3A_82, %dma_wait3A_83] : memref<2x10000x128xf32, #tpu.memory_space<hbm>> -> memref<1x640x128xf32, #tpu.memory_space<hbm>>
        %dma_wait3A_85 = tpu.memref_squeeze %dma_wait3A_84 : memref<1x640x128xf32, #tpu.memory_space<hbm>> -> memref<640x128xf32, #tpu.memory_space<hbm>>
        %dma_wait3A_86 = arith.constant 9360 : i32
        %dma_wait3A_87 = arith.constant 0 : i32
        %dma_wait3A_88 = tpu.memref_slice %arg13[%dma_wait3A_86, %dma_wait3A_87] : memref<10016x128xf32, #tpu.memory_space<vmem_shared>> -> memref<640x128xf32, #tpu.memory_space<vmem_shared>>
        tpu.wait_dma2 semaphore(%run_scoped3A : memref<!tpu.dma_semaphore, #tpu.memory_space<semaphore_mem>>) src(%dma_wait3A_88 : memref<640x128xf32, #tpu.memory_space<vmem_shared>>) dst(%dma_wait3A_85 : memref<640x128xf32, #tpu.memory_space<hbm>>)
        tpu.yield
      }) : () -> ()
    } else {
    }
    return
  }
}

#map = affine_map<(d0, d1) -> (0, 0)>
#map1 = affine_map<(d0, d1) -> (0)>
#map2 = affine_map<(d0, d1) -> (0, 0, 0)>
module attributes {stable_mosaic.version = 14 : i64} {
  func.func @_spmm_body(%arg0: i32, %arg1: i32, %arg2: memref<10000x128xf32, #tpu.memory_space<hbm>>, %arg3: memref<322560xi32, #tpu.memory_space<hbm>>, %arg4: memref<322560xi32, #tpu.memory_space<hbm>>, %arg5: memref<10000x128xf32, #tpu.memory_space<hbm>>, %arg6: memref<2x10000x128xf32, #tpu.memory_space<hbm>>, %arg7: memref<10080xi32, #tpu.memory_space<vmem>>, %arg8: memref<10080xi32, #tpu.memory_space<vmem>>, %arg9: memref<96xi32, #tpu.memory_space<vmem>>, %arg10: memref<96xi32, #tpu.memory_space<vmem>>, %arg11: memref<96x128xf32, #tpu.memory_space<vmem>>, %arg12: memref<96x128xf32, #tpu.memory_space<vmem>>, %arg13: memref<10016x128xf32, #tpu.memory_space<vmem_shared>>, %arg14: memref<!tpu.dma_semaphore, #tpu.memory_space<semaphore_mem>>, %arg15: memref<!tpu.dma_semaphore, #tpu.memory_space<semaphore_mem>>) attributes {dimension_semantics = [#tpu.dimension_semantics<core_parallel>, #tpu.dimension_semantics<subcore_parallel>], iteration_bounds = array<i64: 2, 16>, scalar_prefetch = 0 : i64, scratch_operands = 9 : i64, tpu.core_type = #tpu.core_type<sc_vector_subcore>, window_params = [{transform_indices = #map}, {transform_indices = #map1}, {transform_indices = #map1}, {transform_indices = #map}, {transform_indices = #map2}]} {
    %mul3A = arith.constant 16 : i32
    %mul3A_0 = arith.muli %arg0, %mul3A : i32
    %add3A = arith.addi %mul3A_0, %arg1 : i32
    %lt3A = arith.constant 15 : i32
    %lt3A_1 = arith.cmpi slt, %arg1, %lt3A : i32
    %convert_element_type3A = arith.extui %lt3A_1 : i1 to i32
    %cond3A = arith.constant 0 : i32
    %cond3A_2 = arith.cmpi ne, %convert_element_type3A, %cond3A : i32
    scf.if %cond3A_2 {
      %mul3A_75 = arith.constant 624 : i32
      %mul3A_76 = arith.muli %arg1, %mul3A_75 : i32
      %multiple_of3A = tpu.assume_multiple %mul3A_76, 8 : i32
      "tpu.region"() ({
        %run_scoped3A = tpu.sem_alloc : memref<!tpu.dma_semaphore, #tpu.memory_space<semaphore_mem>>
        %dma_start3A_77 = arith.constant 0 : i32
        %dma_start3A_78 = tpu.memref_slice %arg13[%multiple_of3A, %dma_start3A_77] : memref<10016x128xf32, #tpu.memory_space<vmem_shared>> -> memref<624x128xf32, #tpu.memory_space<vmem_shared>>
        %dma_start3A_79 = arith.constant 0 : i32
        %dma_start3A_80 = tpu.memref_slice %arg5[%multiple_of3A, %dma_start3A_79] : memref<10000x128xf32, #tpu.memory_space<hbm>> -> memref<624x128xf32, #tpu.memory_space<hbm>>
        tpu.enqueue_dma source(%dma_start3A_80 : memref<624x128xf32, #tpu.memory_space<hbm>>) target(%dma_start3A_78 : memref<624x128xf32, #tpu.memory_space<vmem_shared>>) target_semaphore(%run_scoped3A : memref<!tpu.dma_semaphore, #tpu.memory_space<semaphore_mem>>)
        %dma_wait3A_81 = arith.constant 0 : i32
        %dma_wait3A_82 = tpu.memref_slice %arg13[%multiple_of3A, %dma_wait3A_81] : memref<10016x128xf32, #tpu.memory_space<vmem_shared>> -> memref<624x128xf32, #tpu.memory_space<vmem_shared>>
        %dma_wait3A_83 = arith.constant 0 : i32
        %dma_wait3A_84 = tpu.memref_slice %arg5[%multiple_of3A, %dma_wait3A_83] : memref<10000x128xf32, #tpu.memory_space<hbm>> -> memref<624x128xf32, #tpu.memory_space<hbm>>
        tpu.wait_dma2 semaphore(%run_scoped3A : memref<!tpu.dma_semaphore, #tpu.memory_space<semaphore_mem>>) src(%dma_wait3A_84 : memref<624x128xf32, #tpu.memory_space<hbm>>) dst(%dma_wait3A_82 : memref<624x128xf32, #tpu.memory_space<vmem_shared>>)
        tpu.yield
      }) : () -> ()
    } else {
    }
    %eq3A = arith.constant 15 : i32
    %eq3A_3 = arith.cmpi eq, %arg1, %eq3A : i32
    %convert_element_type3A_4 = arith.extui %eq3A_3 : i1 to i32
    %cond3A_5 = arith.constant 0 : i32
    %cond3A_6 = arith.cmpi ne, %convert_element_type3A_4, %cond3A_5 : i32
    scf.if %cond3A_6 {
      "tpu.region"() ({
        %run_scoped3A = tpu.sem_alloc : memref<!tpu.dma_semaphore, #tpu.memory_space<semaphore_mem>>
        %dma_start3A_75 = arith.constant 9360 : i32
        %dma_start3A_76 = arith.constant 0 : i32
        %dma_start3A_77 = tpu.memref_slice %arg13[%dma_start3A_75, %dma_start3A_76] : memref<10016x128xf32, #tpu.memory_space<vmem_shared>> -> memref<640x128xf32, #tpu.memory_space<vmem_shared>>
        %dma_start3A_78 = arith.constant 9360 : i32
        %dma_start3A_79 = arith.constant 0 : i32
        %dma_start3A_80 = tpu.memref_slice %arg5[%dma_start3A_78, %dma_start3A_79] : memref<10000x128xf32, #tpu.memory_space<hbm>> -> memref<640x128xf32, #tpu.memory_space<hbm>>
        tpu.enqueue_dma source(%dma_start3A_80 : memref<640x128xf32, #tpu.memory_space<hbm>>) target(%dma_start3A_77 : memref<640x128xf32, #tpu.memory_space<vmem_shared>>) target_semaphore(%run_scoped3A : memref<!tpu.dma_semaphore, #tpu.memory_space<semaphore_mem>>)
        %dma_wait3A_81 = arith.constant 9360 : i32
        %dma_wait3A_82 = arith.constant 0 : i32
        %dma_wait3A_83 = tpu.memref_slice %arg13[%dma_wait3A_81, %dma_wait3A_82] : memref<10016x128xf32, #tpu.memory_space<vmem_shared>> -> memref<640x128xf32, #tpu.memory_space<vmem_shared>>
        %dma_wait3A_84 = arith.constant 9360 : i32
        %dma_wait3A_85 = arith.constant 0 : i32
        %dma_wait3A_86 = tpu.memref_slice %arg5[%dma_wait3A_84, %dma_wait3A_85] : memref<10000x128xf32, #tpu.memory_space<hbm>> -> memref<640x128xf32, #tpu.memory_space<hbm>>
        tpu.wait_dma2 semaphore(%run_scoped3A : memref<!tpu.dma_semaphore, #tpu.memory_space<semaphore_mem>>) src(%dma_wait3A_86 : memref<640x128xf32, #tpu.memory_space<hbm>>) dst(%dma_wait3A_83 : memref<640x128xf32, #tpu.memory_space<vmem_shared>>)
        tpu.yield
      }) : () -> ()
    } else {
    }
    %mul3A_7 = arith.constant 10080 : i32
    %mul3A_8 = arith.muli %add3A, %mul3A_7 : i32
    "tpu.region"() ({
      %run_scoped3A = tpu.sem_alloc : memref<!tpu.dma_semaphore, #tpu.memory_space<semaphore_mem>>
      %dma_start3A_75 = tpu.memref_slice %arg3[%mul3A_8] : memref<322560xi32, #tpu.memory_space<hbm>> -> memref<10080xi32, #tpu.memory_space<hbm>>
      %dma_start3A_76 = tpu.memref_slice %arg3[%mul3A_8] : memref<322560xi32, #tpu.memory_space<hbm>> -> memref<10080xi32, #tpu.memory_space<hbm>>
      tpu.enqueue_dma source(%dma_start3A_76 : memref<10080xi32, #tpu.memory_space<hbm>>) target(%arg7 : memref<10080xi32, #tpu.memory_space<vmem>>) target_semaphore(%run_scoped3A : memref<!tpu.dma_semaphore, #tpu.memory_space<semaphore_mem>>)
      %dma_wait3A_77 = tpu.memref_slice %arg3[%mul3A_8] : memref<322560xi32, #tpu.memory_space<hbm>> -> memref<10080xi32, #tpu.memory_space<hbm>>
      %dma_wait3A_78 = tpu.memref_slice %arg3[%mul3A_8] : memref<322560xi32, #tpu.memory_space<hbm>> -> memref<10080xi32, #tpu.memory_space<hbm>>
      tpu.wait_dma2 semaphore(%run_scoped3A : memref<!tpu.dma_semaphore, #tpu.memory_space<semaphore_mem>>) src(%dma_wait3A_78 : memref<10080xi32, #tpu.memory_space<hbm>>) dst(%arg7 : memref<10080xi32, #tpu.memory_space<vmem>>)
      tpu.yield
    }) : () -> ()
    %mul3A_9 = arith.constant 10080 : i32
    %mul3A_10 = arith.muli %add3A, %mul3A_9 : i32
    "tpu.region"() ({
      %run_scoped3A = tpu.sem_alloc : memref<!tpu.dma_semaphore, #tpu.memory_space<semaphore_mem>>
      %dma_start3A_75 = tpu.memref_slice %arg4[%mul3A_10] : memref<322560xi32, #tpu.memory_space<hbm>> -> memref<10080xi32, #tpu.memory_space<hbm>>
      %dma_start3A_76 = tpu.memref_slice %arg4[%mul3A_10] : memref<322560xi32, #tpu.memory_space<hbm>> -> memref<10080xi32, #tpu.memory_space<hbm>>
      tpu.enqueue_dma source(%dma_start3A_76 : memref<10080xi32, #tpu.memory_space<hbm>>) target(%arg8 : memref<10080xi32, #tpu.memory_space<vmem>>) target_semaphore(%run_scoped3A : memref<!tpu.dma_semaphore, #tpu.memory_space<semaphore_mem>>)
      %dma_wait3A_77 = tpu.memref_slice %arg4[%mul3A_10] : memref<322560xi32, #tpu.memory_space<hbm>> -> memref<10080xi32, #tpu.memory_space<hbm>>
      %dma_wait3A_78 = tpu.memref_slice %arg4[%mul3A_10] : memref<322560xi32, #tpu.memory_space<hbm>> -> memref<10080xi32, #tpu.memory_space<hbm>>
      tpu.wait_dma2 semaphore(%run_scoped3A : memref<!tpu.dma_semaphore, #tpu.memory_space<semaphore_mem>>) src(%dma_wait3A_78 : memref<10080xi32, #tpu.memory_space<hbm>>) dst(%arg8 : memref<10080xi32, #tpu.memory_space<vmem>>)
      tpu.yield
    }) : () -> ()
    %barrier3A = arith.constant 0 : index
    tpu.barrier barrier_id(%barrier3A)
    %dma_start3A = arith.constant 0 : i32
    %dma_start3A_11 = tpu.memref_slice %arg7[%dma_start3A] : memref<10080xi32, #tpu.memory_space<vmem>> -> memref<96xi32, #tpu.memory_space<vmem>>
    %dma_start3A_12 = arith.constant 0 : i32
    %dma_start3A_13 = arith.constant 0 : i32
    %dma_start3A_14 = tpu.memref_slice %arg2[%dma_start3A_12, %dma_start3A_13] : memref<10000x128xf32, #tpu.memory_space<hbm>> -> memref<10000x128xf32, #tpu.memory_space<hbm>>
    tpu.enqueue_indirect_dma source(%dma_start3A_14 : memref<10000x128xf32, #tpu.memory_space<hbm>>) target(%arg11 : memref<96x128xf32, #tpu.memory_space<vmem>>) offsets(%dma_start3A_11 : memref<96xi32, #tpu.memory_space<vmem>>) semaphore(%arg14 : memref<!tpu.dma_semaphore, #tpu.memory_space<semaphore_mem>>)
    %scan3A = arith.constant 0 : i32
    %scan3A_15 = arith.constant 0 : i32
    %scan3A_16 = arith.constant 52 : i32
    %scan3A_17 = arith.addi %scan3A_15, %scan3A_16 : i32
    %scan3A_18 = arith.constant 1 : i32
    scf.for %scan3A_75 = %scan3A_15 to %scan3A_17 step %scan3A_18  : i32 {
      %mul3A_76 = arith.constant 2 : i32
      %mul3A_77 = arith.muli %scan3A_75, %mul3A_76 : i32
      %dma_wait3A_78 = arith.constant 0 : i32
      %dma_wait3A_79 = tpu.memref_slice %arg7[%dma_wait3A_78] : memref<10080xi32, #tpu.memory_space<vmem>> -> memref<96xi32, #tpu.memory_space<vmem>>
      %dma_wait3A_80 = arith.constant 0 : i32
      %dma_wait3A_81 = arith.constant 0 : i32
      %dma_wait3A_82 = tpu.memref_slice %arg2[%dma_wait3A_80, %dma_wait3A_81] : memref<10000x128xf32, #tpu.memory_space<hbm>> -> memref<10000x128xf32, #tpu.memory_space<hbm>>
      tpu.wait_indirect_dma semaphore(%arg14 : memref<!tpu.dma_semaphore, #tpu.memory_space<semaphore_mem>>) src(%dma_wait3A_82 : memref<10000x128xf32, #tpu.memory_space<hbm>>) dst(%arg11 : memref<96x128xf32, #tpu.memory_space<vmem>>)
      %add3A_83 = arith.constant 1 : i32
      %add3A_84 = arith.addi %mul3A_77, %add3A_83 : i32
      %mul3A_85 = arith.constant 96 : i32
      %mul3A_86 = arith.muli %add3A_84, %mul3A_85 : i32
      %dma_start3A_87 = tpu.memref_slice %arg7[%mul3A_86] : memref<10080xi32, #tpu.memory_space<vmem>> -> memref<96xi32, #tpu.memory_space<vmem>>
      %dma_start3A_88 = arith.constant 0 : i32
      %dma_start3A_89 = arith.constant 0 : i32
      %dma_start3A_90 = tpu.memref_slice %arg2[%dma_start3A_88, %dma_start3A_89] : memref<10000x128xf32, #tpu.memory_space<hbm>> -> memref<10000x128xf32, #tpu.memory_space<hbm>>
      tpu.enqueue_indirect_dma source(%dma_start3A_90 : memref<10000x128xf32, #tpu.memory_space<hbm>>) target(%arg12 : memref<96x128xf32, #tpu.memory_space<vmem>>) offsets(%dma_start3A_87 : memref<96xi32, #tpu.memory_space<vmem>>) semaphore(%arg15 : memref<!tpu.dma_semaphore, #tpu.memory_space<semaphore_mem>>)
      %mul3A_91 = arith.constant 96 : i32
      %mul3A_92 = arith.muli %mul3A_77, %mul3A_91 : i32
      %add3A_93 = arith.constant 0 : i32
      %add3A_94 = arith.addi %mul3A_92, %add3A_93 : i32
      %get3A_95 = arith.index_cast %add3A_94 : i32 to index
      %get3A_96 = tpu.vector_load %arg8[%get3A_95] {strides = array<i32>} : memref<10080xi32, #tpu.memory_space<vmem>>, vector<16xi32>,
      %get3A_97 = vector.shape_cast %get3A_96 : vector<16xi32> to vector<16xi32>
      %swap3A_98 = arith.constant 0 : index
      %swap3A_99 = tpu.vector_load %arg9[%swap3A_98] {strides = array<i32>} : memref<96xi32, #tpu.memory_space<vmem>>, vector<16xi32>,
      %swap3A_100 = vector.shape_cast %swap3A_99 : vector<16xi32> to vector<16xi32>
      %swap3A_101 = vector.shape_cast %get3A_97 : vector<16xi32> to vector<16xi32>
      tpu.vector_store %arg9[%swap3A_98], %swap3A_101 {strides = array<i32>} : memref<96xi32, #tpu.memory_space<vmem>>, vector<16xi32>,
      %mul3A_102 = arith.constant 96 : i32
      %mul3A_103 = arith.muli %mul3A_77, %mul3A_102 : i32
      %add3A_104 = arith.constant 16 : i32
      %add3A_105 = arith.addi %mul3A_103, %add3A_104 : i32
      %get3A_106 = arith.index_cast %add3A_105 : i32 to index
      %get3A_107 = tpu.vector_load %arg8[%get3A_106] {strides = array<i32>} : memref<10080xi32, #tpu.memory_space<vmem>>, vector<16xi32>,
      %get3A_108 = vector.shape_cast %get3A_107 : vector<16xi32> to vector<16xi32>
      %swap3A_109 = arith.constant 16 : index
      %swap3A_110 = tpu.vector_load %arg9[%swap3A_109] {strides = array<i32>} : memref<96xi32, #tpu.memory_space<vmem>>, vector<16xi32>,
      %swap3A_111 = vector.shape_cast %swap3A_110 : vector<16xi32> to vector<16xi32>
      %swap3A_112 = vector.shape_cast %get3A_108 : vector<16xi32> to vector<16xi32>
      tpu.vector_store %arg9[%swap3A_109], %swap3A_112 {strides = array<i32>} : memref<96xi32, #tpu.memory_space<vmem>>, vector<16xi32>,
      %mul3A_113 = arith.constant 96 : i32
      %mul3A_114 = arith.muli %mul3A_77, %mul3A_113 : i32
      %add3A_115 = arith.constant 32 : i32
      %add3A_116 = arith.addi %mul3A_114, %add3A_115 : i32
      %get3A_117 = arith.index_cast %add3A_116 : i32 to index
      %get3A_118 = tpu.vector_load %arg8[%get3A_117] {strides = array<i32>} : memref<10080xi32, #tpu.memory_space<vmem>>, vector<16xi32>,
      %get3A_119 = vector.shape_cast %get3A_118 : vector<16xi32> to vector<16xi32>
      %swap3A_120 = arith.constant 32 : index
      %swap3A_121 = tpu.vector_load %arg9[%swap3A_120] {strides = array<i32>} : memref<96xi32, #tpu.memory_space<vmem>>, vector<16xi32>,
      %swap3A_122 = vector.shape_cast %swap3A_121 : vector<16xi32> to vector<16xi32>
      %swap3A_123 = vector.shape_cast %get3A_119 : vector<16xi32> to vector<16xi32>
      tpu.vector_store %arg9[%swap3A_120], %swap3A_123 {strides = array<i32>} : memref<96xi32, #tpu.memory_space<vmem>>, vector<16xi32>,
      %mul3A_124 = arith.constant 96 : i32
      %mul3A_125 = arith.muli %mul3A_77, %mul3A_124 : i32
      %add3A_126 = arith.constant 48 : i32
      %add3A_127 = arith.addi %mul3A_125, %add3A_126 : i32
      %get3A_128 = arith.index_cast %add3A_127 : i32 to index
      %get3A_129 = tpu.vector_load %arg8[%get3A_128] {strides = array<i32>} : memref<10080xi32, #tpu.memory_space<vmem>>, vector<16xi32>,
      %get3A_130 = vector.shape_cast %get3A_129 : vector<16xi32> to vector<16xi32>
      %swap3A_131 = arith.constant 48 : index
      %swap3A_132 = tpu.vector_load %arg9[%swap3A_131] {strides = array<i32>} : memref<96xi32, #tpu.memory_space<vmem>>, vector<16xi32>,
      %swap3A_133 = vector.shape_cast %swap3A_132 : vector<16xi32> to vector<16xi32>
      %swap3A_134 = vector.shape_cast %get3A_130 : vector<16xi32> to vector<16xi32>
      tpu.vector_store %arg9[%swap3A_131], %swap3A_134 {strides = array<i32>} : memref<96xi32, #tpu.memory_space<vmem>>, vector<16xi32>,
      %mul3A_135 = arith.constant 96 : i32
      %mul3A_136 = arith.muli %mul3A_77, %mul3A_135 : i32
      %add3A_137 = arith.constant 64 : i32
      %add3A_138 = arith.addi %mul3A_136, %add3A_137 : i32
      %get3A_139 = arith.index_cast %add3A_138 : i32 to index
      %get3A_140 = tpu.vector_load %arg8[%get3A_139] {strides = array<i32>} : memref<10080xi32, #tpu.memory_space<vmem>>, vector<16xi32>,
      %get3A_141 = vector.shape_cast %get3A_140 : vector<16xi32> to vector<16xi32>
      %swap3A_142 = arith.constant 64 : index
      %swap3A_143 = tpu.vector_load %arg9[%swap3A_142] {strides = array<i32>} : memref<96xi32, #tpu.memory_space<vmem>>, vector<16xi32>,
      %swap3A_144 = vector.shape_cast %swap3A_143 : vector<16xi32> to vector<16xi32>
      %swap3A_145 = vector.shape_cast %get3A_141 : vector<16xi32> to vector<16xi32>
      tpu.vector_store %arg9[%swap3A_142], %swap3A_145 {strides = array<i32>} : memref<96xi32, #tpu.memory_space<vmem>>, vector<16xi32>,
      %mul3A_146 = arith.constant 96 : i32
      %mul3A_147 = arith.muli %mul3A_77, %mul3A_146 : i32
      %add3A_148 = arith.constant 80 : i32
      %add3A_149 = arith.addi %mul3A_147, %add3A_148 : i32
      %get3A_150 = arith.index_cast %add3A_149 : i32 to index
      %get3A_151 = tpu.vector_load %arg8[%get3A_150] {strides = array<i32>} : memref<10080xi32, #tpu.memory_space<vmem>>, vector<16xi32>,
      %get3A_152 = vector.shape_cast %get3A_151 : vector<16xi32> to vector<16xi32>
      %swap3A_153 = arith.constant 80 : index
      %swap3A_154 = tpu.vector_load %arg9[%swap3A_153] {strides = array<i32>} : memref<96xi32, #tpu.memory_space<vmem>>, vector<16xi32>,
      %swap3A_155 = vector.shape_cast %swap3A_154 : vector<16xi32> to vector<16xi32>
      %swap3A_156 = vector.shape_cast %get3A_152 : vector<16xi32> to vector<16xi32>
      tpu.vector_store %arg9[%swap3A_153], %swap3A_156 {strides = array<i32>} : memref<96xi32, #tpu.memory_space<vmem>>, vector<16xi32>,
      "tpu.region"() ({
        %run_scoped3A = tpu.sem_alloc : memref<!tpu.dma_semaphore, #tpu.memory_space<semaphore_mem>>
        %dma_start3A_238 = arith.constant 0 : i32
        %dma_start3A_239 = arith.constant 0 : i32
        %dma_start3A_240 = tpu.memref_slice %arg13[%dma_start3A_238, %dma_start3A_239] : memref<10016x128xf32, #tpu.memory_space<vmem_shared>> -> memref<10016x128xf32, #tpu.memory_space<vmem_shared>>
        tpu.enqueue_indirect_dma source(%arg11 : memref<96x128xf32, #tpu.memory_space<vmem>>) target(%dma_start3A_240 : memref<10016x128xf32, #tpu.memory_space<vmem_shared>>) offsets(%arg9 : memref<96xi32, #tpu.memory_space<vmem>>) semaphore(%run_scoped3A : memref<!tpu.dma_semaphore, #tpu.memory_space<semaphore_mem>>) {add = true}
        %dma_wait3A_241 = arith.constant 0 : i32
        %dma_wait3A_242 = arith.constant 0 : i32
        %dma_wait3A_243 = tpu.memref_slice %arg13[%dma_wait3A_241, %dma_wait3A_242] : memref<10016x128xf32, #tpu.memory_space<vmem_shared>> -> memref<10016x128xf32, #tpu.memory_space<vmem_shared>>
        tpu.wait_indirect_dma semaphore(%run_scoped3A : memref<!tpu.dma_semaphore, #tpu.memory_space<semaphore_mem>>) src(%arg11 : memref<96x128xf32, #tpu.memory_space<vmem>>) dst(%dma_wait3A_243 : memref<10016x128xf32, #tpu.memory_space<vmem_shared>>)
        tpu.yield
      }) : () -> ()
      %dma_wait3A_157 = arith.constant 0 : i32
      %dma_wait3A_158 = tpu.memref_slice %arg7[%dma_wait3A_157] : memref<10080xi32, #tpu.memory_space<vmem>> -> memref<96xi32, #tpu.memory_space<vmem>>
      %dma_wait3A_159 = arith.constant 0 : i32
      %dma_wait3A_160 = arith.constant 0 : i32
      %dma_wait3A_161 = tpu.memref_slice %arg2[%dma_wait3A_159, %dma_wait3A_160] : memref<10000x128xf32, #tpu.memory_space<hbm>> -> memref<10000x128xf32, #tpu.memory_space<hbm>>
      tpu.wait_indirect_dma semaphore(%arg15 : memref<!tpu.dma_semaphore, #tpu.memory_space<semaphore_mem>>) src(%dma_wait3A_161 : memref<10000x128xf32, #tpu.memory_space<hbm>>) dst(%arg12 : memref<96x128xf32, #tpu.memory_space<vmem>>)
      %add3A_162 = arith.constant 2 : i32
      %add3A_163 = arith.addi %mul3A_77, %add3A_162 : i32
      %mul3A_164 = arith.constant 96 : i32
      %mul3A_165 = arith.muli %add3A_163, %mul3A_164 : i32
      %dma_start3A_166 = tpu.memref_slice %arg7[%mul3A_165] : memref<10080xi32, #tpu.memory_space<vmem>> -> memref<96xi32, #tpu.memory_space<vmem>>
      %dma_start3A_167 = arith.constant 0 : i32
      %dma_start3A_168 = arith.constant 0 : i32
      %dma_start3A_169 = tpu.memref_slice %arg2[%dma_start3A_167, %dma_start3A_168] : memref<10000x128xf32, #tpu.memory_space<hbm>> -> memref<10000x128xf32, #tpu.memory_space<hbm>>
      tpu.enqueue_indirect_dma source(%dma_start3A_169 : memref<10000x128xf32, #tpu.memory_space<hbm>>) target(%arg11 : memref<96x128xf32, #tpu.memory_space<vmem>>) offsets(%dma_start3A_166 : memref<96xi32, #tpu.memory_space<vmem>>) semaphore(%arg14 : memref<!tpu.dma_semaphore, #tpu.memory_space<semaphore_mem>>)
      %add3A_170 = arith.constant 1 : i32
      %add3A_171 = arith.addi %mul3A_77, %add3A_170 : i32
      %mul3A_172 = arith.constant 96 : i32
      %mul3A_173 = arith.muli %add3A_171, %mul3A_172 : i32
      %add3A_174 = arith.constant 0 : i32
      %add3A_175 = arith.addi %mul3A_173, %add3A_174 : i32
      %get3A_176 = arith.index_cast %add3A_175 : i32 to index
      %get3A_177 = tpu.vector_load %arg8[%get3A_176] {strides = array<i32>} : memref<10080xi32, #tpu.memory_space<vmem>>, vector<16xi32>,
      %get3A_178 = vector.shape_cast %get3A_177 : vector<16xi32> to vector<16xi32>
      %swap3A_179 = arith.constant 0 : index
      %swap3A_180 = tpu.vector_load %arg10[%swap3A_179] {strides = array<i32>} : memref<96xi32, #tpu.memory_space<vmem>>, vector<16xi32>,
      %swap3A_181 = vector.shape_cast %swap3A_180 : vector<16xi32> to vector<16xi32>
      %swap3A_182 = vector.shape_cast %get3A_178 : vector<16xi32> to vector<16xi32>
      tpu.vector_store %arg10[%swap3A_179], %swap3A_182 {strides = array<i32>} : memref<96xi32, #tpu.memory_space<vmem>>, vector<16xi32>,
      %mul3A_183 = arith.constant 96 : i32
      %mul3A_184 = arith.muli %add3A_171, %mul3A_183 : i32
      %add3A_185 = arith.constant 16 : i32
      %add3A_186 = arith.addi %mul3A_184, %add3A_185 : i32
      %get3A_187 = arith.index_cast %add3A_186 : i32 to index
      %get3A_188 = tpu.vector_load %arg8[%get3A_187] {strides = array<i32>} : memref<10080xi32, #tpu.memory_space<vmem>>, vector<16xi32>,
      %get3A_189 = vector.shape_cast %get3A_188 : vector<16xi32> to vector<16xi32>
      %swap3A_190 = arith.constant 16 : index
      %swap3A_191 = tpu.vector_load %arg10[%swap3A_190] {strides = array<i32>} : memref<96xi32, #tpu.memory_space<vmem>>, vector<16xi32>,
      %swap3A_192 = vector.shape_cast %swap3A_191 : vector<16xi32> to vector<16xi32>
      %swap3A_193 = vector.shape_cast %get3A_189 : vector<16xi32> to vector<16xi32>
      tpu.vector_store %arg10[%swap3A_190], %swap3A_193 {strides = array<i32>} : memref<96xi32, #tpu.memory_space<vmem>>, vector<16xi32>,
      %mul3A_194 = arith.constant 96 : i32
      %mul3A_195 = arith.muli %add3A_171, %mul3A_194 : i32
      %add3A_196 = arith.constant 32 : i32
      %add3A_197 = arith.addi %mul3A_195, %add3A_196 : i32
      %get3A_198 = arith.index_cast %add3A_197 : i32 to index
      %get3A_199 = tpu.vector_load %arg8[%get3A_198] {strides = array<i32>} : memref<10080xi32, #tpu.memory_space<vmem>>, vector<16xi32>,
      %get3A_200 = vector.shape_cast %get3A_199 : vector<16xi32> to vector<16xi32>
      %swap3A_201 = arith.constant 32 : index
      %swap3A_202 = tpu.vector_load %arg10[%swap3A_201] {strides = array<i32>} : memref<96xi32, #tpu.memory_space<vmem>>, vector<16xi32>,
      %swap3A_203 = vector.shape_cast %swap3A_202 : vector<16xi32> to vector<16xi32>
      %swap3A_204 = vector.shape_cast %get3A_200 : vector<16xi32> to vector<16xi32>
      tpu.vector_store %arg10[%swap3A_201], %swap3A_204 {strides = array<i32>} : memref<96xi32, #tpu.memory_space<vmem>>, vector<16xi32>,
      %mul3A_205 = arith.constant 96 : i32
      %mul3A_206 = arith.muli %add3A_171, %mul3A_205 : i32
      %add3A_207 = arith.constant 48 : i32
      %add3A_208 = arith.addi %mul3A_206, %add3A_207 : i32
      %get3A_209 = arith.index_cast %add3A_208 : i32 to index
      %get3A_210 = tpu.vector_load %arg8[%get3A_209] {strides = array<i32>} : memref<10080xi32, #tpu.memory_space<vmem>>, vector<16xi32>,
      %get3A_211 = vector.shape_cast %get3A_210 : vector<16xi32> to vector<16xi32>
      %swap3A_212 = arith.constant 48 : index
      %swap3A_213 = tpu.vector_load %arg10[%swap3A_212] {strides = array<i32>} : memref<96xi32, #tpu.memory_space<vmem>>, vector<16xi32>,
      %swap3A_214 = vector.shape_cast %swap3A_213 : vector<16xi32> to vector<16xi32>
      %swap3A_215 = vector.shape_cast %get3A_211 : vector<16xi32> to vector<16xi32>
      tpu.vector_store %arg10[%swap3A_212], %swap3A_215 {strides = array<i32>} : memref<96xi32, #tpu.memory_space<vmem>>, vector<16xi32>,
      %mul3A_216 = arith.constant 96 : i32
      %mul3A_217 = arith.muli %add3A_171, %mul3A_216 : i32
      %add3A_218 = arith.constant 64 : i32
      %add3A_219 = arith.addi %mul3A_217, %add3A_218 : i32
      %get3A_220 = arith.index_cast %add3A_219 : i32 to index
      %get3A_221 = tpu.vector_load %arg8[%get3A_220] {strides = array<i32>} : memref<10080xi32, #tpu.memory_space<vmem>>, vector<16xi32>,
      %get3A_222 = vector.shape_cast %get3A_221 : vector<16xi32> to vector<16xi32>
      %swap3A_223 = arith.constant 64 : index
      %swap3A_224 = tpu.vector_load %arg10[%swap3A_223] {strides = array<i32>} : memref<96xi32, #tpu.memory_space<vmem>>, vector<16xi32>,
      %swap3A_225 = vector.shape_cast %swap3A_224 : vector<16xi32> to vector<16xi32>
      %swap3A_226 = vector.shape_cast %get3A_222 : vector<16xi32> to vector<16xi32>
      tpu.vector_store %arg10[%swap3A_223], %swap3A_226 {strides = array<i32>} : memref<96xi32, #tpu.memory_space<vmem>>, vector<16xi32>,
      %mul3A_227 = arith.constant 96 : i32
      %mul3A_228 = arith.muli %add3A_171, %mul3A_227 : i32
      %add3A_229 = arith.constant 80 : i32
      %add3A_230 = arith.addi %mul3A_228, %add3A_229 : i32
      %get3A_231 = arith.index_cast %add3A_230 : i32 to index
      %get3A_232 = tpu.vector_load %arg8[%get3A_231] {strides = array<i32>} : memref<10080xi32, #tpu.memory_space<vmem>>, vector<16xi32>,
      %get3A_233 = vector.shape_cast %get3A_232 : vector<16xi32> to vector<16xi32>
      %swap3A_234 = arith.constant 80 : index
      %swap3A_235 = tpu.vector_load %arg10[%swap3A_234] {strides = array<i32>} : memref<96xi32, #tpu.memory_space<vmem>>, vector<16xi32>,
      %swap3A_236 = vector.shape_cast %swap3A_235 : vector<16xi32> to vector<16xi32>
      %swap3A_237 = vector.shape_cast %get3A_233 : vector<16xi32> to vector<16xi32>
      tpu.vector_store %arg10[%swap3A_234], %swap3A_237 {strides = array<i32>} : memref<96xi32, #tpu.memory_space<vmem>>, vector<16xi32>,
      "tpu.region"() ({
        %run_scoped3A = tpu.sem_alloc : memref<!tpu.dma_semaphore, #tpu.memory_space<semaphore_mem>>
        %dma_start3A_238 = arith.constant 0 : i32
        %dma_start3A_239 = arith.constant 0 : i32
        %dma_start3A_240 = tpu.memref_slice %arg13[%dma_start3A_238, %dma_start3A_239] : memref<10016x128xf32, #tpu.memory_space<vmem_shared>> -> memref<10016x128xf32, #tpu.memory_space<vmem_shared>>
        tpu.enqueue_indirect_dma source(%arg12 : memref<96x128xf32, #tpu.memory_space<vmem>>) target(%dma_start3A_240 : memref<10016x128xf32, #tpu.memory_space<vmem_shared>>) offsets(%arg10 : memref<96xi32, #tpu.memory_space<vmem>>) semaphore(%run_scoped3A : memref<!tpu.dma_semaphore, #tpu.memory_space<semaphore_mem>>) {add = true}
        %dma_wait3A_241 = arith.constant 0 : i32
        %dma_wait3A_242 = arith.constant 0 : i32
        %dma_wait3A_243 = tpu.memref_slice %arg13[%dma_wait3A_241, %dma_wait3A_242] : memref<10016x128xf32, #tpu.memory_space<vmem_shared>> -> memref<10016x128xf32, #tpu.memory_space<vmem_shared>>
        tpu.wait_indirect_dma semaphore(%run_scoped3A : memref<!tpu.dma_semaphore, #tpu.memory_space<semaphore_mem>>) src(%arg12 : memref<96x128xf32, #tpu.memory_space<vmem>>) dst(%dma_wait3A_243 : memref<10016x128xf32, #tpu.memory_space<vmem_shared>>)
        tpu.yield
      }) : () -> ()
    }
    %scan3A_19 = arith.constant 52 : i32
    %dma_wait3A = arith.constant 0 : i32
    %dma_wait3A_20 = tpu.memref_slice %arg7[%dma_wait3A] : memref<10080xi32, #tpu.memory_space<vmem>> -> memref<96xi32, #tpu.memory_space<vmem>>
    %dma_wait3A_21 = arith.constant 0 : i32
    %dma_wait3A_22 = arith.constant 0 : i32
    %dma_wait3A_23 = tpu.memref_slice %arg2[%dma_wait3A_21, %dma_wait3A_22] : memref<10000x128xf32, #tpu.memory_space<hbm>> -> memref<10000x128xf32, #tpu.memory_space<hbm>>
    tpu.wait_indirect_dma semaphore(%arg14 : memref<!tpu.dma_semaphore, #tpu.memory_space<semaphore_mem>>) src(%dma_wait3A_23 : memref<10000x128xf32, #tpu.memory_space<hbm>>) dst(%arg11 : memref<96x128xf32, #tpu.memory_space<vmem>>)
    %get3A = arith.constant 9984 : index
    %get3A_24 = tpu.vector_load %arg8[%get3A] {strides = array<i32>} : memref<10080xi32, #tpu.memory_space<vmem>>, vector<16xi32>,
    %get3A_25 = vector.shape_cast %get3A_24 : vector<16xi32> to vector<16xi32>
    %swap3A = arith.constant 0 : index
    %swap3A_26 = tpu.vector_load %arg9[%swap3A] {strides = array<i32>} : memref<96xi32, #tpu.memory_space<vmem>>, vector<16xi32>,
    %swap3A_27 = vector.shape_cast %swap3A_26 : vector<16xi32> to vector<16xi32>
    %swap3A_28 = vector.shape_cast %get3A_25 : vector<16xi32> to vector<16xi32>
    tpu.vector_store %arg9[%swap3A], %swap3A_28 {strides = array<i32>} : memref<96xi32, #tpu.memory_space<vmem>>, vector<16xi32>,
    %get3A_29 = arith.constant 10000 : index
    %get3A_30 = tpu.vector_load %arg8[%get3A_29] {strides = array<i32>} : memref<10080xi32, #tpu.memory_space<vmem>>, vector<16xi32>,
    %get3A_31 = vector.shape_cast %get3A_30 : vector<16xi32> to vector<16xi32>
    %swap3A_32 = arith.constant 16 : index
    %swap3A_33 = tpu.vector_load %arg9[%swap3A_32] {strides = array<i32>} : memref<96xi32, #tpu.memory_space<vmem>>, vector<16xi32>,
    %swap3A_34 = vector.shape_cast %swap3A_33 : vector<16xi32> to vector<16xi32>
    %swap3A_35 = vector.shape_cast %get3A_31 : vector<16xi32> to vector<16xi32>
    tpu.vector_store %arg9[%swap3A_32], %swap3A_35 {strides = array<i32>} : memref<96xi32, #tpu.memory_space<vmem>>, vector<16xi32>,
    %get3A_36 = arith.constant 10016 : index
    %get3A_37 = tpu.vector_load %arg8[%get3A_36] {strides = array<i32>} : memref<10080xi32, #tpu.memory_space<vmem>>, vector<16xi32>,
    %get3A_38 = vector.shape_cast %get3A_37 : vector<16xi32> to vector<16xi32>
    %swap3A_39 = arith.constant 32 : index
    %swap3A_40 = tpu.vector_load %arg9[%swap3A_39] {strides = array<i32>} : memref<96xi32, #tpu.memory_space<vmem>>, vector<16xi32>,
    %swap3A_41 = vector.shape_cast %swap3A_40 : vector<16xi32> to vector<16xi32>
    %swap3A_42 = vector.shape_cast %get3A_38 : vector<16xi32> to vector<16xi32>
    tpu.vector_store %arg9[%swap3A_39], %swap3A_42 {strides = array<i32>} : memref<96xi32, #tpu.memory_space<vmem>>, vector<16xi32>,
    %get3A_43 = arith.constant 10032 : index
    %get3A_44 = tpu.vector_load %arg8[%get3A_43] {strides = array<i32>} : memref<10080xi32, #tpu.memory_space<vmem>>, vector<16xi32>,
    %get3A_45 = vector.shape_cast %get3A_44 : vector<16xi32> to vector<16xi32>
    %swap3A_46 = arith.constant 48 : index
    %swap3A_47 = tpu.vector_load %arg9[%swap3A_46] {strides = array<i32>} : memref<96xi32, #tpu.memory_space<vmem>>, vector<16xi32>,
    %swap3A_48 = vector.shape_cast %swap3A_47 : vector<16xi32> to vector<16xi32>
    %swap3A_49 = vector.shape_cast %get3A_45 : vector<16xi32> to vector<16xi32>
    tpu.vector_store %arg9[%swap3A_46], %swap3A_49 {strides = array<i32>} : memref<96xi32, #tpu.memory_space<vmem>>, vector<16xi32>,
    %get3A_50 = arith.constant 10048 : index
    %get3A_51 = tpu.vector_load %arg8[%get3A_50] {strides = array<i32>} : memref<10080xi32, #tpu.memory_space<vmem>>, vector<16xi32>,
    %get3A_52 = vector.shape_cast %get3A_51 : vector<16xi32> to vector<16xi32>
    %swap3A_53 = arith.constant 64 : index
    %swap3A_54 = tpu.vector_load %arg9[%swap3A_53] {strides = array<i32>} : memref<96xi32, #tpu.memory_space<vmem>>, vector<16xi32>,
    %swap3A_55 = vector.shape_cast %swap3A_54 : vector<16xi32> to vector<16xi32>
    %swap3A_56 = vector.shape_cast %get3A_52 : vector<16xi32> to vector<16xi32>
    tpu.vector_store %arg9[%swap3A_53], %swap3A_56 {strides = array<i32>} : memref<96xi32, #tpu.memory_space<vmem>>, vector<16xi32>,
    %get3A_57 = arith.constant 10064 : index
    %get3A_58 = tpu.vector_load %arg8[%get3A_57] {strides = array<i32>} : memref<10080xi32, #tpu.memory_space<vmem>>, vector<16xi32>,
    %get3A_59 = vector.shape_cast %get3A_58 : vector<16xi32> to vector<16xi32>
    %swap3A_60 = arith.constant 80 : index
    %swap3A_61 = tpu.vector_load %arg9[%swap3A_60] {strides = array<i32>} : memref<96xi32, #tpu.memory_space<vmem>>, vector<16xi32>,
    %swap3A_62 = vector.shape_cast %swap3A_61 : vector<16xi32> to vector<16xi32>
    %swap3A_63 = vector.shape_cast %get3A_59 : vector<16xi32> to vector<16xi32>
    tpu.vector_store %arg9[%swap3A_60], %swap3A_63 {strides = array<i32>} : memref<96xi32, #tpu.memory_space<vmem>>, vector<16xi32>,
    "tpu.region"() ({
      %run_scoped3A = tpu.sem_alloc : memref<!tpu.dma_semaphore, #tpu.memory_space<semaphore_mem>>
      %dma_start3A_75 = arith.constant 0 : i32
      %dma_start3A_76 = arith.constant 0 : i32
      %dma_start3A_77 = tpu.memref_slice %arg13[%dma_start3A_75, %dma_start3A_76] : memref<10016x128xf32, #tpu.memory_space<vmem_shared>> -> memref<10016x128xf32, #tpu.memory_space<vmem_shared>>
      tpu.enqueue_indirect_dma source(%arg11 : memref<96x128xf32, #tpu.memory_space<vmem>>) target(%dma_start3A_77 : memref<10016x128xf32, #tpu.memory_space<vmem_shared>>) offsets(%arg9 : memref<96xi32, #tpu.memory_space<vmem>>) semaphore(%run_scoped3A : memref<!tpu.dma_semaphore, #tpu.memory_space<semaphore_mem>>) {add = true}
      %dma_wait3A_78 = arith.constant 0 : i32
      %dma_wait3A_79 = arith.constant 0 : i32
      %dma_wait3A_80 = tpu.memref_slice %arg13[%dma_wait3A_78, %dma_wait3A_79] : memref<10016x128xf32, #tpu.memory_space<vmem_shared>> -> memref<10016x128xf32, #tpu.memory_space<vmem_shared>>
      tpu.wait_indirect_dma semaphore(%run_scoped3A : memref<!tpu.dma_semaphore, #tpu.memory_space<semaphore_mem>>) src(%arg11 : memref<96x128xf32, #tpu.memory_space<vmem>>) dst(%dma_wait3A_80 : memref<10016x128xf32, #tpu.memory_space<vmem_shared>>)
      tpu.yield
    }) : () -> ()
    %barrier3A_64 = arith.constant 0 : index
    tpu.barrier barrier_id(%barrier3A_64)
    %lt3A_65 = arith.constant 15 : i32
    %lt3A_66 = arith.cmpi slt, %arg1, %lt3A_65 : i32
    %convert_element_type3A_67 = arith.extui %lt3A_66 : i1 to i32
    %cond3A_68 = arith.constant 0 : i32
    %cond3A_69 = arith.cmpi ne, %convert_element_type3A_67, %cond3A_68 : i32
    scf.if %cond3A_69 {
      %mul3A_75 = arith.constant 624 : i32
      %mul3A_76 = arith.muli %arg1, %mul3A_75 : i32
      %multiple_of3A = tpu.assume_multiple %mul3A_76, 8 : i32
      "tpu.region"() ({
        %run_scoped3A = tpu.sem_alloc : memref<!tpu.dma_semaphore, #tpu.memory_space<semaphore_mem>>
        %dma_start3A_77 = arith.constant 0 : i32
        %dma_start3A_78 = tpu.memref_slice %arg6[%arg0, %multiple_of3A, %dma_start3A_77] : memref<2x10000x128xf32, #tpu.memory_space<hbm>> -> memref<1x624x128xf32, #tpu.memory_space<hbm>>
        %dma_start3A_79 = tpu.memref_squeeze %dma_start3A_78 : memref<1x624x128xf32, #tpu.memory_space<hbm>> -> memref<624x128xf32, #tpu.memory_space<hbm>>
        %dma_start3A_80 = arith.constant 0 : i32
        %dma_start3A_81 = tpu.memref_slice %arg13[%multiple_of3A, %dma_start3A_80] : memref<10016x128xf32, #tpu.memory_space<vmem_shared>> -> memref<624x128xf32, #tpu.memory_space<vmem_shared>>
        tpu.enqueue_dma source(%dma_start3A_81 : memref<624x128xf32, #tpu.memory_space<vmem_shared>>) target(%dma_start3A_79 : memref<624x128xf32, #tpu.memory_space<hbm>>) target_semaphore(%run_scoped3A : memref<!tpu.dma_semaphore, #tpu.memory_space<semaphore_mem>>)
        %dma_wait3A_82 = arith.constant 0 : i32
        %dma_wait3A_83 = tpu.memref_slice %arg6[%arg0, %multiple_of3A, %dma_wait3A_82] : memref<2x10000x128xf32, #tpu.memory_space<hbm>> -> memref<1x624x128xf32, #tpu.memory_space<hbm>>
        %dma_wait3A_84 = tpu.memref_squeeze %dma_wait3A_83 : memref<1x624x128xf32, #tpu.memory_space<hbm>> -> memref<624x128xf32, #tpu.memory_space<hbm>>
        %dma_wait3A_85 = arith.constant 0 : i32
        %dma_wait3A_86 = tpu.memref_slice %arg13[%multiple_of3A, %dma_wait3A_85] : memref<10016x128xf32, #tpu.memory_space<vmem_shared>> -> memref<624x128xf32, #tpu.memory_space<vmem_shared>>
        tpu.wait_dma2 semaphore(%run_scoped3A : memref<!tpu.dma_semaphore, #tpu.memory_space<semaphore_mem>>) src(%dma_wait3A_86 : memref<624x128xf32, #tpu.memory_space<vmem_shared>>) dst(%dma_wait3A_84 : memref<624x128xf32, #tpu.memory_space<hbm>>)
        tpu.yield
      }) : () -> ()
    } else {
    }
    %eq3A_70 = arith.constant 15 : i32
    %eq3A_71 = arith.cmpi eq, %arg1, %eq3A_70 : i32
    %convert_element_type3A_72 = arith.extui %eq3A_71 : i1 to i32
    %cond3A_73 = arith.constant 0 : i32
    %cond3A_74 = arith.cmpi ne, %convert_element_type3A_72, %cond3A_73 : i32
    scf.if %cond3A_74 {
      "tpu.region"() ({
        %run_scoped3A = tpu.sem_alloc : memref<!tpu.dma_semaphore, #tpu.memory_space<semaphore_mem>>
        %dma_start3A_75 = arith.constant 9360 : i32
        %dma_start3A_76 = arith.constant 0 : i32
        %dma_start3A_77 = tpu.memref_slice %arg6[%arg0, %dma_start3A_75, %dma_start3A_76] : memref<2x10000x128xf32, #tpu.memory_space<hbm>> -> memref<1x640x128xf32, #tpu.memory_space<hbm>>
        %dma_start3A_78 = tpu.memref_squeeze %dma_start3A_77 : memref<1x640x128xf32, #tpu.memory_space<hbm>> -> memref<640x128xf32, #tpu.memory_space<hbm>>
        %dma_start3A_79 = arith.constant 9360 : i32
        %dma_start3A_80 = arith.constant 0 : i32
        %dma_start3A_81 = tpu.memref_slice %arg13[%dma_start3A_79, %dma_start3A_80] : memref<10016x128xf32, #tpu.memory_space<vmem_shared>> -> memref<640x128xf32, #tpu.memory_space<vmem_shared>>
        tpu.enqueue_dma source(%dma_start3A_81 : memref<640x128xf32, #tpu.memory_space<vmem_shared>>) target(%dma_start3A_78 : memref<640x128xf32, #tpu.memory_space<hbm>>) target_semaphore(%run_scoped3A : memref<!tpu.dma_semaphore, #tpu.memory_space<semaphore_mem>>)
        %dma_wait3A_82 = arith.constant 9360 : i32
        %dma_wait3A_83 = arith.constant 0 : i32
        %dma_wait3A_84 = tpu.memref_slice %arg6[%arg0, %dma_wait3A_82, %dma_wait3A_83] : memref<2x10000x128xf32, #tpu.memory_space<hbm>> -> memref<1x640x128xf32, #tpu.memory_space<hbm>>
        %dma_wait3A_85 = tpu.memref_squeeze %dma_wait3A_84 : memref<1x640x128xf32, #tpu.memory_space<hbm>> -> memref<640x128xf32, #tpu.memory_space<hbm>>
        %dma_wait3A_86 = arith.constant 9360 : i32
        %dma_wait3A_87 = arith.constant 0 : i32
        %dma_wait3A_88 = tpu.memref_slice %arg13[%dma_wait3A_86, %dma_wait3A_87] : memref<10016x128xf32, #tpu.memory_space<vmem_shared>> -> memref<640x128xf32, #tpu.memory_space<vmem_shared>>
        tpu.wait_dma2 semaphore(%run_scoped3A : memref<!tpu.dma_semaphore, #tpu.memory_space<semaphore_mem>>) src(%dma_wait3A_88 : memref<640x128xf32, #tpu.memory_space<vmem_shared>>) dst(%dma_wait3A_85 : memref<640x128xf32, #tpu.memory_space<hbm>>)
        tpu.yield
      }) : () -> ()
    } else {
    }
    return
  }
}

module attributes {stable_mosaic.version = 14 : i64} {
  func.func @_cidx_body(%arg0: i32, %arg1: memref<2520x128xi32, #tpu.memory_space<vmem>>, %arg2: memref<2520x128xi32, #tpu.memory_space<vmem>>, %arg3: memref<2520x128xi32, #tpu.memory_space<vmem>>) attributes {dimension_semantics = [#tpu.dimension_semantics<arbitrary>], iteration_bounds = array<i64: 1>, scalar_prefetch = 0 : i64, scratch_operands = 0 : i64, tpu.core_type = #tpu.core_type<tc>, window_params = [{pipeline_mode = #tpu.pipeline_mode<synchronous>, transform_indices = @transform_0, window_bounds = array<i64: 2520, 128>}, {pipeline_mode = #tpu.pipeline_mode<synchronous>, transform_indices = @transform_1, window_bounds = array<i64: 2520, 128>}, {pipeline_mode = #tpu.pipeline_mode<synchronous>, transform_indices = @transform_2, window_bounds = array<i64: 2520, 128>}]} {
    %iota3A = tpu.iota {dimensions = array<i32: 0>} : vector<2520x128xi32>
    %mul3A = arith.constant 128 : i32
    %mul3A_0 = vector.broadcast %mul3A : i32 to vector<2520x128xi32>
    %mul3A_1 = arith.muli %iota3A, %mul3A_0 : vector<2520x128xi32>
    %iota3A_2 = tpu.iota {dimensions = array<i32: 1>} : vector<2520x128xi32>
    %add3A = arith.addi %mul3A_1, %iota3A_2 : vector<2520x128xi32>
    %get3A = arith.constant 0 : index
    %get3A_3 = arith.constant 0 : index
    %get3A_4 = vector.load %arg1[%get3A, %get3A_3] : memref<2520x128xi32, #tpu.memory_space<vmem>>, vector<2520x128xi32>
    %mul3A_5 = arith.constant 3 : i32
    %mul3A_6 = vector.broadcast %mul3A_5 : i32 to vector<2520x128xi32>
    %mul3A_7 = arith.muli %get3A_4, %mul3A_6 : vector<2520x128xi32>
    %get3A_8 = arith.constant 0 : index
    %get3A_9 = arith.constant 0 : index
    %get3A_10 = vector.load %arg2[%get3A_8, %get3A_9] : memref<2520x128xi32, #tpu.memory_space<vmem>>, vector<2520x128xi32>
    %add3A_11 = arith.addi %mul3A_7, %get3A_10 : vector<2520x128xi32>
    %and3A = arith.constant 511 : i32
    %and3A_12 = vector.broadcast %and3A : i32 to vector<2520x128xi32>
    %and3A_13 = arith.andi %add3A, %and3A_12 : vector<2520x128xi32>
    %mul3A_14 = arith.constant 18 : i32
    %mul3A_15 = vector.broadcast %mul3A_14 : i32 to vector<2520x128xi32>
    %mul3A_16 = arith.muli %mul3A_15, %and3A_13 : vector<2520x128xi32>
    %add3A_17 = arith.addi %add3A_11, %mul3A_16 : vector<2520x128xi32>
    %swap3A = arith.constant 0 : index
    %swap3A_18 = arith.constant 0 : index
    %swap3A_19 = vector.load %arg3[%swap3A, %swap3A_18] : memref<2520x128xi32, #tpu.memory_space<vmem>>, vector<2520x128xi32>
    tpu.vector_store %arg3[%swap3A, %swap3A_18], %add3A_17 {strides = array<i32>} : memref<2520x128xi32, #tpu.memory_space<vmem>>, vector<2520x128xi32>,
    return
  }
  func.func @transform_0(%arg0: i32) -> (i32, i32) {
    %c0_i32 = arith.constant 0 : i32
    %c0_i32_0 = arith.constant 0 : i32
    %c0_i32_1 = arith.constant 0 : i32
    return %c0_i32, %c0_i32_0 : i32, i32
  }
  func.func @transform_1(%arg0: i32) -> (i32, i32) {
    %c0_i32 = arith.constant 0 : i32
    %c0_i32_0 = arith.constant 0 : i32
    %c0_i32_1 = arith.constant 0 : i32
    return %c0_i32, %c0_i32_0 : i32, i32
  }
  func.func @transform_2(%arg0: i32) -> (i32, i32) {
    %c0_i32 = arith.constant 0 : i32
    %c0_i32_0 = arith.constant 0 : i32
    %c0_i32_1 = arith.constant 0 : i32
    return %c0_i32, %c0_i32_0 : i32, i32
  }
}

module attributes {stable_mosaic.version = 14 : i64} {
  func.func @_init_body(%arg0: i32, %arg1: memref<1000x1xi32, #tpu.memory_space<vmem>>, %arg2: memref<1000x1xi32, #tpu.memory_space<vmem>>, %arg3: memref<128x128xf32, #tpu.memory_space<vmem>>, %arg4: memref<1000x128xf32, #tpu.memory_space<vmem>>) attributes {dimension_semantics = [#tpu.dimension_semantics<arbitrary>], iteration_bounds = array<i64: 10>, scalar_prefetch = 0 : i64, scratch_operands = 0 : i64, tpu.core_type = #tpu.core_type<tc>, window_params = [{transform_indices = @transform_0, window_bounds = array<i64: 1000, 1>}, {transform_indices = @transform_1, window_bounds = array<i64: 1000, 1>}, {pipeline_mode = #tpu.pipeline_mode<synchronous>, transform_indices = @transform_2, window_bounds = array<i64: 128, 128>}, {transform_indices = @transform_3, window_bounds = array<i64: 1000, 128>}]} {
    %get3A = arith.constant 0 : index
    %get3A_0 = arith.constant 0 : index
    %get3A_1 = vector.load %arg1[%get3A, %get3A_0] : memref<1000x1xi32, #tpu.memory_space<vmem>>, vector<1000x1xi32>
    %get3A_2 = arith.constant 0 : index
    %get3A_3 = arith.constant 0 : index
    %get3A_4 = vector.load %arg2[%get3A_2, %get3A_3] : memref<1000x1xi32, #tpu.memory_space<vmem>>, vector<1000x1xi32>
    %iota3A = tpu.iota {dimensions = array<i32: 1>} : vector<1000x128xi32>
    %eq3A = vector.broadcast %get3A_1 : vector<1000x1xi32> to vector<1000x128xi32>
    %eq3A_5 = arith.cmpi eq, %iota3A, %eq3A : vector<1000x128xi32>
    %convert_element_type3A = arith.extui %eq3A_5 : vector<1000x128xi1> to vector<1000x128xi32>
    %convert_element_type3A_6 = arith.sitofp %convert_element_type3A : vector<1000x128xi32> to vector<1000x128xf32>
    %add3A = arith.constant 120 : i32
    %add3A_7 = vector.broadcast %add3A : i32 to vector<1000x1xi32>
    %add3A_8 = arith.addi %get3A_4, %add3A_7 : vector<1000x1xi32>
    %eq3A_9 = vector.broadcast %add3A_8 : vector<1000x1xi32> to vector<1000x128xi32>
    %eq3A_10 = arith.cmpi eq, %iota3A, %eq3A_9 : vector<1000x128xi32>
    %convert_element_type3A_11 = arith.extui %eq3A_10 : vector<1000x128xi1> to vector<1000x128xi32>
    %convert_element_type3A_12 = arith.sitofp %convert_element_type3A_11 : vector<1000x128xi32> to vector<1000x128xf32>
    %add3A_13 = arith.addf %convert_element_type3A_6, %convert_element_type3A_12 : vector<1000x128xf32>
    %get3A_14 = arith.constant 0 : index
    %get3A_15 = arith.constant 0 : index
    %get3A_16 = vector.load %arg3[%get3A_14, %get3A_15] : memref<128x128xf32, #tpu.memory_space<vmem>>, vector<128x128xf32>
    %dot_general3A = arith.constant dense<0.000000e+00> : vector<1000x128xf32>
    %dot_general3A_17 = tpu.matmul %add3A_13, %get3A_16, %dot_general3A {dimension_numbers = #tpu.dot_dimension_numbers<[1], [0], [0], [1], [0, 0, 1, 1], [], []>, transpose_lhs_hint = false} : vector<1000x128xf32>, vector<128x128xf32>, vector<1000x128xf32> -> vector<1000x128xf32>
    %swap3A = arith.constant 0 : index
    %swap3A_18 = arith.constant 0 : index
    %swap3A_19 = vector.load %arg4[%swap3A, %swap3A_18] : memref<1000x128xf32, #tpu.memory_space<vmem>>, vector<1000x128xf32>
    tpu.vector_store %arg4[%swap3A, %swap3A_18], %dot_general3A_17 {strides = array<i32>} : memref<1000x128xf32, #tpu.memory_space<vmem>>, vector<1000x128xf32>,
    return
  }
  func.func @transform_0(%arg0: i32) -> (i32, i32) {
    %c0_i32 = arith.constant 0 : i32
    %c0_i32_0 = arith.constant 0 : i32
    return %arg0, %c0_i32 : i32, i32
  }
  func.func @transform_1(%arg0: i32) -> (i32, i32) {
    %c0_i32 = arith.constant 0 : i32
    %c0_i32_0 = arith.constant 0 : i32
    return %arg0, %c0_i32 : i32, i32
  }
  func.func @transform_2(%arg0: i32) -> (i32, i32) {
    %c0_i32 = arith.constant 0 : i32
    %c0_i32_0 = arith.constant 0 : i32
    %c0_i32_1 = arith.constant 0 : i32
    return %c0_i32, %c0_i32_0 : i32, i32
  }
  func.func @transform_3(%arg0: i32) -> (i32, i32) {
    %c0_i32 = arith.constant 0 : i32
    %c0_i32_0 = arith.constant 0 : i32
    return %arg0, %c0_i32 : i32, i32
  }
}

module attributes {stable_mosaic.version = 14 : i64} {
  func.func @_layer_body(%arg0: i32, %arg1: memref<1000x128xf32, #tpu.memory_space<vmem>>, %arg2: memref<1000x128xf32, #tpu.memory_space<vmem>>, %arg3: memref<1000x128xf32, #tpu.memory_space<vmem>>, %arg4: memref<128x128xf32, #tpu.memory_space<vmem>>, %arg5: memref<128x256xf32, #tpu.memory_space<vmem>>, %arg6: memref<1x256xf32, #tpu.memory_space<vmem>>, %arg7: memref<256x128xf32, #tpu.memory_space<vmem>>, %arg8: memref<1x128xf32, #tpu.memory_space<vmem>>, %arg9: memref<1x128xf32, #tpu.memory_space<vmem>>, %arg10: memref<1x128xf32, #tpu.memory_space<vmem>>, %arg11: memref<1000x128xf32, #tpu.memory_space<vmem>>) attributes {dimension_semantics = [#tpu.dimension_semantics<arbitrary>], iteration_bounds = array<i64: 10>, scalar_prefetch = 0 : i64, scratch_operands = 0 : i64, tpu.core_type = #tpu.core_type<tc>, window_params = [{transform_indices = @transform_0, window_bounds = array<i64: 1000, 128>}, {transform_indices = @transform_1, window_bounds = array<i64: 1000, 128>}, {transform_indices = @transform_2, window_bounds = array<i64: 1000, 128>}, {pipeline_mode = #tpu.pipeline_mode<synchronous>, transform_indices = @transform_3, window_bounds = array<i64: 128, 128>}, {pipeline_mode = #tpu.pipeline_mode<synchronous>, transform_indices = @transform_4, window_bounds = array<i64: 128, 256>}, {pipeline_mode = #tpu.pipeline_mode<synchronous>, transform_indices = @transform_5, window_bounds = array<i64: 1, 256>}, {pipeline_mode = #tpu.pipeline_mode<synchronous>, transform_indices = @transform_6, window_bounds = array<i64: 256, 128>}, {pipeline_mode = #tpu.pipeline_mode<synchronous>, transform_indices = @transform_7, window_bounds = array<i64: 1, 128>}, {pipeline_mode = #tpu.pipeline_mode<synchronous>, transform_indices = @transform_8, window_bounds = array<i64: 1, 128>}, {pipeline_mode = #tpu.pipeline_mode<synchronous>, transform_indices = @transform_9, window_bounds = array<i64: 1, 128>}, {transform_indices = @transform_10, window_bounds = array<i64: 1000, 128>}]} {
    %get3A = arith.constant 0 : index
    %get3A_0 = arith.constant 0 : index
    %get3A_1 = vector.load %arg1[%get3A, %get3A_0] : memref<1000x128xf32, #tpu.memory_space<vmem>>, vector<1000x128xf32>
    %get3A_2 = arith.constant 0 : index
    %get3A_3 = arith.constant 0 : index
    %get3A_4 = vector.load %arg2[%get3A_2, %get3A_3] : memref<1000x128xf32, #tpu.memory_space<vmem>>, vector<1000x128xf32>
    %add3A = arith.addf %get3A_1, %get3A_4 : vector<1000x128xf32>
    %get3A_5 = arith.constant 0 : index
    %get3A_6 = arith.constant 0 : index
    %get3A_7 = vector.load %arg3[%get3A_5, %get3A_6] : memref<1000x128xf32, #tpu.memory_space<vmem>>, vector<1000x128xf32>
    %get3A_8 = arith.constant 0 : index
    %get3A_9 = arith.constant 0 : index
    %get3A_10 = vector.load %arg4[%get3A_8, %get3A_9] : memref<128x128xf32, #tpu.memory_space<vmem>>, vector<128x128xf32>
    %dot_general3A = arith.constant dense<0.000000e+00> : vector<1000x128xf32>
    %dot_general3A_11 = tpu.matmul %get3A_7, %get3A_10, %dot_general3A {dimension_numbers = #tpu.dot_dimension_numbers<[1], [0], [0], [1], [0, 0, 1, 1], [], []>, transpose_lhs_hint = false} : vector<1000x128xf32>, vector<128x128xf32>, vector<1000x128xf32> -> vector<1000x128xf32>
    %add3A_12 = arith.addf %add3A, %dot_general3A_11 : vector<1000x128xf32>
    %get3A_13 = arith.constant 0 : index
    %get3A_14 = arith.constant 0 : index
    %get3A_15 = vector.load %arg5[%get3A_13, %get3A_14] : memref<128x256xf32, #tpu.memory_space<vmem>>, vector<128x256xf32>
    %dot_general3A_16 = arith.constant dense<0.000000e+00> : vector<1000x256xf32>
    %dot_general3A_17 = tpu.matmul %add3A_12, %get3A_15, %dot_general3A_16 {dimension_numbers = #tpu.dot_dimension_numbers<[1], [0], [0], [1], [0, 0, 1, 1], [], []>, transpose_lhs_hint = false} : vector<1000x128xf32>, vector<128x256xf32>, vector<1000x256xf32> -> vector<1000x256xf32>
    %get3A_18 = arith.constant 0 : index
    %get3A_19 = arith.constant 0 : index
    %get3A_20 = vector.load %arg6[%get3A_18, %get3A_19] : memref<1x256xf32, #tpu.memory_space<vmem>>, vector<1x256xf32>
    %add3A_21 = vector.broadcast %get3A_20 : vector<1x256xf32> to vector<1000x256xf32>
    %add3A_22 = arith.addf %dot_general3A_17, %add3A_21 : vector<1000x256xf32>
    %max3A = arith.constant 0.000000e+00 : f32
    %max3A_23 = vector.broadcast %max3A : f32 to vector<1000x256xf32>
    %max3A_24 = arith.maximumf %add3A_22, %max3A_23 : vector<1000x256xf32>
    %get3A_25 = arith.constant 0 : index
    %get3A_26 = arith.constant 0 : index
    %get3A_27 = vector.load %arg7[%get3A_25, %get3A_26] : memref<256x128xf32, #tpu.memory_space<vmem>>, vector<256x128xf32>
    %dot_general3A_28 = arith.constant dense<0.000000e+00> : vector<1000x128xf32>
    %dot_general3A_29 = tpu.matmul %max3A_24, %get3A_27, %dot_general3A_28 {dimension_numbers = #tpu.dot_dimension_numbers<[1], [0], [0], [1], [0, 0, 1, 1], [], []>, transpose_lhs_hint = false} : vector<1000x256xf32>, vector<256x128xf32>, vector<1000x128xf32> -> vector<1000x128xf32>
    %get3A_30 = arith.constant 0 : index
    %get3A_31 = arith.constant 0 : index
    %get3A_32 = vector.load %arg8[%get3A_30, %get3A_31] : memref<1x128xf32, #tpu.memory_space<vmem>>, vector<1x128xf32>
    %add3A_33 = vector.broadcast %get3A_32 : vector<1x128xf32> to vector<1000x128xf32>
    %add3A_34 = arith.addf %dot_general3A_29, %add3A_33 : vector<1000x128xf32>
    %get3A_35 = arith.constant 0 : index
    %get3A_36 = arith.constant 0 : index
    %get3A_37 = vector.load %arg9[%get3A_35, %get3A_36] : memref<1x128xf32, #tpu.memory_space<vmem>>, vector<1x128xf32>
    %mul3A = vector.broadcast %get3A_37 : vector<1x128xf32> to vector<1000x128xf32>
    %mul3A_38 = arith.mulf %add3A_34, %mul3A : vector<1000x128xf32>
    %get3A_39 = arith.constant 0 : index
    %get3A_40 = arith.constant 0 : index
    %get3A_41 = vector.load %arg10[%get3A_39, %get3A_40] : memref<1x128xf32, #tpu.memory_space<vmem>>, vector<1x128xf32>
    %add3A_42 = vector.broadcast %get3A_41 : vector<1x128xf32> to vector<1000x128xf32>
    %add3A_43 = arith.addf %mul3A_38, %add3A_42 : vector<1000x128xf32>
    %max3A_44 = arith.constant 0.000000e+00 : f32
    %max3A_45 = vector.broadcast %max3A_44 : f32 to vector<1000x128xf32>
    %max3A_46 = arith.maximumf %add3A_43, %max3A_45 : vector<1000x128xf32>
    %swap3A = arith.constant 0 : index
    %swap3A_47 = arith.constant 0 : index
    %swap3A_48 = vector.load %arg11[%swap3A, %swap3A_47] : memref<1000x128xf32, #tpu.memory_space<vmem>>, vector<1000x128xf32>
    tpu.vector_store %arg11[%swap3A, %swap3A_47], %max3A_46 {strides = array<i32>} : memref<1000x128xf32, #tpu.memory_space<vmem>>, vector<1000x128xf32>,
    return
  }
  func.func @transform_0(%arg0: i32) -> (i32, i32) {
    %c0_i32 = arith.constant 0 : i32
    %c0_i32_0 = arith.constant 0 : i32
    return %arg0, %c0_i32 : i32, i32
  }
  func.func @transform_1(%arg0: i32) -> (i32, i32) {
    %c0_i32 = arith.constant 0 : i32
    %c0_i32_0 = arith.constant 0 : i32
    return %arg0, %c0_i32 : i32, i32
  }
  func.func @transform_2(%arg0: i32) -> (i32, i32) {
    %c0_i32 = arith.constant 0 : i32
    %c0_i32_0 = arith.constant 0 : i32
    return %arg0, %c0_i32 : i32, i32
  }
  func.func @transform_3(%arg0: i32) -> (i32, i32) {
    %c0_i32 = arith.constant 0 : i32
    %c0_i32_0 = arith.constant 0 : i32
    %c0_i32_1 = arith.constant 0 : i32
    return %c0_i32, %c0_i32_0 : i32, i32
  }
  func.func @transform_4(%arg0: i32) -> (i32, i32) {
    %c0_i32 = arith.constant 0 : i32
    %c0_i32_0 = arith.constant 0 : i32
    %c0_i32_1 = arith.constant 0 : i32
    return %c0_i32, %c0_i32_0 : i32, i32
  }
  func.func @transform_5(%arg0: i32) -> (i32, i32) {
    %c0_i32 = arith.constant 0 : i32
    %c0_i32_0 = arith.constant 0 : i32
    %c0_i32_1 = arith.constant 0 : i32
    return %c0_i32, %c0_i32_0 : i32, i32
  }
  func.func @transform_6(%arg0: i32) -> (i32, i32) {
    %c0_i32 = arith.constant 0 : i32
    %c0_i32_0 = arith.constant 0 : i32
    %c0_i32_1 = arith.constant 0 : i32
    return %c0_i32, %c0_i32_0 : i32, i32
  }
  func.func @transform_7(%arg0: i32) -> (i32, i32) {
    %c0_i32 = arith.constant 0 : i32
    %c0_i32_0 = arith.constant 0 : i32
    %c0_i32_1 = arith.constant 0 : i32
    return %c0_i32, %c0_i32_0 : i32, i32
  }
  func.func @transform_8(%arg0: i32) -> (i32, i32) {
    %c0_i32 = arith.constant 0 : i32
    %c0_i32_0 = arith.constant 0 : i32
    %c0_i32_1 = arith.constant 0 : i32
    return %c0_i32, %c0_i32_0 : i32, i32
  }
  func.func @transform_9(%arg0: i32) -> (i32, i32) {
    %c0_i32 = arith.constant 0 : i32
    %c0_i32_0 = arith.constant 0 : i32
    %c0_i32_1 = arith.constant 0 : i32
    return %c0_i32, %c0_i32_0 : i32, i32
  }
  func.func @transform_10(%arg0: i32) -> (i32, i32) {
    %c0_i32 = arith.constant 0 : i32
    %c0_i32_0 = arith.constant 0 : i32
    return %arg0, %c0_i32 : i32, i32
  }
}

module attributes {stable_mosaic.version = 14 : i64} {
  func.func @_layer_body(%arg0: i32, %arg1: memref<1000x128xf32, #tpu.memory_space<vmem>>, %arg2: memref<1000x128xf32, #tpu.memory_space<vmem>>, %arg3: memref<1000x128xf32, #tpu.memory_space<vmem>>, %arg4: memref<128x128xf32, #tpu.memory_space<vmem>>, %arg5: memref<128x256xf32, #tpu.memory_space<vmem>>, %arg6: memref<1x256xf32, #tpu.memory_space<vmem>>, %arg7: memref<256x128xf32, #tpu.memory_space<vmem>>, %arg8: memref<1x128xf32, #tpu.memory_space<vmem>>, %arg9: memref<1x128xf32, #tpu.memory_space<vmem>>, %arg10: memref<1x128xf32, #tpu.memory_space<vmem>>, %arg11: memref<1000x128xf32, #tpu.memory_space<vmem>>) attributes {dimension_semantics = [#tpu.dimension_semantics<arbitrary>], iteration_bounds = array<i64: 10>, scalar_prefetch = 0 : i64, scratch_operands = 0 : i64, tpu.core_type = #tpu.core_type<tc>, window_params = [{transform_indices = @transform_0, window_bounds = array<i64: 1000, 128>}, {transform_indices = @transform_1, window_bounds = array<i64: 1000, 128>}, {transform_indices = @transform_2, window_bounds = array<i64: 1000, 128>}, {pipeline_mode = #tpu.pipeline_mode<synchronous>, transform_indices = @transform_3, window_bounds = array<i64: 128, 128>}, {pipeline_mode = #tpu.pipeline_mode<synchronous>, transform_indices = @transform_4, window_bounds = array<i64: 128, 256>}, {pipeline_mode = #tpu.pipeline_mode<synchronous>, transform_indices = @transform_5, window_bounds = array<i64: 1, 256>}, {pipeline_mode = #tpu.pipeline_mode<synchronous>, transform_indices = @transform_6, window_bounds = array<i64: 256, 128>}, {pipeline_mode = #tpu.pipeline_mode<synchronous>, transform_indices = @transform_7, window_bounds = array<i64: 1, 128>}, {pipeline_mode = #tpu.pipeline_mode<synchronous>, transform_indices = @transform_8, window_bounds = array<i64: 1, 128>}, {pipeline_mode = #tpu.pipeline_mode<synchronous>, transform_indices = @transform_9, window_bounds = array<i64: 1, 128>}, {transform_indices = @transform_10, window_bounds = array<i64: 1000, 128>}]} {
    %get3A = arith.constant 0 : index
    %get3A_0 = arith.constant 0 : index
    %get3A_1 = vector.load %arg1[%get3A, %get3A_0] : memref<1000x128xf32, #tpu.memory_space<vmem>>, vector<1000x128xf32>
    %get3A_2 = arith.constant 0 : index
    %get3A_3 = arith.constant 0 : index
    %get3A_4 = vector.load %arg2[%get3A_2, %get3A_3] : memref<1000x128xf32, #tpu.memory_space<vmem>>, vector<1000x128xf32>
    %add3A = arith.addf %get3A_1, %get3A_4 : vector<1000x128xf32>
    %get3A_5 = arith.constant 0 : index
    %get3A_6 = arith.constant 0 : index
    %get3A_7 = vector.load %arg3[%get3A_5, %get3A_6] : memref<1000x128xf32, #tpu.memory_space<vmem>>, vector<1000x128xf32>
    %get3A_8 = arith.constant 0 : index
    %get3A_9 = arith.constant 0 : index
    %get3A_10 = vector.load %arg4[%get3A_8, %get3A_9] : memref<128x128xf32, #tpu.memory_space<vmem>>, vector<128x128xf32>
    %dot_general3A = arith.constant dense<0.000000e+00> : vector<1000x128xf32>
    %dot_general3A_11 = tpu.matmul %get3A_7, %get3A_10, %dot_general3A {dimension_numbers = #tpu.dot_dimension_numbers<[1], [0], [0], [1], [0, 0, 1, 1], [], []>, transpose_lhs_hint = false} : vector<1000x128xf32>, vector<128x128xf32>, vector<1000x128xf32> -> vector<1000x128xf32>
    %add3A_12 = arith.addf %add3A, %dot_general3A_11 : vector<1000x128xf32>
    %get3A_13 = arith.constant 0 : index
    %get3A_14 = arith.constant 0 : index
    %get3A_15 = vector.load %arg5[%get3A_13, %get3A_14] : memref<128x256xf32, #tpu.memory_space<vmem>>, vector<128x256xf32>
    %dot_general3A_16 = arith.constant dense<0.000000e+00> : vector<1000x256xf32>
    %dot_general3A_17 = tpu.matmul %add3A_12, %get3A_15, %dot_general3A_16 {dimension_numbers = #tpu.dot_dimension_numbers<[1], [0], [0], [1], [0, 0, 1, 1], [], []>, transpose_lhs_hint = false} : vector<1000x128xf32>, vector<128x256xf32>, vector<1000x256xf32> -> vector<1000x256xf32>
    %get3A_18 = arith.constant 0 : index
    %get3A_19 = arith.constant 0 : index
    %get3A_20 = vector.load %arg6[%get3A_18, %get3A_19] : memref<1x256xf32, #tpu.memory_space<vmem>>, vector<1x256xf32>
    %add3A_21 = vector.broadcast %get3A_20 : vector<1x256xf32> to vector<1000x256xf32>
    %add3A_22 = arith.addf %dot_general3A_17, %add3A_21 : vector<1000x256xf32>
    %max3A = arith.constant 0.000000e+00 : f32
    %max3A_23 = vector.broadcast %max3A : f32 to vector<1000x256xf32>
    %max3A_24 = arith.maximumf %add3A_22, %max3A_23 : vector<1000x256xf32>
    %get3A_25 = arith.constant 0 : index
    %get3A_26 = arith.constant 0 : index
    %get3A_27 = vector.load %arg7[%get3A_25, %get3A_26] : memref<256x128xf32, #tpu.memory_space<vmem>>, vector<256x128xf32>
    %dot_general3A_28 = arith.constant dense<0.000000e+00> : vector<1000x128xf32>
    %dot_general3A_29 = tpu.matmul %max3A_24, %get3A_27, %dot_general3A_28 {dimension_numbers = #tpu.dot_dimension_numbers<[1], [0], [0], [1], [0, 0, 1, 1], [], []>, transpose_lhs_hint = false} : vector<1000x256xf32>, vector<256x128xf32>, vector<1000x128xf32> -> vector<1000x128xf32>
    %get3A_30 = arith.constant 0 : index
    %get3A_31 = arith.constant 0 : index
    %get3A_32 = vector.load %arg8[%get3A_30, %get3A_31] : memref<1x128xf32, #tpu.memory_space<vmem>>, vector<1x128xf32>
    %add3A_33 = vector.broadcast %get3A_32 : vector<1x128xf32> to vector<1000x128xf32>
    %add3A_34 = arith.addf %dot_general3A_29, %add3A_33 : vector<1000x128xf32>
    %get3A_35 = arith.constant 0 : index
    %get3A_36 = arith.constant 0 : index
    %get3A_37 = vector.load %arg9[%get3A_35, %get3A_36] : memref<1x128xf32, #tpu.memory_space<vmem>>, vector<1x128xf32>
    %mul3A = vector.broadcast %get3A_37 : vector<1x128xf32> to vector<1000x128xf32>
    %mul3A_38 = arith.mulf %add3A_34, %mul3A : vector<1000x128xf32>
    %get3A_39 = arith.constant 0 : index
    %get3A_40 = arith.constant 0 : index
    %get3A_41 = vector.load %arg10[%get3A_39, %get3A_40] : memref<1x128xf32, #tpu.memory_space<vmem>>, vector<1x128xf32>
    %add3A_42 = vector.broadcast %get3A_41 : vector<1x128xf32> to vector<1000x128xf32>
    %add3A_43 = arith.addf %mul3A_38, %add3A_42 : vector<1000x128xf32>
    %swap3A = arith.constant 0 : index
    %swap3A_44 = arith.constant 0 : index
    %swap3A_45 = vector.load %arg11[%swap3A, %swap3A_44] : memref<1000x128xf32, #tpu.memory_space<vmem>>, vector<1000x128xf32>
    tpu.vector_store %arg11[%swap3A, %swap3A_44], %add3A_43 {strides = array<i32>} : memref<1000x128xf32, #tpu.memory_space<vmem>>, vector<1000x128xf32>,
    return
  }
  func.func @transform_0(%arg0: i32) -> (i32, i32) {
    %c0_i32 = arith.constant 0 : i32
    %c0_i32_0 = arith.constant 0 : i32
    return %arg0, %c0_i32 : i32, i32
  }
  func.func @transform_1(%arg0: i32) -> (i32, i32) {
    %c0_i32 = arith.constant 0 : i32
    %c0_i32_0 = arith.constant 0 : i32
    return %arg0, %c0_i32 : i32, i32
  }
  func.func @transform_2(%arg0: i32) -> (i32, i32) {
    %c0_i32 = arith.constant 0 : i32
    %c0_i32_0 = arith.constant 0 : i32
    return %arg0, %c0_i32 : i32, i32
  }
  func.func @transform_3(%arg0: i32) -> (i32, i32) {
    %c0_i32 = arith.constant 0 : i32
    %c0_i32_0 = arith.constant 0 : i32
    %c0_i32_1 = arith.constant 0 : i32
    return %c0_i32, %c0_i32_0 : i32, i32
  }
  func.func @transform_4(%arg0: i32) -> (i32, i32) {
    %c0_i32 = arith.constant 0 : i32
    %c0_i32_0 = arith.constant 0 : i32
    %c0_i32_1 = arith.constant 0 : i32
    return %c0_i32, %c0_i32_0 : i32, i32
  }
  func.func @transform_5(%arg0: i32) -> (i32, i32) {
    %c0_i32 = arith.constant 0 : i32
    %c0_i32_0 = arith.constant 0 : i32
    %c0_i32_1 = arith.constant 0 : i32
    return %c0_i32, %c0_i32_0 : i32, i32
  }
  func.func @transform_6(%arg0: i32) -> (i32, i32) {
    %c0_i32 = arith.constant 0 : i32
    %c0_i32_0 = arith.constant 0 : i32
    %c0_i32_1 = arith.constant 0 : i32
    return %c0_i32, %c0_i32_0 : i32, i32
  }
  func.func @transform_7(%arg0: i32) -> (i32, i32) {
    %c0_i32 = arith.constant 0 : i32
    %c0_i32_0 = arith.constant 0 : i32
    %c0_i32_1 = arith.constant 0 : i32
    return %c0_i32, %c0_i32_0 : i32, i32
  }
  func.func @transform_8(%arg0: i32) -> (i32, i32) {
    %c0_i32 = arith.constant 0 : i32
    %c0_i32_0 = arith.constant 0 : i32
    %c0_i32_1 = arith.constant 0 : i32
    return %c0_i32, %c0_i32_0 : i32, i32
  }
  func.func @transform_9(%arg0: i32) -> (i32, i32) {
    %c0_i32 = arith.constant 0 : i32
    %c0_i32_0 = arith.constant 0 : i32
    %c0_i32_1 = arith.constant 0 : i32
    return %c0_i32, %c0_i32_0 : i32, i32
  }
  func.func @transform_10(%arg0: i32) -> (i32, i32) {
    %c0_i32 = arith.constant 0 : i32
    %c0_i32_0 = arith.constant 0 : i32
    return %arg0, %c0_i32 : i32, i32
  }
}

module attributes {stable_mosaic.version = 14 : i64} {
  func.func @_pool_body(%arg0: i32, %arg1: memref<1000x128xf32, #tpu.memory_space<vmem>>, %arg2: memref<1000x256xf32, #tpu.memory_space<vmem>>, %arg3: memref<1000x1xi32, #tpu.memory_space<vmem>>, %arg4: memref<256x128xf32, #tpu.memory_space<vmem>>, %arg5: memref<1x128xf32, #tpu.memory_space<vmem>>, %arg6: memref<64x128xf32, #tpu.memory_space<vmem>>, %arg7: memref<64x128xf32, #tpu.memory_space<vmem>>) attributes {dimension_semantics = [#tpu.dimension_semantics<arbitrary>], iteration_bounds = array<i64: 10>, scalar_prefetch = 0 : i64, scratch_operands = 0 : i64, tpu.core_type = #tpu.core_type<tc>, window_params = [{transform_indices = @transform_0, window_bounds = array<i64: 1000, 128>}, {transform_indices = @transform_1, window_bounds = array<i64: 1000, 256>}, {transform_indices = @transform_2, window_bounds = array<i64: 1000, 1>}, {pipeline_mode = #tpu.pipeline_mode<synchronous>, transform_indices = @transform_3, window_bounds = array<i64: 256, 128>}, {pipeline_mode = #tpu.pipeline_mode<synchronous>, transform_indices = @transform_4, window_bounds = array<i64: 1, 128>}, {pipeline_mode = #tpu.pipeline_mode<synchronous>, transform_indices = @transform_5, window_bounds = array<i64: 64, 128>}, {pipeline_mode = #tpu.pipeline_mode<synchronous>, transform_indices = @transform_6, window_bounds = array<i64: 64, 128>}]} {
    %get3A = arith.constant 0 : index
    %get3A_0 = arith.constant 0 : index
    %get3A_1 = vector.load %arg1[%get3A, %get3A_0] : memref<1000x128xf32, #tpu.memory_space<vmem>>, vector<1000x128xf32>
    %get3A_2 = arith.constant 0 : index
    %get3A_3 = arith.constant 0 : index
    %get3A_4 = vector.load %arg2[%get3A_2, %get3A_3] : memref<1000x256xf32, #tpu.memory_space<vmem>>, vector<1000x256xf32>
    %get3A_5 = arith.constant 0 : index
    %get3A_6 = arith.constant 0 : index
    %get3A_7 = vector.load %arg4[%get3A_5, %get3A_6] : memref<256x128xf32, #tpu.memory_space<vmem>>, vector<256x128xf32>
    %dot_general3A = arith.constant dense<0.000000e+00> : vector<1000x128xf32>
    %dot_general3A_8 = tpu.matmul %get3A_4, %get3A_7, %dot_general3A {dimension_numbers = #tpu.dot_dimension_numbers<[1], [0], [0], [1], [0, 0, 1, 1], [], []>, transpose_lhs_hint = false} : vector<1000x256xf32>, vector<256x128xf32>, vector<1000x128xf32> -> vector<1000x128xf32>
    %add3A = arith.addf %get3A_1, %dot_general3A_8 : vector<1000x128xf32>
    %get3A_9 = arith.constant 0 : index
    %get3A_10 = arith.constant 0 : index
    %get3A_11 = vector.load %arg5[%get3A_9, %get3A_10] : memref<1x128xf32, #tpu.memory_space<vmem>>, vector<1x128xf32>
    %add3A_12 = vector.broadcast %get3A_11 : vector<1x128xf32> to vector<1000x128xf32>
    %add3A_13 = arith.addf %add3A, %add3A_12 : vector<1000x128xf32>
    %get3A_14 = arith.constant 0 : index
    %get3A_15 = arith.constant 0 : index
    %get3A_16 = vector.load %arg3[%get3A_14, %get3A_15] : memref<1000x1xi32, #tpu.memory_space<vmem>>, vector<1000x1xi32>
    %iota3A = tpu.iota {dimensions = array<i32: 1>} : vector<1000x64xi32>
    %eq3A = vector.broadcast %get3A_16 : vector<1000x1xi32> to vector<1000x64xi32>
    %eq3A_17 = arith.cmpi eq, %iota3A, %eq3A : vector<1000x64xi32>
    %convert_element_type3A = arith.extui %eq3A_17 : vector<1000x64xi1> to vector<1000x64xi32>
    %convert_element_type3A_18 = arith.sitofp %convert_element_type3A : vector<1000x64xi32> to vector<1000x64xf32>
    %dot_general3A_19 = arith.constant dense<0.000000e+00> : vector<64x128xf32>
    %dot_general3A_20 = tpu.matmul %convert_element_type3A_18, %add3A_13, %dot_general3A_19 {dimension_numbers = #tpu.dot_dimension_numbers<[0], [0], [1], [1], [0, 1, 1, 1], [], []>, transpose_lhs_hint = false} : vector<1000x64xf32>, vector<1000x128xf32>, vector<64x128xf32> -> vector<64x128xf32>
    %broadcast_in_dim3A = arith.constant 1.000000e+00 : f32
    %broadcast_in_dim3A_21 = vector.broadcast %broadcast_in_dim3A : f32 to vector<1000x128xf32>
    %dot_general3A_22 = arith.constant dense<0.000000e+00> : vector<64x128xf32>
    %dot_general3A_23 = tpu.matmul %convert_element_type3A_18, %broadcast_in_dim3A_21, %dot_general3A_22 {dimension_numbers = #tpu.dot_dimension_numbers<[0], [0], [1], [1], [0, 1, 1, 1], [], []>, transpose_lhs_hint = false} : vector<1000x64xf32>, vector<1000x128xf32>, vector<64x128xf32> -> vector<64x128xf32>
    %eq3A_24 = arith.constant 0 : i32
    %eq3A_25 = arith.cmpi eq, %arg0, %eq3A_24 : i32
    %convert_element_type3A_26 = arith.extui %eq3A_25 : i1 to i32
    %cond3A = arith.constant 0 : i32
    %cond3A_27 = arith.cmpi ne, %convert_element_type3A_26, %cond3A : i32
    scf.if %cond3A_27 {
      %broadcast_in_dim3A_41 = arith.constant 0.000000e+00 : f32
      %broadcast_in_dim3A_42 = vector.broadcast %broadcast_in_dim3A_41 : f32 to vector<64x128xf32>
      %swap3A_43 = arith.constant 0 : index
      %swap3A_44 = arith.constant 0 : index
      %swap3A_45 = vector.load %arg6[%swap3A_43, %swap3A_44] : memref<64x128xf32, #tpu.memory_space<vmem>>, vector<64x128xf32>
      tpu.vector_store %arg6[%swap3A_43, %swap3A_44], %broadcast_in_dim3A_42 {strides = array<i32>} : memref<64x128xf32, #tpu.memory_space<vmem>>, vector<64x128xf32>,
      %broadcast_in_dim3A_46 = arith.constant 0.000000e+00 : f32
      %broadcast_in_dim3A_47 = vector.broadcast %broadcast_in_dim3A_46 : f32 to vector<64x128xf32>
      %swap3A_48 = arith.constant 0 : index
      %swap3A_49 = arith.constant 0 : index
      %swap3A_50 = vector.load %arg7[%swap3A_48, %swap3A_49] : memref<64x128xf32, #tpu.memory_space<vmem>>, vector<64x128xf32>
      tpu.vector_store %arg7[%swap3A_48, %swap3A_49], %broadcast_in_dim3A_47 {strides = array<i32>} : memref<64x128xf32, #tpu.memory_space<vmem>>, vector<64x128xf32>,
    } else {
    }
    %get3A_28 = arith.constant 0 : index
    %get3A_29 = arith.constant 0 : index
    %get3A_30 = vector.load %arg6[%get3A_28, %get3A_29] : memref<64x128xf32, #tpu.memory_space<vmem>>, vector<64x128xf32>
    %add3A_31 = arith.addf %get3A_30, %dot_general3A_20 : vector<64x128xf32>
    %swap3A = arith.constant 0 : index
    %swap3A_32 = arith.constant 0 : index
    %swap3A_33 = vector.load %arg6[%swap3A, %swap3A_32] : memref<64x128xf32, #tpu.memory_space<vmem>>, vector<64x128xf32>
    tpu.vector_store %arg6[%swap3A, %swap3A_32], %add3A_31 {strides = array<i32>} : memref<64x128xf32, #tpu.memory_space<vmem>>, vector<64x128xf32>,
    %get3A_34 = arith.constant 0 : index
    %get3A_35 = arith.constant 0 : index
    %get3A_36 = vector.load %arg7[%get3A_34, %get3A_35] : memref<64x128xf32, #tpu.memory_space<vmem>>, vector<64x128xf32>
    %add3A_37 = arith.addf %get3A_36, %dot_general3A_23 : vector<64x128xf32>
    %swap3A_38 = arith.constant 0 : index
    %swap3A_39 = arith.constant 0 : index
    %swap3A_40 = vector.load %arg7[%swap3A_38, %swap3A_39] : memref<64x128xf32, #tpu.memory_space<vmem>>, vector<64x128xf32>
    tpu.vector_store %arg7[%swap3A_38, %swap3A_39], %add3A_37 {strides = array<i32>} : memref<64x128xf32, #tpu.memory_space<vmem>>, vector<64x128xf32>,
    return
  }
  func.func @transform_0(%arg0: i32) -> (i32, i32) {
    %c0_i32 = arith.constant 0 : i32
    %c0_i32_0 = arith.constant 0 : i32
    return %arg0, %c0_i32 : i32, i32
  }
  func.func @transform_1(%arg0: i32) -> (i32, i32) {
    %c0_i32 = arith.constant 0 : i32
    %c0_i32_0 = arith.constant 0 : i32
    return %arg0, %c0_i32 : i32, i32
  }
  func.func @transform_2(%arg0: i32) -> (i32, i32) {
    %c0_i32 = arith.constant 0 : i32
    %c0_i32_0 = arith.constant 0 : i32
    return %arg0, %c0_i32 : i32, i32
  }
  func.func @transform_3(%arg0: i32) -> (i32, i32) {
    %c0_i32 = arith.constant 0 : i32
    %c0_i32_0 = arith.constant 0 : i32
    %c0_i32_1 = arith.constant 0 : i32
    return %c0_i32, %c0_i32_0 : i32, i32
  }
  func.func @transform_4(%arg0: i32) -> (i32, i32) {
    %c0_i32 = arith.constant 0 : i32
    %c0_i32_0 = arith.constant 0 : i32
    %c0_i32_1 = arith.constant 0 : i32
    return %c0_i32, %c0_i32_0 : i32, i32
  }
  func.func @transform_5(%arg0: i32) -> (i32, i32) {
    %c0_i32 = arith.constant 0 : i32
    %c0_i32_0 = arith.constant 0 : i32
    %c0_i32_1 = arith.constant 0 : i32
    return %c0_i32, %c0_i32_0 : i32, i32
  }
  func.func @transform_6(%arg0: i32) -> (i32, i32) {
    %c0_i32 = arith.constant 0 : i32
    %c0_i32_0 = arith.constant 0 : i32
    %c0_i32_1 = arith.constant 0 : i32
    return %c0_i32, %c0_i32_0 : i32, i32
  }
}

module attributes {stable_mosaic.version = 14 : i64} {
  func.func @_pred_body(%arg0: i32, %arg1: memref<64x128xf32, #tpu.memory_space<vmem>>, %arg2: memref<64x128xf32, #tpu.memory_space<vmem>>, %arg3: memref<128x1xf32, #tpu.memory_space<vmem>>, %arg4: memref<1x1xf32, #tpu.memory_space<vmem>>, %arg5: memref<64x1xf32, #tpu.memory_space<vmem>>) attributes {dimension_semantics = [#tpu.dimension_semantics<arbitrary>], iteration_bounds = array<i64: 1>, scalar_prefetch = 0 : i64, scratch_operands = 0 : i64, tpu.core_type = #tpu.core_type<tc>, window_params = [{pipeline_mode = #tpu.pipeline_mode<synchronous>, transform_indices = @transform_0, window_bounds = array<i64: 64, 128>}, {pipeline_mode = #tpu.pipeline_mode<synchronous>, transform_indices = @transform_1, window_bounds = array<i64: 64, 128>}, {pipeline_mode = #tpu.pipeline_mode<synchronous>, transform_indices = @transform_2, window_bounds = array<i64: 128, 1>}, {pipeline_mode = #tpu.pipeline_mode<synchronous>, transform_indices = @transform_3, window_bounds = array<i64: 1, 1>}, {pipeline_mode = #tpu.pipeline_mode<synchronous>, transform_indices = @transform_4, window_bounds = array<i64: 64, 1>}]} {
    %get3A = arith.constant 0 : index
    %get3A_0 = arith.constant 0 : index
    %get3A_1 = vector.load %arg1[%get3A, %get3A_0] : memref<64x128xf32, #tpu.memory_space<vmem>>, vector<64x128xf32>
    %get3A_2 = arith.constant 0 : index
    %get3A_3 = arith.constant 0 : index
    %get3A_4 = vector.load %arg2[%get3A_2, %get3A_3] : memref<64x128xf32, #tpu.memory_space<vmem>>, vector<64x128xf32>
    %max3A = arith.constant 1.000000e+00 : f32
    %max3A_5 = vector.broadcast %max3A : f32 to vector<64x128xf32>
    %max3A_6 = arith.maximumf %get3A_4, %max3A_5 : vector<64x128xf32>
    %div3A = arith.divf %get3A_1, %max3A_6 : vector<64x128xf32>
    %get3A_7 = arith.constant 0 : index
    %get3A_8 = arith.constant 0 : index
    %get3A_9 = vector.load %arg3[%get3A_7, %get3A_8] : memref<128x1xf32, #tpu.memory_space<vmem>>, vector<128x1xf32>
    %dot_general3A = arith.constant dense<0.000000e+00> : vector<64x1xf32>
    %dot_general3A_10 = tpu.matmul %div3A, %get3A_9, %dot_general3A {dimension_numbers = #tpu.dot_dimension_numbers<[1], [0], [0], [1], [0, 0, 1, 1], [], []>, transpose_lhs_hint = false} : vector<64x128xf32>, vector<128x1xf32>, vector<64x1xf32> -> vector<64x1xf32>
    %get3A_11 = arith.constant 0 : index
    %get3A_12 = arith.constant 0 : index
    %get3A_13 = vector.load %arg4[%get3A_11, %get3A_12] : memref<1x1xf32, #tpu.memory_space<vmem>>, vector<1x1xf32>
    %add3A = vector.broadcast %get3A_13 : vector<1x1xf32> to vector<64x1xf32>
    %add3A_14 = arith.addf %dot_general3A_10, %add3A : vector<64x1xf32>
    %swap3A = arith.constant 0 : index
    %swap3A_15 = arith.constant 0 : index
    %swap3A_16 = vector.load %arg5[%swap3A, %swap3A_15] : memref<64x1xf32, #tpu.memory_space<vmem>>, vector<64x1xf32>
    tpu.vector_store %arg5[%swap3A, %swap3A_15], %add3A_14 {strides = array<i32>} : memref<64x1xf32, #tpu.memory_space<vmem>>, vector<64x1xf32>,
    return
  }
  func.func @transform_0(%arg0: i32) -> (i32, i32) {
    %c0_i32 = arith.constant 0 : i32
    %c0_i32_0 = arith.constant 0 : i32
    %c0_i32_1 = arith.constant 0 : i32
    return %c0_i32, %c0_i32_0 : i32, i32
  }
  func.func @transform_1(%arg0: i32) -> (i32, i32) {
    %c0_i32 = arith.constant 0 : i32
    %c0_i32_0 = arith.constant 0 : i32
    %c0_i32_1 = arith.constant 0 : i32
    return %c0_i32, %c0_i32_0 : i32, i32
  }
  func.func @transform_2(%arg0: i32) -> (i32, i32) {
    %c0_i32 = arith.constant 0 : i32
    %c0_i32_0 = arith.constant 0 : i32
    %c0_i32_1 = arith.constant 0 : i32
    return %c0_i32, %c0_i32_0 : i32, i32
  }
  func.func @transform_3(%arg0: i32) -> (i32, i32) {
    %c0_i32 = arith.constant 0 : i32
    %c0_i32_0 = arith.constant 0 : i32
    %c0_i32_1 = arith.constant 0 : i32
    return %c0_i32, %c0_i32_0 : i32, i32
  }
  func.func @transform_4(%arg0: i32) -> (i32, i32) {
    %c0_i32 = arith.constant 0 : i32
    %c0_i32_0 = arith.constant 0 : i32
    %c0_i32_1 = arith.constant 0 : i32
    return %c0_i32, %c0_i32_0 : i32, i32
  }
}

</mosaic_0001>

<sc_bundles>
// kernel: kernel.17.cloned.1.call-start
scs
__scs_entry_jumppad:
0x0: {  	(pc) =	sbr.rel $0x88, $3  }
0x1: {  	(tag) =	ssettag $0x0;
	lr =	simm.s32 $0x1  }
0x2: {  	[smem:$0x3F6C] =	sst lr;
	_ =	strace $0xD0000000  }
0x3: {  	_ = 	snop  }
0x4: {  	_ = 	snop  }
0x5: {  	_ = 	snop  }
0x6: {  	_ = 	snop  }
0x7: {  	_ = 	snop  }
__scs_overlays_trampoline_lowered:
0x8: {  	[smem:$0x3F7B] =	sst s0  }
0x9: {  	[smem:$0x3F7C] =	sst s1  }
0xa: {  	[smem:$0x3F7D] =	sst s2  }
0xb: {  	[smem:$0x3F7E] =	sst s3  }
0xc: {  	[smem:$0x3F7F] =	sst s4  }
0xd: {  	[smem:$0x3F80] =	sst s5  }
0xe: {  	[smem:$0x3F81] =	sst s6  }
0xf: {  	[smem:$0x3F82] =	sst s7  }
0x10: {  	[smem:$0x3F83] =	sst s8  }
0x11: {  	[smem:$0x3F84] =	sst s9;
	s0 =	simm.s32 @!p0 $0x0  }
0x12: {  	s1 =	sld [smem:$0x3F6A];
	s0 =	simm.s32 @p0 $0x1  }
0x13: {  	[smem:$0x3F85] =	sst s0;
	s0 =	simm.s32 @!p1 $0x0  }
0x14: {  	s2 =	sld [smem:$0x3F69];
	s0 =	simm.s32 @p1 $0x1  }
0x15: {  	[smem:$0x3F86] =	sst s0;
	s0 =	simm.s32 @!p2 $0x0  }
0x16: {  	s3 =	sld [smem:$0x3FDB];
	s0 =	simm.s32 @p2 $0x1  }
0x17: {  	s4 =	simm.s32 $0x1BF5;
	[smem:$0x3F88] =	sst s0  }
0x18: {  	s0 =	sld [smem:$0x3F6B];
	_ =	swait.ge [sflag:s4], $0x0  }
0x19: {  	s7 =	sld [smem:$0x3F6C]  }
0x1a: {  	s8 =	sadd.s32 $0xFFFFE003, lr  }
0x1b: {  	s9 =	sadd.s32 $0xFFFFFEF7, lr;
	s5 =	simm.s32 $0xFFFFFFFF;
	p2 =	slt.u32 s8, $0xFFFFF086  }
0x1c: {  	p1 =	slt.u32 s9, $0xF7A;
	s5 =	simm.s32 @!p2 $0x0  }
0x1d: {  	s5 =	simm.s32 @p1 $0x1;
	p0 =	seq.s32 s7, s2  }
0x1e: {  	s7 =	smul.u32 @!p0 $0xF7A, s2;
	p2 =	seq.s32 @!p0 s5, $0x0  }
0x1f: {  	s9 =	smul.u32 $0xF7A, s1;
	s8 =	simm.s32 @!p0 $0x1BF5;
	p2 =	por !p2, p0  }
0x20: {  	[sflag:s8] =	ssyncset.s32 @!p0 $0xFFFFF086;
	s6 =	sadd.s32 @!p0 s3, s7;
	s7 =	simm.s32 @!p0 $0x108  }
0x21: {  	s3 =	sadd.s32 s3, s9;
	s6 =	sadd.s32 @!p0 $0x88, s6;
	s7 =	simm.s32 @p2 $0x1082  }
0x22: {  	[simem:s7], [sflag:s8] =	dma.local @!p0 [hbm:s6], $0xF7A  }
0x23: {  	s9 =	sor.u32 $0xD0000000, s2;
	s6 =	simm.s32 $0x108;
	_ =	swait.ge @!p0 [sflag:s8], $0x0  }
0x24: {  	s3 =	sadd.s32 $0x88, s3;
	s6 =	simm.s32 @!p1 $0x1082;
	[sflag:s4] =	ssyncset.s32 $0xFFFFF086  }
0x25: {  	[simem:s6], [sflag:s4] =	dma.local [hbm:s3], $0xF7A  }
0x26: {  	[smem:$0x3F6C] =	sst s1;
	(tag) =	ssettag s2;
	_ =	strace s9  }
0x27: {  	s1 =	sld [smem:$0x3F7C]  }
0x28: {  	s2 =	sld [smem:$0x3F7D]  }
0x29: {  	s4 =	sld [smem:$0x3F7F]  }
0x2a: {  	p0 =	seq.s32 s5, $0x0;
	s5 =	sld [smem:$0x3F80]  }
0x2b: {  	s6 =	sld [smem:$0x3F81]  }
0x2c: {  	s7 =	sld [smem:$0x3F82]  }
0x2d: {  	s3 =	simm.s32 $0x108;
	s8 =	sld [smem:$0x3F83]  }
0x2e: {  	s3 =	simm.s32 @!p0 $0x1082;
	s9 =	sld [smem:$0x3F84]  }
0x2f: {  	lr =	sadd.s32 s0, s3;
	s0 =	sld [smem:$0x3F7B]  }
0x30: {  	s3 =	sld [smem:$0x3F7E]  }
0x31: {  	[smem:$0x3F87] =	sst s10  }
0x32: {  	s10 =	sld [smem:$0x3F85];
	_ =	sdelay $0x3  }
0x33: {  	p0 =	seq.s32 s10, $0x1;
	s10 =	sld [smem:$0x3F87];
	_ =	sdelay $0x3  }
0x34: {  	[smem:$0x3F87] =	sst s10  }
0x35: {  	s10 =	sld [smem:$0x3F86];
	_ =	sdelay $0x3  }
0x36: {  	p1 =	seq.s32 s10, $0x1;
	s10 =	sld [smem:$0x3F87];
	_ =	sdelay $0x3  }
0x37: {  	[smem:$0x3F87] =	sst s10  }
0x38: {  	s10 =	sld [smem:$0x3F88]  }
0x39: {  	_ = 	snop;
	(pc) =	sbr.ind lr, $3  }
0x3a: {  	_ = 	snop  }
0x3b: {  	_ = 	snop  }
0x3c: {  	p2 =	seq.s32 s10, $0x1;
	s10 =	sld [smem:$0x3F87]  }
0x3d: {  	_ =	shalt  }
0x3e: {  	_ =	shalt  }
0x3f: {  	_ =	shalt  }
0x40: {  	_ =	shalt  }
0x41: {  	_ =	shalt  }
0x42: {  	_ =	shalt  }
0x43: {  	_ =	shalt  }
0x44: {  	_ =	shalt  }
0x45: {  	_ =	shalt  }
0x46: {  	_ =	shalt  }
0x47: {  	_ =	shalt  }
0x48: {  	_ =	shalt  }
0x49: {  	_ =	shalt  }
0x4a: {  	_ =	shalt  }
0x4b: {  	_ =	shalt  }
0x4c: {  	_ =	shalt  }
0x4d: {  	_ =	shalt  }
0x4e: {  	_ =	shalt  }
0x4f: {  	_ =	shalt  }
0x50: {  	_ =	shalt  }
0x51: {  	_ =	shalt  }
0x52: {  	_ =	shalt  }
0x53: {  	_ =	shalt  }
0x54: {  	_ =	shalt  }
0x55: {  	_ =	shalt  }
0x56: {  	_ =	shalt  }
0x57: {  	_ =	shalt  }
0x58: {  	_ =	shalt  }
0x59: {  	_ =	shalt  }
0x5a: {  	_ =	shalt  }
0x5b: {  	_ =	shalt  }
0x5c: {  	_ =	shalt  }
0x5d: {  	_ =	shalt  }
0x5e: {  	_ =	shalt  }
0x5f: {  	_ =	shalt  }
0x60: {  	_ =	shalt  }
0x61: {  	_ =	shalt  }
0x62: {  	_ =	shalt  }
0x63: {  	_ =	shalt  }
0x64: {  	_ =	shalt  }
0x65: {  	_ =	shalt  }
0x66: {  	_ =	shalt  }
0x67: {  	_ =	shalt  }
0x68: {  	_ =	shalt  }
0x69: {  	_ =	shalt  }
0x6a: {  	_ =	shalt  }
0x6b: {  	_ =	shalt  }
0x6c: {  	_ =	shalt  }
0x6d: {  	_ =	shalt  }
0x6e: {  	_ =	shalt  }
0x6f: {  	_ =	shalt  }
0x70: {  	_ =	shalt  }
0x71: {  	_ =	shalt  }
0x72: {  	_ =	shalt  }
0x73: {  	_ =	shalt  }
0x74: {  	_ =	shalt  }
0x75: {  	_ =	shalt  }
0x76: {  	_ =	shalt  }
0x77: {  	_ =	shalt  }
0x78: {  	_ =	shalt  }
0x79: {  	_ =	shalt  }
0x7a: {  	_ =	shalt  }
0x7b: {  	_ =	shalt  }
0x7c: {  	_ =	shalt  }
0x7d: {  	_ =	shalt  }
0x7e: {  	_ =	shalt  }
0x7f: {  	_ =	shalt  }
0x80: {  	_ =	shalt  }
0x81: {  	_ =	shalt  }
0x82: {  	_ =	shalt  }
0x83: {  	_ =	shalt  }
0x84: {  	_ =	shalt  }
0x85: {  	_ =	shalt  }
0x86: {  	_ =	shalt  }
0x87: {  	_ =	shalt  }
.Lfunc_end0:
.L_simem_size_0:
called_computation_lowered:
.L_overlay_start_0:
0x88: {  	s2 =	sld [smem:$0x3FD9]  }
0x89: {  	s3 =	sld [smem:$0x3FFE];
	_ =	sdelay $0x1  }
0x8a: {  	s1 =	srdreg.scid  }
0x8b: {  	s0 =	sand.u32 $0x1, s1  }
0x8c: {  	s16 =	sshll.u32 s0, $0xA;
	s2 =	sadd.s32 s3, s2  }
0x8d: {  	s2 =	sadd.s32 s2, s16  }
0x8e: {  	[smem:$0x3F93] =	sst s2  }
0x8f: {  	_ = 	snop  }
0x90: {  	(tm) =	ssettm $0x1  }
0x91: {  	s17 =	sld [smem:$0x3FFB];
	_ =	sdelay $0x3  }
0x92: {  	_ =	strace s17  }
0x93: {  	s2 =	sld [smem:$0x3FFC];
	_ =	sdelay $0x3  }
0x94: {  	_ =	strace s2  }
0x95: {  	s2 =	sld [smem:$0x3FFD];
	_ =	sdelay $0x3  }
0x96: {  	_ =	strace s2  }
0x97: {  	_ =	strace $0x8FFFFFFF  }
0x98: {  	s18 =	sld [smem:$0x3FDB];
	_ =	sdelay $0x1  }
0x99: {  	s19 =	simm.s32 $_scs_section_size  }
0x9a: {  	s4 =	simm.s32 $_size__tile_overlayer_lowered;
	s5 =	simm.s32 $_tile_overlayer_lowered  }
0x9b: {  	s22 =	simm.s32 $0x1BFF;
	s21 =	sshll.u32 s5, $0x1;
	s2 =	sadd.s32 s19, s18  }
0x9c: {  	s6 =	simm.s32 $0x0;
	s20 =	sshll.u32 s4, $0x1;
	s4 =	sadd.s32 s21, s2  }
0x9d: {  	[timem:s6], [sflag:s22] =	dma.local [hbm:s4], s20  }
0x9e: {  	_ =	swait.ge [sflag:s22], s20  }
0x9f: {  	s3 =	ssub.s32 $0x0, s20;
	[sflag:s22] =	ssyncset.done $0x0  }
0xa0: {  	[sflag:s22] =	ssyncadd.s32 s3;
	_ =	sdelay $0x1  }
0xa1: {  	s23 =	simm.s32 $0x1B8B  }
0xa2: {  	_ =	swait.ge [sflag:s23], $0x1  }
0xa3: {  	[sflag:s23] =	ssyncset.done $0x0  }
0xa4: {  	s25 =	simm.s32 $0x1B8E;
	s24 =	sld [smem:$0x3FFE];
	[sflag:s23] =	ssyncadd.s32 $0xFFFFFFFF  }
0xa5: {  	s26 =	simm.s32 $execute0_lowered;
	[smem:$0x3FD2] =	sst s25  }
0xa6: {  	s4 =	sshll.u32 s26, $0x1;
	_ =	strace $0x80000046;
	[dreg:$0x1] =	wrdreg $0xFFFFFFFF  }
0xa7: {  	s28 =	simm.s32 $_size_execute0_lowered;
	s2 =	sadd.s32 s2, s4;
	[dreg:$0x0] =	wrdreg $0x0  }
0xa8: {  	s4 =	sshll.u32 s28, $0x1;
	[dreg:$0x2] =	wrdreg s2  }
0xa9: {  	[dreg:$0x3] =	wrdreg s4  }
0xaa: {  	[dreg:$0x4] =	wrdreg $0xC0  }
0xab: {  	_ =	task [dreg:s6], $0x5FFFF  }
0xac: {  	[dreg:$0x1] =	wrdreg $0xFFFFFFFF  }
0xad: {  	[dreg:$0x0] =	wrdreg $0x60  }
0xae: {  	[dreg:$0x2] =	wrdreg s24  }
0xaf: {  	[dreg:$0x3] =	wrdreg $0xB0000  }
0xb0: {  	[dreg:$0x4] =	wrdreg $0x9  }
0xb1: {  	_ =	task.clear_ibuf [dreg:s6], $0x5FFFF;
	_ =	strace $0x90000046  }
0xb2: {  	s29 =	simm.s32 $0x9;
	_ =	strace $0x80000048  }
0xb3: {  	_ =	swait.ge [sflag:s29], $0x1  }
0xb4: {  	[sflag:s29] =	ssyncadd.s32 $0xFFFFFFFF  }
0xb5: {  	_ =	strace $0x90000048  }
0xb6: {  	_ =	sfence  }
0xb7: {  	s30 =	sld [smem:$0x0];
	_ =	sdelay $0x2  }
0xb8: {  	s31 =	sshll.u32 s1, $0xD;
	s1 =	sshrl.u32 s1, $0x2  }
0xb9: {  	s3 =	sand.u32 $0x4000, s31;
	s1 =	sadd.s32 s1, s30  }
0xba: {  	s0 =	sor.u32 s3, s0;
	s1 =	sshll.u32 s1, $0x11  }
0xbb: {  	s0 =	sor.u32 s1, s0  }
0xbc: {  	s0 =	sadd.s32 $0x8F2B, s0  }
0xbd: {  	[sflag:s0] =	ssyncadd.remote.s32 $0x1  }
0xbe: {  	_ =	sfence.sel $0xFFFF  }
0xbf: {  	[dreg:$0x0] =	wrdreg $0xFFFFFFFF;
	(pc) =	sbr.abs _section_cstart, $3  }
0xc0: {  	[dreg:$0x1] =	wrdreg $0xFFFFFFFF  }
0xc1: {  	_ =	task.clear_ibuf [dreg:s6], $0x2FFFF;
	_ =	strace $0x9FFFFFFF  }
0xc2: {  	(tm) =	ssettm $0x7FFFFFFF  }
0xc3: {  	_ =	shalt  }
tec
execute0_lowered:
.L_overlay_start_1:
0x0: {  	(tag) =	ssettag $0x1  }
0x1: {  	s0 =	srdreg.scid;
	s6 =	rddreg [dreg:$0x0]  }
0x2: {  	s2 =	rddreg [dreg:$0x1];
	s1 =	stileid.u32  }
0x3: {  	s3 =	simm.s32 $0x0;
	s16 =	simm.s32 $0x2780;
	s17 =	simm.s32 $0x60  }
0x4: {  	s18 =	simm.s32 $0x5000;
	s19 =	simm.s32 $0x1;
	s20 =	simm.s32 $0x8000  }
0x5: {  	s21 =	simm.s32 $0x4F00;
	s22 =	simm.s32 $0x2;
	s23 =	simm.s32 $0x4F80  }
0x6: {  	s5 =	sand.u32 $0x1, s0;
	s0 =	rddreg [dreg:$0x2];
	s8 =	smul.u32 $0x2700, s1  }
0x7: {  	s24 =	simm.s32 $0x0;
	[smem:$0x7FF] =	sst s3;
	s28 =	smul.u32 $0x4E000, s1  }
0x8: {  	s10 =	sadd.s32 $0x69C00, s6;
	s29 =	smul.u32 $0x13800, s1;
	s15 =	sadd.s32 $0x124800, s2  }
0x9: {  	p0 =	seq.s32 s1, $0xF;
	s4 =	sshll.u32 s5, $0x4;
	_ =	strace $0x80000047  }
0xa: {  	s11 =	ssub.s32 $0x2, s5;
	s13 =	smul.u32 $0x138800, s5;
	s4 =	sor.u32 s1, s4  }
0xb: {  	s8 =	sadd.s32 s8, s6;
	s12 =	sshrl.u32 s11, $0x1;
	s7 =	smul.u32 $0x4EC, s4  }
0xc: {  	s4 =	sadd.s32 $0x11A00, s6;
	s11 =	ssub.s32 s11, s12;
	s12 =	sadd.s32 s29, s13  }
0xd: {  	s5 =	sadd.s32 $0x42A00, s8;
	s13 =	sshrl.u32 s13, $0x3;
	s30 =	sshrl.u32 s12, $0x3  }
0xe: {  	s31 =	sadd.s32 s10, s13;
	s11 =	smax.u32 s11, $0x1;
	s12 =	sshrl.u32 @p0 s15, $0x3  }
0xf: {  	s13 =	sshll.u32 @!p0 s1, $0x6;
	s15 =	simm.s32 $0x3;
	s9 =	sadd.s32 s7, s6  }
0x10: {  	s7 =	sshrl.u32 s28, $0x2;
	s6 =	sadd.s32 $0x67300, s6;
	s13 =	sor.u32 @!p0 $0x1C03, s13  }
0x11: {  	s14 =	sadd.s32 s7, s2;
	s7 =	sadd.s32 $0x38C00, s9;
	s8 =	sadd.s32 $0x7C00, s9  }
0x12: {  	s9 =	sadd.s32 s10, s30;
	s10 =	sadd.s32 $0x24900, s31;
	s14 =	sshrl.u32 @!p0 s14, $0x3  }
.LBB2_1:
0x13: {  	s25 =	simm.s32 @p0 $0x1FC3  }
0x14: {  	[spmem:s12], [sflag:s25] =	dma.local @p0 [hbm:s6], $0x2800  }
0x15: {  	s25 =	simm.s32 @p0 $0x3  }
0x16: {  	_ =	swait.ge @p0 [sflag:s25], $0x2800  }
0x17: {  	[sflag:s25] =	ssyncset.done @p0 $0x0  }
0x18: {  	[sflag:s25] =	ssyncadd.s32 @p0 $0xFFFFD800;
	s25 =	simm.s32 @!p0 $0x3  }
0x19: {  	[spmem:s14], [sflag:s13] =	dma.local @!p0 [hbm:s5], $0x2700  }
0x1a: {  	_ =	swait.ge @!p0 [sflag:s25], $0x2700  }
0x1b: {  	[sflag:s25] =	ssyncset.done @!p0 $0x0  }
0x1c: {  	[sflag:s25] =	ssyncadd.s32 @!p0 $0xFFFFD900  }
0x1d: {  	[tilespmem:s3], [sflag:$0x3] =	stream.linear.gather [hbm4b:s7+s3], $0x2760, $0x38;
	[tilespmem:$0x1E900] =	vst v63  }
0x1e: {  	_ =	swait.ge [sflag:s15], $0x2760  }
0x1f: {  	[sflag:s15] =	ssyncset.done $0x0  }
0x20: {  	[sflag:s15] =	ssyncadd.s32 $0xFFFFD8A0  }
0x21: {  	[tilespmem:s16], [sflag:$0x3] =	stream.linear.gather [hbm4b:s8+s3], $0x2760, $0x38;
	[tilespmem:$0x1E900] =	vst v63  }
0x22: {  	_ =	swait.ge [sflag:s15], $0x2760  }
0x23: {  	[sflag:s15] =	ssyncset.done $0x0  }
0x24: {  	[sflag:s15] =	ssyncadd.s32 $0xFFFFD8A0  }
0x25: {  	[bflag:$0x0] =	sbarrier.arrive $0xFFFF  }
0x26: {  	[tilespmem:s18], [sflag:$0x1] =	stream.indirect.gather [hbm4b:s4+s17], $0x80, s3, s17, $0xb8;
	[tilespmem:$0x1E900] =	vst v63  }
0x27: {  	_ =	swait.ge [sflag:s19], $0x3000  }
0x28: {  	[sflag:s19] =	ssyncset.done $0x0  }
0x29: {  	s26 =	simm.s32 $0x60;
	s25 =	simm.s32 $0x27E0;
	[sflag:s19] =	ssyncadd.s32 $0xFFFFD000  }
0x2a: {  	[tilespmem:s20], [sflag:$0x2] =	stream.indirect.gather [hbm4b:s4+s17], $0x80, s26, s17, $0xb8;
	[tilespmem:$0x1E900] =	vst v63  }
0x2b: {  	v0 =	vld [tilespmem:s25+$0xFFFFFFA0];
	_ =	sdelay $0x4  }
0x2c: {  	[tilespmem:$0x4F00] =	vst v0  }
0x2d: {  	v0 =	vld [tilespmem:s25+$0xFFFFFFB0];
	_ =	sdelay $0x4  }
0x2e: {  	[tilespmem:$0x4F10] =	vst v0  }
0x2f: {  	v0 =	vld [tilespmem:s25+$0xFFFFFFC0];
	_ =	sdelay $0x4  }
0x30: {  	[tilespmem:$0x4F20] =	vst v0  }
0x31: {  	v0 =	vld [tilespmem:s25+$0xFFFFFFD0];
	_ =	sdelay $0x4  }
0x32: {  	[tilespmem:$0x4F30] =	vst v0  }
0x33: {  	v0 =	vld [tilespmem:s25+$0xFFFFFFE0];
	_ =	sdelay $0x4  }
0x34: {  	[tilespmem:$0x4F40] =	vst v0  }
0x35: {  	v0 =	vld [tilespmem:s25+$0xFFFFFFF0];
	_ =	sdelay $0x4  }
0x36: {  	[tilespmem:$0x4F50] =	vst v0  }
0x37: {  	[spmem:s2] =	stream.indirect.scatter.add.f32 [tilespmem:s18], [sflag:$0x3], $0x80, s21, s17, $0xb8;
	[tilespmem:$0x1E900] =	vst v63  }
0x38: {  	_ =	swait.ge [sflag:s15], $0x3000  }
0x39: {  	[sflag:s15] =	ssyncset.done $0x0  }
0x3a: {  	[sflag:s15] =	ssyncadd.s32 $0xFFFFD000  }
0x3b: {  	_ =	swait.ge [sflag:s22], $0x3000  }
0x3c: {  	[sflag:s22] =	ssyncset.done $0x0  }
0x3d: {  	s26 =	simm.s32 $0xC0;
	[sflag:s22] =	ssyncadd.s32 $0xFFFFD000  }
0x3e: {  	[tilespmem:s18], [sflag:$0x1] =	stream.indirect.gather [hbm4b:s4+s17], $0x80, s26, s17, $0xb8;
	[tilespmem:$0x1E900] =	vst v63  }
0x3f: {  	v63 =	vld [tilespmem:s25+$0x0];
	_ =	sdelay $0x4  }
0x40: {  	[tilespmem:$0x4F80] =	vst v63  }
0x41: {  	v0 =	vld [tilespmem:s25+$0x10];
	_ =	sdelay $0x4  }
0x42: {  	s28 =	sand.u32 $0x3FC0, s3;
	[tilespmem:$0x4F90] =	vst v0  }
0x43: {  	v0 =	vld [tilespmem:s28+$0x2800];
	_ =	sdelay $0x4  }
0x44: {  	[tilespmem:$0x4FA0] =	vst v0  }
0x45: {  	v0 =	vld [tilespmem:s25+$0x30];
	_ =	sdelay $0x4  }
0x46: {  	[tilespmem:$0x4FB0] =	vst v0  }
0x47: {  	v0 =	vld [tilespmem:s25+$0x40];
	_ =	sdelay $0x4  }
0x48: {  	[tilespmem:$0x4FC0] =	vst v0  }
0x49: {  	v0 =	vld [tilespmem:s25+$0x50];
	_ =	sdelay $0x4  }
0x4a: {  	[tilespmem:$0x4FD0] =	vst v0  }
0x4b: {  	[spmem:s2] =	stream.indirect.scatter.add.f32 [tilespmem:s20], [sflag:$0x3], $0x80, s23, s17, $0xb8;
	[tilespmem:$0x1E900] =	vst v63  }
0x4c: {  	_ =	swait.ge [sflag:s15], $0x3000  }
0x4d: {  	s28 =	simm.s32 $0xC0;
	[sflag:s15] =	ssyncset.done $0x0  }
.LBB2_2:
0x4e: {  	[sflag:s15] =	ssyncadd.s32 $0xFFFFD000  }
0x4f: {  	s26 =	sadd.s32 $0xC0, s26;
	s25 =	sadd.s32 $0xC0, s25;
	s29 =	smov.u32 s28  }
0x50: {  	p1 =	sne.s32 s28, $0x2640;
	s28 =	sadd.s32 $0xC0, s28;
	_ =	swait.ge [sflag:s19], $0x3000  }
0x51: {  	[sflag:s19] =	ssyncset.done $0x0  }
0x52: {  	s30 =	sadd.s32 $0xFFFFFFA0, s26;
	[sflag:s19] =	ssyncadd.s32 $0xFFFFD000  }
0x53: {  	[tilespmem:s20], [sflag:$0x2] =	stream.indirect.gather [hbm4b:s4+s17], $0x80, s30, s17, $0xb8;
	[tilespmem:$0x1E900] =	vst v63  }
0x54: {  	v0 =	vld [tilespmem:s25+$0xFFFFFFA0];
	_ =	sdelay $0x4  }
0x55: {  	[tilespmem:$0x4F00] =	vst v0  }
0x56: {  	v0 =	vld [tilespmem:s25+$0xFFFFFFB0];
	_ =	sdelay $0x4  }
0x57: {  	[tilespmem:$0x4F10] =	vst v0  }
0x58: {  	v0 =	vld [tilespmem:s25+$0xFFFFFFC0];
	_ =	sdelay $0x4  }
0x59: {  	[tilespmem:$0x4F20] =	vst v0  }
0x5a: {  	v0 =	vld [tilespmem:s25+$0xFFFFFFD0];
	_ =	sdelay $0x4  }
0x5b: {  	[tilespmem:$0x4F30] =	vst v0  }
0x5c: {  	v0 =	vld [tilespmem:s25+$0xFFFFFFE0];
	_ =	sdelay $0x4  }
0x5d: {  	[tilespmem:$0x4F40] =	vst v0  }
0x5e: {  	v0 =	vld [tilespmem:s25+$0xFFFFFFF0];
	_ =	sdelay $0x4  }
0x5f: {  	[tilespmem:$0x4F50] =	vst v0  }
0x60: {  	[spmem:s2] =	stream.indirect.scatter.add.f32 [tilespmem:s18], [sflag:$0x3], $0x80, s21, s17, $0xb8;
	[tilespmem:$0x1E900] =	vst v63  }
0x61: {  	_ =	swait.ge [sflag:s15], $0x3000  }
0x62: {  	[sflag:s15] =	ssyncset.done $0x0  }
0x63: {  	[sflag:s15] =	ssyncadd.s32 $0xFFFFD000  }
0x64: {  	_ =	swait.ge [sflag:s22], $0x3000  }
0x65: {  	[sflag:s22] =	ssyncset.done $0x0  }
0x66: {  	[sflag:s22] =	ssyncadd.s32 $0xFFFFD000  }
0x67: {  	[tilespmem:s18], [sflag:$0x1] =	stream.indirect.gather [hbm4b:s4+s17], $0x80, s26, s17, $0xb8;
	[tilespmem:$0x1E900] =	vst v63  }
0x68: {  	v0 =	vld [tilespmem:s25+$0x0];
	_ =	sdelay $0x4  }
0x69: {  	[tilespmem:$0x4F80] =	vst v0  }
0x6a: {  	v0 =	vld [tilespmem:s25+$0x10];
	_ =	sdelay $0x4  }
0x6b: {  	s29 =	sand.u32 $0x3FC0, s29;
	[tilespmem:$0x4F90] =	vst v0  }
0x6c: {  	v0 =	vld [tilespmem:s29+$0x2800];
	_ =	sdelay $0x4  }
0x6d: {  	[tilespmem:$0x4FA0] =	vst v0  }
0x6e: {  	v0 =	vld [tilespmem:s25+$0x30];
	_ =	sdelay $0x4  }
0x6f: {  	[tilespmem:$0x4FB0] =	vst v0  }
0x70: {  	v0 =	vld [tilespmem:s25+$0x40];
	_ =	sdelay $0x4  }
0x71: {  	[tilespmem:$0x4FC0] =	vst v0  }
0x72: {  	v0 =	vld [tilespmem:s25+$0x50];
	_ =	sdelay $0x3  }
.Ltmp0:
0x73: {  	(pc) =	sbr.rel @p1 .LBB2_2-.Ltmp0, $4  }
0x74: {  	[tilespmem:$0x4FD0] =	vst v0  }
0x75: {  	[spmem:s2] =	stream.indirect.scatter.add.f32 [tilespmem:s20], [sflag:$0x3], $0x80, s23, s17, $0xb8;
	[tilespmem:$0x1E900] =	vst v63  }
0x76: {  	_ =	swait.ge [sflag:s15], $0x3000  }
0x77: {  	[sflag:s15] =	ssyncset.done $0x0  }
0x78: {  	[sflag:s15] =	ssyncadd.s32 $0xFFFFD000  }
0x79: {  	_ =	swait.ge [sflag:s19], $0x3000  }
0x7a: {  	[sflag:s19] =	ssyncset.done $0x0  }
0x7b: {  	[sflag:s19] =	ssyncadd.s32 $0xFFFFD000  }
0x7c: {  	v0 =	vld [tilespmem:$0x4E80]  }
0x7d: {  	v1 =	vld [tilespmem:$0x4E90]  }
0x7e: {  	v2 =	vld [tilespmem:$0x4EA0]  }
0x7f: {  	v3 =	vld [tilespmem:$0x4EB0]  }
0x80: {  	v4 =	vld [tilespmem:$0x4EC0]  }
0x81: {  	v63 =	vld [tilespmem:$0x4ED0];
	[tilespmem:$0x4F00] =	vst v0  }
0x82: {  	[tilespmem:$0x4F10] =	vst v1  }
0x83: {  	[tilespmem:$0x4F20] =	vst v2  }
0x84: {  	[tilespmem:$0x4F30] =	vst v3  }
0x85: {  	[tilespmem:$0x4F40] =	vst v4  }
0x86: {  	[tilespmem:$0x4F50] =	vst v63  }
0x87: {  	[spmem:s2] =	stream.indirect.scatter.add.f32 [tilespmem:s18], [sflag:$0x3], $0x80, s21, s17, $0xb8;
	[tilespmem:$0x1E900] =	vst v63  }
0x88: {  	_ =	swait.ge [sflag:s15], $0x3000  }
0x89: {  	[sflag:s15] =	ssyncset.done $0x0  }
0x8a: {  	[sflag:s15] =	ssyncadd.s32 $0xFFFFD000  }
0x8b: {  	s25 =	simm.s32 @p0 $0x1FC3;
	[bflag:$0x0] =	sbarrier.arrive $0xFFFF  }
0x8c: {  	[hbm:s10], [sflag:s25] =	dma.local @p0 [spmem:s12], $0x2800  }
0x8d: {  	s25 =	simm.s32 @p0 $0x3  }
0x8e: {  	s24 =	sadd.s32 $0x1, s24;
	_ =	swait.ge @p0 [sflag:s25], $0x2800  }
0x8f: {  	p1 =	sne.s32 s24, s11;
	[sflag:s25] =	ssyncset.done @p0 $0x0  }
.Ltmp1:
0x90: {  	[sflag:s25] =	ssyncadd.s32 @p0 $0xFFFFD800;
	s25 =	simm.s32 @!p0 $0x3;
	(pc) =	sbr.rel @p1 .LBB2_1-.Ltmp1, $4  }
0x91: {  	[hbm:s9], [sflag:s13] =	dma.local @!p0 [spmem:s14], $0x2700  }
0x92: {  	_ =	swait.ge @!p0 [sflag:s25], $0x2700  }
0x93: {  	[sflag:s25] =	ssyncset.done @!p0 $0x0  }
0x94: {  	[sflag:s25] =	ssyncadd.s32 @!p0 $0xFFFFD900  }
0x95: {  	_ =	sfence.sel $0x180000  }
0x96: {  	[bflag:$0x0] =	sbarrier.arrive $0xFFFF  }
0x97: {  	p0 =	sne.s32 s1, $0x0;
	_ =	strace $0x90000047  }
0x98: {  	s0 =	sadd.s32 @!p0 $0x100000, s0;
	[bflag:$0x2] =	sbarrier.arrive $0xFFFF  }
0x99: {  	[sflag:s0] =	ssyncadd.tile.s32 @!p0 $0x1;
	_ =	shalt  }
.Lfunc_end2:
_tile_overlayer_lowered:
.L_overlay_start_2:
0x9a: {  	(tag) =	ssettag $0x2  }
0x9b: {  	s0 =	rddreg [dreg:$0x0];
	s2 =	stileid.u32  }
0x9c: {  	s1 =	rddreg [dreg:$0x1];
	p0 =	sne.s32 s2, $0x0  }
0x9d: {  	s3 =	rddreg [dreg:$0x2];
	[bflag:$0x3] =	sbarrier.arrive $0xFFFF;
	s2 =	simm.s32 @!p0 $0x1C03  }
0x9e: {  	[timem:s3], [sflag:s2] =	dma.local @!p0 [hbm:s0], s1  }
0x9f: {  	s0 =	simm.s32 @!p0 $0x3  }
0xa0: {  	_ =	swait.ge @!p0 [sflag:s0], s1  }
0xa1: {  	s1 =	ssub.s32 @!p0 $0x0, s1;
	[sflag:s0] =	ssyncset.done @!p0 $0x0  }
0xa2: {  	[sflag:s0] =	ssyncadd.s32 @!p0 s1  }
0xa3: {  	[bflag:$0x3] =	sbarrier.arrive $0xFFFF  }
0xa4: {  	_ =	shalt  }

// kernel: kernel.20.cloned.1.call-start
scs
__scs_entry_jumppad:
0x0: {  	(pc) =	sbr.rel $0x88, $3  }
0x1: {  	(tag) =	ssettag $0x0;
	lr =	simm.s32 $0x1  }
0x2: {  	[smem:$0x3F6C] =	sst lr;
	_ =	strace $0xD0000000  }
0x3: {  	_ = 	snop  }
0x4: {  	_ = 	snop  }
0x5: {  	_ = 	snop  }
0x6: {  	_ = 	snop  }
0x7: {  	_ = 	snop  }
__scs_overlays_trampoline_lowered:
0x8: {  	[smem:$0x3F7B] =	sst s0  }
0x9: {  	[smem:$0x3F7C] =	sst s1  }
0xa: {  	[smem:$0x3F7D] =	sst s2  }
0xb: {  	[smem:$0x3F7E] =	sst s3  }
0xc: {  	[smem:$0x3F7F] =	sst s4  }
0xd: {  	[smem:$0x3F80] =	sst s5  }
0xe: {  	[smem:$0x3F81] =	sst s6  }
0xf: {  	[smem:$0x3F82] =	sst s7  }
0x10: {  	[smem:$0x3F83] =	sst s8  }
0x11: {  	[smem:$0x3F84] =	sst s9;
	s0 =	simm.s32 @!p0 $0x0  }
0x12: {  	s1 =	sld [smem:$0x3F6A];
	s0 =	simm.s32 @p0 $0x1  }
0x13: {  	[smem:$0x3F85] =	sst s0;
	s0 =	simm.s32 @!p1 $0x0  }
0x14: {  	s2 =	sld [smem:$0x3F69];
	s0 =	simm.s32 @p1 $0x1  }
0x15: {  	[smem:$0x3F86] =	sst s0;
	s0 =	simm.s32 @!p2 $0x0  }
0x16: {  	s3 =	sld [smem:$0x3FDB];
	s0 =	simm.s32 @p2 $0x1  }
0x17: {  	s4 =	simm.s32 $0x1BF5;
	[smem:$0x3F88] =	sst s0  }
0x18: {  	s0 =	sld [smem:$0x3F6B];
	_ =	swait.ge [sflag:s4], $0x0  }
0x19: {  	s7 =	sld [smem:$0x3F6C]  }
0x1a: {  	s8 =	sadd.s32 $0xFFFFE003, lr  }
0x1b: {  	s9 =	sadd.s32 $0xFFFFFEF7, lr;
	s5 =	simm.s32 $0xFFFFFFFF;
	p2 =	slt.u32 s8, $0xFFFFF086  }
0x1c: {  	p1 =	slt.u32 s9, $0xF7A;
	s5 =	simm.s32 @!p2 $0x0  }
0x1d: {  	s5 =	simm.s32 @p1 $0x1;
	p0 =	seq.s32 s7, s2  }
0x1e: {  	s7 =	smul.u32 @!p0 $0xF7A, s2;
	p2 =	seq.s32 @!p0 s5, $0x0  }
0x1f: {  	s9 =	smul.u32 $0xF7A, s1;
	s8 =	simm.s32 @!p0 $0x1BF5;
	p2 =	por !p2, p0  }
0x20: {  	[sflag:s8] =	ssyncset.s32 @!p0 $0xFFFFF086;
	s6 =	sadd.s32 @!p0 s3, s7;
	s7 =	simm.s32 @!p0 $0x108  }
0x21: {  	s3 =	sadd.s32 s3, s9;
	s6 =	sadd.s32 @!p0 $0x88, s6;
	s7 =	simm.s32 @p2 $0x1082  }
0x22: {  	[simem:s7], [sflag:s8] =	dma.local @!p0 [hbm:s6], $0xF7A  }
0x23: {  	s9 =	sor.u32 $0xD0000000, s2;
	s6 =	simm.s32 $0x108;
	_ =	swait.ge @!p0 [sflag:s8], $0x0  }
0x24: {  	s3 =	sadd.s32 $0x88, s3;
	s6 =	simm.s32 @!p1 $0x1082;
	[sflag:s4] =	ssyncset.s32 $0xFFFFF086  }
0x25: {  	[simem:s6], [sflag:s4] =	dma.local [hbm:s3], $0xF7A  }
0x26: {  	[smem:$0x3F6C] =	sst s1;
	(tag) =	ssettag s2;
	_ =	strace s9  }
0x27: {  	s1 =	sld [smem:$0x3F7C]  }
0x28: {  	s2 =	sld [smem:$0x3F7D]  }
0x29: {  	s4 =	sld [smem:$0x3F7F]  }
0x2a: {  	p0 =	seq.s32 s5, $0x0;
	s5 =	sld [smem:$0x3F80]  }
0x2b: {  	s6 =	sld [smem:$0x3F81]  }
0x2c: {  	s7 =	sld [smem:$0x3F82]  }
0x2d: {  	s3 =	simm.s32 $0x108;
	s8 =	sld [smem:$0x3F83]  }
0x2e: {  	s3 =	simm.s32 @!p0 $0x1082;
	s9 =	sld [smem:$0x3F84]  }
0x2f: {  	lr =	sadd.s32 s0, s3;
	s0 =	sld [smem:$0x3F7B]  }
0x30: {  	s3 =	sld [smem:$0x3F7E]  }
0x31: {  	[smem:$0x3F87] =	sst s10  }
0x32: {  	s10 =	sld [smem:$0x3F85];
	_ =	sdelay $0x3  }
0x33: {  	p0 =	seq.s32 s10, $0x1;
	s10 =	sld [smem:$0x3F87];
	_ =	sdelay $0x3  }
0x34: {  	[smem:$0x3F87] =	sst s10  }
0x35: {  	s10 =	sld [smem:$0x3F86];
	_ =	sdelay $0x3  }
0x36: {  	p1 =	seq.s32 s10, $0x1;
	s10 =	sld [smem:$0x3F87];
	_ =	sdelay $0x3  }
0x37: {  	[smem:$0x3F87] =	sst s10  }
0x38: {  	s10 =	sld [smem:$0x3F88]  }
0x39: {  	_ = 	snop;
	(pc) =	sbr.ind lr, $3  }
0x3a: {  	_ = 	snop  }
0x3b: {  	_ = 	snop  }
0x3c: {  	p2 =	seq.s32 s10, $0x1;
	s10 =	sld [smem:$0x3F87]  }
0x3d: {  	_ =	shalt  }
0x3e: {  	_ =	shalt  }
0x3f: {  	_ =	shalt  }
0x40: {  	_ =	shalt  }
0x41: {  	_ =	shalt  }
0x42: {  	_ =	shalt  }
0x43: {  	_ =	shalt  }
0x44: {  	_ =	shalt  }
0x45: {  	_ =	shalt  }
0x46: {  	_ =	shalt  }
0x47: {  	_ =	shalt  }
0x48: {  	_ =	shalt  }
0x49: {  	_ =	shalt  }
0x4a: {  	_ =	shalt  }
0x4b: {  	_ =	shalt  }
0x4c: {  	_ =	shalt  }
0x4d: {  	_ =	shalt  }
0x4e: {  	_ =	shalt  }
0x4f: {  	_ =	shalt  }
0x50: {  	_ =	shalt  }
0x51: {  	_ =	shalt  }
0x52: {  	_ =	shalt  }
0x53: {  	_ =	shalt  }
0x54: {  	_ =	shalt  }
0x55: {  	_ =	shalt  }
0x56: {  	_ =	shalt  }
0x57: {  	_ =	shalt  }
0x58: {  	_ =	shalt  }
0x59: {  	_ =	shalt  }
0x5a: {  	_ =	shalt  }
0x5b: {  	_ =	shalt  }
0x5c: {  	_ =	shalt  }
0x5d: {  	_ =	shalt  }
0x5e: {  	_ =	shalt  }
0x5f: {  	_ =	shalt  }
0x60: {  	_ =	shalt  }
0x61: {  	_ =	shalt  }
0x62: {  	_ =	shalt  }
0x63: {  	_ =	shalt  }
0x64: {  	_ =	shalt  }
0x65: {  	_ =	shalt  }
0x66: {  	_ =	shalt  }
0x67: {  	_ =	shalt  }
0x68: {  	_ =	shalt  }
0x69: {  	_ =	shalt  }
0x6a: {  	_ =	shalt  }
0x6b: {  	_ =	shalt  }
0x6c: {  	_ =	shalt  }
0x6d: {  	_ =	shalt  }
0x6e: {  	_ =	shalt  }
0x6f: {  	_ =	shalt  }
0x70: {  	_ =	shalt  }
0x71: {  	_ =	shalt  }
0x72: {  	_ =	shalt  }
0x73: {  	_ =	shalt  }
0x74: {  	_ =	shalt  }
0x75: {  	_ =	shalt  }
0x76: {  	_ =	shalt  }
0x77: {  	_ =	shalt  }
0x78: {  	_ =	shalt  }
0x79: {  	_ =	shalt  }
0x7a: {  	_ =	shalt  }
0x7b: {  	_ =	shalt  }
0x7c: {  	_ =	shalt  }
0x7d: {  	_ =	shalt  }
0x7e: {  	_ =	shalt  }
0x7f: {  	_ =	shalt  }
0x80: {  	_ =	shalt  }
0x81: {  	_ =	shalt  }
0x82: {  	_ =	shalt  }
0x83: {  	_ =	shalt  }
0x84: {  	_ =	shalt  }
0x85: {  	_ =	shalt  }
0x86: {  	_ =	shalt  }
0x87: {  	_ =	shalt  }
.Lfunc_end0:
.L_simem_size_0:
called_computation.1_lowered:
.L_overlay_start_0:
0x88: {  	s2 =	sld [smem:$0x3FD9]  }
0x89: {  	s3 =	sld [smem:$0x3FFE];
	_ =	sdelay $0x1  }
0x8a: {  	s1 =	srdreg.scid  }
0x8b: {  	s0 =	sand.u32 $0x1, s1  }
0x8c: {  	s17 =	sshll.u32 s0, $0xA;
	s2 =	sadd.s32 s3, s2  }
0x8d: {  	s2 =	sadd.s32 s2, s17  }
0x8e: {  	[smem:$0x3F93] =	sst s2  }
0x8f: {  	_ = 	snop  }
0x90: {  	(tm) =	ssettm $0x1  }
0x91: {  	s18 =	sld [smem:$0x3FFB];
	_ =	sdelay $0x3  }
0x92: {  	_ =	strace s18  }
0x93: {  	s2 =	sld [smem:$0x3FFC];
	_ =	sdelay $0x3  }
0x94: {  	_ =	strace s2  }
0x95: {  	s2 =	sld [smem:$0x3FFD];
	_ =	sdelay $0x3  }
0x96: {  	_ =	strace s2  }
0x97: {  	_ =	strace $0x8FFFFFFF  }
0x98: {  	s19 =	sld [smem:$0x3FDB];
	_ =	sdelay $0x1  }
0x99: {  	s20 =	simm.s32 $_scs_section_size  }
0x9a: {  	s4 =	simm.s32 $_size__tile_overlayer_lowered;
	s5 =	simm.s32 $_tile_overlayer_lowered  }
0x9b: {  	s6 =	simm.s32 $0x1BFF;
	s21 =	sshll.u32 s5, $0x1;
	s3 =	sadd.s32 s20, s19  }
0x9c: {  	s22 =	simm.s32 $0x0;
	s4 =	sshll.u32 s4, $0x1;
	s5 =	sadd.s32 s21, s3  }
0x9d: {  	[timem:s22], [sflag:s6] =	dma.local [hbm:s5], s4  }
0x9e: {  	_ =	swait.ge [sflag:s6], s4  }
0x9f: {  	s4 =	ssub.s32 $0x0, s4;
	[sflag:s6] =	ssyncset.done $0x0  }
0xa0: {  	[sflag:s6] =	ssyncadd.s32 s4;
	_ =	sdelay $0x1  }
0xa1: {  	s23 =	simm.s32 $0x1B8B  }
0xa2: {  	_ =	swait.ge [sflag:s23], $0x1  }
0xa3: {  	[sflag:s23] =	ssyncset.done $0x0  }
0xa4: {  	[sflag:s23] =	ssyncadd.s32 $0xFFFFFFFF  }
0xa5: {  	s4 =	sld [smem:$0x0]  }
0xa6: {  	s5 =	sand.u32 $0xFFFFFFFE, s1  }
0xa7: {  	p0 =	sne.s32 s1, s5  }
0xa8: {  	s5 =	sshll.u32 @p0 s5, $0xE  }
0xa9: {  	s5 =	sadd.s32 @p0 $0x11B8D, s5;
	s6 =	sshll.u32 @p0 s4, $0x11  }
0xaa: {  	s5 =	sor.u32 @p0 s6, s5  }
0xab: {  	[sflag:s5] =	ssyncadd.remote.s32 @p0 $0x1;
	_ =	sdelay $0x1  }
0xac: {  	s5 =	simm.s32 @p0 $0x1B8D  }
0xad: {  	_ =	swait.eq @p0 [sflag:s5], $0x1  }
0xae: {  	[sflag:s5] =	ssyncadd.s32 @p0 $0xFFFFFFFF  }
0xaf: {  	s6 =	sshll.u32 @!p0 s1, $0xE  }
0xb0: {  	s6 =	sor.u32 @!p0 $0x4000, s6;
	s5 =	simm.s32 @!p0 $0x1B8D  }
0xb1: {  	s4 =	sshll.u32 @!p0 s4, $0x11;
	s6 =	sadd.s32 @!p0 $0x11B8D, s6;
	_ =	swait.eq @!p0 [sflag:s5], $0x1  }
0xb2: {  	s4 =	sor.u32 @!p0 s4, s6;
	[sflag:s5] =	ssyncadd.s32 @!p0 $0xFFFFFFFF  }
0xb3: {  	s25 =	simm.s32 $0x1B8E;
	s24 =	sld [smem:$0x3FFE];
	[sflag:s4] =	ssyncadd.remote.s32 @!p0 $0x1  }
0xb4: {  	s26 =	simm.s32 $execute0_lowered;
	[smem:$0x3FD2] =	sst s25  }
0xb5: {  	s5 =	sshll.u32 s26, $0x1;
	_ =	strace $0x80000049;
	[dreg:$0x1] =	wrdreg $0xFFFFFFFF  }
0xb6: {  	s28 =	simm.s32 $_size_execute0_lowered;
	s3 =	sadd.s32 s3, s5;
	[dreg:$0x0] =	wrdreg $0x0  }
0xb7: {  	s5 =	sshll.u32 s28, $0x1;
	[dreg:$0x2] =	wrdreg s3  }
0xb8: {  	[dreg:$0x3] =	wrdreg s5  }
0xb9: {  	[dreg:$0x4] =	wrdreg $0xC0  }
0xba: {  	_ =	task [dreg:s22], $0x5FFFF  }
0xbb: {  	[dreg:$0x1] =	wrdreg $0xFFFFFFFF  }
0xbc: {  	[dreg:$0x0] =	wrdreg $0x60  }
0xbd: {  	[dreg:$0x2] =	wrdreg s24  }
0xbe: {  	[dreg:$0x3] =	wrdreg $0xB0000  }
0xbf: {  	[dreg:$0x4] =	wrdreg $0xA  }
0xc0: {  	_ =	task.clear_ibuf [dreg:s22], $0x5FFFF;
	_ =	strace $0x90000049  }
0xc1: {  	s29 =	simm.s32 $0xA;
	_ =	strace $0x8000004B  }
0xc2: {  	_ =	swait.ge [sflag:s29], $0x1  }
0xc3: {  	[sflag:s29] =	ssyncadd.s32 $0xFFFFFFFF  }
0xc4: {  	_ =	strace $0x9000004B  }
0xc5: {  	_ =	sfence  }
0xc6: {  	s30 =	sld [smem:$0x0];
	_ =	sdelay $0x2  }
0xc7: {  	s31 =	sshll.u32 s1, $0xD;
	s1 =	sshrl.u32 s1, $0x2  }
0xc8: {  	s4 =	sand.u32 $0x4000, s31;
	s1 =	sadd.s32 s1, s30  }
0xc9: {  	s0 =	sor.u32 s4, s0;
	s1 =	sshll.u32 s1, $0x11  }
0xca: {  	s0 =	sor.u32 s1, s0  }
0xcb: {  	s0 =	sadd.s32 $0x8F2B, s0  }
0xcc: {  	[sflag:s0] =	ssyncadd.remote.s32 $0x1  }
0xcd: {  	_ =	sfence.sel $0xFFFF  }
0xce: {  	[dreg:$0x0] =	wrdreg $0xFFFFFFFF;
	(pc) =	sbr.abs _section_cstart, $3  }
0xcf: {  	[dreg:$0x1] =	wrdreg $0xFFFFFFFF  }
0xd0: {  	_ =	task.clear_ibuf [dreg:s22], $0x2FFFF;
	_ =	strace $0x9FFFFFFF  }
0xd1: {  	(tm) =	ssettm $0x7FFFFFFF  }
tec
execute0_lowered:
.L_overlay_start_1:
0x0: {  	(tag) =	ssettag $0x1  }
0x1: {  	s0 =	srdreg.scid;
	s6 =	rddreg [dreg:$0x0]  }
0x2: {  	s2 =	rddreg [dreg:$0x1];
	s1 =	stileid.u32  }
0x3: {  	s3 =	simm.s32 $0x0;
	s16 =	simm.s32 $0x2780;
	s17 =	simm.s32 $0x60  }
0x4: {  	s18 =	simm.s32 $0x5000;
	s19 =	simm.s32 $0x1;
	s20 =	simm.s32 $0x8000  }
0x5: {  	s21 =	simm.s32 $0x4F00;
	s22 =	simm.s32 $0x2;
	s23 =	simm.s32 $0x4F80  }
0x6: {  	s5 =	sand.u32 $0x1, s0;
	s0 =	rddreg [dreg:$0x2];
	s8 =	smul.u32 $0x2700, s1  }
0x7: {  	s24 =	simm.s32 $0x0;
	[smem:$0x7FF] =	sst s3;
	s28 =	smul.u32 $0x4E000, s1  }
0x8: {  	s10 =	sadd.s32 $0xE8E00, s6;
	s29 =	smul.u32 $0x13800, s1;
	s15 =	sadd.s32 $0x124800, s2  }
0x9: {  	p0 =	seq.s32 s1, $0xF;
	s4 =	sshll.u32 s5, $0x4;
	_ =	strace $0x8000004A  }
0xa: {  	s11 =	ssub.s32 $0x2, s5;
	s13 =	smul.u32 $0x138800, s5;
	s4 =	sor.u32 s1, s4  }
0xb: {  	s8 =	sadd.s32 s8, s6;
	s12 =	sshrl.u32 s11, $0x1;
	s7 =	smul.u32 $0x4EC, s4  }
0xc: {  	s4 =	sadd.s32 $0xC1C00, s6;
	s11 =	ssub.s32 s11, s12;
	s12 =	sadd.s32 s29, s13  }
0xd: {  	s5 =	sadd.s32 $0x42A00, s8;
	s13 =	sshrl.u32 s13, $0x3;
	s30 =	sshrl.u32 s12, $0x3  }
0xe: {  	s31 =	sadd.s32 s10, s13;
	s11 =	smax.u32 s11, $0x1;
	s12 =	sshrl.u32 @p0 s15, $0x3  }
0xf: {  	s13 =	sshll.u32 @!p0 s1, $0x6;
	s15 =	simm.s32 $0x3;
	s9 =	sadd.s32 s7, s6  }
0x10: {  	s7 =	sshrl.u32 s28, $0x2;
	s6 =	sadd.s32 $0x67300, s6;
	s13 =	sor.u32 @!p0 $0x1C03, s13  }
0x11: {  	s14 =	sadd.s32 s7, s2;
	s7 =	sadd.s32 $0xB7E00, s9;
	s8 =	sadd.s32 $0x7C00, s9  }
0x12: {  	s9 =	sadd.s32 s10, s30;
	s10 =	sadd.s32 $0x24900, s31;
	s14 =	sshrl.u32 @!p0 s14, $0x3  }
.LBB2_1:
0x13: {  	s25 =	simm.s32 @p0 $0x1FC3  }
0x14: {  	[spmem:s12], [sflag:s25] =	dma.local @p0 [hbm:s6], $0x2800  }
0x15: {  	s25 =	simm.s32 @p0 $0x3  }
0x16: {  	_ =	swait.ge @p0 [sflag:s25], $0x2800  }
0x17: {  	[sflag:s25] =	ssyncset.done @p0 $0x0  }
0x18: {  	[sflag:s25] =	ssyncadd.s32 @p0 $0xFFFFD800;
	s25 =	simm.s32 @!p0 $0x3  }
0x19: {  	[spmem:s14], [sflag:s13] =	dma.local @!p0 [hbm:s5], $0x2700  }
0x1a: {  	_ =	swait.ge @!p0 [sflag:s25], $0x2700  }
0x1b: {  	[sflag:s25] =	ssyncset.done @!p0 $0x0  }
0x1c: {  	[sflag:s25] =	ssyncadd.s32 @!p0 $0xFFFFD900  }
0x1d: {  	[tilespmem:s3], [sflag:$0x3] =	stream.linear.gather [hbm4b:s7+s3], $0x2760, $0x38;
	[tilespmem:$0x1E900] =	vst v63  }
0x1e: {  	_ =	swait.ge [sflag:s15], $0x2760  }
0x1f: {  	[sflag:s15] =	ssyncset.done $0x0  }
0x20: {  	[sflag:s15] =	ssyncadd.s32 $0xFFFFD8A0  }
0x21: {  	[tilespmem:s16], [sflag:$0x3] =	stream.linear.gather [hbm4b:s8+s3], $0x2760, $0x38;
	[tilespmem:$0x1E900] =	vst v63  }
0x22: {  	_ =	swait.ge [sflag:s15], $0x2760  }
0x23: {  	[sflag:s15] =	ssyncset.done $0x0  }
0x24: {  	[sflag:s15] =	ssyncadd.s32 $0xFFFFD8A0  }
0x25: {  	[bflag:$0x0] =	sbarrier.arrive $0xFFFF  }
0x26: {  	[tilespmem:s18], [sflag:$0x1] =	stream.indirect.gather [hbm4b:s4+s17], $0x80, s3, s17, $0xb8;
	[tilespmem:$0x1E900] =	vst v63  }
0x27: {  	_ =	swait.ge [sflag:s19], $0x3000  }
0x28: {  	[sflag:s19] =	ssyncset.done $0x0  }
0x29: {  	s26 =	simm.s32 $0x60;
	s25 =	simm.s32 $0x27E0;
	[sflag:s19] =	ssyncadd.s32 $0xFFFFD000  }
0x2a: {  	[tilespmem:s20], [sflag:$0x2] =	stream.indirect.gather [hbm4b:s4+s17], $0x80, s26, s17, $0xb8;
	[tilespmem:$0x1E900] =	vst v63  }
0x2b: {  	v0 =	vld [tilespmem:s25+$0xFFFFFFA0];
	_ =	sdelay $0x4  }
0x2c: {  	[tilespmem:$0x4F00] =	vst v0  }
0x2d: {  	v0 =	vld [tilespmem:s25+$0xFFFFFFB0];
	_ =	sdelay $0x4  }
0x2e: {  	[tilespmem:$0x4F10] =	vst v0  }
0x2f: {  	v0 =	vld [tilespmem:s25+$0xFFFFFFC0];
	_ =	sdelay $0x4  }
0x30: {  	[tilespmem:$0x4F20] =	vst v0  }
0x31: {  	v0 =	vld [tilespmem:s25+$0xFFFFFFD0];
	_ =	sdelay $0x4  }
0x32: {  	[tilespmem:$0x4F30] =	vst v0  }
0x33: {  	v0 =	vld [tilespmem:s25+$0xFFFFFFE0];
	_ =	sdelay $0x4  }
0x34: {  	[tilespmem:$0x4F40] =	vst v0  }
0x35: {  	v0 =	vld [tilespmem:s25+$0xFFFFFFF0];
	_ =	sdelay $0x4  }
0x36: {  	[tilespmem:$0x4F50] =	vst v0  }
0x37: {  	[spmem:s2] =	stream.indirect.scatter.add.f32 [tilespmem:s18], [sflag:$0x3], $0x80, s21, s17, $0xb8;
	[tilespmem:$0x1E900] =	vst v63  }
0x38: {  	_ =	swait.ge [sflag:s15], $0x3000  }
0x39: {  	[sflag:s15] =	ssyncset.done $0x0  }
0x3a: {  	[sflag:s15] =	ssyncadd.s32 $0xFFFFD000  }
0x3b: {  	_ =	swait.ge [sflag:s22], $0x3000  }
0x3c: {  	[sflag:s22] =	ssyncset.done $0x0  }
0x3d: {  	s26 =	simm.s32 $0xC0;
	[sflag:s22] =	ssyncadd.s32 $0xFFFFD000  }
0x3e: {  	[tilespmem:s18], [sflag:$0x1] =	stream.indirect.gather [hbm4b:s4+s17], $0x80, s26, s17, $0xb8;
	[tilespmem:$0x1E900] =	vst v63  }
0x3f: {  	v63 =	vld [tilespmem:s25+$0x0];
	_ =	sdelay $0x4  }
0x40: {  	[tilespmem:$0x4F80] =	vst v63  }
0x41: {  	v0 =	vld [tilespmem:s25+$0x10];
	_ =	sdelay $0x4  }
0x42: {  	s28 =	sand.u32 $0x3FC0, s3;
	[tilespmem:$0x4F90] =	vst v0  }
0x43: {  	v0 =	vld [tilespmem:s28+$0x2800];
	_ =	sdelay $0x4  }
0x44: {  	[tilespmem:$0x4FA0] =	vst v0  }
0x45: {  	v0 =	vld [tilespmem:s25+$0x30];
	_ =	sdelay $0x4  }
0x46: {  	[tilespmem:$0x4FB0] =	vst v0  }
0x47: {  	v0 =	vld [tilespmem:s25+$0x40];
	_ =	sdelay $0x4  }
0x48: {  	[tilespmem:$0x4FC0] =	vst v0  }
0x49: {  	v0 =	vld [tilespmem:s25+$0x50];
	_ =	sdelay $0x4  }
0x4a: {  	[tilespmem:$0x4FD0] =	vst v0  }
0x4b: {  	[spmem:s2] =	stream.indirect.scatter.add.f32 [tilespmem:s20], [sflag:$0x3], $0x80, s23, s17, $0xb8;
	[tilespmem:$0x1E900] =	vst v63  }
0x4c: {  	_ =	swait.ge [sflag:s15], $0x3000  }
0x4d: {  	s28 =	simm.s32 $0xC0;
	[sflag:s15] =	ssyncset.done $0x0  }
.LBB2_2:
0x4e: {  	[sflag:s15] =	ssyncadd.s32 $0xFFFFD000  }
0x4f: {  	s26 =	sadd.s32 $0xC0, s26;
	s25 =	sadd.s32 $0xC0, s25;
	s29 =	smov.u32 s28  }
0x50: {  	p1 =	sne.s32 s28, $0x2640;
	s28 =	sadd.s32 $0xC0, s28;
	_ =	swait.ge [sflag:s19], $0x3000  }
0x51: {  	[sflag:s19] =	ssyncset.done $0x0  }
0x52: {  	s30 =	sadd.s32 $0xFFFFFFA0, s26;
	[sflag:s19] =	ssyncadd.s32 $0xFFFFD000  }
0x53: {  	[tilespmem:s20], [sflag:$0x2] =	stream.indirect.gather [hbm4b:s4+s17], $0x80, s30, s17, $0xb8;
	[tilespmem:$0x1E900] =	vst v63  }
0x54: {  	v0 =	vld [tilespmem:s25+$0xFFFFFFA0];
	_ =	sdelay $0x4  }
0x55: {  	[tilespmem:$0x4F00] =	vst v0  }
0x56: {  	v0 =	vld [tilespmem:s25+$0xFFFFFFB0];
	_ =	sdelay $0x4  }
0x57: {  	[tilespmem:$0x4F10] =	vst v0  }
0x58: {  	v0 =	vld [tilespmem:s25+$0xFFFFFFC0];
	_ =	sdelay $0x4  }
0x59: {  	[tilespmem:$0x4F20] =	vst v0  }
0x5a: {  	v0 =	vld [tilespmem:s25+$0xFFFFFFD0];
	_ =	sdelay $0x4  }
0x5b: {  	[tilespmem:$0x4F30] =	vst v0  }
0x5c: {  	v0 =	vld [tilespmem:s25+$0xFFFFFFE0];
	_ =	sdelay $0x4  }
0x5d: {  	[tilespmem:$0x4F40] =	vst v0  }
0x5e: {  	v0 =	vld [tilespmem:s25+$0xFFFFFFF0];
	_ =	sdelay $0x4  }
0x5f: {  	[tilespmem:$0x4F50] =	vst v0  }
0x60: {  	[spmem:s2] =	stream.indirect.scatter.add.f32 [tilespmem:s18], [sflag:$0x3], $0x80, s21, s17, $0xb8;
	[tilespmem:$0x1E900] =	vst v63  }
0x61: {  	_ =	swait.ge [sflag:s15], $0x3000  }
0x62: {  	[sflag:s15] =	ssyncset.done $0x0  }
0x63: {  	[sflag:s15] =	ssyncadd.s32 $0xFFFFD000  }
0x64: {  	_ =	swait.ge [sflag:s22], $0x3000  }
0x65: {  	[sflag:s22] =	ssyncset.done $0x0  }
0x66: {  	[sflag:s22] =	ssyncadd.s32 $0xFFFFD000  }
0x67: {  	[tilespmem:s18], [sflag:$0x1] =	stream.indirect.gather [hbm4b:s4+s17], $0x80, s26, s17, $0xb8;
	[tilespmem:$0x1E900] =	vst v63  }
0x68: {  	v0 =	vld [tilespmem:s25+$0x0];
	_ =	sdelay $0x4  }
0x69: {  	[tilespmem:$0x4F80] =	vst v0  }
0x6a: {  	v0 =	vld [tilespmem:s25+$0x10];
	_ =	sdelay $0x4  }
0x6b: {  	s29 =	sand.u32 $0x3FC0, s29;
	[tilespmem:$0x4F90] =	vst v0  }
0x6c: {  	v0 =	vld [tilespmem:s29+$0x2800];
	_ =	sdelay $0x4  }
0x6d: {  	[tilespmem:$0x4FA0] =	vst v0  }
0x6e: {  	v0 =	vld [tilespmem:s25+$0x30];
	_ =	sdelay $0x4  }
0x6f: {  	[tilespmem:$0x4FB0] =	vst v0  }
0x70: {  	v0 =	vld [tilespmem:s25+$0x40];
	_ =	sdelay $0x4  }
0x71: {  	[tilespmem:$0x4FC0] =	vst v0  }
0x72: {  	v0 =	vld [tilespmem:s25+$0x50];
	_ =	sdelay $0x3  }
.Ltmp0:
0x73: {  	(pc) =	sbr.rel @p1 .LBB2_2-.Ltmp0, $4  }
0x74: {  	[tilespmem:$0x4FD0] =	vst v0  }
0x75: {  	[spmem:s2] =	stream.indirect.scatter.add.f32 [tilespmem:s20], [sflag:$0x3], $0x80, s23, s17, $0xb8;
	[tilespmem:$0x1E900] =	vst v63  }
0x76: {  	_ =	swait.ge [sflag:s15], $0x3000  }
0x77: {  	[sflag:s15] =	ssyncset.done $0x0  }
0x78: {  	[sflag:s15] =	ssyncadd.s32 $0xFFFFD000  }
0x79: {  	_ =	swait.ge [sflag:s19], $0x3000  }
0x7a: {  	[sflag:s19] =	ssyncset.done $0x0  }
0x7b: {  	[sflag:s19] =	ssyncadd.s32 $0xFFFFD000  }
0x7c: {  	v0 =	vld [tilespmem:$0x4E80]  }
0x7d: {  	v1 =	vld [tilespmem:$0x4E90]  }
0x7e: {  	v2 =	vld [tilespmem:$0x4EA0]  }
0x7f: {  	v3 =	vld [tilespmem:$0x4EB0]  }
0x80: {  	v4 =	vld [tilespmem:$0x4EC0]  }
0x81: {  	v63 =	vld [tilespmem:$0x4ED0];
	[tilespmem:$0x4F00] =	vst v0  }
0x82: {  	[tilespmem:$0x4F10] =	vst v1  }
0x83: {  	[tilespmem:$0x4F20] =	vst v2  }
0x84: {  	[tilespmem:$0x4F30] =	vst v3  }
0x85: {  	[tilespmem:$0x4F40] =	vst v4  }
0x86: {  	[tilespmem:$0x4F50] =	vst v63  }
0x87: {  	[spmem:s2] =	stream.indirect.scatter.add.f32 [tilespmem:s18], [sflag:$0x3], $0x80, s21, s17, $0xb8;
	[tilespmem:$0x1E900] =	vst v63  }
0x88: {  	_ =	swait.ge [sflag:s15], $0x3000  }
0x89: {  	[sflag:s15] =	ssyncset.done $0x0  }
0x8a: {  	[sflag:s15] =	ssyncadd.s32 $0xFFFFD000  }
0x8b: {  	s25 =	simm.s32 @p0 $0x1FC3;
	[bflag:$0x0] =	sbarrier.arrive $0xFFFF  }
0x8c: {  	[hbm:s10], [sflag:s25] =	dma.local @p0 [spmem:s12], $0x2800  }
0x8d: {  	s25 =	simm.s32 @p0 $0x3  }
0x8e: {  	s24 =	sadd.s32 $0x1, s24;
	_ =	swait.ge @p0 [sflag:s25], $0x2800  }
0x8f: {  	p1 =	sne.s32 s24, s11;
	[sflag:s25] =	ssyncset.done @p0 $0x0  }
.Ltmp1:
0x90: {  	[sflag:s25] =	ssyncadd.s32 @p0 $0xFFFFD800;
	s25 =	simm.s32 @!p0 $0x3;
	(pc) =	sbr.rel @p1 .LBB2_1-.Ltmp1, $4  }
0x91: {  	[hbm:s9], [sflag:s13] =	dma.local @!p0 [spmem:s14], $0x2700  }
0x92: {  	_ =	swait.ge @!p0 [sflag:s25], $0x2700  }
0x93: {  	[sflag:s25] =	ssyncset.done @!p0 $0x0  }
0x94: {  	[sflag:s25] =	ssyncadd.s32 @!p0 $0xFFFFD900  }
0x95: {  	_ =	sfence.sel $0x180000  }
0x96: {  	[bflag:$0x0] =	sbarrier.arrive $0xFFFF  }
0x97: {  	p0 =	sne.s32 s1, $0x0;
	_ =	strace $0x9000004A  }
0x98: {  	s0 =	sadd.s32 @!p0 $0x100000, s0;
	[bflag:$0x2] =	sbarrier.arrive $0xFFFF  }
0x99: {  	[sflag:s0] =	ssyncadd.tile.s32 @!p0 $0x1;
	_ =	shalt  }
.Lfunc_end2:
_tile_overlayer_lowered:
.L_overlay_start_2:
0x9a: {  	(tag) =	ssettag $0x2  }
0x9b: {  	s0 =	rddreg [dreg:$0x0];
	s2 =	stileid.u32  }
0x9c: {  	s1 =	rddreg [dreg:$0x1];
	p0 =	sne.s32 s2, $0x0  }
0x9d: {  	s3 =	rddreg [dreg:$0x2];
	[bflag:$0x3] =	sbarrier.arrive $0xFFFF;
	s2 =	simm.s32 @!p0 $0x1C03  }
0x9e: {  	[timem:s3], [sflag:s2] =	dma.local @!p0 [hbm:s0], s1  }
0x9f: {  	s0 =	simm.s32 @!p0 $0x3  }
0xa0: {  	_ =	swait.ge @!p0 [sflag:s0], s1  }
0xa1: {  	s1 =	ssub.s32 @!p0 $0x0, s1;
	[sflag:s0] =	ssyncset.done @!p0 $0x0  }
0xa2: {  	[sflag:s0] =	ssyncadd.s32 @!p0 s1  }
0xa3: {  	[bflag:$0x3] =	sbarrier.arrive $0xFFFF  }
0xa4: {  	_ =	shalt  }

// kernel: kernel.23.cloned.1.call-start
scs
__scs_entry_jumppad:
0x0: {  	(pc) =	sbr.rel $0x88, $3  }
0x1: {  	(tag) =	ssettag $0x0;
	lr =	simm.s32 $0x1  }
0x2: {  	[smem:$0x3F6C] =	sst lr;
	_ =	strace $0xD0000000  }
0x3: {  	_ = 	snop  }
0x4: {  	_ = 	snop  }
0x5: {  	_ = 	snop  }
0x6: {  	_ = 	snop  }
0x7: {  	_ = 	snop  }
__scs_overlays_trampoline_lowered:
0x8: {  	[smem:$0x3F7B] =	sst s0  }
0x9: {  	[smem:$0x3F7C] =	sst s1  }
0xa: {  	[smem:$0x3F7D] =	sst s2  }
0xb: {  	[smem:$0x3F7E] =	sst s3  }
0xc: {  	[smem:$0x3F7F] =	sst s4  }
0xd: {  	[smem:$0x3F80] =	sst s5  }
0xe: {  	[smem:$0x3F81] =	sst s6  }
0xf: {  	[smem:$0x3F82] =	sst s7  }
0x10: {  	[smem:$0x3F83] =	sst s8  }
0x11: {  	[smem:$0x3F84] =	sst s9;
	s0 =	simm.s32 @!p0 $0x0  }
0x12: {  	s1 =	sld [smem:$0x3F6A];
	s0 =	simm.s32 @p0 $0x1  }
0x13: {  	[smem:$0x3F85] =	sst s0;
	s0 =	simm.s32 @!p1 $0x0  }
0x14: {  	s2 =	sld [smem:$0x3F69];
	s0 =	simm.s32 @p1 $0x1  }
0x15: {  	[smem:$0x3F86] =	sst s0;
	s0 =	simm.s32 @!p2 $0x0  }
0x16: {  	s3 =	sld [smem:$0x3FDB];
	s0 =	simm.s32 @p2 $0x1  }
0x17: {  	s4 =	simm.s32 $0x1BF5;
	[smem:$0x3F88] =	sst s0  }
0x18: {  	s0 =	sld [smem:$0x3F6B];
	_ =	swait.ge [sflag:s4], $0x0  }
0x19: {  	s7 =	sld [smem:$0x3F6C]  }
0x1a: {  	s8 =	sadd.s32 $0xFFFFE003, lr  }
0x1b: {  	s9 =	sadd.s32 $0xFFFFFEF7, lr;
	s5 =	simm.s32 $0xFFFFFFFF;
	p2 =	slt.u32 s8, $0xFFFFF086  }
0x1c: {  	p1 =	slt.u32 s9, $0xF7A;
	s5 =	simm.s32 @!p2 $0x0  }
0x1d: {  	s5 =	simm.s32 @p1 $0x1;
	p0 =	seq.s32 s7, s2  }
0x1e: {  	s7 =	smul.u32 @!p0 $0xF7A, s2;
	p2 =	seq.s32 @!p0 s5, $0x0  }
0x1f: {  	s9 =	smul.u32 $0xF7A, s1;
	s8 =	simm.s32 @!p0 $0x1BF5;
	p2 =	por !p2, p0  }
0x20: {  	[sflag:s8] =	ssyncset.s32 @!p0 $0xFFFFF086;
	s6 =	sadd.s32 @!p0 s3, s7;
	s7 =	simm.s32 @!p0 $0x108  }
0x21: {  	s3 =	sadd.s32 s3, s9;
	s6 =	sadd.s32 @!p0 $0x88, s6;
	s7 =	simm.s32 @p2 $0x1082  }
0x22: {  	[simem:s7], [sflag:s8] =	dma.local @!p0 [hbm:s6], $0xF7A  }
0x23: {  	s9 =	sor.u32 $0xD0000000, s2;
	s6 =	simm.s32 $0x108;
	_ =	swait.ge @!p0 [sflag:s8], $0x0  }
0x24: {  	s3 =	sadd.s32 $0x88, s3;
	s6 =	simm.s32 @!p1 $0x1082;
	[sflag:s4] =	ssyncset.s32 $0xFFFFF086  }
0x25: {  	[simem:s6], [sflag:s4] =	dma.local [hbm:s3], $0xF7A  }
0x26: {  	[smem:$0x3F6C] =	sst s1;
	(tag) =	ssettag s2;
	_ =	strace s9  }
0x27: {  	s1 =	sld [smem:$0x3F7C]  }
0x28: {  	s2 =	sld [smem:$0x3F7D]  }
0x29: {  	s4 =	sld [smem:$0x3F7F]  }
0x2a: {  	p0 =	seq.s32 s5, $0x0;
	s5 =	sld [smem:$0x3F80]  }
0x2b: {  	s6 =	sld [smem:$0x3F81]  }
0x2c: {  	s7 =	sld [smem:$0x3F82]  }
0x2d: {  	s3 =	simm.s32 $0x108;
	s8 =	sld [smem:$0x3F83]  }
0x2e: {  	s3 =	simm.s32 @!p0 $0x1082;
	s9 =	sld [smem:$0x3F84]  }
0x2f: {  	lr =	sadd.s32 s0, s3;
	s0 =	sld [smem:$0x3F7B]  }
0x30: {  	s3 =	sld [smem:$0x3F7E]  }
0x31: {  	[smem:$0x3F87] =	sst s10  }
0x32: {  	s10 =	sld [smem:$0x3F85];
	_ =	sdelay $0x3  }
0x33: {  	p0 =	seq.s32 s10, $0x1;
	s10 =	sld [smem:$0x3F87];
	_ =	sdelay $0x3  }
0x34: {  	[smem:$0x3F87] =	sst s10  }
0x35: {  	s10 =	sld [smem:$0x3F86];
	_ =	sdelay $0x3  }
0x36: {  	p1 =	seq.s32 s10, $0x1;
	s10 =	sld [smem:$0x3F87];
	_ =	sdelay $0x3  }
0x37: {  	[smem:$0x3F87] =	sst s10  }
0x38: {  	s10 =	sld [smem:$0x3F88]  }
0x39: {  	_ = 	snop;
	(pc) =	sbr.ind lr, $3  }
0x3a: {  	_ = 	snop  }
0x3b: {  	_ = 	snop  }
0x3c: {  	p2 =	seq.s32 s10, $0x1;
	s10 =	sld [smem:$0x3F87]  }
0x3d: {  	_ =	shalt  }
0x3e: {  	_ =	shalt  }
0x3f: {  	_ =	shalt  }
0x40: {  	_ =	shalt  }
0x41: {  	_ =	shalt  }
0x42: {  	_ =	shalt  }
0x43: {  	_ =	shalt  }
0x44: {  	_ =	shalt  }
0x45: {  	_ =	shalt  }
0x46: {  	_ =	shalt  }
0x47: {  	_ =	shalt  }
0x48: {  	_ =	shalt  }
0x49: {  	_ =	shalt  }
0x4a: {  	_ =	shalt  }
0x4b: {  	_ =	shalt  }
0x4c: {  	_ =	shalt  }
0x4d: {  	_ =	shalt  }
0x4e: {  	_ =	shalt  }
0x4f: {  	_ =	shalt  }
0x50: {  	_ =	shalt  }
0x51: {  	_ =	shalt  }
0x52: {  	_ =	shalt  }
0x53: {  	_ =	shalt  }
0x54: {  	_ =	shalt  }
0x55: {  	_ =	shalt  }
0x56: {  	_ =	shalt  }
0x57: {  	_ =	shalt  }
0x58: {  	_ =	shalt  }
0x59: {  	_ =	shalt  }
0x5a: {  	_ =	shalt  }
0x5b: {  	_ =	shalt  }
0x5c: {  	_ =	shalt  }
0x5d: {  	_ =	shalt  }
0x5e: {  	_ =	shalt  }
0x5f: {  	_ =	shalt  }
0x60: {  	_ =	shalt  }
0x61: {  	_ =	shalt  }
0x62: {  	_ =	shalt  }
0x63: {  	_ =	shalt  }
0x64: {  	_ =	shalt  }
0x65: {  	_ =	shalt  }
0x66: {  	_ =	shalt  }
0x67: {  	_ =	shalt  }
0x68: {  	_ =	shalt  }
0x69: {  	_ =	shalt  }
0x6a: {  	_ =	shalt  }
0x6b: {  	_ =	shalt  }
0x6c: {  	_ =	shalt  }
0x6d: {  	_ =	shalt  }
0x6e: {  	_ =	shalt  }
0x6f: {  	_ =	shalt  }
0x70: {  	_ =	shalt  }
0x71: {  	_ =	shalt  }
0x72: {  	_ =	shalt  }
0x73: {  	_ =	shalt  }
0x74: {  	_ =	shalt  }
0x75: {  	_ =	shalt  }
0x76: {  	_ =	shalt  }
0x77: {  	_ =	shalt  }
0x78: {  	_ =	shalt  }
0x79: {  	_ =	shalt  }
0x7a: {  	_ =	shalt  }
0x7b: {  	_ =	shalt  }
0x7c: {  	_ =	shalt  }
0x7d: {  	_ =	shalt  }
0x7e: {  	_ =	shalt  }
0x7f: {  	_ =	shalt  }
0x80: {  	_ =	shalt  }
0x81: {  	_ =	shalt  }
0x82: {  	_ =	shalt  }
0x83: {  	_ =	shalt  }
0x84: {  	_ =	shalt  }
0x85: {  	_ =	shalt  }
0x86: {  	_ =	shalt  }
0x87: {  	_ =	shalt  }
.Lfunc_end0:
.L_simem_size_0:
called_computation.2_lowered:
.L_overlay_start_0:
0x88: {  	s2 =	sld [smem:$0x3FD9]  }
0x89: {  	s3 =	sld [smem:$0x3FFE];
	_ =	sdelay $0x1  }
0x8a: {  	s1 =	srdreg.scid  }
0x8b: {  	s0 =	sand.u32 $0x1, s1  }
0x8c: {  	s16 =	sshll.u32 s0, $0xA;
	s2 =	sadd.s32 s3, s2  }
0x8d: {  	s2 =	sadd.s32 s2, s16  }
0x8e: {  	[smem:$0x3F93] =	sst s2  }
0x8f: {  	_ = 	snop  }
0x90: {  	(tm) =	ssettm $0x1  }
0x91: {  	s17 =	sld [smem:$0x3FFB];
	_ =	sdelay $0x3  }
0x92: {  	_ =	strace s17  }
0x93: {  	s2 =	sld [smem:$0x3FFC];
	_ =	sdelay $0x3  }
0x94: {  	_ =	strace s2  }
0x95: {  	s2 =	sld [smem:$0x3FFD];
	_ =	sdelay $0x3  }
0x96: {  	_ =	strace s2  }
0x97: {  	_ =	strace $0x8FFFFFFF  }
0x98: {  	s18 =	sld [smem:$0x3FDB];
	_ =	sdelay $0x1  }
0x99: {  	s19 =	simm.s32 $_scs_section_size  }
0x9a: {  	s4 =	simm.s32 $_size__tile_overlayer_lowered;
	s5 =	simm.s32 $_tile_overlayer_lowered  }
0x9b: {  	s22 =	simm.s32 $0x1BFF;
	s21 =	sshll.u32 s5, $0x1;
	s2 =	sadd.s32 s19, s18  }
0x9c: {  	s6 =	simm.s32 $0x0;
	s20 =	sshll.u32 s4, $0x1;
	s4 =	sadd.s32 s21, s2  }
0x9d: {  	[timem:s6], [sflag:s22] =	dma.local [hbm:s4], s20  }
0x9e: {  	_ =	swait.ge [sflag:s22], s20  }
0x9f: {  	s3 =	ssub.s32 $0x0, s20;
	[sflag:s22] =	ssyncset.done $0x0  }
0xa0: {  	[sflag:s22] =	ssyncadd.s32 s3;
	_ =	sdelay $0x1  }
0xa1: {  	s23 =	simm.s32 $0x1B8B  }
0xa2: {  	_ =	swait.ge [sflag:s23], $0x1  }
0xa3: {  	[sflag:s23] =	ssyncset.done $0x0  }
0xa4: {  	s25 =	simm.s32 $0x1B8E;
	s24 =	sld [smem:$0x3FFE];
	[sflag:s23] =	ssyncadd.s32 $0xFFFFFFFF  }
0xa5: {  	s26 =	simm.s32 $execute0_lowered;
	[smem:$0x3FD2] =	sst s25  }
0xa6: {  	s4 =	sshll.u32 s26, $0x1;
	_ =	strace $0x8000004C;
	[dreg:$0x1] =	wrdreg $0xFFFFFFFF  }
0xa7: {  	s28 =	simm.s32 $_size_execute0_lowered;
	s2 =	sadd.s32 s2, s4;
	[dreg:$0x0] =	wrdreg $0x0  }
0xa8: {  	s4 =	sshll.u32 s28, $0x1;
	[dreg:$0x2] =	wrdreg s2  }
0xa9: {  	[dreg:$0x3] =	wrdreg s4  }
0xaa: {  	[dreg:$0x4] =	wrdreg $0xC0  }
0xab: {  	_ =	task [dreg:s6], $0x5FFFF  }
0xac: {  	[dreg:$0x1] =	wrdreg $0xFFFFFFFF  }
0xad: {  	[dreg:$0x0] =	wrdreg $0x60  }
0xae: {  	[dreg:$0x2] =	wrdreg s24  }
0xaf: {  	[dreg:$0x3] =	wrdreg $0xB0000  }
0xb0: {  	[dreg:$0x4] =	wrdreg $0x9  }
0xb1: {  	_ =	task.clear_ibuf [dreg:s6], $0x5FFFF;
	_ =	strace $0x9000004C  }
0xb2: {  	s29 =	simm.s32 $0x9;
	_ =	strace $0x8000004E  }
0xb3: {  	_ =	swait.ge [sflag:s29], $0x1  }
0xb4: {  	[sflag:s29] =	ssyncadd.s32 $0xFFFFFFFF  }
0xb5: {  	_ =	strace $0x9000004E  }
0xb6: {  	_ =	sfence  }
0xb7: {  	s30 =	sld [smem:$0x0];
	_ =	sdelay $0x2  }
0xb8: {  	s31 =	sshll.u32 s1, $0xD;
	s1 =	sshrl.u32 s1, $0x2  }
0xb9: {  	s3 =	sand.u32 $0x4000, s31;
	s1 =	sadd.s32 s1, s30  }
0xba: {  	s0 =	sor.u32 s3, s0;
	s1 =	sshll.u32 s1, $0x11  }
0xbb: {  	s0 =	sor.u32 s1, s0  }
0xbc: {  	s0 =	sadd.s32 $0x8F2B, s0  }
0xbd: {  	[sflag:s0] =	ssyncadd.remote.s32 $0x1  }
0xbe: {  	_ =	sfence.sel $0xFFFF  }
0xbf: {  	[dreg:$0x0] =	wrdreg $0xFFFFFFFF;
	(pc) =	sbr.abs _section_cstart, $3  }
0xc0: {  	[dreg:$0x1] =	wrdreg $0xFFFFFFFF  }
0xc1: {  	_ =	task.clear_ibuf [dreg:s6], $0x2FFFF;
	_ =	strace $0x9FFFFFFF  }
0xc2: {  	(tm) =	ssettm $0x7FFFFFFF  }
0xc3: {  	_ =	shalt  }
tec
execute0_lowered:
.L_overlay_start_1:
0x0: {  	(tag) =	ssettag $0x1  }
0x1: {  	s0 =	srdreg.scid;
	s6 =	rddreg [dreg:$0x0]  }
0x2: {  	s2 =	rddreg [dreg:$0x1];
	s1 =	stileid.u32  }
0x3: {  	s3 =	simm.s32 $0x0;
	s16 =	simm.s32 $0x2780;
	s17 =	simm.s32 $0x60  }
0x4: {  	s18 =	simm.s32 $0x5000;
	s19 =	simm.s32 $0x1;
	s20 =	simm.s32 $0x8000  }
0x5: {  	s21 =	simm.s32 $0x4F00;
	s22 =	simm.s32 $0x2;
	s23 =	simm.s32 $0x4F80  }
0x6: {  	s5 =	sand.u32 $0x1, s0;
	s0 =	rddreg [dreg:$0x2];
	s8 =	smul.u32 $0x2700, s1  }
0x7: {  	s24 =	simm.s32 $0x0;
	[smem:$0x7FF] =	sst s3;
	s28 =	smul.u32 $0x4E000, s1  }
0x8: {  	s10 =	sadd.s32 $0x69C00, s6;
	s29 =	smul.u32 $0x13800, s1;
	s15 =	sadd.s32 $0x124800, s2  }
0x9: {  	p0 =	seq.s32 s1, $0xF;
	s4 =	sshll.u32 s5, $0x4;
	_ =	strace $0x8000004D  }
0xa: {  	s11 =	ssub.s32 $0x2, s5;
	s13 =	smul.u32 $0x138800, s5;
	s4 =	sor.u32 s1, s4  }
0xb: {  	s8 =	sadd.s32 s8, s6;
	s12 =	sshrl.u32 s11, $0x1;
	s7 =	smul.u32 $0x4EC, s4  }
0xc: {  	s4 =	sadd.s32 $0x11A00, s6;
	s11 =	ssub.s32 s11, s12;
	s12 =	sadd.s32 s29, s13  }
0xd: {  	s5 =	sadd.s32 $0x42A00, s8;
	s13 =	sshrl.u32 s13, $0x3;
	s30 =	sshrl.u32 s12, $0x3  }
0xe: {  	s31 =	sadd.s32 s10, s13;
	s11 =	smax.u32 s11, $0x1;
	s12 =	sshrl.u32 @p0 s15, $0x3  }
0xf: {  	s13 =	sshll.u32 @!p0 s1, $0x6;
	s15 =	simm.s32 $0x3;
	s9 =	sadd.s32 s7, s6  }
0x10: {  	s7 =	sshrl.u32 s28, $0x2;
	s6 =	sadd.s32 $0x67300, s6;
	s13 =	sor.u32 @!p0 $0x1C03, s13  }
0x11: {  	s14 =	sadd.s32 s7, s2;
	s7 =	sadd.s32 $0xB7E00, s9;
	s8 =	sadd.s32 $0x7C00, s9  }
0x12: {  	s9 =	sadd.s32 s10, s30;
	s10 =	sadd.s32 $0x24900, s31;
	s14 =	sshrl.u32 @!p0 s14, $0x3  }
.LBB2_1:
0x13: {  	s25 =	simm.s32 @p0 $0x1FC3  }
0x14: {  	[spmem:s12], [sflag:s25] =	dma.local @p0 [hbm:s6], $0x2800  }
0x15: {  	s25 =	simm.s32 @p0 $0x3  }
0x16: {  	_ =	swait.ge @p0 [sflag:s25], $0x2800  }
0x17: {  	[sflag:s25] =	ssyncset.done @p0 $0x0  }
0x18: {  	[sflag:s25] =	ssyncadd.s32 @p0 $0xFFFFD800;
	s25 =	simm.s32 @!p0 $0x3  }
0x19: {  	[spmem:s14], [sflag:s13] =	dma.local @!p0 [hbm:s5], $0x2700  }
0x1a: {  	_ =	swait.ge @!p0 [sflag:s25], $0x2700  }
0x1b: {  	[sflag:s25] =	ssyncset.done @!p0 $0x0  }
0x1c: {  	[sflag:s25] =	ssyncadd.s32 @!p0 $0xFFFFD900  }
0x1d: {  	[tilespmem:s3], [sflag:$0x3] =	stream.linear.gather [hbm4b:s7+s3], $0x2760, $0x38;
	[tilespmem:$0x1E900] =	vst v63  }
0x1e: {  	_ =	swait.ge [sflag:s15], $0x2760  }
0x1f: {  	[sflag:s15] =	ssyncset.done $0x0  }
0x20: {  	[sflag:s15] =	ssyncadd.s32 $0xFFFFD8A0  }
0x21: {  	[tilespmem:s16], [sflag:$0x3] =	stream.linear.gather [hbm4b:s8+s3], $0x2760, $0x38;
	[tilespmem:$0x1E900] =	vst v63  }
0x22: {  	_ =	swait.ge [sflag:s15], $0x2760  }
0x23: {  	[sflag:s15] =	ssyncset.done $0x0  }
0x24: {  	[sflag:s15] =	ssyncadd.s32 $0xFFFFD8A0  }
0x25: {  	[bflag:$0x0] =	sbarrier.arrive $0xFFFF  }
0x26: {  	[tilespmem:s18], [sflag:$0x1] =	stream.indirect.gather [hbm4b:s4+s17], $0x80, s3, s17, $0xb8;
	[tilespmem:$0x1E900] =	vst v63  }
0x27: {  	_ =	swait.ge [sflag:s19], $0x3000  }
0x28: {  	[sflag:s19] =	ssyncset.done $0x0  }
0x29: {  	s26 =	simm.s32 $0x60;
	s25 =	simm.s32 $0x27E0;
	[sflag:s19] =	ssyncadd.s32 $0xFFFFD000  }
0x2a: {  	[tilespmem:s20], [sflag:$0x2] =	stream.indirect.gather [hbm4b:s4+s17], $0x80, s26, s17, $0xb8;
	[tilespmem:$0x1E900] =	vst v63  }
0x2b: {  	v0 =	vld [tilespmem:s25+$0xFFFFFFA0];
	_ =	sdelay $0x4  }
0x2c: {  	[tilespmem:$0x4F00] =	vst v0  }
0x2d: {  	v0 =	vld [tilespmem:s25+$0xFFFFFFB0];
	_ =	sdelay $0x4  }
0x2e: {  	[tilespmem:$0x4F10] =	vst v0  }
0x2f: {  	v0 =	vld [tilespmem:s25+$0xFFFFFFC0];
	_ =	sdelay $0x4  }
0x30: {  	[tilespmem:$0x4F20] =	vst v0  }
0x31: {  	v0 =	vld [tilespmem:s25+$0xFFFFFFD0];
	_ =	sdelay $0x4  }
0x32: {  	[tilespmem:$0x4F30] =	vst v0  }
0x33: {  	v0 =	vld [tilespmem:s25+$0xFFFFFFE0];
	_ =	sdelay $0x4  }
0x34: {  	[tilespmem:$0x4F40] =	vst v0  }
0x35: {  	v0 =	vld [tilespmem:s25+$0xFFFFFFF0];
	_ =	sdelay $0x4  }
0x36: {  	[tilespmem:$0x4F50] =	vst v0  }
0x37: {  	[spmem:s2] =	stream.indirect.scatter.add.f32 [tilespmem:s18], [sflag:$0x3], $0x80, s21, s17, $0xb8;
	[tilespmem:$0x1E900] =	vst v63  }
0x38: {  	_ =	swait.ge [sflag:s15], $0x3000  }
0x39: {  	[sflag:s15] =	ssyncset.done $0x0  }
0x3a: {  	[sflag:s15] =	ssyncadd.s32 $0xFFFFD000  }
0x3b: {  	_ =	swait.ge [sflag:s22], $0x3000  }
0x3c: {  	[sflag:s22] =	ssyncset.done $0x0  }
0x3d: {  	s26 =	simm.s32 $0xC0;
	[sflag:s22] =	ssyncadd.s32 $0xFFFFD000  }
0x3e: {  	[tilespmem:s18], [sflag:$0x1] =	stream.indirect.gather [hbm4b:s4+s17], $0x80, s26, s17, $0xb8;
	[tilespmem:$0x1E900] =	vst v63  }
0x3f: {  	v63 =	vld [tilespmem:s25+$0x0];
	_ =	sdelay $0x4  }
0x40: {  	[tilespmem:$0x4F80] =	vst v63  }
0x41: {  	v0 =	vld [tilespmem:s25+$0x10];
	_ =	sdelay $0x4  }
0x42: {  	s28 =	sand.u32 $0x3FC0, s3;
	[tilespmem:$0x4F90] =	vst v0  }
0x43: {  	v0 =	vld [tilespmem:s28+$0x2800];
	_ =	sdelay $0x4  }
0x44: {  	[tilespmem:$0x4FA0] =	vst v0  }
0x45: {  	v0 =	vld [tilespmem:s25+$0x30];
	_ =	sdelay $0x4  }
0x46: {  	[tilespmem:$0x4FB0] =	vst v0  }
0x47: {  	v0 =	vld [tilespmem:s25+$0x40];
	_ =	sdelay $0x4  }
0x48: {  	[tilespmem:$0x4FC0] =	vst v0  }
0x49: {  	v0 =	vld [tilespmem:s25+$0x50];
	_ =	sdelay $0x4  }
0x4a: {  	[tilespmem:$0x4FD0] =	vst v0  }
0x4b: {  	[spmem:s2] =	stream.indirect.scatter.add.f32 [tilespmem:s20], [sflag:$0x3], $0x80, s23, s17, $0xb8;
	[tilespmem:$0x1E900] =	vst v63  }
0x4c: {  	_ =	swait.ge [sflag:s15], $0x3000  }
0x4d: {  	s28 =	simm.s32 $0xC0;
	[sflag:s15] =	ssyncset.done $0x0  }
.LBB2_2:
0x4e: {  	[sflag:s15] =	ssyncadd.s32 $0xFFFFD000  }
0x4f: {  	s26 =	sadd.s32 $0xC0, s26;
	s25 =	sadd.s32 $0xC0, s25;
	s29 =	smov.u32 s28  }
0x50: {  	p1 =	sne.s32 s28, $0x2640;
	s28 =	sadd.s32 $0xC0, s28;
	_ =	swait.ge [sflag:s19], $0x3000  }
0x51: {  	[sflag:s19] =	ssyncset.done $0x0  }
0x52: {  	s30 =	sadd.s32 $0xFFFFFFA0, s26;
	[sflag:s19] =	ssyncadd.s32 $0xFFFFD000  }
0x53: {  	[tilespmem:s20], [sflag:$0x2] =	stream.indirect.gather [hbm4b:s4+s17], $0x80, s30, s17, $0xb8;
	[tilespmem:$0x1E900] =	vst v63  }
0x54: {  	v0 =	vld [tilespmem:s25+$0xFFFFFFA0];
	_ =	sdelay $0x4  }
0x55: {  	[tilespmem:$0x4F00] =	vst v0  }
0x56: {  	v0 =	vld [tilespmem:s25+$0xFFFFFFB0];
	_ =	sdelay $0x4  }
0x57: {  	[tilespmem:$0x4F10] =	vst v0  }
0x58: {  	v0 =	vld [tilespmem:s25+$0xFFFFFFC0];
	_ =	sdelay $0x4  }
0x59: {  	[tilespmem:$0x4F20] =	vst v0  }
0x5a: {  	v0 =	vld [tilespmem:s25+$0xFFFFFFD0];
	_ =	sdelay $0x4  }
0x5b: {  	[tilespmem:$0x4F30] =	vst v0  }
0x5c: {  	v0 =	vld [tilespmem:s25+$0xFFFFFFE0];
	_ =	sdelay $0x4  }
0x5d: {  	[tilespmem:$0x4F40] =	vst v0  }
0x5e: {  	v0 =	vld [tilespmem:s25+$0xFFFFFFF0];
	_ =	sdelay $0x4  }
0x5f: {  	[tilespmem:$0x4F50] =	vst v0  }
0x60: {  	[spmem:s2] =	stream.indirect.scatter.add.f32 [tilespmem:s18], [sflag:$0x3], $0x80, s21, s17, $0xb8;
	[tilespmem:$0x1E900] =	vst v63  }
0x61: {  	_ =	swait.ge [sflag:s15], $0x3000  }
0x62: {  	[sflag:s15] =	ssyncset.done $0x0  }
0x63: {  	[sflag:s15] =	ssyncadd.s32 $0xFFFFD000  }
0x64: {  	_ =	swait.ge [sflag:s22], $0x3000  }
0x65: {  	[sflag:s22] =	ssyncset.done $0x0  }
0x66: {  	[sflag:s22] =	ssyncadd.s32 $0xFFFFD000  }
0x67: {  	[tilespmem:s18], [sflag:$0x1] =	stream.indirect.gather [hbm4b:s4+s17], $0x80, s26, s17, $0xb8;
	[tilespmem:$0x1E900] =	vst v63  }
0x68: {  	v0 =	vld [tilespmem:s25+$0x0];
	_ =	sdelay $0x4  }
0x69: {  	[tilespmem:$0x4F80] =	vst v0  }
0x6a: {  	v0 =	vld [tilespmem:s25+$0x10];
	_ =	sdelay $0x4  }
0x6b: {  	s29 =	sand.u32 $0x3FC0, s29;
	[tilespmem:$0x4F90] =	vst v0  }
0x6c: {  	v0 =	vld [tilespmem:s29+$0x2800];
	_ =	sdelay $0x4  }
0x6d: {  	[tilespmem:$0x4FA0] =	vst v0  }
0x6e: {  	v0 =	vld [tilespmem:s25+$0x30];
	_ =	sdelay $0x4  }
0x6f: {  	[tilespmem:$0x4FB0] =	vst v0  }
0x70: {  	v0 =	vld [tilespmem:s25+$0x40];
	_ =	sdelay $0x4  }
0x71: {  	[tilespmem:$0x4FC0] =	vst v0  }
0x72: {  	v0 =	vld [tilespmem:s25+$0x50];
	_ =	sdelay $0x3  }
.Ltmp0:
0x73: {  	(pc) =	sbr.rel @p1 .LBB2_2-.Ltmp0, $4  }
0x74: {  	[tilespmem:$0x4FD0] =	vst v0  }
0x75: {  	[spmem:s2] =	stream.indirect.scatter.add.f32 [tilespmem:s20], [sflag:$0x3], $0x80, s23, s17, $0xb8;
	[tilespmem:$0x1E900] =	vst v63  }
0x76: {  	_ =	swait.ge [sflag:s15], $0x3000  }
0x77: {  	[sflag:s15] =	ssyncset.done $0x0  }
0x78: {  	[sflag:s15] =	ssyncadd.s32 $0xFFFFD000  }
0x79: {  	_ =	swait.ge [sflag:s19], $0x3000  }
0x7a: {  	[sflag:s19] =	ssyncset.done $0x0  }
0x7b: {  	[sflag:s19] =	ssyncadd.s32 $0xFFFFD000  }
0x7c: {  	v0 =	vld [tilespmem:$0x4E80]  }
0x7d: {  	v1 =	vld [tilespmem:$0x4E90]  }
0x7e: {  	v2 =	vld [tilespmem:$0x4EA0]  }
0x7f: {  	v3 =	vld [tilespmem:$0x4EB0]  }
0x80: {  	v4 =	vld [tilespmem:$0x4EC0]  }
0x81: {  	v63 =	vld [tilespmem:$0x4ED0];
	[tilespmem:$0x4F00] =	vst v0  }
0x82: {  	[tilespmem:$0x4F10] =	vst v1  }
0x83: {  	[tilespmem:$0x4F20] =	vst v2  }
0x84: {  	[tilespmem:$0x4F30] =	vst v3  }
0x85: {  	[tilespmem:$0x4F40] =	vst v4  }
0x86: {  	[tilespmem:$0x4F50] =	vst v63  }
0x87: {  	[spmem:s2] =	stream.indirect.scatter.add.f32 [tilespmem:s18], [sflag:$0x3], $0x80, s21, s17, $0xb8;
	[tilespmem:$0x1E900] =	vst v63  }
0x88: {  	_ =	swait.ge [sflag:s15], $0x3000  }
0x89: {  	[sflag:s15] =	ssyncset.done $0x0  }
0x8a: {  	[sflag:s15] =	ssyncadd.s32 $0xFFFFD000  }
0x8b: {  	s25 =	simm.s32 @p0 $0x1FC3;
	[bflag:$0x0] =	sbarrier.arrive $0xFFFF  }
0x8c: {  	[hbm:s10], [sflag:s25] =	dma.local @p0 [spmem:s12], $0x2800  }
0x8d: {  	s25 =	simm.s32 @p0 $0x3  }
0x8e: {  	s24 =	sadd.s32 $0x1, s24;
	_ =	swait.ge @p0 [sflag:s25], $0x2800  }
0x8f: {  	p1 =	sne.s32 s24, s11;
	[sflag:s25] =	ssyncset.done @p0 $0x0  }
.Ltmp1:
0x90: {  	[sflag:s25] =	ssyncadd.s32 @p0 $0xFFFFD800;
	s25 =	simm.s32 @!p0 $0x3;
	(pc) =	sbr.rel @p1 .LBB2_1-.Ltmp1, $4  }
0x91: {  	[hbm:s9], [sflag:s13] =	dma.local @!p0 [spmem:s14], $0x2700  }
0x92: {  	_ =	swait.ge @!p0 [sflag:s25], $0x2700  }
0x93: {  	[sflag:s25] =	ssyncset.done @!p0 $0x0  }
0x94: {  	[sflag:s25] =	ssyncadd.s32 @!p0 $0xFFFFD900  }
0x95: {  	_ =	sfence.sel $0x180000  }
0x96: {  	[bflag:$0x0] =	sbarrier.arrive $0xFFFF  }
0x97: {  	p0 =	sne.s32 s1, $0x0;
	_ =	strace $0x9000004D  }
0x98: {  	s0 =	sadd.s32 @!p0 $0x100000, s0;
	[bflag:$0x2] =	sbarrier.arrive $0xFFFF  }
0x99: {  	[sflag:s0] =	ssyncadd.tile.s32 @!p0 $0x1;
	_ =	shalt  }
.Lfunc_end2:
_tile_overlayer_lowered:
.L_overlay_start_2:
0x9a: {  	(tag) =	ssettag $0x2  }
0x9b: {  	s0 =	rddreg [dreg:$0x0];
	s2 =	stileid.u32  }
0x9c: {  	s1 =	rddreg [dreg:$0x1];
	p0 =	sne.s32 s2, $0x0  }
0x9d: {  	s3 =	rddreg [dreg:$0x2];
	[bflag:$0x3] =	sbarrier.arrive $0xFFFF;
	s2 =	simm.s32 @!p0 $0x1C03  }
0x9e: {  	[timem:s3], [sflag:s2] =	dma.local @!p0 [hbm:s0], s1  }
0x9f: {  	s0 =	simm.s32 @!p0 $0x3  }
0xa0: {  	_ =	swait.ge @!p0 [sflag:s0], s1  }
0xa1: {  	s1 =	ssub.s32 @!p0 $0x0, s1;
	[sflag:s0] =	ssyncset.done @!p0 $0x0  }
0xa2: {  	[sflag:s0] =	ssyncadd.s32 @!p0 s1  }
0xa3: {  	[bflag:$0x3] =	sbarrier.arrive $0xFFFF  }
0xa4: {  	_ =	shalt  }

// kernel: kernel.26.cloned.1.call-start
scs
__scs_entry_jumppad:
0x0: {  	(pc) =	sbr.rel $0x88, $3  }
0x1: {  	(tag) =	ssettag $0x0;
	lr =	simm.s32 $0x1  }
0x2: {  	[smem:$0x3F6C] =	sst lr;
	_ =	strace $0xD0000000  }
0x3: {  	_ = 	snop  }
0x4: {  	_ = 	snop  }
0x5: {  	_ = 	snop  }
0x6: {  	_ = 	snop  }
0x7: {  	_ = 	snop  }
__scs_overlays_trampoline_lowered:
0x8: {  	[smem:$0x3F7B] =	sst s0  }
0x9: {  	[smem:$0x3F7C] =	sst s1  }
0xa: {  	[smem:$0x3F7D] =	sst s2  }
0xb: {  	[smem:$0x3F7E] =	sst s3  }
0xc: {  	[smem:$0x3F7F] =	sst s4  }
0xd: {  	[smem:$0x3F80] =	sst s5  }
0xe: {  	[smem:$0x3F81] =	sst s6  }
0xf: {  	[smem:$0x3F82] =	sst s7  }
0x10: {  	[smem:$0x3F83] =	sst s8  }
0x11: {  	[smem:$0x3F84] =	sst s9;
	s0 =	simm.s32 @!p0 $0x0  }
0x12: {  	s1 =	sld [smem:$0x3F6A];
	s0 =	simm.s32 @p0 $0x1  }
0x13: {  	[smem:$0x3F85] =	sst s0;
	s0 =	simm.s32 @!p1 $0x0  }
0x14: {  	s2 =	sld [smem:$0x3F69];
	s0 =	simm.s32 @p1 $0x1  }
0x15: {  	[smem:$0x3F86] =	sst s0;
	s0 =	simm.s32 @!p2 $0x0  }
0x16: {  	s3 =	sld [smem:$0x3FDB];
	s0 =	simm.s32 @p2 $0x1  }
0x17: {  	s4 =	simm.s32 $0x1BF5;
	[smem:$0x3F88] =	sst s0  }
0x18: {  	s0 =	sld [smem:$0x3F6B];
	_ =	swait.ge [sflag:s4], $0x0  }
0x19: {  	s7 =	sld [smem:$0x3F6C]  }
0x1a: {  	s8 =	sadd.s32 $0xFFFFE003, lr  }
0x1b: {  	s9 =	sadd.s32 $0xFFFFFEF7, lr;
	s5 =	simm.s32 $0xFFFFFFFF;
	p2 =	slt.u32 s8, $0xFFFFF086  }
0x1c: {  	p1 =	slt.u32 s9, $0xF7A;
	s5 =	simm.s32 @!p2 $0x0  }
0x1d: {  	s5 =	simm.s32 @p1 $0x1;
	p0 =	seq.s32 s7, s2  }
0x1e: {  	s7 =	smul.u32 @!p0 $0xF7A, s2;
	p2 =	seq.s32 @!p0 s5, $0x0  }
0x1f: {  	s9 =	smul.u32 $0xF7A, s1;
	s8 =	simm.s32 @!p0 $0x1BF5;
	p2 =	por !p2, p0  }
0x20: {  	[sflag:s8] =	ssyncset.s32 @!p0 $0xFFFFF086;
	s6 =	sadd.s32 @!p0 s3, s7;
	s7 =	simm.s32 @!p0 $0x108  }
0x21: {  	s3 =	sadd.s32 s3, s9;
	s6 =	sadd.s32 @!p0 $0x88, s6;
	s7 =	simm.s32 @p2 $0x1082  }
0x22: {  	[simem:s7], [sflag:s8] =	dma.local @!p0 [hbm:s6], $0xF7A  }
0x23: {  	s9 =	sor.u32 $0xD0000000, s2;
	s6 =	simm.s32 $0x108;
	_ =	swait.ge @!p0 [sflag:s8], $0x0  }
0x24: {  	s3 =	sadd.s32 $0x88, s3;
	s6 =	simm.s32 @!p1 $0x1082;
	[sflag:s4] =	ssyncset.s32 $0xFFFFF086  }
0x25: {  	[simem:s6], [sflag:s4] =	dma.local [hbm:s3], $0xF7A  }
0x26: {  	[smem:$0x3F6C] =	sst s1;
	(tag) =	ssettag s2;
	_ =	strace s9  }
0x27: {  	s1 =	sld [smem:$0x3F7C]  }
0x28: {  	s2 =	sld [smem:$0x3F7D]  }
0x29: {  	s4 =	sld [smem:$0x3F7F]  }
0x2a: {  	p0 =	seq.s32 s5, $0x0;
	s5 =	sld [smem:$0x3F80]  }
0x2b: {  	s6 =	sld [smem:$0x3F81]  }
0x2c: {  	s7 =	sld [smem:$0x3F82]  }
0x2d: {  	s3 =	simm.s32 $0x108;
	s8 =	sld [smem:$0x3F83]  }
0x2e: {  	s3 =	simm.s32 @!p0 $0x1082;
	s9 =	sld [smem:$0x3F84]  }
0x2f: {  	lr =	sadd.s32 s0, s3;
	s0 =	sld [smem:$0x3F7B]  }
0x30: {  	s3 =	sld [smem:$0x3F7E]  }
0x31: {  	[smem:$0x3F87] =	sst s10  }
0x32: {  	s10 =	sld [smem:$0x3F85];
	_ =	sdelay $0x3  }
0x33: {  	p0 =	seq.s32 s10, $0x1;
	s10 =	sld [smem:$0x3F87];
	_ =	sdelay $0x3  }
0x34: {  	[smem:$0x3F87] =	sst s10  }
0x35: {  	s10 =	sld [smem:$0x3F86];
	_ =	sdelay $0x3  }
0x36: {  	p1 =	seq.s32 s10, $0x1;
	s10 =	sld [smem:$0x3F87];
	_ =	sdelay $0x3  }
0x37: {  	[smem:$0x3F87] =	sst s10  }
0x38: {  	s10 =	sld [smem:$0x3F88]  }
0x39: {  	_ = 	snop;
	(pc) =	sbr.ind lr, $3  }
0x3a: {  	_ = 	snop  }
0x3b: {  	_ = 	snop  }
0x3c: {  	p2 =	seq.s32 s10, $0x1;
	s10 =	sld [smem:$0x3F87]  }
0x3d: {  	_ =	shalt  }
0x3e: {  	_ =	shalt  }
0x3f: {  	_ =	shalt  }
0x40: {  	_ =	shalt  }
0x41: {  	_ =	shalt  }
0x42: {  	_ =	shalt  }
0x43: {  	_ =	shalt  }
0x44: {  	_ =	shalt  }
0x45: {  	_ =	shalt  }
0x46: {  	_ =	shalt  }
0x47: {  	_ =	shalt  }
0x48: {  	_ =	shalt  }
0x49: {  	_ =	shalt  }
0x4a: {  	_ =	shalt  }
0x4b: {  	_ =	shalt  }
0x4c: {  	_ =	shalt  }
0x4d: {  	_ =	shalt  }
0x4e: {  	_ =	shalt  }
0x4f: {  	_ =	shalt  }
0x50: {  	_ =	shalt  }
0x51: {  	_ =	shalt  }
0x52: {  	_ =	shalt  }
0x53: {  	_ =	shalt  }
0x54: {  	_ =	shalt  }
0x55: {  	_ =	shalt  }
0x56: {  	_ =	shalt  }
0x57: {  	_ =	shalt  }
0x58: {  	_ =	shalt  }
0x59: {  	_ =	shalt  }
0x5a: {  	_ =	shalt  }
0x5b: {  	_ =	shalt  }
0x5c: {  	_ =	shalt  }
0x5d: {  	_ =	shalt  }
0x5e: {  	_ =	shalt  }
0x5f: {  	_ =	shalt  }
0x60: {  	_ =	shalt  }
0x61: {  	_ =	shalt  }
0x62: {  	_ =	shalt  }
0x63: {  	_ =	shalt  }
0x64: {  	_ =	shalt  }
0x65: {  	_ =	shalt  }
0x66: {  	_ =	shalt  }
0x67: {  	_ =	shalt  }
0x68: {  	_ =	shalt  }
0x69: {  	_ =	shalt  }
0x6a: {  	_ =	shalt  }
0x6b: {  	_ =	shalt  }
0x6c: {  	_ =	shalt  }
0x6d: {  	_ =	shalt  }
0x6e: {  	_ =	shalt  }
0x6f: {  	_ =	shalt  }
0x70: {  	_ =	shalt  }
0x71: {  	_ =	shalt  }
0x72: {  	_ =	shalt  }
0x73: {  	_ =	shalt  }
0x74: {  	_ =	shalt  }
0x75: {  	_ =	shalt  }
0x76: {  	_ =	shalt  }
0x77: {  	_ =	shalt  }
0x78: {  	_ =	shalt  }
0x79: {  	_ =	shalt  }
0x7a: {  	_ =	shalt  }
0x7b: {  	_ =	shalt  }
0x7c: {  	_ =	shalt  }
0x7d: {  	_ =	shalt  }
0x7e: {  	_ =	shalt  }
0x7f: {  	_ =	shalt  }
0x80: {  	_ =	shalt  }
0x81: {  	_ =	shalt  }
0x82: {  	_ =	shalt  }
0x83: {  	_ =	shalt  }
0x84: {  	_ =	shalt  }
0x85: {  	_ =	shalt  }
0x86: {  	_ =	shalt  }
0x87: {  	_ =	shalt  }
.Lfunc_end0:
.L_simem_size_0:
called_computation.3_lowered:
.L_overlay_start_0:
0x88: {  	s2 =	sld [smem:$0x3FD9]  }
0x89: {  	s3 =	sld [smem:$0x3FFE];
	_ =	sdelay $0x1  }
0x8a: {  	s1 =	srdreg.scid  }
0x8b: {  	s0 =	sand.u32 $0x1, s1  }
0x8c: {  	s16 =	sshll.u32 s0, $0xA;
	s2 =	sadd.s32 s3, s2  }
0x8d: {  	s2 =	sadd.s32 s2, s16  }
0x8e: {  	[smem:$0x3F93] =	sst s2  }
0x8f: {  	_ = 	snop  }
0x90: {  	(tm) =	ssettm $0x1  }
0x91: {  	s17 =	sld [smem:$0x3FFB];
	_ =	sdelay $0x3  }
0x92: {  	_ =	strace s17  }
0x93: {  	s2 =	sld [smem:$0x3FFC];
	_ =	sdelay $0x3  }
0x94: {  	_ =	strace s2  }
0x95: {  	s2 =	sld [smem:$0x3FFD];
	_ =	sdelay $0x3  }
0x96: {  	_ =	strace s2  }
0x97: {  	_ =	strace $0x8FFFFFFF  }
0x98: {  	s18 =	sld [smem:$0x3FDB];
	_ =	sdelay $0x1  }
0x99: {  	s19 =	simm.s32 $_scs_section_size  }
0x9a: {  	s4 =	simm.s32 $_size__tile_overlayer_lowered;
	s5 =	simm.s32 $_tile_overlayer_lowered  }
0x9b: {  	s22 =	simm.s32 $0x1BFF;
	s21 =	sshll.u32 s5, $0x1;
	s2 =	sadd.s32 s19, s18  }
0x9c: {  	s6 =	simm.s32 $0x0;
	s20 =	sshll.u32 s4, $0x1;
	s4 =	sadd.s32 s21, s2  }
0x9d: {  	[timem:s6], [sflag:s22] =	dma.local [hbm:s4], s20  }
0x9e: {  	_ =	swait.ge [sflag:s22], s20  }
0x9f: {  	s3 =	ssub.s32 $0x0, s20;
	[sflag:s22] =	ssyncset.done $0x0  }
0xa0: {  	[sflag:s22] =	ssyncadd.s32 s3;
	_ =	sdelay $0x1  }
0xa1: {  	s23 =	simm.s32 $0x1B8B  }
0xa2: {  	_ =	swait.ge [sflag:s23], $0x1  }
0xa3: {  	[sflag:s23] =	ssyncset.done $0x0  }
0xa4: {  	s25 =	simm.s32 $0x1B8E;
	s24 =	sld [smem:$0x3FFE];
	[sflag:s23] =	ssyncadd.s32 $0xFFFFFFFF  }
0xa5: {  	s26 =	simm.s32 $execute0_lowered;
	[smem:$0x3FD2] =	sst s25  }
0xa6: {  	s4 =	sshll.u32 s26, $0x1;
	_ =	strace $0x8000004F;
	[dreg:$0x1] =	wrdreg $0xFFFFFFFF  }
0xa7: {  	s28 =	simm.s32 $_size_execute0_lowered;
	s2 =	sadd.s32 s2, s4;
	[dreg:$0x0] =	wrdreg $0x0  }
0xa8: {  	s4 =	sshll.u32 s28, $0x1;
	[dreg:$0x2] =	wrdreg s2  }
0xa9: {  	[dreg:$0x3] =	wrdreg s4  }
0xaa: {  	[dreg:$0x4] =	wrdreg $0xC0  }
0xab: {  	_ =	task [dreg:s6], $0x5FFFF  }
0xac: {  	[dreg:$0x1] =	wrdreg $0xFFFFFFFF  }
0xad: {  	[dreg:$0x0] =	wrdreg $0x60  }
0xae: {  	[dreg:$0x2] =	wrdreg s24  }
0xaf: {  	[dreg:$0x3] =	wrdreg $0xB0000  }
0xb0: {  	[dreg:$0x4] =	wrdreg $0x9  }
0xb1: {  	_ =	task.clear_ibuf [dreg:s6], $0x5FFFF;
	_ =	strace $0x9000004F  }
0xb2: {  	s29 =	simm.s32 $0x9;
	_ =	strace $0x80000051  }
0xb3: {  	_ =	swait.ge [sflag:s29], $0x1  }
0xb4: {  	[sflag:s29] =	ssyncadd.s32 $0xFFFFFFFF  }
0xb5: {  	_ =	strace $0x90000051  }
0xb6: {  	_ =	sfence  }
0xb7: {  	s30 =	sld [smem:$0x0];
	_ =	sdelay $0x2  }
0xb8: {  	s31 =	sshll.u32 s1, $0xD;
	s1 =	sshrl.u32 s1, $0x2  }
0xb9: {  	s3 =	sand.u32 $0x4000, s31;
	s1 =	sadd.s32 s1, s30  }
0xba: {  	s0 =	sor.u32 s3, s0;
	s1 =	sshll.u32 s1, $0x11  }
0xbb: {  	s0 =	sor.u32 s1, s0  }
0xbc: {  	s0 =	sadd.s32 $0x8F2B, s0  }
0xbd: {  	[sflag:s0] =	ssyncadd.remote.s32 $0x1  }
0xbe: {  	_ =	sfence.sel $0xFFFF  }
0xbf: {  	[dreg:$0x0] =	wrdreg $0xFFFFFFFF;
	(pc) =	sbr.abs _section_cstart, $3  }
0xc0: {  	[dreg:$0x1] =	wrdreg $0xFFFFFFFF  }
0xc1: {  	_ =	task.clear_ibuf [dreg:s6], $0x2FFFF;
	_ =	strace $0x9FFFFFFF  }
0xc2: {  	(tm) =	ssettm $0x7FFFFFFF  }
0xc3: {  	_ =	shalt  }
tec
execute0_lowered:
.L_overlay_start_1:
0x0: {  	(tag) =	ssettag $0x1  }
0x1: {  	s0 =	srdreg.scid;
	s6 =	rddreg [dreg:$0x0]  }
0x2: {  	s2 =	rddreg [dreg:$0x1];
	s1 =	stileid.u32  }
0x3: {  	s3 =	simm.s32 $0x0;
	s16 =	simm.s32 $0x2780;
	s17 =	simm.s32 $0x60  }
0x4: {  	s18 =	simm.s32 $0x5000;
	s19 =	simm.s32 $0x1;
	s20 =	simm.s32 $0x8000  }
0x5: {  	s21 =	simm.s32 $0x4F00;
	s22 =	simm.s32 $0x2;
	s23 =	simm.s32 $0x4F80  }
0x6: {  	s5 =	sand.u32 $0x1, s0;
	s0 =	rddreg [dreg:$0x2];
	s8 =	smul.u32 $0x2700, s1  }
0x7: {  	s24 =	simm.s32 $0x0;
	[smem:$0x7FF] =	sst s3;
	s28 =	smul.u32 $0x4E000, s1  }
0x8: {  	s10 =	sadd.s32 $0x69C00, s6;
	s29 =	smul.u32 $0x13800, s1;
	s15 =	sadd.s32 $0x124800, s2  }
0x9: {  	p0 =	seq.s32 s1, $0xF;
	s4 =	sshll.u32 s5, $0x4;
	_ =	strace $0x80000050  }
0xa: {  	s11 =	ssub.s32 $0x2, s5;
	s13 =	smul.u32 $0x138800, s5;
	s4 =	sor.u32 s1, s4  }
0xb: {  	s8 =	sadd.s32 s8, s6;
	s12 =	sshrl.u32 s11, $0x1;
	s7 =	smul.u32 $0x4EC, s4  }
0xc: {  	s4 =	sadd.s32 $0x11A00, s6;
	s11 =	ssub.s32 s11, s12;
	s12 =	sadd.s32 s29, s13  }
0xd: {  	s5 =	sadd.s32 $0x42A00, s8;
	s13 =	sshrl.u32 s13, $0x3;
	s30 =	sshrl.u32 s12, $0x3  }
0xe: {  	s31 =	sadd.s32 s10, s13;
	s11 =	smax.u32 s11, $0x1;
	s12 =	sshrl.u32 @p0 s15, $0x3  }
0xf: {  	s13 =	sshll.u32 @!p0 s1, $0x6;
	s15 =	simm.s32 $0x3;
	s9 =	sadd.s32 s7, s6  }
0x10: {  	s7 =	sshrl.u32 s28, $0x2;
	s6 =	sadd.s32 $0x67300, s6;
	s13 =	sor.u32 @!p0 $0x1C03, s13  }
0x11: {  	s14 =	sadd.s32 s7, s2;
	s7 =	sadd.s32 $0xB7E00, s9;
	s8 =	sadd.s32 $0x7C00, s9  }
0x12: {  	s9 =	sadd.s32 s10, s30;
	s10 =	sadd.s32 $0x24900, s31;
	s14 =	sshrl.u32 @!p0 s14, $0x3  }
.LBB2_1:
0x13: {  	s25 =	simm.s32 @p0 $0x1FC3  }
0x14: {  	[spmem:s12], [sflag:s25] =	dma.local @p0 [hbm:s6], $0x2800  }
0x15: {  	s25 =	simm.s32 @p0 $0x3  }
0x16: {  	_ =	swait.ge @p0 [sflag:s25], $0x2800  }
0x17: {  	[sflag:s25] =	ssyncset.done @p0 $0x0  }
0x18: {  	[sflag:s25] =	ssyncadd.s32 @p0 $0xFFFFD800;
	s25 =	simm.s32 @!p0 $0x3  }
0x19: {  	[spmem:s14], [sflag:s13] =	dma.local @!p0 [hbm:s5], $0x2700  }
0x1a: {  	_ =	swait.ge @!p0 [sflag:s25], $0x2700  }
0x1b: {  	[sflag:s25] =	ssyncset.done @!p0 $0x0  }
0x1c: {  	[sflag:s25] =	ssyncadd.s32 @!p0 $0xFFFFD900  }
0x1d: {  	[tilespmem:s3], [sflag:$0x3] =	stream.linear.gather [hbm4b:s7+s3], $0x2760, $0x38;
	[tilespmem:$0x1E900] =	vst v63  }
0x1e: {  	_ =	swait.ge [sflag:s15], $0x2760  }
0x1f: {  	[sflag:s15] =	ssyncset.done $0x0  }
0x20: {  	[sflag:s15] =	ssyncadd.s32 $0xFFFFD8A0  }
0x21: {  	[tilespmem:s16], [sflag:$0x3] =	stream.linear.gather [hbm4b:s8+s3], $0x2760, $0x38;
	[tilespmem:$0x1E900] =	vst v63  }
0x22: {  	_ =	swait.ge [sflag:s15], $0x2760  }
0x23: {  	[sflag:s15] =	ssyncset.done $0x0  }
0x24: {  	[sflag:s15] =	ssyncadd.s32 $0xFFFFD8A0  }
0x25: {  	[bflag:$0x0] =	sbarrier.arrive $0xFFFF  }
0x26: {  	[tilespmem:s18], [sflag:$0x1] =	stream.indirect.gather [hbm4b:s4+s17], $0x80, s3, s17, $0xb8;
	[tilespmem:$0x1E900] =	vst v63  }
0x27: {  	_ =	swait.ge [sflag:s19], $0x3000  }
0x28: {  	[sflag:s19] =	ssyncset.done $0x0  }
0x29: {  	s26 =	simm.s32 $0x60;
	s25 =	simm.s32 $0x27E0;
	[sflag:s19] =	ssyncadd.s32 $0xFFFFD000  }
0x2a: {  	[tilespmem:s20], [sflag:$0x2] =	stream.indirect.gather [hbm4b:s4+s17], $0x80, s26, s17, $0xb8;
	[tilespmem:$0x1E900] =	vst v63  }
0x2b: {  	v0 =	vld [tilespmem:s25+$0xFFFFFFA0];
	_ =	sdelay $0x4  }
0x2c: {  	[tilespmem:$0x4F00] =	vst v0  }
0x2d: {  	v0 =	vld [tilespmem:s25+$0xFFFFFFB0];
	_ =	sdelay $0x4  }
0x2e: {  	[tilespmem:$0x4F10] =	vst v0  }
0x2f: {  	v0 =	vld [tilespmem:s25+$0xFFFFFFC0];
	_ =	sdelay $0x4  }
0x30: {  	[tilespmem:$0x4F20] =	vst v0  }
0x31: {  	v0 =	vld [tilespmem:s25+$0xFFFFFFD0];
	_ =	sdelay $0x4  }
0x32: {  	[tilespmem:$0x4F30] =	vst v0  }
0x33: {  	v0 =	vld [tilespmem:s25+$0xFFFFFFE0];
	_ =	sdelay $0x4  }
0x34: {  	[tilespmem:$0x4F40] =	vst v0  }
0x35: {  	v0 =	vld [tilespmem:s25+$0xFFFFFFF0];
	_ =	sdelay $0x4  }
0x36: {  	[tilespmem:$0x4F50] =	vst v0  }
0x37: {  	[spmem:s2] =	stream.indirect.scatter.add.f32 [tilespmem:s18], [sflag:$0x3], $0x80, s21, s17, $0xb8;
	[tilespmem:$0x1E900] =	vst v63  }
0x38: {  	_ =	swait.ge [sflag:s15], $0x3000  }
0x39: {  	[sflag:s15] =	ssyncset.done $0x0  }
0x3a: {  	[sflag:s15] =	ssyncadd.s32 $0xFFFFD000  }
0x3b: {  	_ =	swait.ge [sflag:s22], $0x3000  }
0x3c: {  	[sflag:s22] =	ssyncset.done $0x0  }
0x3d: {  	s26 =	simm.s32 $0xC0;
	[sflag:s22] =	ssyncadd.s32 $0xFFFFD000  }
0x3e: {  	[tilespmem:s18], [sflag:$0x1] =	stream.indirect.gather [hbm4b:s4+s17], $0x80, s26, s17, $0xb8;
	[tilespmem:$0x1E900] =	vst v63  }
0x3f: {  	v63 =	vld [tilespmem:s25+$0x0];
	_ =	sdelay $0x4  }
0x40: {  	[tilespmem:$0x4F80] =	vst v63  }
0x41: {  	v0 =	vld [tilespmem:s25+$0x10];
	_ =	sdelay $0x4  }
0x42: {  	s28 =	sand.u32 $0x3FC0, s3;
	[tilespmem:$0x4F90] =	vst v0  }
0x43: {  	v0 =	vld [tilespmem:s28+$0x2800];
	_ =	sdelay $0x4  }
0x44: {  	[tilespmem:$0x4FA0] =	vst v0  }
0x45: {  	v0 =	vld [tilespmem:s25+$0x30];
	_ =	sdelay $0x4  }
0x46: {  	[tilespmem:$0x4FB0] =	vst v0  }
0x47: {  	v0 =	vld [tilespmem:s25+$0x40];
	_ =	sdelay $0x4  }
0x48: {  	[tilespmem:$0x4FC0] =	vst v0  }
0x49: {  	v0 =	vld [tilespmem:s25+$0x50];
	_ =	sdelay $0x4  }
0x4a: {  	[tilespmem:$0x4FD0] =	vst v0  }
0x4b: {  	[spmem:s2] =	stream.indirect.scatter.add.f32 [tilespmem:s20], [sflag:$0x3], $0x80, s23, s17, $0xb8;
	[tilespmem:$0x1E900] =	vst v63  }
0x4c: {  	_ =	swait.ge [sflag:s15], $0x3000  }
0x4d: {  	s28 =	simm.s32 $0xC0;
	[sflag:s15] =	ssyncset.done $0x0  }
.LBB2_2:
0x4e: {  	[sflag:s15] =	ssyncadd.s32 $0xFFFFD000  }
0x4f: {  	s26 =	sadd.s32 $0xC0, s26;
	s25 =	sadd.s32 $0xC0, s25;
	s29 =	smov.u32 s28  }
0x50: {  	p1 =	sne.s32 s28, $0x2640;
	s28 =	sadd.s32 $0xC0, s28;
	_ =	swait.ge [sflag:s19], $0x3000  }
0x51: {  	[sflag:s19] =	ssyncset.done $0x0  }
0x52: {  	s30 =	sadd.s32 $0xFFFFFFA0, s26;
	[sflag:s19] =	ssyncadd.s32 $0xFFFFD000  }
0x53: {  	[tilespmem:s20], [sflag:$0x2] =	stream.indirect.gather [hbm4b:s4+s17], $0x80, s30, s17, $0xb8;
	[tilespmem:$0x1E900] =	vst v63  }
0x54: {  	v0 =	vld [tilespmem:s25+$0xFFFFFFA0];
	_ =	sdelay $0x4  }
0x55: {  	[tilespmem:$0x4F00] =	vst v0  }
0x56: {  	v0 =	vld [tilespmem:s25+$0xFFFFFFB0];
	_ =	sdelay $0x4  }
0x57: {  	[tilespmem:$0x4F10] =	vst v0  }
0x58: {  	v0 =	vld [tilespmem:s25+$0xFFFFFFC0];
	_ =	sdelay $0x4  }
0x59: {  	[tilespmem:$0x4F20] =	vst v0  }
0x5a: {  	v0 =	vld [tilespmem:s25+$0xFFFFFFD0];
	_ =	sdelay $0x4  }
0x5b: {  	[tilespmem:$0x4F30] =	vst v0  }
0x5c: {  	v0 =	vld [tilespmem:s25+$0xFFFFFFE0];
	_ =	sdelay $0x4  }
0x5d: {  	[tilespmem:$0x4F40] =	vst v0  }
0x5e: {  	v0 =	vld [tilespmem:s25+$0xFFFFFFF0];
	_ =	sdelay $0x4  }
0x5f: {  	[tilespmem:$0x4F50] =	vst v0  }
0x60: {  	[spmem:s2] =	stream.indirect.scatter.add.f32 [tilespmem:s18], [sflag:$0x3], $0x80, s21, s17, $0xb8;
	[tilespmem:$0x1E900] =	vst v63  }
0x61: {  	_ =	swait.ge [sflag:s15], $0x3000  }
0x62: {  	[sflag:s15] =	ssyncset.done $0x0  }
0x63: {  	[sflag:s15] =	ssyncadd.s32 $0xFFFFD000  }
0x64: {  	_ =	swait.ge [sflag:s22], $0x3000  }
0x65: {  	[sflag:s22] =	ssyncset.done $0x0  }
0x66: {  	[sflag:s22] =	ssyncadd.s32 $0xFFFFD000  }
0x67: {  	[tilespmem:s18], [sflag:$0x1] =	stream.indirect.gather [hbm4b:s4+s17], $0x80, s26, s17, $0xb8;
	[tilespmem:$0x1E900] =	vst v63  }
0x68: {  	v0 =	vld [tilespmem:s25+$0x0];
	_ =	sdelay $0x4  }
0x69: {  	[tilespmem:$0x4F80] =	vst v0  }
0x6a: {  	v0 =	vld [tilespmem:s25+$0x10];
	_ =	sdelay $0x4  }
0x6b: {  	s29 =	sand.u32 $0x3FC0, s29;
	[tilespmem:$0x4F90] =	vst v0  }
0x6c: {  	v0 =	vld [tilespmem:s29+$0x2800];
	_ =	sdelay $0x4  }
0x6d: {  	[tilespmem:$0x4FA0] =	vst v0  }
0x6e: {  	v0 =	vld [tilespmem:s25+$0x30];
	_ =	sdelay $0x4  }
0x6f: {  	[tilespmem:$0x4FB0] =	vst v0  }
0x70: {  	v0 =	vld [tilespmem:s25+$0x40];
	_ =	sdelay $0x4  }
0x71: {  	[tilespmem:$0x4FC0] =	vst v0  }
0x72: {  	v0 =	vld [tilespmem:s25+$0x50];
	_ =	sdelay $0x3  }
.Ltmp0:
0x73: {  	(pc) =	sbr.rel @p1 .LBB2_2-.Ltmp0, $4  }
0x74: {  	[tilespmem:$0x4FD0] =	vst v0  }
0x75: {  	[spmem:s2] =	stream.indirect.scatter.add.f32 [tilespmem:s20], [sflag:$0x3], $0x80, s23, s17, $0xb8;
	[tilespmem:$0x1E900] =	vst v63  }
0x76: {  	_ =	swait.ge [sflag:s15], $0x3000  }
0x77: {  	[sflag:s15] =	ssyncset.done $0x0  }
0x78: {  	[sflag:s15] =	ssyncadd.s32 $0xFFFFD000  }
0x79: {  	_ =	swait.ge [sflag:s19], $0x3000  }
0x7a: {  	[sflag:s19] =	ssyncset.done $0x0  }
0x7b: {  	[sflag:s19] =	ssyncadd.s32 $0xFFFFD000  }
0x7c: {  	v0 =	vld [tilespmem:$0x4E80]  }
0x7d: {  	v1 =	vld [tilespmem:$0x4E90]  }
0x7e: {  	v2 =	vld [tilespmem:$0x4EA0]  }
0x7f: {  	v3 =	vld [tilespmem:$0x4EB0]  }
0x80: {  	v4 =	vld [tilespmem:$0x4EC0]  }
0x81: {  	v63 =	vld [tilespmem:$0x4ED0];
	[tilespmem:$0x4F00] =	vst v0  }
0x82: {  	[tilespmem:$0x4F10] =	vst v1  }
0x83: {  	[tilespmem:$0x4F20] =	vst v2  }
0x84: {  	[tilespmem:$0x4F30] =	vst v3  }
0x85: {  	[tilespmem:$0x4F40] =	vst v4  }
0x86: {  	[tilespmem:$0x4F50] =	vst v63  }
0x87: {  	[spmem:s2] =	stream.indirect.scatter.add.f32 [tilespmem:s18], [sflag:$0x3], $0x80, s21, s17, $0xb8;
	[tilespmem:$0x1E900] =	vst v63  }
0x88: {  	_ =	swait.ge [sflag:s15], $0x3000  }
0x89: {  	[sflag:s15] =	ssyncset.done $0x0  }
0x8a: {  	[sflag:s15] =	ssyncadd.s32 $0xFFFFD000  }
0x8b: {  	s25 =	simm.s32 @p0 $0x1FC3;
	[bflag:$0x0] =	sbarrier.arrive $0xFFFF  }
0x8c: {  	[hbm:s10], [sflag:s25] =	dma.local @p0 [spmem:s12], $0x2800  }
0x8d: {  	s25 =	simm.s32 @p0 $0x3  }
0x8e: {  	s24 =	sadd.s32 $0x1, s24;
	_ =	swait.ge @p0 [sflag:s25], $0x2800  }
0x8f: {  	p1 =	sne.s32 s24, s11;
	[sflag:s25] =	ssyncset.done @p0 $0x0  }
.Ltmp1:
0x90: {  	[sflag:s25] =	ssyncadd.s32 @p0 $0xFFFFD800;
	s25 =	simm.s32 @!p0 $0x3;
	(pc) =	sbr.rel @p1 .LBB2_1-.Ltmp1, $4  }
0x91: {  	[hbm:s9], [sflag:s13] =	dma.local @!p0 [spmem:s14], $0x2700  }
0x92: {  	_ =	swait.ge @!p0 [sflag:s25], $0x2700  }
0x93: {  	[sflag:s25] =	ssyncset.done @!p0 $0x0  }
0x94: {  	[sflag:s25] =	ssyncadd.s32 @!p0 $0xFFFFD900  }
0x95: {  	_ =	sfence.sel $0x180000  }
0x96: {  	[bflag:$0x0] =	sbarrier.arrive $0xFFFF  }
0x97: {  	p0 =	sne.s32 s1, $0x0;
	_ =	strace $0x90000050  }
0x98: {  	s0 =	sadd.s32 @!p0 $0x100000, s0;
	[bflag:$0x2] =	sbarrier.arrive $0xFFFF  }
0x99: {  	[sflag:s0] =	ssyncadd.tile.s32 @!p0 $0x1;
	_ =	shalt  }
.Lfunc_end2:
_tile_overlayer_lowered:
.L_overlay_start_2:
0x9a: {  	(tag) =	ssettag $0x2  }
0x9b: {  	s0 =	rddreg [dreg:$0x0];
	s2 =	stileid.u32  }
0x9c: {  	s1 =	rddreg [dreg:$0x1];
	p0 =	sne.s32 s2, $0x0  }
0x9d: {  	s3 =	rddreg [dreg:$0x2];
	[bflag:$0x3] =	sbarrier.arrive $0xFFFF;
	s2 =	simm.s32 @!p0 $0x1C03  }
0x9e: {  	[timem:s3], [sflag:s2] =	dma.local @!p0 [hbm:s0], s1  }
0x9f: {  	s0 =	simm.s32 @!p0 $0x3  }
0xa0: {  	_ =	swait.ge @!p0 [sflag:s0], s1  }
0xa1: {  	s1 =	ssub.s32 @!p0 $0x0, s1;
	[sflag:s0] =	ssyncset.done @!p0 $0x0  }
0xa2: {  	[sflag:s0] =	ssyncadd.s32 @!p0 s1  }
0xa3: {  	[bflag:$0x3] =	sbarrier.arrive $0xFFFF  }
0xa4: {  	_ =	shalt  }

// kernel: kernel.29.cloned.1.call-start
scs
__scs_entry_jumppad:
0x0: {  	(pc) =	sbr.rel $0x88, $3  }
0x1: {  	(tag) =	ssettag $0x0;
	lr =	simm.s32 $0x1  }
0x2: {  	[smem:$0x3F6C] =	sst lr;
	_ =	strace $0xD0000000  }
0x3: {  	_ = 	snop  }
0x4: {  	_ = 	snop  }
0x5: {  	_ = 	snop  }
0x6: {  	_ = 	snop  }
0x7: {  	_ = 	snop  }
__scs_overlays_trampoline_lowered:
0x8: {  	[smem:$0x3F7B] =	sst s0  }
0x9: {  	[smem:$0x3F7C] =	sst s1  }
0xa: {  	[smem:$0x3F7D] =	sst s2  }
0xb: {  	[smem:$0x3F7E] =	sst s3  }
0xc: {  	[smem:$0x3F7F] =	sst s4  }
0xd: {  	[smem:$0x3F80] =	sst s5  }
0xe: {  	[smem:$0x3F81] =	sst s6  }
0xf: {  	[smem:$0x3F82] =	sst s7  }
0x10: {  	[smem:$0x3F83] =	sst s8  }
0x11: {  	[smem:$0x3F84] =	sst s9;
	s0 =	simm.s32 @!p0 $0x0  }
0x12: {  	s1 =	sld [smem:$0x3F6A];
	s0 =	simm.s32 @p0 $0x1  }
0x13: {  	[smem:$0x3F85] =	sst s0;
	s0 =	simm.s32 @!p1 $0x0  }
0x14: {  	s2 =	sld [smem:$0x3F69];
	s0 =	simm.s32 @p1 $0x1  }
0x15: {  	[smem:$0x3F86] =	sst s0;
	s0 =	simm.s32 @!p2 $0x0  }
0x16: {  	s3 =	sld [smem:$0x3FDB];
	s0 =	simm.s32 @p2 $0x1  }
0x17: {  	s4 =	simm.s32 $0x1BF5;
	[smem:$0x3F88] =	sst s0  }
0x18: {  	s0 =	sld [smem:$0x3F6B];
	_ =	swait.ge [sflag:s4], $0x0  }
0x19: {  	s7 =	sld [smem:$0x3F6C]  }
0x1a: {  	s8 =	sadd.s32 $0xFFFFE003, lr  }
0x1b: {  	s9 =	sadd.s32 $0xFFFFFEF7, lr;
	s5 =	simm.s32 $0xFFFFFFFF;
	p2 =	slt.u32 s8, $0xFFFFF086  }
0x1c: {  	p1 =	slt.u32 s9, $0xF7A;
	s5 =	simm.s32 @!p2 $0x0  }
0x1d: {  	s5 =	simm.s32 @p1 $0x1;
	p0 =	seq.s32 s7, s2  }
0x1e: {  	s7 =	smul.u32 @!p0 $0xF7A, s2;
	p2 =	seq.s32 @!p0 s5, $0x0  }
0x1f: {  	s9 =	smul.u32 $0xF7A, s1;
	s8 =	simm.s32 @!p0 $0x1BF5;
	p2 =	por !p2, p0  }
0x20: {  	[sflag:s8] =	ssyncset.s32 @!p0 $0xFFFFF086;
	s6 =	sadd.s32 @!p0 s3, s7;
	s7 =	simm.s32 @!p0 $0x108  }
0x21: {  	s3 =	sadd.s32 s3, s9;
	s6 =	sadd.s32 @!p0 $0x88, s6;
	s7 =	simm.s32 @p2 $0x1082  }
0x22: {  	[simem:s7], [sflag:s8] =	dma.local @!p0 [hbm:s6], $0xF7A  }
0x23: {  	s9 =	sor.u32 $0xD0000000, s2;
	s6 =	simm.s32 $0x108;
	_ =	swait.ge @!p0 [sflag:s8], $0x0  }
0x24: {  	s3 =	sadd.s32 $0x88, s3;
	s6 =	simm.s32 @!p1 $0x1082;
	[sflag:s4] =	ssyncset.s32 $0xFFFFF086  }
0x25: {  	[simem:s6], [sflag:s4] =	dma.local [hbm:s3], $0xF7A  }
0x26: {  	[smem:$0x3F6C] =	sst s1;
	(tag) =	ssettag s2;
	_ =	strace s9  }
0x27: {  	s1 =	sld [smem:$0x3F7C]  }
0x28: {  	s2 =	sld [smem:$0x3F7D]  }
0x29: {  	s4 =	sld [smem:$0x3F7F]  }
0x2a: {  	p0 =	seq.s32 s5, $0x0;
	s5 =	sld [smem:$0x3F80]  }
0x2b: {  	s6 =	sld [smem:$0x3F81]  }
0x2c: {  	s7 =	sld [smem:$0x3F82]  }
0x2d: {  	s3 =	simm.s32 $0x108;
	s8 =	sld [smem:$0x3F83]  }
0x2e: {  	s3 =	simm.s32 @!p0 $0x1082;
	s9 =	sld [smem:$0x3F84]  }
0x2f: {  	lr =	sadd.s32 s0, s3;
	s0 =	sld [smem:$0x3F7B]  }
0x30: {  	s3 =	sld [smem:$0x3F7E]  }
0x31: {  	[smem:$0x3F87] =	sst s10  }
0x32: {  	s10 =	sld [smem:$0x3F85];
	_ =	sdelay $0x3  }
0x33: {  	p0 =	seq.s32 s10, $0x1;
	s10 =	sld [smem:$0x3F87];
	_ =	sdelay $0x3  }
0x34: {  	[smem:$0x3F87] =	sst s10  }
0x35: {  	s10 =	sld [smem:$0x3F86];
	_ =	sdelay $0x3  }
0x36: {  	p1 =	seq.s32 s10, $0x1;
	s10 =	sld [smem:$0x3F87];
	_ =	sdelay $0x3  }
0x37: {  	[smem:$0x3F87] =	sst s10  }
0x38: {  	s10 =	sld [smem:$0x3F88]  }
0x39: {  	_ = 	snop;
	(pc) =	sbr.ind lr, $3  }
0x3a: {  	_ = 	snop  }
0x3b: {  	_ = 	snop  }
0x3c: {  	p2 =	seq.s32 s10, $0x1;
	s10 =	sld [smem:$0x3F87]  }
0x3d: {  	_ =	shalt  }
0x3e: {  	_ =	shalt  }
0x3f: {  	_ =	shalt  }
0x40: {  	_ =	shalt  }
0x41: {  	_ =	shalt  }
0x42: {  	_ =	shalt  }
0x43: {  	_ =	shalt  }
0x44: {  	_ =	shalt  }
0x45: {  	_ =	shalt  }
0x46: {  	_ =	shalt  }
0x47: {  	_ =	shalt  }
0x48: {  	_ =	shalt  }
0x49: {  	_ =	shalt  }
0x4a: {  	_ =	shalt  }
0x4b: {  	_ =	shalt  }
0x4c: {  	_ =	shalt  }
0x4d: {  	_ =	shalt  }
0x4e: {  	_ =	shalt  }
0x4f: {  	_ =	shalt  }
0x50: {  	_ =	shalt  }
0x51: {  	_ =	shalt  }
0x52: {  	_ =	shalt  }
0x53: {  	_ =	shalt  }
0x54: {  	_ =	shalt  }
0x55: {  	_ =	shalt  }
0x56: {  	_ =	shalt  }
0x57: {  	_ =	shalt  }
0x58: {  	_ =	shalt  }
0x59: {  	_ =	shalt  }
0x5a: {  	_ =	shalt  }
0x5b: {  	_ =	shalt  }
0x5c: {  	_ =	shalt  }
0x5d: {  	_ =	shalt  }
0x5e: {  	_ =	shalt  }
0x5f: {  	_ =	shalt  }
0x60: {  	_ =	shalt  }
0x61: {  	_ =	shalt  }
0x62: {  	_ =	shalt  }
0x63: {  	_ =	shalt  }
0x64: {  	_ =	shalt  }
0x65: {  	_ =	shalt  }
0x66: {  	_ =	shalt  }
0x67: {  	_ =	shalt  }
0x68: {  	_ =	shalt  }
0x69: {  	_ =	shalt  }
0x6a: {  	_ =	shalt  }
0x6b: {  	_ =	shalt  }
0x6c: {  	_ =	shalt  }
0x6d: {  	_ =	shalt  }
0x6e: {  	_ =	shalt  }
0x6f: {  	_ =	shalt  }
0x70: {  	_ =	shalt  }
0x71: {  	_ =	shalt  }
0x72: {  	_ =	shalt  }
0x73: {  	_ =	shalt  }
0x74: {  	_ =	shalt  }
0x75: {  	_ =	shalt  }
0x76: {  	_ =	shalt  }
0x77: {  	_ =	shalt  }
0x78: {  	_ =	shalt  }
0x79: {  	_ =	shalt  }
0x7a: {  	_ =	shalt  }
0x7b: {  	_ =	shalt  }
0x7c: {  	_ =	shalt  }
0x7d: {  	_ =	shalt  }
0x7e: {  	_ =	shalt  }
0x7f: {  	_ =	shalt  }
0x80: {  	_ =	shalt  }
0x81: {  	_ =	shalt  }
0x82: {  	_ =	shalt  }
0x83: {  	_ =	shalt  }
0x84: {  	_ =	shalt  }
0x85: {  	_ =	shalt  }
0x86: {  	_ =	shalt  }
0x87: {  	_ =	shalt  }
.Lfunc_end0:
.L_simem_size_0:
called_computation.4_lowered:
.L_overlay_start_0:
0x88: {  	s2 =	sld [smem:$0x3FD9]  }
0x89: {  	s3 =	sld [smem:$0x3FFE];
	_ =	sdelay $0x1  }
0x8a: {  	s1 =	srdreg.scid  }
0x8b: {  	s0 =	sand.u32 $0x1, s1  }
0x8c: {  	s16 =	sshll.u32 s0, $0xA;
	s2 =	sadd.s32 s3, s2  }
0x8d: {  	s2 =	sadd.s32 s2, s16  }
0x8e: {  	[smem:$0x3F93] =	sst s2  }
0x8f: {  	_ = 	snop  }
0x90: {  	(tm) =	ssettm $0x1  }
0x91: {  	s17 =	sld [smem:$0x3FFB];
	_ =	sdelay $0x3  }
0x92: {  	_ =	strace s17  }
0x93: {  	s2 =	sld [smem:$0x3FFC];
	_ =	sdelay $0x3  }
0x94: {  	_ =	strace s2  }
0x95: {  	s2 =	sld [smem:$0x3FFD];
	_ =	sdelay $0x3  }
0x96: {  	_ =	strace s2  }
0x97: {  	_ =	strace $0x8FFFFFFF  }
0x98: {  	s18 =	sld [smem:$0x3FDB];
	_ =	sdelay $0x1  }
0x99: {  	s19 =	simm.s32 $_scs_section_size  }
0x9a: {  	s4 =	simm.s32 $_size__tile_overlayer_lowered;
	s5 =	simm.s32 $_tile_overlayer_lowered  }
0x9b: {  	s22 =	simm.s32 $0x1BFF;
	s21 =	sshll.u32 s5, $0x1;
	s2 =	sadd.s32 s19, s18  }
0x9c: {  	s6 =	simm.s32 $0x0;
	s20 =	sshll.u32 s4, $0x1;
	s4 =	sadd.s32 s21, s2  }
0x9d: {  	[timem:s6], [sflag:s22] =	dma.local [hbm:s4], s20  }
0x9e: {  	_ =	swait.ge [sflag:s22], s20  }
0x9f: {  	s3 =	ssub.s32 $0x0, s20;
	[sflag:s22] =	ssyncset.done $0x0  }
0xa0: {  	[sflag:s22] =	ssyncadd.s32 s3;
	_ =	sdelay $0x1  }
0xa1: {  	s23 =	simm.s32 $0x1B8B  }
0xa2: {  	_ =	swait.ge [sflag:s23], $0x1  }
0xa3: {  	[sflag:s23] =	ssyncset.done $0x0  }
0xa4: {  	s25 =	simm.s32 $0x1B8E;
	s24 =	sld [smem:$0x3FFE];
	[sflag:s23] =	ssyncadd.s32 $0xFFFFFFFF  }
0xa5: {  	s26 =	simm.s32 $execute0_lowered;
	[smem:$0x3FD2] =	sst s25  }
0xa6: {  	s4 =	sshll.u32 s26, $0x1;
	_ =	strace $0x80000052;
	[dreg:$0x1] =	wrdreg $0xFFFFFFFF  }
0xa7: {  	s28 =	simm.s32 $_size_execute0_lowered;
	s2 =	sadd.s32 s2, s4;
	[dreg:$0x0] =	wrdreg $0x0  }
0xa8: {  	s4 =	sshll.u32 s28, $0x1;
	[dreg:$0x2] =	wrdreg s2  }
0xa9: {  	[dreg:$0x3] =	wrdreg s4  }
0xaa: {  	[dreg:$0x4] =	wrdreg $0xC0  }
0xab: {  	_ =	task [dreg:s6], $0x5FFFF  }
0xac: {  	[dreg:$0x1] =	wrdreg $0xFFFFFFFF  }
0xad: {  	[dreg:$0x0] =	wrdreg $0x60  }
0xae: {  	[dreg:$0x2] =	wrdreg s24  }
0xaf: {  	[dreg:$0x3] =	wrdreg $0xB0000  }
0xb0: {  	[dreg:$0x4] =	wrdreg $0x9  }
0xb1: {  	_ =	task.clear_ibuf [dreg:s6], $0x5FFFF;
	_ =	strace $0x90000052  }
0xb2: {  	s29 =	simm.s32 $0x9;
	_ =	strace $0x80000054  }
0xb3: {  	_ =	swait.ge [sflag:s29], $0x1  }
0xb4: {  	[sflag:s29] =	ssyncadd.s32 $0xFFFFFFFF  }
0xb5: {  	_ =	strace $0x90000054  }
0xb6: {  	_ =	sfence  }
0xb7: {  	s30 =	sld [smem:$0x0];
	_ =	sdelay $0x2  }
0xb8: {  	s31 =	sshll.u32 s1, $0xD;
	s1 =	sshrl.u32 s1, $0x2  }
0xb9: {  	s3 =	sand.u32 $0x4000, s31;
	s1 =	sadd.s32 s1, s30  }
0xba: {  	s0 =	sor.u32 s3, s0;
	s1 =	sshll.u32 s1, $0x11  }
0xbb: {  	s0 =	sor.u32 s1, s0  }
0xbc: {  	s0 =	sadd.s32 $0x8F2B, s0  }
0xbd: {  	[sflag:s0] =	ssyncadd.remote.s32 $0x1  }
0xbe: {  	_ =	sfence.sel $0xFFFF  }
0xbf: {  	[dreg:$0x0] =	wrdreg $0xFFFFFFFF;
	(pc) =	sbr.abs _section_cstart, $3  }
0xc0: {  	[dreg:$0x1] =	wrdreg $0xFFFFFFFF  }
0xc1: {  	_ =	task.clear_ibuf [dreg:s6], $0x2FFFF;
	_ =	strace $0x9FFFFFFF  }
0xc2: {  	(tm) =	ssettm $0x7FFFFFFF  }
0xc3: {  	_ =	shalt  }
tec
execute0_lowered:
.L_overlay_start_1:
0x0: {  	(tag) =	ssettag $0x1  }
0x1: {  	s0 =	srdreg.scid;
	s6 =	rddreg [dreg:$0x0]  }
0x2: {  	s2 =	rddreg [dreg:$0x1];
	s1 =	stileid.u32  }
0x3: {  	s3 =	simm.s32 $0x0;
	s16 =	simm.s32 $0x2780;
	s17 =	simm.s32 $0x60  }
0x4: {  	s18 =	simm.s32 $0x5000;
	s19 =	simm.s32 $0x1;
	s20 =	simm.s32 $0x8000  }
0x5: {  	s21 =	simm.s32 $0x4F00;
	s22 =	simm.s32 $0x2;
	s23 =	simm.s32 $0x4F80  }
0x6: {  	s5 =	sand.u32 $0x1, s0;
	s0 =	rddreg [dreg:$0x2];
	s8 =	smul.u32 $0x2700, s1  }
0x7: {  	s24 =	simm.s32 $0x0;
	[smem:$0x7FF] =	sst s3;
	s28 =	smul.u32 $0x4E000, s1  }
0x8: {  	s10 =	sadd.s32 $0x69C00, s6;
	s29 =	smul.u32 $0x13800, s1;
	s15 =	sadd.s32 $0x124800, s2  }
0x9: {  	p0 =	seq.s32 s1, $0xF;
	s4 =	sshll.u32 s5, $0x4;
	_ =	strace $0x80000053  }
0xa: {  	s11 =	ssub.s32 $0x2, s5;
	s13 =	smul.u32 $0x138800, s5;
	s4 =	sor.u32 s1, s4  }
0xb: {  	s8 =	sadd.s32 s8, s6;
	s12 =	sshrl.u32 s11, $0x1;
	s7 =	smul.u32 $0x4EC, s4  }
0xc: {  	s4 =	sadd.s32 $0x11A00, s6;
	s11 =	ssub.s32 s11, s12;
	s12 =	sadd.s32 s29, s13  }
0xd: {  	s5 =	sadd.s32 $0x42A00, s8;
	s13 =	sshrl.u32 s13, $0x3;
	s30 =	sshrl.u32 s12, $0x3  }
0xe: {  	s31 =	sadd.s32 s10, s13;
	s11 =	smax.u32 s11, $0x1;
	s12 =	sshrl.u32 @p0 s15, $0x3  }
0xf: {  	s13 =	sshll.u32 @!p0 s1, $0x6;
	s15 =	simm.s32 $0x3;
	s9 =	sadd.s32 s7, s6  }
0x10: {  	s7 =	sshrl.u32 s28, $0x2;
	s6 =	sadd.s32 $0x67300, s6;
	s13 =	sor.u32 @!p0 $0x1C03, s13  }
0x11: {  	s14 =	sadd.s32 s7, s2;
	s7 =	sadd.s32 $0xB7E00, s9;
	s8 =	sadd.s32 $0x7C00, s9  }
0x12: {  	s9 =	sadd.s32 s10, s30;
	s10 =	sadd.s32 $0x24900, s31;
	s14 =	sshrl.u32 @!p0 s14, $0x3  }
.LBB2_1:
0x13: {  	s25 =	simm.s32 @p0 $0x1FC3  }
0x14: {  	[spmem:s12], [sflag:s25] =	dma.local @p0 [hbm:s6], $0x2800  }
0x15: {  	s25 =	simm.s32 @p0 $0x3  }
0x16: {  	_ =	swait.ge @p0 [sflag:s25], $0x2800  }
0x17: {  	[sflag:s25] =	ssyncset.done @p0 $0x0  }
0x18: {  	[sflag:s25] =	ssyncadd.s32 @p0 $0xFFFFD800;
	s25 =	simm.s32 @!p0 $0x3  }
0x19: {  	[spmem:s14], [sflag:s13] =	dma.local @!p0 [hbm:s5], $0x2700  }
0x1a: {  	_ =	swait.ge @!p0 [sflag:s25], $0x2700  }
0x1b: {  	[sflag:s25] =	ssyncset.done @!p0 $0x0  }
0x1c: {  	[sflag:s25] =	ssyncadd.s32 @!p0 $0xFFFFD900  }
0x1d: {  	[tilespmem:s3], [sflag:$0x3] =	stream.linear.gather [hbm4b:s7+s3], $0x2760, $0x38;
	[tilespmem:$0x1E900] =	vst v63  }
0x1e: {  	_ =	swait.ge [sflag:s15], $0x2760  }
0x1f: {  	[sflag:s15] =	ssyncset.done $0x0  }
0x20: {  	[sflag:s15] =	ssyncadd.s32 $0xFFFFD8A0  }
0x21: {  	[tilespmem:s16], [sflag:$0x3] =	stream.linear.gather [hbm4b:s8+s3], $0x2760, $0x38;
	[tilespmem:$0x1E900] =	vst v63  }
0x22: {  	_ =	swait.ge [sflag:s15], $0x2760  }
0x23: {  	[sflag:s15] =	ssyncset.done $0x0  }
0x24: {  	[sflag:s15] =	ssyncadd.s32 $0xFFFFD8A0  }
0x25: {  	[bflag:$0x0] =	sbarrier.arrive $0xFFFF  }
0x26: {  	[tilespmem:s18], [sflag:$0x1] =	stream.indirect.gather [hbm4b:s4+s17], $0x80, s3, s17, $0xb8;
	[tilespmem:$0x1E900] =	vst v63  }
0x27: {  	_ =	swait.ge [sflag:s19], $0x3000  }
0x28: {  	[sflag:s19] =	ssyncset.done $0x0  }
0x29: {  	s26 =	simm.s32 $0x60;
	s25 =	simm.s32 $0x27E0;
	[sflag:s19] =	ssyncadd.s32 $0xFFFFD000  }
0x2a: {  	[tilespmem:s20], [sflag:$0x2] =	stream.indirect.gather [hbm4b:s4+s17], $0x80, s26, s17, $0xb8;
	[tilespmem:$0x1E900] =	vst v63  }
0x2b: {  	v0 =	vld [tilespmem:s25+$0xFFFFFFA0];
	_ =	sdelay $0x4  }
0x2c: {  	[tilespmem:$0x4F00] =	vst v0  }
0x2d: {  	v0 =	vld [tilespmem:s25+$0xFFFFFFB0];
	_ =	sdelay $0x4  }
0x2e: {  	[tilespmem:$0x4F10] =	vst v0  }
0x2f: {  	v0 =	vld [tilespmem:s25+$0xFFFFFFC0];
	_ =	sdelay $0x4  }
0x30: {  	[tilespmem:$0x4F20] =	vst v0  }
0x31: {  	v0 =	vld [tilespmem:s25+$0xFFFFFFD0];
	_ =	sdelay $0x4  }
0x32: {  	[tilespmem:$0x4F30] =	vst v0  }
0x33: {  	v0 =	vld [tilespmem:s25+$0xFFFFFFE0];
	_ =	sdelay $0x4  }
0x34: {  	[tilespmem:$0x4F40] =	vst v0  }
0x35: {  	v0 =	vld [tilespmem:s25+$0xFFFFFFF0];
	_ =	sdelay $0x4  }
0x36: {  	[tilespmem:$0x4F50] =	vst v0  }
0x37: {  	[spmem:s2] =	stream.indirect.scatter.add.f32 [tilespmem:s18], [sflag:$0x3], $0x80, s21, s17, $0xb8;
	[tilespmem:$0x1E900] =	vst v63  }
0x38: {  	_ =	swait.ge [sflag:s15], $0x3000  }
0x39: {  	[sflag:s15] =	ssyncset.done $0x0  }
0x3a: {  	[sflag:s15] =	ssyncadd.s32 $0xFFFFD000  }
0x3b: {  	_ =	swait.ge [sflag:s22], $0x3000  }
0x3c: {  	[sflag:s22] =	ssyncset.done $0x0  }
0x3d: {  	s26 =	simm.s32 $0xC0;
	[sflag:s22] =	ssyncadd.s32 $0xFFFFD000  }
0x3e: {  	[tilespmem:s18], [sflag:$0x1] =	stream.indirect.gather [hbm4b:s4+s17], $0x80, s26, s17, $0xb8;
	[tilespmem:$0x1E900] =	vst v63  }
0x3f: {  	v63 =	vld [tilespmem:s25+$0x0];
	_ =	sdelay $0x4  }
0x40: {  	[tilespmem:$0x4F80] =	vst v63  }
0x41: {  	v0 =	vld [tilespmem:s25+$0x10];
	_ =	sdelay $0x4  }
0x42: {  	s28 =	sand.u32 $0x3FC0, s3;
	[tilespmem:$0x4F90] =	vst v0  }
0x43: {  	v0 =	vld [tilespmem:s28+$0x2800];
	_ =	sdelay $0x4  }
0x44: {  	[tilespmem:$0x4FA0] =	vst v0  }
0x45: {  	v0 =	vld [tilespmem:s25+$0x30];
	_ =	sdelay $0x4  }
0x46: {  	[tilespmem:$0x4FB0] =	vst v0  }
0x47: {  	v0 =	vld [tilespmem:s25+$0x40];
	_ =	sdelay $0x4  }
0x48: {  	[tilespmem:$0x4FC0] =	vst v0  }
0x49: {  	v0 =	vld [tilespmem:s25+$0x50];
	_ =	sdelay $0x4  }
0x4a: {  	[tilespmem:$0x4FD0] =	vst v0  }
0x4b: {  	[spmem:s2] =	stream.indirect.scatter.add.f32 [tilespmem:s20], [sflag:$0x3], $0x80, s23, s17, $0xb8;
	[tilespmem:$0x1E900] =	vst v63  }
0x4c: {  	_ =	swait.ge [sflag:s15], $0x3000  }
0x4d: {  	s28 =	simm.s32 $0xC0;
	[sflag:s15] =	ssyncset.done $0x0  }
.LBB2_2:
0x4e: {  	[sflag:s15] =	ssyncadd.s32 $0xFFFFD000  }
0x4f: {  	s26 =	sadd.s32 $0xC0, s26;
	s25 =	sadd.s32 $0xC0, s25;
	s29 =	smov.u32 s28  }
0x50: {  	p1 =	sne.s32 s28, $0x2640;
	s28 =	sadd.s32 $0xC0, s28;
	_ =	swait.ge [sflag:s19], $0x3000  }
0x51: {  	[sflag:s19] =	ssyncset.done $0x0  }
0x52: {  	s30 =	sadd.s32 $0xFFFFFFA0, s26;
	[sflag:s19] =	ssyncadd.s32 $0xFFFFD000  }
0x53: {  	[tilespmem:s20], [sflag:$0x2] =	stream.indirect.gather [hbm4b:s4+s17], $0x80, s30, s17, $0xb8;
	[tilespmem:$0x1E900] =	vst v63  }
0x54: {  	v0 =	vld [tilespmem:s25+$0xFFFFFFA0];
	_ =	sdelay $0x4  }
0x55: {  	[tilespmem:$0x4F00] =	vst v0  }
0x56: {  	v0 =	vld [tilespmem:s25+$0xFFFFFFB0];
	_ =	sdelay $0x4  }
0x57: {  	[tilespmem:$0x4F10] =	vst v0  }
0x58: {  	v0 =	vld [tilespmem:s25+$0xFFFFFFC0];
	_ =	sdelay $0x4  }
0x59: {  	[tilespmem:$0x4F20] =	vst v0  }
0x5a: {  	v0 =	vld [tilespmem:s25+$0xFFFFFFD0];
	_ =	sdelay $0x4  }
0x5b: {  	[tilespmem:$0x4F30] =	vst v0  }
0x5c: {  	v0 =	vld [tilespmem:s25+$0xFFFFFFE0];
	_ =	sdelay $0x4  }
0x5d: {  	[tilespmem:$0x4F40] =	vst v0  }
0x5e: {  	v0 =	vld [tilespmem:s25+$0xFFFFFFF0];
	_ =	sdelay $0x4  }
0x5f: {  	[tilespmem:$0x4F50] =	vst v0  }
0x60: {  	[spmem:s2] =	stream.indirect.scatter.add.f32 [tilespmem:s18], [sflag:$0x3], $0x80, s21, s17, $0xb8;
	[tilespmem:$0x1E900] =	vst v63  }
0x61: {  	_ =	swait.ge [sflag:s15], $0x3000  }
0x62: {  	[sflag:s15] =	ssyncset.done $0x0  }
0x63: {  	[sflag:s15] =	ssyncadd.s32 $0xFFFFD000  }
0x64: {  	_ =	swait.ge [sflag:s22], $0x3000  }
0x65: {  	[sflag:s22] =	ssyncset.done $0x0  }
0x66: {  	[sflag:s22] =	ssyncadd.s32 $0xFFFFD000  }
0x67: {  	[tilespmem:s18], [sflag:$0x1] =	stream.indirect.gather [hbm4b:s4+s17], $0x80, s26, s17, $0xb8;
	[tilespmem:$0x1E900] =	vst v63  }
0x68: {  	v0 =	vld [tilespmem:s25+$0x0];
	_ =	sdelay $0x4  }
0x69: {  	[tilespmem:$0x4F80] =	vst v0  }
0x6a: {  	v0 =	vld [tilespmem:s25+$0x10];
	_ =	sdelay $0x4  }
0x6b: {  	s29 =	sand.u32 $0x3FC0, s29;
	[tilespmem:$0x4F90] =	vst v0  }
0x6c: {  	v0 =	vld [tilespmem:s29+$0x2800];
	_ =	sdelay $0x4  }
0x6d: {  	[tilespmem:$0x4FA0] =	vst v0  }
0x6e: {  	v0 =	vld [tilespmem:s25+$0x30];
	_ =	sdelay $0x4  }
0x6f: {  	[tilespmem:$0x4FB0] =	vst v0  }
0x70: {  	v0 =	vld [tilespmem:s25+$0x40];
	_ =	sdelay $0x4  }
0x71: {  	[tilespmem:$0x4FC0] =	vst v0  }
0x72: {  	v0 =	vld [tilespmem:s25+$0x50];
	_ =	sdelay $0x3  }
.Ltmp0:
0x73: {  	(pc) =	sbr.rel @p1 .LBB2_2-.Ltmp0, $4  }
0x74: {  	[tilespmem:$0x4FD0] =	vst v0  }
0x75: {  	[spmem:s2] =	stream.indirect.scatter.add.f32 [tilespmem:s20], [sflag:$0x3], $0x80, s23, s17, $0xb8;
	[tilespmem:$0x1E900] =	vst v63  }
0x76: {  	_ =	swait.ge [sflag:s15], $0x3000  }
0x77: {  	[sflag:s15] =	ssyncset.done $0x0  }
0x78: {  	[sflag:s15] =	ssyncadd.s32 $0xFFFFD000  }
0x79: {  	_ =	swait.ge [sflag:s19], $0x3000  }
0x7a: {  	[sflag:s19] =	ssyncset.done $0x0  }
0x7b: {  	[sflag:s19] =	ssyncadd.s32 $0xFFFFD000  }
0x7c: {  	v0 =	vld [tilespmem:$0x4E80]  }
0x7d: {  	v1 =	vld [tilespmem:$0x4E90]  }
0x7e: {  	v2 =	vld [tilespmem:$0x4EA0]  }
0x7f: {  	v3 =	vld [tilespmem:$0x4EB0]  }
0x80: {  	v4 =	vld [tilespmem:$0x4EC0]  }
0x81: {  	v63 =	vld [tilespmem:$0x4ED0];
	[tilespmem:$0x4F00] =	vst v0  }
0x82: {  	[tilespmem:$0x4F10] =	vst v1  }
0x83: {  	[tilespmem:$0x4F20] =	vst v2  }
0x84: {  	[tilespmem:$0x4F30] =	vst v3  }
0x85: {  	[tilespmem:$0x4F40] =	vst v4  }
0x86: {  	[tilespmem:$0x4F50] =	vst v63  }
0x87: {  	[spmem:s2] =	stream.indirect.scatter.add.f32 [tilespmem:s18], [sflag:$0x3], $0x80, s21, s17, $0xb8;
	[tilespmem:$0x1E900] =	vst v63  }
0x88: {  	_ =	swait.ge [sflag:s15], $0x3000  }
0x89: {  	[sflag:s15] =	ssyncset.done $0x0  }
0x8a: {  	[sflag:s15] =	ssyncadd.s32 $0xFFFFD000  }
0x8b: {  	s25 =	simm.s32 @p0 $0x1FC3;
	[bflag:$0x0] =	sbarrier.arrive $0xFFFF  }
0x8c: {  	[hbm:s10], [sflag:s25] =	dma.local @p0 [spmem:s12], $0x2800  }
0x8d: {  	s25 =	simm.s32 @p0 $0x3  }
0x8e: {  	s24 =	sadd.s32 $0x1, s24;
	_ =	swait.ge @p0 [sflag:s25], $0x2800  }
0x8f: {  	p1 =	sne.s32 s24, s11;
	[sflag:s25] =	ssyncset.done @p0 $0x0  }
.Ltmp1:
0x90: {  	[sflag:s25] =	ssyncadd.s32 @p0 $0xFFFFD800;
	s25 =	simm.s32 @!p0 $0x3;
	(pc) =	sbr.rel @p1 .LBB2_1-.Ltmp1, $4  }
0x91: {  	[hbm:s9], [sflag:s13] =	dma.local @!p0 [spmem:s14], $0x2700  }
0x92: {  	_ =	swait.ge @!p0 [sflag:s25], $0x2700  }
0x93: {  	[sflag:s25] =	ssyncset.done @!p0 $0x0  }
0x94: {  	[sflag:s25] =	ssyncadd.s32 @!p0 $0xFFFFD900  }
0x95: {  	_ =	sfence.sel $0x180000  }
0x96: {  	[bflag:$0x0] =	sbarrier.arrive $0xFFFF  }
0x97: {  	p0 =	sne.s32 s1, $0x0;
	_ =	strace $0x90000053  }
0x98: {  	s0 =	sadd.s32 @!p0 $0x100000, s0;
	[bflag:$0x2] =	sbarrier.arrive $0xFFFF  }
0x99: {  	[sflag:s0] =	ssyncadd.tile.s32 @!p0 $0x1;
	_ =	shalt  }
.Lfunc_end2:
_tile_overlayer_lowered:
.L_overlay_start_2:
0x9a: {  	(tag) =	ssettag $0x2  }
0x9b: {  	s0 =	rddreg [dreg:$0x0];
	s2 =	stileid.u32  }
0x9c: {  	s1 =	rddreg [dreg:$0x1];
	p0 =	sne.s32 s2, $0x0  }
0x9d: {  	s3 =	rddreg [dreg:$0x2];
	[bflag:$0x3] =	sbarrier.arrive $0xFFFF;
	s2 =	simm.s32 @!p0 $0x1C03  }
0x9e: {  	[timem:s3], [sflag:s2] =	dma.local @!p0 [hbm:s0], s1  }
0x9f: {  	s0 =	simm.s32 @!p0 $0x3  }
0xa0: {  	_ =	swait.ge @!p0 [sflag:s0], s1  }
0xa1: {  	s1 =	ssub.s32 @!p0 $0x0, s1;
	[sflag:s0] =	ssyncset.done @!p0 $0x0  }
0xa2: {  	[sflag:s0] =	ssyncadd.s32 @!p0 s1  }
0xa3: {  	[bflag:$0x3] =	sbarrier.arrive $0xFFFF  }
0xa4: {  	_ =	shalt  }

// kernel: kernel.32.cloned.1.call-start
scs
__scs_entry_jumppad:
0x0: {  	(pc) =	sbr.rel $0x88, $3  }
0x1: {  	(tag) =	ssettag $0x0;
	lr =	simm.s32 $0x1  }
0x2: {  	[smem:$0x3F6C] =	sst lr;
	_ =	strace $0xD0000000  }
0x3: {  	_ = 	snop  }
0x4: {  	_ = 	snop  }
0x5: {  	_ = 	snop  }
0x6: {  	_ = 	snop  }
0x7: {  	_ = 	snop  }
__scs_overlays_trampoline_lowered:
0x8: {  	[smem:$0x3F7B] =	sst s0  }
0x9: {  	[smem:$0x3F7C] =	sst s1  }
0xa: {  	[smem:$0x3F7D] =	sst s2  }
0xb: {  	[smem:$0x3F7E] =	sst s3  }
0xc: {  	[smem:$0x3F7F] =	sst s4  }
0xd: {  	[smem:$0x3F80] =	sst s5  }
0xe: {  	[smem:$0x3F81] =	sst s6  }
0xf: {  	[smem:$0x3F82] =	sst s7  }
0x10: {  	[smem:$0x3F83] =	sst s8  }
0x11: {  	[smem:$0x3F84] =	sst s9;
	s0 =	simm.s32 @!p0 $0x0  }
0x12: {  	s1 =	sld [smem:$0x3F6A];
	s0 =	simm.s32 @p0 $0x1  }
0x13: {  	[smem:$0x3F85] =	sst s0;
	s0 =	simm.s32 @!p1 $0x0  }
0x14: {  	s2 =	sld [smem:$0x3F69];
	s0 =	simm.s32 @p1 $0x1  }
0x15: {  	[smem:$0x3F86] =	sst s0;
	s0 =	simm.s32 @!p2 $0x0  }
0x16: {  	s3 =	sld [smem:$0x3FDB];
	s0 =	simm.s32 @p2 $0x1  }
0x17: {  	s4 =	simm.s32 $0x1BF5;
	[smem:$0x3F88] =	sst s0  }
0x18: {  	s0 =	sld [smem:$0x3F6B];
	_ =	swait.ge [sflag:s4], $0x0  }
0x19: {  	s7 =	sld [smem:$0x3F6C]  }
0x1a: {  	s8 =	sadd.s32 $0xFFFFE003, lr  }
0x1b: {  	s9 =	sadd.s32 $0xFFFFFEF7, lr;
	s5 =	simm.s32 $0xFFFFFFFF;
	p2 =	slt.u32 s8, $0xFFFFF086  }
0x1c: {  	p1 =	slt.u32 s9, $0xF7A;
	s5 =	simm.s32 @!p2 $0x0  }
0x1d: {  	s5 =	simm.s32 @p1 $0x1;
	p0 =	seq.s32 s7, s2  }
0x1e: {  	s7 =	smul.u32 @!p0 $0xF7A, s2;
	p2 =	seq.s32 @!p0 s5, $0x0  }
0x1f: {  	s9 =	smul.u32 $0xF7A, s1;
	s8 =	simm.s32 @!p0 $0x1BF5;
	p2 =	por !p2, p0  }
0x20: {  	[sflag:s8] =	ssyncset.s32 @!p0 $0xFFFFF086;
	s6 =	sadd.s32 @!p0 s3, s7;
	s7 =	simm.s32 @!p0 $0x108  }
0x21: {  	s3 =	sadd.s32 s3, s9;
	s6 =	sadd.s32 @!p0 $0x88, s6;
	s7 =	simm.s32 @p2 $0x1082  }
0x22: {  	[simem:s7], [sflag:s8] =	dma.local @!p0 [hbm:s6], $0xF7A  }
0x23: {  	s9 =	sor.u32 $0xD0000000, s2;
	s6 =	simm.s32 $0x108;
	_ =	swait.ge @!p0 [sflag:s8], $0x0  }
0x24: {  	s3 =	sadd.s32 $0x88, s3;
	s6 =	simm.s32 @!p1 $0x1082;
	[sflag:s4] =	ssyncset.s32 $0xFFFFF086  }
0x25: {  	[simem:s6], [sflag:s4] =	dma.local [hbm:s3], $0xF7A  }
0x26: {  	[smem:$0x3F6C] =	sst s1;
	(tag) =	ssettag s2;
	_ =	strace s9  }
0x27: {  	s1 =	sld [smem:$0x3F7C]  }
0x28: {  	s2 =	sld [smem:$0x3F7D]  }
0x29: {  	s4 =	sld [smem:$0x3F7F]  }
0x2a: {  	p0 =	seq.s32 s5, $0x0;
	s5 =	sld [smem:$0x3F80]  }
0x2b: {  	s6 =	sld [smem:$0x3F81]  }
0x2c: {  	s7 =	sld [smem:$0x3F82]  }
0x2d: {  	s3 =	simm.s32 $0x108;
	s8 =	sld [smem:$0x3F83]  }
0x2e: {  	s3 =	simm.s32 @!p0 $0x1082;
	s9 =	sld [smem:$0x3F84]  }
0x2f: {  	lr =	sadd.s32 s0, s3;
	s0 =	sld [smem:$0x3F7B]  }
0x30: {  	s3 =	sld [smem:$0x3F7E]  }
0x31: {  	[smem:$0x3F87] =	sst s10  }
0x32: {  	s10 =	sld [smem:$0x3F85];
	_ =	sdelay $0x3  }
0x33: {  	p0 =	seq.s32 s10, $0x1;
	s10 =	sld [smem:$0x3F87];
	_ =	sdelay $0x3  }
0x34: {  	[smem:$0x3F87] =	sst s10  }
0x35: {  	s10 =	sld [smem:$0x3F86];
	_ =	sdelay $0x3  }
0x36: {  	p1 =	seq.s32 s10, $0x1;
	s10 =	sld [smem:$0x3F87];
	_ =	sdelay $0x3  }
0x37: {  	[smem:$0x3F87] =	sst s10  }
0x38: {  	s10 =	sld [smem:$0x3F88]  }
0x39: {  	_ = 	snop;
	(pc) =	sbr.ind lr, $3  }
0x3a: {  	_ = 	snop  }
0x3b: {  	_ = 	snop  }
0x3c: {  	p2 =	seq.s32 s10, $0x1;
	s10 =	sld [smem:$0x3F87]  }
0x3d: {  	_ =	shalt  }
0x3e: {  	_ =	shalt  }
0x3f: {  	_ =	shalt  }
0x40: {  	_ =	shalt  }
0x41: {  	_ =	shalt  }
0x42: {  	_ =	shalt  }
0x43: {  	_ =	shalt  }
0x44: {  	_ =	shalt  }
0x45: {  	_ =	shalt  }
0x46: {  	_ =	shalt  }
0x47: {  	_ =	shalt  }
0x48: {  	_ =	shalt  }
0x49: {  	_ =	shalt  }
0x4a: {  	_ =	shalt  }
0x4b: {  	_ =	shalt  }
0x4c: {  	_ =	shalt  }
0x4d: {  	_ =	shalt  }
0x4e: {  	_ =	shalt  }
0x4f: {  	_ =	shalt  }
0x50: {  	_ =	shalt  }
0x51: {  	_ =	shalt  }
0x52: {  	_ =	shalt  }
0x53: {  	_ =	shalt  }
0x54: {  	_ =	shalt  }
0x55: {  	_ =	shalt  }
0x56: {  	_ =	shalt  }
0x57: {  	_ =	shalt  }
0x58: {  	_ =	shalt  }
0x59: {  	_ =	shalt  }
0x5a: {  	_ =	shalt  }
0x5b: {  	_ =	shalt  }
0x5c: {  	_ =	shalt  }
0x5d: {  	_ =	shalt  }
0x5e: {  	_ =	shalt  }
0x5f: {  	_ =	shalt  }
0x60: {  	_ =	shalt  }
0x61: {  	_ =	shalt  }
0x62: {  	_ =	shalt  }
0x63: {  	_ =	shalt  }
0x64: {  	_ =	shalt  }
0x65: {  	_ =	shalt  }
0x66: {  	_ =	shalt  }
0x67: {  	_ =	shalt  }
0x68: {  	_ =	shalt  }
0x69: {  	_ =	shalt  }
0x6a: {  	_ =	shalt  }
0x6b: {  	_ =	shalt  }
0x6c: {  	_ =	shalt  }
0x6d: {  	_ =	shalt  }
0x6e: {  	_ =	shalt  }
0x6f: {  	_ =	shalt  }
0x70: {  	_ =	shalt  }
0x71: {  	_ =	shalt  }
0x72: {  	_ =	shalt  }
0x73: {  	_ =	shalt  }
0x74: {  	_ =	shalt  }
0x75: {  	_ =	shalt  }
0x76: {  	_ =	shalt  }
0x77: {  	_ =	shalt  }
0x78: {  	_ =	shalt  }
0x79: {  	_ =	shalt  }
0x7a: {  	_ =	shalt  }
0x7b: {  	_ =	shalt  }
0x7c: {  	_ =	shalt  }
0x7d: {  	_ =	shalt  }
0x7e: {  	_ =	shalt  }
0x7f: {  	_ =	shalt  }
0x80: {  	_ =	shalt  }
0x81: {  	_ =	shalt  }
0x82: {  	_ =	shalt  }
0x83: {  	_ =	shalt  }
0x84: {  	_ =	shalt  }
0x85: {  	_ =	shalt  }
0x86: {  	_ =	shalt  }
0x87: {  	_ =	shalt  }
.Lfunc_end0:
.L_simem_size_0:
called_computation.5_lowered:
.L_overlay_start_0:
0x88: {  	s2 =	sld [smem:$0x3FD9]  }
0x89: {  	s3 =	sld [smem:$0x3FFE];
	_ =	sdelay $0x1  }
0x8a: {  	s1 =	srdreg.scid  }
0x8b: {  	s0 =	sand.u32 $0x1, s1  }
0x8c: {  	s16 =	sshll.u32 s0, $0xA;
	s2 =	sadd.s32 s3, s2  }
0x8d: {  	s2 =	sadd.s32 s2, s16  }
0x8e: {  	[smem:$0x3F93] =	sst s2  }
0x8f: {  	_ = 	snop  }
0x90: {  	(tm) =	ssettm $0x1  }
0x91: {  	s17 =	sld [smem:$0x3FFB];
	_ =	sdelay $0x3  }
0x92: {  	_ =	strace s17  }
0x93: {  	s2 =	sld [smem:$0x3FFC];
	_ =	sdelay $0x3  }
0x94: {  	_ =	strace s2  }
0x95: {  	s2 =	sld [smem:$0x3FFD];
	_ =	sdelay $0x3  }
0x96: {  	_ =	strace s2  }
0x97: {  	_ =	strace $0x8FFFFFFF  }
0x98: {  	s18 =	sld [smem:$0x3FDB];
	_ =	sdelay $0x1  }
0x99: {  	s19 =	simm.s32 $_scs_section_size  }
0x9a: {  	s4 =	simm.s32 $_size__tile_overlayer_lowered;
	s5 =	simm.s32 $_tile_overlayer_lowered  }
0x9b: {  	s22 =	simm.s32 $0x1BFF;
	s21 =	sshll.u32 s5, $0x1;
	s2 =	sadd.s32 s19, s18  }
0x9c: {  	s6 =	simm.s32 $0x0;
	s20 =	sshll.u32 s4, $0x1;
	s4 =	sadd.s32 s21, s2  }
0x9d: {  	[timem:s6], [sflag:s22] =	dma.local [hbm:s4], s20  }
0x9e: {  	_ =	swait.ge [sflag:s22], s20  }
0x9f: {  	s3 =	ssub.s32 $0x0, s20;
	[sflag:s22] =	ssyncset.done $0x0  }
0xa0: {  	[sflag:s22] =	ssyncadd.s32 s3;
	_ =	sdelay $0x1  }
0xa1: {  	s23 =	simm.s32 $0x1B8B  }
0xa2: {  	_ =	swait.ge [sflag:s23], $0x1  }
0xa3: {  	[sflag:s23] =	ssyncset.done $0x0  }
0xa4: {  	s25 =	simm.s32 $0x1B8E;
	s24 =	sld [smem:$0x3FFE];
	[sflag:s23] =	ssyncadd.s32 $0xFFFFFFFF  }
0xa5: {  	s26 =	simm.s32 $execute0_lowered;
	[smem:$0x3FD2] =	sst s25  }
0xa6: {  	s4 =	sshll.u32 s26, $0x1;
	_ =	strace $0x80000055;
	[dreg:$0x1] =	wrdreg $0xFFFFFFFF  }
0xa7: {  	s28 =	simm.s32 $_size_execute0_lowered;
	s2 =	sadd.s32 s2, s4;
	[dreg:$0x0] =	wrdreg $0x0  }
0xa8: {  	s4 =	sshll.u32 s28, $0x1;
	[dreg:$0x2] =	wrdreg s2  }
0xa9: {  	[dreg:$0x3] =	wrdreg s4  }
0xaa: {  	[dreg:$0x4] =	wrdreg $0xC0  }
0xab: {  	_ =	task [dreg:s6], $0x5FFFF  }
0xac: {  	[dreg:$0x1] =	wrdreg $0xFFFFFFFF  }
0xad: {  	[dreg:$0x0] =	wrdreg $0x60  }
0xae: {  	[dreg:$0x2] =	wrdreg s24  }
0xaf: {  	[dreg:$0x3] =	wrdreg $0xB0000  }
0xb0: {  	[dreg:$0x4] =	wrdreg $0x9  }
0xb1: {  	_ =	task.clear_ibuf [dreg:s6], $0x5FFFF;
	_ =	strace $0x90000055  }
0xb2: {  	s29 =	simm.s32 $0x9;
	_ =	strace $0x80000057  }
0xb3: {  	_ =	swait.ge [sflag:s29], $0x1  }
0xb4: {  	[sflag:s29] =	ssyncadd.s32 $0xFFFFFFFF  }
0xb5: {  	_ =	strace $0x90000057  }
0xb6: {  	_ =	sfence  }
0xb7: {  	s30 =	sld [smem:$0x0];
	_ =	sdelay $0x2  }
0xb8: {  	s31 =	sshll.u32 s1, $0xD;
	s1 =	sshrl.u32 s1, $0x2  }
0xb9: {  	s3 =	sand.u32 $0x4000, s31;
	s1 =	sadd.s32 s1, s30  }
0xba: {  	s0 =	sor.u32 s3, s0;
	s1 =	sshll.u32 s1, $0x11  }
0xbb: {  	s0 =	sor.u32 s1, s0  }
0xbc: {  	s0 =	sadd.s32 $0x8F2B, s0  }
0xbd: {  	[sflag:s0] =	ssyncadd.remote.s32 $0x1  }
0xbe: {  	_ =	sfence.sel $0xFFFF  }
0xbf: {  	[dreg:$0x0] =	wrdreg $0xFFFFFFFF;
	(pc) =	sbr.abs _section_cstart, $3  }
0xc0: {  	[dreg:$0x1] =	wrdreg $0xFFFFFFFF  }
0xc1: {  	_ =	task.clear_ibuf [dreg:s6], $0x2FFFF;
	_ =	strace $0x9FFFFFFF  }
0xc2: {  	(tm) =	ssettm $0x7FFFFFFF  }
0xc3: {  	_ =	shalt  }
tec
execute0_lowered:
.L_overlay_start_1:
0x0: {  	(tag) =	ssettag $0x1  }
0x1: {  	s0 =	srdreg.scid;
	s6 =	rddreg [dreg:$0x0]  }
0x2: {  	s2 =	rddreg [dreg:$0x1];
	s1 =	stileid.u32  }
0x3: {  	s3 =	simm.s32 $0x0;
	s16 =	simm.s32 $0x2780;
	s17 =	simm.s32 $0x60  }
0x4: {  	s18 =	simm.s32 $0x5000;
	s19 =	simm.s32 $0x1;
	s20 =	simm.s32 $0x8000  }
0x5: {  	s21 =	simm.s32 $0x4F00;
	s22 =	simm.s32 $0x2;
	s23 =	simm.s32 $0x4F80  }
0x6: {  	s5 =	sand.u32 $0x1, s0;
	s0 =	rddreg [dreg:$0x2];
	s8 =	smul.u32 $0x2700, s1  }
0x7: {  	s24 =	simm.s32 $0x0;
	[smem:$0x7FF] =	sst s3;
	s28 =	smul.u32 $0x4E000, s1  }
0x8: {  	s10 =	sadd.s32 $0x69C00, s6;
	s29 =	smul.u32 $0x13800, s1;
	s15 =	sadd.s32 $0x124800, s2  }
0x9: {  	p0 =	seq.s32 s1, $0xF;
	s4 =	sshll.u32 s5, $0x4;
	_ =	strace $0x80000056  }
0xa: {  	s11 =	ssub.s32 $0x2, s5;
	s13 =	smul.u32 $0x138800, s5;
	s4 =	sor.u32 s1, s4  }
0xb: {  	s8 =	sadd.s32 s8, s6;
	s12 =	sshrl.u32 s11, $0x1;
	s7 =	smul.u32 $0x4EC, s4  }
0xc: {  	s4 =	sadd.s32 $0x11A00, s6;
	s11 =	ssub.s32 s11, s12;
	s12 =	sadd.s32 s29, s13  }
0xd: {  	s5 =	sadd.s32 $0x42A00, s8;
	s13 =	sshrl.u32 s13, $0x3;
	s30 =	sshrl.u32 s12, $0x3  }
0xe: {  	s31 =	sadd.s32 s10, s13;
	s11 =	smax.u32 s11, $0x1;
	s12 =	sshrl.u32 @p0 s15, $0x3  }
0xf: {  	s13 =	sshll.u32 @!p0 s1, $0x6;
	s15 =	simm.s32 $0x3;
	s9 =	sadd.s32 s7, s6  }
0x10: {  	s7 =	sshrl.u32 s28, $0x2;
	s6 =	sadd.s32 $0x67300, s6;
	s13 =	sor.u32 @!p0 $0x1C03, s13  }
0x11: {  	s14 =	sadd.s32 s7, s2;
	s7 =	sadd.s32 $0xB7E00, s9;
	s8 =	sadd.s32 $0x7C00, s9  }
0x12: {  	s9 =	sadd.s32 s10, s30;
	s10 =	sadd.s32 $0x24900, s31;
	s14 =	sshrl.u32 @!p0 s14, $0x3  }
.LBB2_1:
0x13: {  	s25 =	simm.s32 @p0 $0x1FC3  }
0x14: {  	[spmem:s12], [sflag:s25] =	dma.local @p0 [hbm:s6], $0x2800  }
0x15: {  	s25 =	simm.s32 @p0 $0x3  }
0x16: {  	_ =	swait.ge @p0 [sflag:s25], $0x2800  }
0x17: {  	[sflag:s25] =	ssyncset.done @p0 $0x0  }
0x18: {  	[sflag:s25] =	ssyncadd.s32 @p0 $0xFFFFD800;
	s25 =	simm.s32 @!p0 $0x3  }
0x19: {  	[spmem:s14], [sflag:s13] =	dma.local @!p0 [hbm:s5], $0x2700  }
0x1a: {  	_ =	swait.ge @!p0 [sflag:s25], $0x2700  }
0x1b: {  	[sflag:s25] =	ssyncset.done @!p0 $0x0  }
0x1c: {  	[sflag:s25] =	ssyncadd.s32 @!p0 $0xFFFFD900  }
0x1d: {  	[tilespmem:s3], [sflag:$0x3] =	stream.linear.gather [hbm4b:s7+s3], $0x2760, $0x38;
	[tilespmem:$0x1E900] =	vst v63  }
0x1e: {  	_ =	swait.ge [sflag:s15], $0x2760  }
0x1f: {  	[sflag:s15] =	ssyncset.done $0x0  }
0x20: {  	[sflag:s15] =	ssyncadd.s32 $0xFFFFD8A0  }
0x21: {  	[tilespmem:s16], [sflag:$0x3] =	stream.linear.gather [hbm4b:s8+s3], $0x2760, $0x38;
	[tilespmem:$0x1E900] =	vst v63  }
0x22: {  	_ =	swait.ge [sflag:s15], $0x2760  }
0x23: {  	[sflag:s15] =	ssyncset.done $0x0  }
0x24: {  	[sflag:s15] =	ssyncadd.s32 $0xFFFFD8A0  }
0x25: {  	[bflag:$0x0] =	sbarrier.arrive $0xFFFF  }
0x26: {  	[tilespmem:s18], [sflag:$0x1] =	stream.indirect.gather [hbm4b:s4+s17], $0x80, s3, s17, $0xb8;
	[tilespmem:$0x1E900] =	vst v63  }
0x27: {  	_ =	swait.ge [sflag:s19], $0x3000  }
0x28: {  	[sflag:s19] =	ssyncset.done $0x0  }
0x29: {  	s26 =	simm.s32 $0x60;
	s25 =	simm.s32 $0x27E0;
	[sflag:s19] =	ssyncadd.s32 $0xFFFFD000  }
0x2a: {  	[tilespmem:s20], [sflag:$0x2] =	stream.indirect.gather [hbm4b:s4+s17], $0x80, s26, s17, $0xb8;
	[tilespmem:$0x1E900] =	vst v63  }
0x2b: {  	v0 =	vld [tilespmem:s25+$0xFFFFFFA0];
	_ =	sdelay $0x4  }
0x2c: {  	[tilespmem:$0x4F00] =	vst v0  }
0x2d: {  	v0 =	vld [tilespmem:s25+$0xFFFFFFB0];
	_ =	sdelay $0x4  }
0x2e: {  	[tilespmem:$0x4F10] =	vst v0  }
0x2f: {  	v0 =	vld [tilespmem:s25+$0xFFFFFFC0];
	_ =	sdelay $0x4  }
0x30: {  	[tilespmem:$0x4F20] =	vst v0  }
0x31: {  	v0 =	vld [tilespmem:s25+$0xFFFFFFD0];
	_ =	sdelay $0x4  }
0x32: {  	[tilespmem:$0x4F30] =	vst v0  }
0x33: {  	v0 =	vld [tilespmem:s25+$0xFFFFFFE0];
	_ =	sdelay $0x4  }
0x34: {  	[tilespmem:$0x4F40] =	vst v0  }
0x35: {  	v0 =	vld [tilespmem:s25+$0xFFFFFFF0];
	_ =	sdelay $0x4  }
0x36: {  	[tilespmem:$0x4F50] =	vst v0  }
0x37: {  	[spmem:s2] =	stream.indirect.scatter.add.f32 [tilespmem:s18], [sflag:$0x3], $0x80, s21, s17, $0xb8;
	[tilespmem:$0x1E900] =	vst v63  }
0x38: {  	_ =	swait.ge [sflag:s15], $0x3000  }
0x39: {  	[sflag:s15] =	ssyncset.done $0x0  }
0x3a: {  	[sflag:s15] =	ssyncadd.s32 $0xFFFFD000  }
0x3b: {  	_ =	swait.ge [sflag:s22], $0x3000  }
0x3c: {  	[sflag:s22] =	ssyncset.done $0x0  }
0x3d: {  	s26 =	simm.s32 $0xC0;
	[sflag:s22] =	ssyncadd.s32 $0xFFFFD000  }
0x3e: {  	[tilespmem:s18], [sflag:$0x1] =	stream.indirect.gather [hbm4b:s4+s17], $0x80, s26, s17, $0xb8;
	[tilespmem:$0x1E900] =	vst v63  }
0x3f: {  	v63 =	vld [tilespmem:s25+$0x0];
	_ =	sdelay $0x4  }
0x40: {  	[tilespmem:$0x4F80] =	vst v63  }
0x41: {  	v0 =	vld [tilespmem:s25+$0x10];
	_ =	sdelay $0x4  }
0x42: {  	s28 =	sand.u32 $0x3FC0, s3;
	[tilespmem:$0x4F90] =	vst v0  }
0x43: {  	v0 =	vld [tilespmem:s28+$0x2800];
	_ =	sdelay $0x4  }
0x44: {  	[tilespmem:$0x4FA0] =	vst v0  }
0x45: {  	v0 =	vld [tilespmem:s25+$0x30];
	_ =	sdelay $0x4  }
0x46: {  	[tilespmem:$0x4FB0] =	vst v0  }
0x47: {  	v0 =	vld [tilespmem:s25+$0x40];
	_ =	sdelay $0x4  }
0x48: {  	[tilespmem:$0x4FC0] =	vst v0  }
0x49: {  	v0 =	vld [tilespmem:s25+$0x50];
	_ =	sdelay $0x4  }
0x4a: {  	[tilespmem:$0x4FD0] =	vst v0  }
0x4b: {  	[spmem:s2] =	stream.indirect.scatter.add.f32 [tilespmem:s20], [sflag:$0x3], $0x80, s23, s17, $0xb8;
	[tilespmem:$0x1E900] =	vst v63  }
0x4c: {  	_ =	swait.ge [sflag:s15], $0x3000  }
0x4d: {  	s28 =	simm.s32 $0xC0;
	[sflag:s15] =	ssyncset.done $0x0  }
.LBB2_2:
0x4e: {  	[sflag:s15] =	ssyncadd.s32 $0xFFFFD000  }
0x4f: {  	s26 =	sadd.s32 $0xC0, s26;
	s25 =	sadd.s32 $0xC0, s25;
	s29 =	smov.u32 s28  }
0x50: {  	p1 =	sne.s32 s28, $0x2640;
	s28 =	sadd.s32 $0xC0, s28;
	_ =	swait.ge [sflag:s19], $0x3000  }
0x51: {  	[sflag:s19] =	ssyncset.done $0x0  }
0x52: {  	s30 =	sadd.s32 $0xFFFFFFA0, s26;
	[sflag:s19] =	ssyncadd.s32 $0xFFFFD000  }
0x53: {  	[tilespmem:s20], [sflag:$0x2] =	stream.indirect.gather [hbm4b:s4+s17], $0x80, s30, s17, $0xb8;
	[tilespmem:$0x1E900] =	vst v63  }
0x54: {  	v0 =	vld [tilespmem:s25+$0xFFFFFFA0];
	_ =	sdelay $0x4  }
0x55: {  	[tilespmem:$0x4F00] =	vst v0  }
0x56: {  	v0 =	vld [tilespmem:s25+$0xFFFFFFB0];
	_ =	sdelay $0x4  }
0x57: {  	[tilespmem:$0x4F10] =	vst v0  }
0x58: {  	v0 =	vld [tilespmem:s25+$0xFFFFFFC0];
	_ =	sdelay $0x4  }
0x59: {  	[tilespmem:$0x4F20] =	vst v0  }
0x5a: {  	v0 =	vld [tilespmem:s25+$0xFFFFFFD0];
	_ =	sdelay $0x4  }
0x5b: {  	[tilespmem:$0x4F30] =	vst v0  }
0x5c: {  	v0 =	vld [tilespmem:s25+$0xFFFFFFE0];
	_ =	sdelay $0x4  }
0x5d: {  	[tilespmem:$0x4F40] =	vst v0  }
0x5e: {  	v0 =	vld [tilespmem:s25+$0xFFFFFFF0];
	_ =	sdelay $0x4  }
0x5f: {  	[tilespmem:$0x4F50] =	vst v0  }
0x60: {  	[spmem:s2] =	stream.indirect.scatter.add.f32 [tilespmem:s18], [sflag:$0x3], $0x80, s21, s17, $0xb8;
	[tilespmem:$0x1E900] =	vst v63  }
0x61: {  	_ =	swait.ge [sflag:s15], $0x3000  }
0x62: {  	[sflag:s15] =	ssyncset.done $0x0  }
0x63: {  	[sflag:s15] =	ssyncadd.s32 $0xFFFFD000  }
0x64: {  	_ =	swait.ge [sflag:s22], $0x3000  }
0x65: {  	[sflag:s22] =	ssyncset.done $0x0  }
0x66: {  	[sflag:s22] =	ssyncadd.s32 $0xFFFFD000  }
0x67: {  	[tilespmem:s18], [sflag:$0x1] =	stream.indirect.gather [hbm4b:s4+s17], $0x80, s26, s17, $0xb8;
	[tilespmem:$0x1E900] =	vst v63  }
0x68: {  	v0 =	vld [tilespmem:s25+$0x0];
	_ =	sdelay $0x4  }
0x69: {  	[tilespmem:$0x4F80] =	vst v0  }
0x6a: {  	v0 =	vld [tilespmem:s25+$0x10];
	_ =	sdelay $0x4  }
0x6b: {  	s29 =	sand.u32 $0x3FC0, s29;
	[tilespmem:$0x4F90] =	vst v0  }
0x6c: {  	v0 =	vld [tilespmem:s29+$0x2800];
	_ =	sdelay $0x4  }
0x6d: {  	[tilespmem:$0x4FA0] =	vst v0  }
0x6e: {  	v0 =	vld [tilespmem:s25+$0x30];
	_ =	sdelay $0x4  }
0x6f: {  	[tilespmem:$0x4FB0] =	vst v0  }
0x70: {  	v0 =	vld [tilespmem:s25+$0x40];
	_ =	sdelay $0x4  }
0x71: {  	[tilespmem:$0x4FC0] =	vst v0  }
0x72: {  	v0 =	vld [tilespmem:s25+$0x50];
	_ =	sdelay $0x3  }
.Ltmp0:
0x73: {  	(pc) =	sbr.rel @p1 .LBB2_2-.Ltmp0, $4  }
0x74: {  	[tilespmem:$0x4FD0] =	vst v0  }
0x75: {  	[spmem:s2] =	stream.indirect.scatter.add.f32 [tilespmem:s20], [sflag:$0x3], $0x80, s23, s17, $0xb8;
	[tilespmem:$0x1E900] =	vst v63  }
0x76: {  	_ =	swait.ge [sflag:s15], $0x3000  }
0x77: {  	[sflag:s15] =	ssyncset.done $0x0  }
0x78: {  	[sflag:s15] =	ssyncadd.s32 $0xFFFFD000  }
0x79: {  	_ =	swait.ge [sflag:s19], $0x3000  }
0x7a: {  	[sflag:s19] =	ssyncset.done $0x0  }
0x7b: {  	[sflag:s19] =	ssyncadd.s32 $0xFFFFD000  }
0x7c: {  	v0 =	vld [tilespmem:$0x4E80]  }
0x7d: {  	v1 =	vld [tilespmem:$0x4E90]  }
0x7e: {  	v2 =	vld [tilespmem:$0x4EA0]  }
0x7f: {  	v3 =	vld [tilespmem:$0x4EB0]  }
0x80: {  	v4 =	vld [tilespmem:$0x4EC0]  }
0x81: {  	v63 =	vld [tilespmem:$0x4ED0];
	[tilespmem:$0x4F00] =	vst v0  }
0x82: {  	[tilespmem:$0x4F10] =	vst v1  }
0x83: {  	[tilespmem:$0x4F20] =	vst v2  }
0x84: {  	[tilespmem:$0x4F30] =	vst v3  }
0x85: {  	[tilespmem:$0x4F40] =	vst v4  }
0x86: {  	[tilespmem:$0x4F50] =	vst v63  }
0x87: {  	[spmem:s2] =	stream.indirect.scatter.add.f32 [tilespmem:s18], [sflag:$0x3], $0x80, s21, s17, $0xb8;
	[tilespmem:$0x1E900] =	vst v63  }
0x88: {  	_ =	swait.ge [sflag:s15], $0x3000  }
0x89: {  	[sflag:s15] =	ssyncset.done $0x0  }
0x8a: {  	[sflag:s15] =	ssyncadd.s32 $0xFFFFD000  }
0x8b: {  	s25 =	simm.s32 @p0 $0x1FC3;
	[bflag:$0x0] =	sbarrier.arrive $0xFFFF  }
0x8c: {  	[hbm:s10], [sflag:s25] =	dma.local @p0 [spmem:s12], $0x2800  }
0x8d: {  	s25 =	simm.s32 @p0 $0x3  }
0x8e: {  	s24 =	sadd.s32 $0x1, s24;
	_ =	swait.ge @p0 [sflag:s25], $0x2800  }
0x8f: {  	p1 =	sne.s32 s24, s11;
	[sflag:s25] =	ssyncset.done @p0 $0x0  }
.Ltmp1:
0x90: {  	[sflag:s25] =	ssyncadd.s32 @p0 $0xFFFFD800;
	s25 =	simm.s32 @!p0 $0x3;
	(pc) =	sbr.rel @p1 .LBB2_1-.Ltmp1, $4  }
0x91: {  	[hbm:s9], [sflag:s13] =	dma.local @!p0 [spmem:s14], $0x2700  }
0x92: {  	_ =	swait.ge @!p0 [sflag:s25], $0x2700  }
0x93: {  	[sflag:s25] =	ssyncset.done @!p0 $0x0  }
0x94: {  	[sflag:s25] =	ssyncadd.s32 @!p0 $0xFFFFD900  }
0x95: {  	_ =	sfence.sel $0x180000  }
0x96: {  	[bflag:$0x0] =	sbarrier.arrive $0xFFFF  }
0x97: {  	p0 =	sne.s32 s1, $0x0;
	_ =	strace $0x90000056  }
0x98: {  	s0 =	sadd.s32 @!p0 $0x100000, s0;
	[bflag:$0x2] =	sbarrier.arrive $0xFFFF  }
0x99: {  	[sflag:s0] =	ssyncadd.tile.s32 @!p0 $0x1;
	_ =	shalt  }
.Lfunc_end2:
_tile_overlayer_lowered:
.L_overlay_start_2:
0x9a: {  	(tag) =	ssettag $0x2  }
0x9b: {  	s0 =	rddreg [dreg:$0x0];
	s2 =	stileid.u32  }
0x9c: {  	s1 =	rddreg [dreg:$0x1];
	p0 =	sne.s32 s2, $0x0  }
0x9d: {  	s3 =	rddreg [dreg:$0x2];
	[bflag:$0x3] =	sbarrier.arrive $0xFFFF;
	s2 =	simm.s32 @!p0 $0x1C03  }
0x9e: {  	[timem:s3], [sflag:s2] =	dma.local @!p0 [hbm:s0], s1  }
0x9f: {  	s0 =	simm.s32 @!p0 $0x3  }
0xa0: {  	_ =	swait.ge @!p0 [sflag:s0], s1  }
0xa1: {  	s1 =	ssub.s32 @!p0 $0x0, s1;
	[sflag:s0] =	ssyncset.done @!p0 $0x0  }
0xa2: {  	[sflag:s0] =	ssyncadd.s32 @!p0 s1  }
0xa3: {  	[bflag:$0x3] =	sbarrier.arrive $0xFFFF  }
0xa4: {  	_ =	shalt  }

</sc_bundles>
